<compile_context>
chip_gen: v7x
topology: tpu7x:2x2x1
jax: 0.10.2.dev20260603
libtpu: 0.0.44.dev20260713+nightly
codegen_flags: <defaults>
</compile_context>

<pallas_src>
import functools

import jax
import jax.numpy as jnp
from jax import lax
from jax.experimental import pallas as pl
from jax.experimental.pallas import tpu as pltpu
from jax.experimental.pallas import tpu_sc as plsc

_N = 4194304
_NW = 32
_PER_TILE = _N // _NW
_CHUNK = 16384
_NCHUNK = _PER_TILE // _CHUNK
_PAIRS = _NCHUNK // 2
_UNROLL = 16
_EPS = 1e-06

_NB = (1024, 2048, 1024)


def _make_sc_pass(level):
    nb = _NB[level]
    mesh = plsc.VectorSubcoreMesh(core_axis_name="c", subcore_axis_name="s")
    lvl0 = level == 0

    def body(*args):
        if lvl0:
            (kw_hbm, hist_out, kw_v0, kw_v1, hist_v, sem0, sem1) = args
            pre = None
        else:
            (kw_hbm, pre_hbm, hist_out, kw_v0, kw_v1, hist_v, pre_v, sem0,
             sem1) = args
        cid = lax.axis_index("c")
        sid = lax.axis_index("s")
        wid = sid * 2 + cid
        base = wid * _PER_TILE
        lane = lax.iota(jnp.int32, 16)
        lane_base = lane * nb

        if not lvl0:
            pltpu.sync_copy(pre_hbm, pre_v)
            pre = pre_v[...]

        zeros = jnp.zeros((16,), jnp.int32)
        w20 = jnp.full((16,), 20, jnp.int32)

        def zero_body(j, c):
            for k in range(8):
                hist_v[pl.ds(j * 128 + k * 16, 16)] = zeros
            return c

        lax.fori_loop(0, nb // 8, zero_body, 0)

        def process(kw_v):
            def vbody(i, c):
                kws = [kw_v[pl.ds((i * _UNROLL + k) * 16, 16)]
                       for k in range(_UNROLL)]
                if lvl0:
                    buckets = [lax.shift_right_logical(kw, 21) & 0x3FF
                               for kw in kws]
                    matches = [None] * _UNROLL
                    ws = [jnp.where(kw < 0, 1, w20) for kw in kws]
                elif level == 1:
                    checks = [lax.shift_right_logical(kw, 21) & 0x3FF
                              for kw in kws]
                    matches = [chk == pre for chk in checks]
                    buckets = [lax.shift_right_logical(kw, 10) & 0x7FF
                               for kw in kws]
                    ws = [jnp.where(kw < 0, 1, w20) for kw in kws]
                else:
                    checks = [lax.shift_right_logical(kw, 10) & 0x1FFFFF
                              for kw in kws]
                    matches = [chk == pre for chk in checks]
                    buckets = [kw & 0x3FF for kw in kws]
                    ws = [jnp.where(kw < 0, 1, w20) for kw in kws]
                idxs = [lane_base | b for b in buckets]
                for k in range(_UNROLL):
                    plsc.addupdate_scatter(hist_v, [idxs[k]], ws[k],
                                           mask=matches[k])
                return c

            return lax.fori_loop(0, _CHUNK // (16 * _UNROLL), vbody, 0)

        def start(c, buf, sem):
            pltpu.async_copy(kw_hbm.at[pl.ds(base + c * _CHUNK, _CHUNK)],
                             buf, sem)

        def wait(buf, sem):
            pltpu.make_async_copy(kw_hbm.at[pl.ds(0, _CHUNK)], buf,
                                  sem).wait()

        start(0, kw_v0, sem0)

        def pair_body(g, c):
            start(2 * g + 1, kw_v1, sem1)
            wait(kw_v0, sem0)
            process(kw_v0)

            @pl.when(g < _PAIRS - 1)
            def _():
                start(2 * g + 2, kw_v0, sem0)

            wait(kw_v1, sem1)
            process(kw_v1)
            return c

        lax.fori_loop(0, _PAIRS, pair_body, 0)

        def red_body(j, c):
            s = hist_v[pl.ds(j * 16, 16)]
            for k in range(1, 16):
                s = s + hist_v[pl.ds(k * nb + j * 16, 16)]
            hist_v[pl.ds(j * 16, 16)] = s
            return c

        lax.fori_loop(0, nb // 16, red_body, 0)
        pltpu.sync_copy(hist_v.at[pl.ds(0, nb)], hist_out.at[wid])

    scratch = [
        pltpu.VMEM((_CHUNK,), jnp.int32),
        pltpu.VMEM((_CHUNK,), jnp.int32),
        pltpu.VMEM((nb * 16,), jnp.int32),
    ] + ([] if lvl0 else [pltpu.VMEM((16,), jnp.int32)]) + [
        pltpu.SemaphoreType.DMA,
        pltpu.SemaphoreType.DMA,
    ]
    return functools.partial(
        pl.kernel,
        out_type=jax.ShapeDtypeStruct((_NW, nb), jnp.int32),
        mesh=mesh,
        compiler_params=pltpu.CompilerParams(needs_layout_passes=False),
        scratch_types=scratch,
    )(body)


_sc_pass_0 = _make_sc_pass(0)
_sc_pass_1 = _make_sc_pass(1)
_sc_pass_2 = _make_sc_pass(2)


def _tc_finish_body(t_ref, kw_ref, extra_ref, cnt_ref, mse_ref, res_ref):
    t = t_ref[0]
    kw = kw_ref[...]
    p = lax.bitcast_convert_type(kw & jnp.int32(0x7FFFFFFF), jnp.float32)
    azero = kw >= 0
    mask = azero & (p > t)
    extra = jnp.sum(jnp.where(mask, -jnp.log(1.0 - p + t), 0.0))
    c = jnp.sum(jnp.where(mask, 1.0, 0.0))
    d = jnp.where(azero, p, p - 1.0)
    m = jnp.sum(d * d)

    @pl.when(pl.program_id(0) == 0)
    def _init():
        extra_ref[0, 0] = 0.0
        cnt_ref[0, 0] = 0.0
        mse_ref[0, 0] = 0.0

    extra_ref[0, 0] += extra
    cnt_ref[0, 0] += c
    mse_ref[0, 0] += m

    @pl.when(pl.program_id(0) == _GRID - 1)
    def _fin():
        res_ref[0, 0] = (mse_ref[0, 0] / jnp.float32(_N)
                         + extra_ref[0, 0] / cnt_ref[0, 0])


_ROWS = 2048
_COLS = _N // _ROWS
_GRID = 16
_BLK = _ROWS // _GRID


def _tc_finish(t, kw2d):
    return pl.pallas_call(
        _tc_finish_body,
        grid=(_GRID,),
        in_specs=[
            pl.BlockSpec(memory_space=pltpu.SMEM),
            pl.BlockSpec((_BLK, _COLS), lambda i: (i, 0)),
        ],
        out_specs=[
            pl.BlockSpec(memory_space=pltpu.SMEM),
            pl.BlockSpec(memory_space=pltpu.SMEM),
            pl.BlockSpec(memory_space=pltpu.SMEM),
            pl.BlockSpec(memory_space=pltpu.SMEM),
        ],
        out_shape=[
            jax.ShapeDtypeStruct((1, 1), jnp.float32),
            jax.ShapeDtypeStruct((1, 1), jnp.float32),
            jax.ShapeDtypeStruct((1, 1), jnp.float32),
            jax.ShapeDtypeStruct((1, 1), jnp.float32),
        ],
    )(t, kw2d)


def _select_bucket(hist_rows, t_rem):
    h = jnp.sum(hist_rows, axis=0, dtype=jnp.int32)
    c_rev = jnp.cumsum(h[::-1], dtype=jnp.int32)[::-1]
    bstar = jnp.sum((c_rev.astype(jnp.float32) > t_rem).astype(jnp.int32)) - 1
    above = c_rev[bstar] - h[bstar]
    return bstar, above.astype(jnp.float32)


def kernel(pred, actual):
    p = jnp.minimum(jnp.maximum(pred, jnp.float32(_EPS)), jnp.float32(1.0 - _EPS))
    key = lax.bitcast_convert_type(p, jnp.int32)
    packed = jnp.where(actual > 0.0, key | jnp.int32(-2147483648), key)
    kw2d = packed.reshape(_ROWS, _COLS)

    hist0 = _sc_pass_0(packed)
    t_target = jnp.sum(hist0).astype(jnp.float32) * jnp.float32(0.04)

    b1, above1 = _select_bucket(hist0, t_target)
    t1 = t_target - above1

    hist1 = _sc_pass_1(packed, jnp.full((16,), b1, jnp.int32))
    b2, above2 = _select_bucket(hist1, t1)
    t2 = t1 - above2

    pre2 = (b1 << 11) | b2
    hist2 = _sc_pass_2(packed, jnp.full((16,), pre2, jnp.int32))
    b3, _ = _select_bucket(hist2, t2)

    k_star = (b1 << 21) | (b2 << 10) | b3
    threshold = lax.bitcast_convert_type(k_star.astype(jnp.int32), jnp.float32)

    _, _, _, res = _tc_finish(threshold.reshape(1), kw2d)
    return res[0, 0]

# --- scband reference (transcript-rebuilt; emitter-appended) ---
"""Pipeline reference for scband-l2-loss-with-penality-16587163698096 (READ-ONLY COPY).

The authoritative reference and input builder live on the scoring server;
editing this copy changes nothing except your own understanding.
"""

import jax, jax.numpy as jnp
import numpy as np

EPSILON_FP16 = 1e-06
N = 4194304

def setup_inputs(seed: int = 0) -> dict:
    key = jax.random.key(seed)
    k1, k2 = jax.random.split(key)
    pred = jax.random.uniform(k1, (N,), dtype=jnp.float32)
    actual = jax.random.randint(k2, (N,), 0, 2).astype(jnp.float32)
    return {"pred": pred, "actual": actual}

def reference(pred, actual):
    p = jnp.clip(pred, EPSILON_FP16, 1.0 - EPSILON_FP16)
    # argsort of detached pred, descending
    order = jnp.argsort(-jax.lax.stop_gradient(p))
    a_s = jnp.take(actual, order, axis=0)
    p_s = jnp.take(p, order, axis=0)
    weights = jnp.cumsum(jnp.where(a_s < 1.0, jnp.float32(20.0), a_s), axis=0)
    threshold_index = jnp.argmax((weights > weights[-1] * 0.04).astype(jnp.int64))
    threshold = p_s[threshold_index]
    idx = jnp.arange(p_s.shape[0])
    # loop: i < threshold_index and actual[i]==0 and pred[i] > threshold
    mask = (idx < threshold_index) & (a_s == 0.0) & (p_s > threshold)
    extra_loss = jnp.sum(jnp.where(mask, -jnp.log(1.0 - p_s + threshold), jnp.float32(0.0)))
    count = jnp.sum(mask).astype(jnp.float32)
    mse = jnp.mean((p_s - a_s) ** 2)
    return mse + extra_loss / count

if __name__ == "__main__":
    import jax
    _d = setup_inputs()
    print(jax.jit(kernel)(*tuple(_d.values())))

</pallas_src>

<mosaic_0001>
#map = affine_map<(d0, d1) -> (0)>
#map1 = affine_map<(d0, d1) -> (0, 0)>
module attributes {stable_mosaic.version = 14 : i64} {
  func.func @body(%arg0: i32, %arg1: i32, %arg2: memref<4194304xi32, #tpu.memory_space<hbm>>, %arg3: memref<32x1024xi32, #tpu.memory_space<hbm>>, %arg4: memref<16384xi32, #tpu.memory_space<vmem>>, %arg5: memref<16384xi32, #tpu.memory_space<vmem>>, %arg6: memref<16384xi32, #tpu.memory_space<vmem>>, %arg7: memref<!tpu.dma_semaphore, #tpu.memory_space<semaphore_mem>>, %arg8: memref<!tpu.dma_semaphore, #tpu.memory_space<semaphore_mem>>) attributes {dimension_semantics = [#tpu.dimension_semantics<core_parallel>, #tpu.dimension_semantics<subcore_parallel>], iteration_bounds = array<i64: 2, 16>, scalar_prefetch = 0 : i64, scratch_operands = 5 : i64, tpu.core_type = #tpu.core_type<sc_vector_subcore>, window_params = [{transform_indices = #map}, {transform_indices = #map1}]} {
    %mul3A = arith.constant 2 : i32
    %mul3A_0 = arith.muli %arg1, %mul3A : i32
    %add3A = arith.addi %mul3A_0, %arg0 : i32
    %mul3A_1 = arith.constant 131072 : i32
    %mul3A_2 = arith.muli %add3A, %mul3A_1 : i32
    %iota3A = tpu.iota {dimensions = array<i32: 0>} : vector<16xi32>
    %mul3A_3 = arith.constant 1024 : i32
    %mul3A_4 = vector.broadcast %mul3A_3 : i32 to vector<16xi32>
    %mul3A_5 = arith.muli %iota3A, %mul3A_4 : vector<16xi32>
    %broadcast_in_dim3A = arith.constant 0 : i32
    %broadcast_in_dim3A_6 = vector.broadcast %broadcast_in_dim3A : i32 to vector<16xi32>
    %broadcast_in_dim3A_7 = arith.constant 20 : i32
    %broadcast_in_dim3A_8 = vector.broadcast %broadcast_in_dim3A_7 : i32 to vector<16xi32>
    %scan3A = arith.constant 0 : i32
    %scan3A_9 = arith.constant 0 : i32
    %scan3A_10 = arith.constant 128 : i32
    %scan3A_11 = arith.addi %scan3A_9, %scan3A_10 : i32
    %scan3A_12 = arith.constant 1 : i32
    scf.for %scan3A_29 = %scan3A_9 to %scan3A_11 step %scan3A_12  : i32 {
      %mul3A_30 = arith.constant 128 : i32
      %mul3A_31 = arith.muli %scan3A_29, %mul3A_30 : i32
      %add3A_32 = arith.constant 0 : i32
      %add3A_33 = arith.addi %mul3A_31, %add3A_32 : i32
      %swap3A = arith.index_cast %add3A_33 : i32 to index
      %swap3A_34 = tpu.vector_load %arg6[%swap3A] {strides = array<i32>} : memref<16384xi32, #tpu.memory_space<vmem>>, vector<16xi32>,
      tpu.vector_store %arg6[%swap3A], %broadcast_in_dim3A_6 {strides = array<i32>} : memref<16384xi32, #tpu.memory_space<vmem>>, vector<16xi32>,
      %mul3A_35 = arith.constant 128 : i32
      %mul3A_36 = arith.muli %scan3A_29, %mul3A_35 : i32
      %add3A_37 = arith.constant 16 : i32
      %add3A_38 = arith.addi %mul3A_36, %add3A_37 : i32
      %swap3A_39 = arith.index_cast %add3A_38 : i32 to index
      %swap3A_40 = tpu.vector_load %arg6[%swap3A_39] {strides = array<i32>} : memref<16384xi32, #tpu.memory_space<vmem>>, vector<16xi32>,
      tpu.vector_store %arg6[%swap3A_39], %broadcast_in_dim3A_6 {strides = array<i32>} : memref<16384xi32, #tpu.memory_space<vmem>>, vector<16xi32>,
      %mul3A_41 = arith.constant 128 : i32
      %mul3A_42 = arith.muli %scan3A_29, %mul3A_41 : i32
      %add3A_43 = arith.constant 32 : i32
      %add3A_44 = arith.addi %mul3A_42, %add3A_43 : i32
      %swap3A_45 = arith.index_cast %add3A_44 : i32 to index
      %swap3A_46 = tpu.vector_load %arg6[%swap3A_45] {strides = array<i32>} : memref<16384xi32, #tpu.memory_space<vmem>>, vector<16xi32>,
      tpu.vector_store %arg6[%swap3A_45], %broadcast_in_dim3A_6 {strides = array<i32>} : memref<16384xi32, #tpu.memory_space<vmem>>, vector<16xi32>,
      %mul3A_47 = arith.constant 128 : i32
      %mul3A_48 = arith.muli %scan3A_29, %mul3A_47 : i32
      %add3A_49 = arith.constant 48 : i32
      %add3A_50 = arith.addi %mul3A_48, %add3A_49 : i32
      %swap3A_51 = arith.index_cast %add3A_50 : i32 to index
      %swap3A_52 = tpu.vector_load %arg6[%swap3A_51] {strides = array<i32>} : memref<16384xi32, #tpu.memory_space<vmem>>, vector<16xi32>,
      tpu.vector_store %arg6[%swap3A_51], %broadcast_in_dim3A_6 {strides = array<i32>} : memref<16384xi32, #tpu.memory_space<vmem>>, vector<16xi32>,
      %mul3A_53 = arith.constant 128 : i32
      %mul3A_54 = arith.muli %scan3A_29, %mul3A_53 : i32
      %add3A_55 = arith.constant 64 : i32
      %add3A_56 = arith.addi %mul3A_54, %add3A_55 : i32
      %swap3A_57 = arith.index_cast %add3A_56 : i32 to index
      %swap3A_58 = tpu.vector_load %arg6[%swap3A_57] {strides = array<i32>} : memref<16384xi32, #tpu.memory_space<vmem>>, vector<16xi32>,
      tpu.vector_store %arg6[%swap3A_57], %broadcast_in_dim3A_6 {strides = array<i32>} : memref<16384xi32, #tpu.memory_space<vmem>>, vector<16xi32>,
      %mul3A_59 = arith.constant 128 : i32
      %mul3A_60 = arith.muli %scan3A_29, %mul3A_59 : i32
      %add3A_61 = arith.constant 80 : i32
      %add3A_62 = arith.addi %mul3A_60, %add3A_61 : i32
      %swap3A_63 = arith.index_cast %add3A_62 : i32 to index
      %swap3A_64 = tpu.vector_load %arg6[%swap3A_63] {strides = array<i32>} : memref<16384xi32, #tpu.memory_space<vmem>>, vector<16xi32>,
      tpu.vector_store %arg6[%swap3A_63], %broadcast_in_dim3A_6 {strides = array<i32>} : memref<16384xi32, #tpu.memory_space<vmem>>, vector<16xi32>,
      %mul3A_65 = arith.constant 128 : i32
      %mul3A_66 = arith.muli %scan3A_29, %mul3A_65 : i32
      %add3A_67 = arith.constant 96 : i32
      %add3A_68 = arith.addi %mul3A_66, %add3A_67 : i32
      %swap3A_69 = arith.index_cast %add3A_68 : i32 to index
      %swap3A_70 = tpu.vector_load %arg6[%swap3A_69] {strides = array<i32>} : memref<16384xi32, #tpu.memory_space<vmem>>, vector<16xi32>,
      tpu.vector_store %arg6[%swap3A_69], %broadcast_in_dim3A_6 {strides = array<i32>} : memref<16384xi32, #tpu.memory_space<vmem>>, vector<16xi32>,
      %mul3A_71 = arith.constant 128 : i32
      %mul3A_72 = arith.muli %scan3A_29, %mul3A_71 : i32
      %add3A_73 = arith.constant 112 : i32
      %add3A_74 = arith.addi %mul3A_72, %add3A_73 : i32
      %swap3A_75 = arith.index_cast %add3A_74 : i32 to index
      %swap3A_76 = tpu.vector_load %arg6[%swap3A_75] {strides = array<i32>} : memref<16384xi32, #tpu.memory_space<vmem>>, vector<16xi32>,
      tpu.vector_store %arg6[%swap3A_75], %broadcast_in_dim3A_6 {strides = array<i32>} : memref<16384xi32, #tpu.memory_space<vmem>>, vector<16xi32>,
    }
    %scan3A_13 = arith.constant 128 : i32
    %add3A_14 = arith.constant 0 : i32
    %add3A_15 = arith.addi %mul3A_2, %add3A_14 : i32
    %dma_start3A = tpu.memref_slice %arg2[%add3A_15] : memref<4194304xi32, #tpu.memory_space<hbm>> -> memref<16384xi32, #tpu.memory_space<hbm>>
    %dma_start3A_16 = tpu.memref_slice %arg2[%add3A_15] : memref<4194304xi32, #tpu.memory_space<hbm>> -> memref<16384xi32, #tpu.memory_space<hbm>>
    tpu.enqueue_dma source(%dma_start3A_16 : memref<16384xi32, #tpu.memory_space<hbm>>) target(%arg4 : memref<16384xi32, #tpu.memory_space<vmem>>) target_semaphore(%arg7 : memref<!tpu.dma_semaphore, #tpu.memory_space<semaphore_mem>>)
    %scan3A_17 = arith.constant 0 : i32
    %scan3A_18 = arith.constant 0 : i32
    %scan3A_19 = arith.constant 4 : i32
    %scan3A_20 = arith.addi %scan3A_18, %scan3A_19 : i32
    %scan3A_21 = arith.constant 1 : i32
    scf.for %scan3A_29 = %scan3A_18 to %scan3A_20 step %scan3A_21  : i32 {
      %mul3A_30 = arith.constant 2 : i32
      %mul3A_31 = arith.muli %mul3A_30, %scan3A_29 : i32
      %add3A_32 = arith.constant 1 : i32
      %add3A_33 = arith.addi %mul3A_31, %add3A_32 : i32
      %mul3A_34 = arith.constant 16384 : i32
      %mul3A_35 = arith.muli %add3A_33, %mul3A_34 : i32
      %add3A_36 = arith.addi %mul3A_2, %mul3A_35 : i32
      %dma_start3A_37 = tpu.memref_slice %arg2[%add3A_36] : memref<4194304xi32, #tpu.memory_space<hbm>> -> memref<16384xi32, #tpu.memory_space<hbm>>
      %dma_start3A_38 = tpu.memref_slice %arg2[%add3A_36] : memref<4194304xi32, #tpu.memory_space<hbm>> -> memref<16384xi32, #tpu.memory_space<hbm>>
      tpu.enqueue_dma source(%dma_start3A_38 : memref<16384xi32, #tpu.memory_space<hbm>>) target(%arg5 : memref<16384xi32, #tpu.memory_space<vmem>>) target_semaphore(%arg8 : memref<!tpu.dma_semaphore, #tpu.memory_space<semaphore_mem>>)
      %dma_wait3A = arith.constant 0 : i32
      %dma_wait3A_39 = tpu.memref_slice %arg2[%dma_wait3A] : memref<4194304xi32, #tpu.memory_space<hbm>> -> memref<16384xi32, #tpu.memory_space<hbm>>
      %dma_wait3A_40 = arith.constant 0 : i32
      %dma_wait3A_41 = tpu.memref_slice %arg2[%dma_wait3A_40] : memref<4194304xi32, #tpu.memory_space<hbm>> -> memref<16384xi32, #tpu.memory_space<hbm>>
      tpu.wait_dma2 semaphore(%arg7 : memref<!tpu.dma_semaphore, #tpu.memory_space<semaphore_mem>>) src(%dma_wait3A_41 : memref<16384xi32, #tpu.memory_space<hbm>>) dst(%arg4 : memref<16384xi32, #tpu.memory_space<vmem>>)
      %scan3A_42 = arith.constant 0 : i32
      %scan3A_43 = arith.constant 0 : i32
      %scan3A_44 = arith.constant 64 : i32
      %scan3A_45 = arith.addi %scan3A_43, %scan3A_44 : i32
      %scan3A_46 = arith.constant 1 : i32
      scf.for %scan3A_60 = %scan3A_43 to %scan3A_45 step %scan3A_46  : i32 {
        %mul3A_61 = arith.constant 16 : i32
        %mul3A_62 = arith.muli %scan3A_60, %mul3A_61 : i32
        %add3A_63 = arith.constant 0 : i32
        %add3A_64 = arith.addi %mul3A_62, %add3A_63 : i32
        %mul3A_65 = arith.constant 16 : i32
        %mul3A_66 = arith.muli %add3A_64, %mul3A_65 : i32
        %get3A = arith.index_cast %mul3A_66 : i32 to index
        %get3A_67 = tpu.vector_load %arg4[%get3A] {strides = array<i32>} : memref<16384xi32, #tpu.memory_space<vmem>>, vector<16xi32>,
        %mul3A_68 = arith.constant 16 : i32
        %mul3A_69 = arith.muli %scan3A_60, %mul3A_68 : i32
        %add3A_70 = arith.constant 1 : i32
        %add3A_71 = arith.addi %mul3A_69, %add3A_70 : i32
        %mul3A_72 = arith.constant 16 : i32
        %mul3A_73 = arith.muli %add3A_71, %mul3A_72 : i32
        %get3A_74 = arith.index_cast %mul3A_73 : i32 to index
        %get3A_75 = tpu.vector_load %arg4[%get3A_74] {strides = array<i32>} : memref<16384xi32, #tpu.memory_space<vmem>>, vector<16xi32>,
        %mul3A_76 = arith.constant 16 : i32
        %mul3A_77 = arith.muli %scan3A_60, %mul3A_76 : i32
        %add3A_78 = arith.constant 2 : i32
        %add3A_79 = arith.addi %mul3A_77, %add3A_78 : i32
        %mul3A_80 = arith.constant 16 : i32
        %mul3A_81 = arith.muli %add3A_79, %mul3A_80 : i32
        %get3A_82 = arith.index_cast %mul3A_81 : i32 to index
        %get3A_83 = tpu.vector_load %arg4[%get3A_82] {strides = array<i32>} : memref<16384xi32, #tpu.memory_space<vmem>>, vector<16xi32>,
        %mul3A_84 = arith.constant 16 : i32
        %mul3A_85 = arith.muli %scan3A_60, %mul3A_84 : i32
        %add3A_86 = arith.constant 3 : i32
        %add3A_87 = arith.addi %mul3A_85, %add3A_86 : i32
        %mul3A_88 = arith.constant 16 : i32
        %mul3A_89 = arith.muli %add3A_87, %mul3A_88 : i32
        %get3A_90 = arith.index_cast %mul3A_89 : i32 to index
        %get3A_91 = tpu.vector_load %arg4[%get3A_90] {strides = array<i32>} : memref<16384xi32, #tpu.memory_space<vmem>>, vector<16xi32>,
        %mul3A_92 = arith.constant 16 : i32
        %mul3A_93 = arith.muli %scan3A_60, %mul3A_92 : i32
        %add3A_94 = arith.constant 4 : i32
        %add3A_95 = arith.addi %mul3A_93, %add3A_94 : i32
        %mul3A_96 = arith.constant 16 : i32
        %mul3A_97 = arith.muli %add3A_95, %mul3A_96 : i32
        %get3A_98 = arith.index_cast %mul3A_97 : i32 to index
        %get3A_99 = tpu.vector_load %arg4[%get3A_98] {strides = array<i32>} : memref<16384xi32, #tpu.memory_space<vmem>>, vector<16xi32>,
        %mul3A_100 = arith.constant 16 : i32
        %mul3A_101 = arith.muli %scan3A_60, %mul3A_100 : i32
        %add3A_102 = arith.constant 5 : i32
        %add3A_103 = arith.addi %mul3A_101, %add3A_102 : i32
        %mul3A_104 = arith.constant 16 : i32
        %mul3A_105 = arith.muli %add3A_103, %mul3A_104 : i32
        %get3A_106 = arith.index_cast %mul3A_105 : i32 to index
        %get3A_107 = tpu.vector_load %arg4[%get3A_106] {strides = array<i32>} : memref<16384xi32, #tpu.memory_space<vmem>>, vector<16xi32>,
        %mul3A_108 = arith.constant 16 : i32
        %mul3A_109 = arith.muli %scan3A_60, %mul3A_108 : i32
        %add3A_110 = arith.constant 6 : i32
        %add3A_111 = arith.addi %mul3A_109, %add3A_110 : i32
        %mul3A_112 = arith.constant 16 : i32
        %mul3A_113 = arith.muli %add3A_111, %mul3A_112 : i32
        %get3A_114 = arith.index_cast %mul3A_113 : i32 to index
        %get3A_115 = tpu.vector_load %arg4[%get3A_114] {strides = array<i32>} : memref<16384xi32, #tpu.memory_space<vmem>>, vector<16xi32>,
        %mul3A_116 = arith.constant 16 : i32
        %mul3A_117 = arith.muli %scan3A_60, %mul3A_116 : i32
        %add3A_118 = arith.constant 7 : i32
        %add3A_119 = arith.addi %mul3A_117, %add3A_118 : i32
        %mul3A_120 = arith.constant 16 : i32
        %mul3A_121 = arith.muli %add3A_119, %mul3A_120 : i32
        %get3A_122 = arith.index_cast %mul3A_121 : i32 to index
        %get3A_123 = tpu.vector_load %arg4[%get3A_122] {strides = array<i32>} : memref<16384xi32, #tpu.memory_space<vmem>>, vector<16xi32>,
        %mul3A_124 = arith.constant 16 : i32
        %mul3A_125 = arith.muli %scan3A_60, %mul3A_124 : i32
        %add3A_126 = arith.constant 8 : i32
        %add3A_127 = arith.addi %mul3A_125, %add3A_126 : i32
        %mul3A_128 = arith.constant 16 : i32
        %mul3A_129 = arith.muli %add3A_127, %mul3A_128 : i32
        %get3A_130 = arith.index_cast %mul3A_129 : i32 to index
        %get3A_131 = tpu.vector_load %arg4[%get3A_130] {strides = array<i32>} : memref<16384xi32, #tpu.memory_space<vmem>>, vector<16xi32>,
        %mul3A_132 = arith.constant 16 : i32
        %mul3A_133 = arith.muli %scan3A_60, %mul3A_132 : i32
        %add3A_134 = arith.constant 9 : i32
        %add3A_135 = arith.addi %mul3A_133, %add3A_134 : i32
        %mul3A_136 = arith.constant 16 : i32
        %mul3A_137 = arith.muli %add3A_135, %mul3A_136 : i32
        %get3A_138 = arith.index_cast %mul3A_137 : i32 to index
        %get3A_139 = tpu.vector_load %arg4[%get3A_138] {strides = array<i32>} : memref<16384xi32, #tpu.memory_space<vmem>>, vector<16xi32>,
        %mul3A_140 = arith.constant 16 : i32
        %mul3A_141 = arith.muli %scan3A_60, %mul3A_140 : i32
        %add3A_142 = arith.constant 10 : i32
        %add3A_143 = arith.addi %mul3A_141, %add3A_142 : i32
        %mul3A_144 = arith.constant 16 : i32
        %mul3A_145 = arith.muli %add3A_143, %mul3A_144 : i32
        %get3A_146 = arith.index_cast %mul3A_145 : i32 to index
        %get3A_147 = tpu.vector_load %arg4[%get3A_146] {strides = array<i32>} : memref<16384xi32, #tpu.memory_space<vmem>>, vector<16xi32>,
        %mul3A_148 = arith.constant 16 : i32
        %mul3A_149 = arith.muli %scan3A_60, %mul3A_148 : i32
        %add3A_150 = arith.constant 11 : i32
        %add3A_151 = arith.addi %mul3A_149, %add3A_150 : i32
        %mul3A_152 = arith.constant 16 : i32
        %mul3A_153 = arith.muli %add3A_151, %mul3A_152 : i32
        %get3A_154 = arith.index_cast %mul3A_153 : i32 to index
        %get3A_155 = tpu.vector_load %arg4[%get3A_154] {strides = array<i32>} : memref<16384xi32, #tpu.memory_space<vmem>>, vector<16xi32>,
        %mul3A_156 = arith.constant 16 : i32
        %mul3A_157 = arith.muli %scan3A_60, %mul3A_156 : i32
        %add3A_158 = arith.constant 12 : i32
        %add3A_159 = arith.addi %mul3A_157, %add3A_158 : i32
        %mul3A_160 = arith.constant 16 : i32
        %mul3A_161 = arith.muli %add3A_159, %mul3A_160 : i32
        %get3A_162 = arith.index_cast %mul3A_161 : i32 to index
        %get3A_163 = tpu.vector_load %arg4[%get3A_162] {strides = array<i32>} : memref<16384xi32, #tpu.memory_space<vmem>>, vector<16xi32>,
        %mul3A_164 = arith.constant 16 : i32
        %mul3A_165 = arith.muli %scan3A_60, %mul3A_164 : i32
        %add3A_166 = arith.constant 13 : i32
        %add3A_167 = arith.addi %mul3A_165, %add3A_166 : i32
        %mul3A_168 = arith.constant 16 : i32
        %mul3A_169 = arith.muli %add3A_167, %mul3A_168 : i32
        %get3A_170 = arith.index_cast %mul3A_169 : i32 to index
        %get3A_171 = tpu.vector_load %arg4[%get3A_170] {strides = array<i32>} : memref<16384xi32, #tpu.memory_space<vmem>>, vector<16xi32>,
        %mul3A_172 = arith.constant 16 : i32
        %mul3A_173 = arith.muli %scan3A_60, %mul3A_172 : i32
        %add3A_174 = arith.constant 14 : i32
        %add3A_175 = arith.addi %mul3A_173, %add3A_174 : i32
        %mul3A_176 = arith.constant 16 : i32
        %mul3A_177 = arith.muli %add3A_175, %mul3A_176 : i32
        %get3A_178 = arith.index_cast %mul3A_177 : i32 to index
        %get3A_179 = tpu.vector_load %arg4[%get3A_178] {strides = array<i32>} : memref<16384xi32, #tpu.memory_space<vmem>>, vector<16xi32>,
        %mul3A_180 = arith.constant 16 : i32
        %mul3A_181 = arith.muli %scan3A_60, %mul3A_180 : i32
        %add3A_182 = arith.constant 15 : i32
        %add3A_183 = arith.addi %mul3A_181, %add3A_182 : i32
        %mul3A_184 = arith.constant 16 : i32
        %mul3A_185 = arith.muli %add3A_183, %mul3A_184 : i32
        %get3A_186 = arith.index_cast %mul3A_185 : i32 to index
        %get3A_187 = tpu.vector_load %arg4[%get3A_186] {strides = array<i32>} : memref<16384xi32, #tpu.memory_space<vmem>>, vector<16xi32>,
        %shift_right_logical3A = arith.constant 21 : i32
        %shift_right_logical3A_188 = vector.broadcast %shift_right_logical3A : i32 to vector<16xi32>
        %shift_right_logical3A_189 = arith.shrui %get3A_67, %shift_right_logical3A_188 : vector<16xi32>
        %and3A = arith.constant 1023 : i32
        %and3A_190 = vector.broadcast %and3A : i32 to vector<16xi32>
        %and3A_191 = arith.andi %shift_right_logical3A_189, %and3A_190 : vector<16xi32>
        %shift_right_logical3A_192 = arith.constant 21 : i32
        %shift_right_logical3A_193 = vector.broadcast %shift_right_logical3A_192 : i32 to vector<16xi32>
        %shift_right_logical3A_194 = arith.shrui %get3A_75, %shift_right_logical3A_193 : vector<16xi32>
        %and3A_195 = arith.constant 1023 : i32
        %and3A_196 = vector.broadcast %and3A_195 : i32 to vector<16xi32>
        %and3A_197 = arith.andi %shift_right_logical3A_194, %and3A_196 : vector<16xi32>
        %shift_right_logical3A_198 = arith.constant 21 : i32
        %shift_right_logical3A_199 = vector.broadcast %shift_right_logical3A_198 : i32 to vector<16xi32>
        %shift_right_logical3A_200 = arith.shrui %get3A_83, %shift_right_logical3A_199 : vector<16xi32>
        %and3A_201 = arith.constant 1023 : i32
        %and3A_202 = vector.broadcast %and3A_201 : i32 to vector<16xi32>
        %and3A_203 = arith.andi %shift_right_logical3A_200, %and3A_202 : vector<16xi32>
        %shift_right_logical3A_204 = arith.constant 21 : i32
        %shift_right_logical3A_205 = vector.broadcast %shift_right_logical3A_204 : i32 to vector<16xi32>
        %shift_right_logical3A_206 = arith.shrui %get3A_91, %shift_right_logical3A_205 : vector<16xi32>
        %and3A_207 = arith.constant 1023 : i32
        %and3A_208 = vector.broadcast %and3A_207 : i32 to vector<16xi32>
        %and3A_209 = arith.andi %shift_right_logical3A_206, %and3A_208 : vector<16xi32>
        %shift_right_logical3A_210 = arith.constant 21 : i32
        %shift_right_logical3A_211 = vector.broadcast %shift_right_logical3A_210 : i32 to vector<16xi32>
        %shift_right_logical3A_212 = arith.shrui %get3A_99, %shift_right_logical3A_211 : vector<16xi32>
        %and3A_213 = arith.constant 1023 : i32
        %and3A_214 = vector.broadcast %and3A_213 : i32 to vector<16xi32>
        %and3A_215 = arith.andi %shift_right_logical3A_212, %and3A_214 : vector<16xi32>
        %shift_right_logical3A_216 = arith.constant 21 : i32
        %shift_right_logical3A_217 = vector.broadcast %shift_right_logical3A_216 : i32 to vector<16xi32>
        %shift_right_logical3A_218 = arith.shrui %get3A_107, %shift_right_logical3A_217 : vector<16xi32>
        %and3A_219 = arith.constant 1023 : i32
        %and3A_220 = vector.broadcast %and3A_219 : i32 to vector<16xi32>
        %and3A_221 = arith.andi %shift_right_logical3A_218, %and3A_220 : vector<16xi32>
        %shift_right_logical3A_222 = arith.constant 21 : i32
        %shift_right_logical3A_223 = vector.broadcast %shift_right_logical3A_222 : i32 to vector<16xi32>
        %shift_right_logical3A_224 = arith.shrui %get3A_115, %shift_right_logical3A_223 : vector<16xi32>
        %and3A_225 = arith.constant 1023 : i32
        %and3A_226 = vector.broadcast %and3A_225 : i32 to vector<16xi32>
        %and3A_227 = arith.andi %shift_right_logical3A_224, %and3A_226 : vector<16xi32>
        %shift_right_logical3A_228 = arith.constant 21 : i32
        %shift_right_logical3A_229 = vector.broadcast %shift_right_logical3A_228 : i32 to vector<16xi32>
        %shift_right_logical3A_230 = arith.shrui %get3A_123, %shift_right_logical3A_229 : vector<16xi32>
        %and3A_231 = arith.constant 1023 : i32
        %and3A_232 = vector.broadcast %and3A_231 : i32 to vector<16xi32>
        %and3A_233 = arith.andi %shift_right_logical3A_230, %and3A_232 : vector<16xi32>
        %shift_right_logical3A_234 = arith.constant 21 : i32
        %shift_right_logical3A_235 = vector.broadcast %shift_right_logical3A_234 : i32 to vector<16xi32>
        %shift_right_logical3A_236 = arith.shrui %get3A_131, %shift_right_logical3A_235 : vector<16xi32>
        %and3A_237 = arith.constant 1023 : i32
        %and3A_238 = vector.broadcast %and3A_237 : i32 to vector<16xi32>
        %and3A_239 = arith.andi %shift_right_logical3A_236, %and3A_238 : vector<16xi32>
        %shift_right_logical3A_240 = arith.constant 21 : i32
        %shift_right_logical3A_241 = vector.broadcast %shift_right_logical3A_240 : i32 to vector<16xi32>
        %shift_right_logical3A_242 = arith.shrui %get3A_139, %shift_right_logical3A_241 : vector<16xi32>
        %and3A_243 = arith.constant 1023 : i32
        %and3A_244 = vector.broadcast %and3A_243 : i32 to vector<16xi32>
        %and3A_245 = arith.andi %shift_right_logical3A_242, %and3A_244 : vector<16xi32>
        %shift_right_logical3A_246 = arith.constant 21 : i32
        %shift_right_logical3A_247 = vector.broadcast %shift_right_logical3A_246 : i32 to vector<16xi32>
        %shift_right_logical3A_248 = arith.shrui %get3A_147, %shift_right_logical3A_247 : vector<16xi32>
        %and3A_249 = arith.constant 1023 : i32
        %and3A_250 = vector.broadcast %and3A_249 : i32 to vector<16xi32>
        %and3A_251 = arith.andi %shift_right_logical3A_248, %and3A_250 : vector<16xi32>
        %shift_right_logical3A_252 = arith.constant 21 : i32
        %shift_right_logical3A_253 = vector.broadcast %shift_right_logical3A_252 : i32 to vector<16xi32>
        %shift_right_logical3A_254 = arith.shrui %get3A_155, %shift_right_logical3A_253 : vector<16xi32>
        %and3A_255 = arith.constant 1023 : i32
        %and3A_256 = vector.broadcast %and3A_255 : i32 to vector<16xi32>
        %and3A_257 = arith.andi %shift_right_logical3A_254, %and3A_256 : vector<16xi32>
        %shift_right_logical3A_258 = arith.constant 21 : i32
        %shift_right_logical3A_259 = vector.broadcast %shift_right_logical3A_258 : i32 to vector<16xi32>
        %shift_right_logical3A_260 = arith.shrui %get3A_163, %shift_right_logical3A_259 : vector<16xi32>
        %and3A_261 = arith.constant 1023 : i32
        %and3A_262 = vector.broadcast %and3A_261 : i32 to vector<16xi32>
        %and3A_263 = arith.andi %shift_right_logical3A_260, %and3A_262 : vector<16xi32>
        %shift_right_logical3A_264 = arith.constant 21 : i32
        %shift_right_logical3A_265 = vector.broadcast %shift_right_logical3A_264 : i32 to vector<16xi32>
        %shift_right_logical3A_266 = arith.shrui %get3A_171, %shift_right_logical3A_265 : vector<16xi32>
        %and3A_267 = arith.constant 1023 : i32
        %and3A_268 = vector.broadcast %and3A_267 : i32 to vector<16xi32>
        %and3A_269 = arith.andi %shift_right_logical3A_266, %and3A_268 : vector<16xi32>
        %shift_right_logical3A_270 = arith.constant 21 : i32
        %shift_right_logical3A_271 = vector.broadcast %shift_right_logical3A_270 : i32 to vector<16xi32>
        %shift_right_logical3A_272 = arith.shrui %get3A_179, %shift_right_logical3A_271 : vector<16xi32>
        %and3A_273 = arith.constant 1023 : i32
        %and3A_274 = vector.broadcast %and3A_273 : i32 to vector<16xi32>
        %and3A_275 = arith.andi %shift_right_logical3A_272, %and3A_274 : vector<16xi32>
        %shift_right_logical3A_276 = arith.constant 21 : i32
        %shift_right_logical3A_277 = vector.broadcast %shift_right_logical3A_276 : i32 to vector<16xi32>
        %shift_right_logical3A_278 = arith.shrui %get3A_187, %shift_right_logical3A_277 : vector<16xi32>
        %and3A_279 = arith.constant 1023 : i32
        %and3A_280 = vector.broadcast %and3A_279 : i32 to vector<16xi32>
        %and3A_281 = arith.andi %shift_right_logical3A_278, %and3A_280 : vector<16xi32>
        %lt3A_282 = arith.constant 0 : i32
        %lt3A_283 = vector.broadcast %lt3A_282 : i32 to vector<16xi32>
        %lt3A_284 = arith.cmpi slt, %get3A_67, %lt3A_283 : vector<16xi32>
        %jit3A = arith.constant 1 : i32
        %broadcast_in_dim3A_285 = vector.broadcast %jit3A : i32 to vector<16xi32>
        %select_n3A = arith.select %lt3A_284, %broadcast_in_dim3A_285, %broadcast_in_dim3A_8 : vector<16xi1>, vector<16xi32>
        %lt3A_286 = arith.constant 0 : i32
        %lt3A_287 = vector.broadcast %lt3A_286 : i32 to vector<16xi32>
        %lt3A_288 = arith.cmpi slt, %get3A_75, %lt3A_287 : vector<16xi32>
        %jit3A_289 = arith.constant 1 : i32
        %broadcast_in_dim3A_290 = vector.broadcast %jit3A_289 : i32 to vector<16xi32>
        %select_n3A_291 = arith.select %lt3A_288, %broadcast_in_dim3A_290, %broadcast_in_dim3A_8 : vector<16xi1>, vector<16xi32>
        %lt3A_292 = arith.constant 0 : i32
        %lt3A_293 = vector.broadcast %lt3A_292 : i32 to vector<16xi32>
        %lt3A_294 = arith.cmpi slt, %get3A_83, %lt3A_293 : vector<16xi32>
        %jit3A_295 = arith.constant 1 : i32
        %broadcast_in_dim3A_296 = vector.broadcast %jit3A_295 : i32 to vector<16xi32>
        %select_n3A_297 = arith.select %lt3A_294, %broadcast_in_dim3A_296, %broadcast_in_dim3A_8 : vector<16xi1>, vector<16xi32>
        %lt3A_298 = arith.constant 0 : i32
        %lt3A_299 = vector.broadcast %lt3A_298 : i32 to vector<16xi32>
        %lt3A_300 = arith.cmpi slt, %get3A_91, %lt3A_299 : vector<16xi32>
        %jit3A_301 = arith.constant 1 : i32
        %broadcast_in_dim3A_302 = vector.broadcast %jit3A_301 : i32 to vector<16xi32>
        %select_n3A_303 = arith.select %lt3A_300, %broadcast_in_dim3A_302, %broadcast_in_dim3A_8 : vector<16xi1>, vector<16xi32>
        %lt3A_304 = arith.constant 0 : i32
        %lt3A_305 = vector.broadcast %lt3A_304 : i32 to vector<16xi32>
        %lt3A_306 = arith.cmpi slt, %get3A_99, %lt3A_305 : vector<16xi32>
        %jit3A_307 = arith.constant 1 : i32
        %broadcast_in_dim3A_308 = vector.broadcast %jit3A_307 : i32 to vector<16xi32>
        %select_n3A_309 = arith.select %lt3A_306, %broadcast_in_dim3A_308, %broadcast_in_dim3A_8 : vector<16xi1>, vector<16xi32>
        %lt3A_310 = arith.constant 0 : i32
        %lt3A_311 = vector.broadcast %lt3A_310 : i32 to vector<16xi32>
        %lt3A_312 = arith.cmpi slt, %get3A_107, %lt3A_311 : vector<16xi32>
        %jit3A_313 = arith.constant 1 : i32
        %broadcast_in_dim3A_314 = vector.broadcast %jit3A_313 : i32 to vector<16xi32>
        %select_n3A_315 = arith.select %lt3A_312, %broadcast_in_dim3A_314, %broadcast_in_dim3A_8 : vector<16xi1>, vector<16xi32>
        %lt3A_316 = arith.constant 0 : i32
        %lt3A_317 = vector.broadcast %lt3A_316 : i32 to vector<16xi32>
        %lt3A_318 = arith.cmpi slt, %get3A_115, %lt3A_317 : vector<16xi32>
        %jit3A_319 = arith.constant 1 : i32
        %broadcast_in_dim3A_320 = vector.broadcast %jit3A_319 : i32 to vector<16xi32>
        %select_n3A_321 = arith.select %lt3A_318, %broadcast_in_dim3A_320, %broadcast_in_dim3A_8 : vector<16xi1>, vector<16xi32>
        %lt3A_322 = arith.constant 0 : i32
        %lt3A_323 = vector.broadcast %lt3A_322 : i32 to vector<16xi32>
        %lt3A_324 = arith.cmpi slt, %get3A_123, %lt3A_323 : vector<16xi32>
        %jit3A_325 = arith.constant 1 : i32
        %broadcast_in_dim3A_326 = vector.broadcast %jit3A_325 : i32 to vector<16xi32>
        %select_n3A_327 = arith.select %lt3A_324, %broadcast_in_dim3A_326, %broadcast_in_dim3A_8 : vector<16xi1>, vector<16xi32>
        %lt3A_328 = arith.constant 0 : i32
        %lt3A_329 = vector.broadcast %lt3A_328 : i32 to vector<16xi32>
        %lt3A_330 = arith.cmpi slt, %get3A_131, %lt3A_329 : vector<16xi32>
        %jit3A_331 = arith.constant 1 : i32
        %broadcast_in_dim3A_332 = vector.broadcast %jit3A_331 : i32 to vector<16xi32>
        %select_n3A_333 = arith.select %lt3A_330, %broadcast_in_dim3A_332, %broadcast_in_dim3A_8 : vector<16xi1>, vector<16xi32>
        %lt3A_334 = arith.constant 0 : i32
        %lt3A_335 = vector.broadcast %lt3A_334 : i32 to vector<16xi32>
        %lt3A_336 = arith.cmpi slt, %get3A_139, %lt3A_335 : vector<16xi32>
        %jit3A_337 = arith.constant 1 : i32
        %broadcast_in_dim3A_338 = vector.broadcast %jit3A_337 : i32 to vector<16xi32>
        %select_n3A_339 = arith.select %lt3A_336, %broadcast_in_dim3A_338, %broadcast_in_dim3A_8 : vector<16xi1>, vector<16xi32>
        %lt3A_340 = arith.constant 0 : i32
        %lt3A_341 = vector.broadcast %lt3A_340 : i32 to vector<16xi32>
        %lt3A_342 = arith.cmpi slt, %get3A_147, %lt3A_341 : vector<16xi32>
        %jit3A_343 = arith.constant 1 : i32
        %broadcast_in_dim3A_344 = vector.broadcast %jit3A_343 : i32 to vector<16xi32>
        %select_n3A_345 = arith.select %lt3A_342, %broadcast_in_dim3A_344, %broadcast_in_dim3A_8 : vector<16xi1>, vector<16xi32>
        %lt3A_346 = arith.constant 0 : i32
        %lt3A_347 = vector.broadcast %lt3A_346 : i32 to vector<16xi32>
        %lt3A_348 = arith.cmpi slt, %get3A_155, %lt3A_347 : vector<16xi32>
        %jit3A_349 = arith.constant 1 : i32
        %broadcast_in_dim3A_350 = vector.broadcast %jit3A_349 : i32 to vector<16xi32>
        %select_n3A_351 = arith.select %lt3A_348, %broadcast_in_dim3A_350, %broadcast_in_dim3A_8 : vector<16xi1>, vector<16xi32>
        %lt3A_352 = arith.constant 0 : i32
        %lt3A_353 = vector.broadcast %lt3A_352 : i32 to vector<16xi32>
        %lt3A_354 = arith.cmpi slt, %get3A_163, %lt3A_353 : vector<16xi32>
        %jit3A_355 = arith.constant 1 : i32
        %broadcast_in_dim3A_356 = vector.broadcast %jit3A_355 : i32 to vector<16xi32>
        %select_n3A_357 = arith.select %lt3A_354, %broadcast_in_dim3A_356, %broadcast_in_dim3A_8 : vector<16xi1>, vector<16xi32>
        %lt3A_358 = arith.constant 0 : i32
        %lt3A_359 = vector.broadcast %lt3A_358 : i32 to vector<16xi32>
        %lt3A_360 = arith.cmpi slt, %get3A_171, %lt3A_359 : vector<16xi32>
        %jit3A_361 = arith.constant 1 : i32
        %broadcast_in_dim3A_362 = vector.broadcast %jit3A_361 : i32 to vector<16xi32>
        %select_n3A_363 = arith.select %lt3A_360, %broadcast_in_dim3A_362, %broadcast_in_dim3A_8 : vector<16xi1>, vector<16xi32>
        %lt3A_364 = arith.constant 0 : i32
        %lt3A_365 = vector.broadcast %lt3A_364 : i32 to vector<16xi32>
        %lt3A_366 = arith.cmpi slt, %get3A_179, %lt3A_365 : vector<16xi32>
        %jit3A_367 = arith.constant 1 : i32
        %broadcast_in_dim3A_368 = vector.broadcast %jit3A_367 : i32 to vector<16xi32>
        %select_n3A_369 = arith.select %lt3A_366, %broadcast_in_dim3A_368, %broadcast_in_dim3A_8 : vector<16xi1>, vector<16xi32>
        %lt3A_370 = arith.constant 0 : i32
        %lt3A_371 = vector.broadcast %lt3A_370 : i32 to vector<16xi32>
        %lt3A_372 = arith.cmpi slt, %get3A_187, %lt3A_371 : vector<16xi32>
        %jit3A_373 = arith.constant 1 : i32
        %broadcast_in_dim3A_374 = vector.broadcast %jit3A_373 : i32 to vector<16xi32>
        %select_n3A_375 = arith.select %lt3A_372, %broadcast_in_dim3A_374, %broadcast_in_dim3A_8 : vector<16xi1>, vector<16xi32>
        %or3A = arith.ori %mul3A_5, %and3A_191 : vector<16xi32>
        %or3A_376 = arith.ori %mul3A_5, %and3A_197 : vector<16xi32>
        %or3A_377 = arith.ori %mul3A_5, %and3A_203 : vector<16xi32>
        %or3A_378 = arith.ori %mul3A_5, %and3A_209 : vector<16xi32>
        %or3A_379 = arith.ori %mul3A_5, %and3A_215 : vector<16xi32>
        %or3A_380 = arith.ori %mul3A_5, %and3A_221 : vector<16xi32>
        %or3A_381 = arith.ori %mul3A_5, %and3A_227 : vector<16xi32>
        %or3A_382 = arith.ori %mul3A_5, %and3A_233 : vector<16xi32>
        %or3A_383 = arith.ori %mul3A_5, %and3A_239 : vector<16xi32>
        %or3A_384 = arith.ori %mul3A_5, %and3A_245 : vector<16xi32>
        %or3A_385 = arith.ori %mul3A_5, %and3A_251 : vector<16xi32>
        %or3A_386 = arith.ori %mul3A_5, %and3A_257 : vector<16xi32>
        %or3A_387 = arith.ori %mul3A_5, %and3A_263 : vector<16xi32>
        %or3A_388 = arith.ori %mul3A_5, %and3A_269 : vector<16xi32>
        %or3A_389 = arith.ori %mul3A_5, %and3A_275 : vector<16xi32>
        %or3A_390 = arith.ori %mul3A_5, %and3A_281 : vector<16xi32>
        tpu.vector_store_idx %arg6[%or3A], %select_n3A {add = true} : memref<16384xi32, #tpu.memory_space<vmem>>[vector<16xi32>], vector<16xi32>,
        tpu.vector_store_idx %arg6[%or3A_376], %select_n3A_291 {add = true} : memref<16384xi32, #tpu.memory_space<vmem>>[vector<16xi32>], vector<16xi32>,
        tpu.vector_store_idx %arg6[%or3A_377], %select_n3A_297 {add = true} : memref<16384xi32, #tpu.memory_space<vmem>>[vector<16xi32>], vector<16xi32>,
        tpu.vector_store_idx %arg6[%or3A_378], %select_n3A_303 {add = true} : memref<16384xi32, #tpu.memory_space<vmem>>[vector<16xi32>], vector<16xi32>,
        tpu.vector_store_idx %arg6[%or3A_379], %select_n3A_309 {add = true} : memref<16384xi32, #tpu.memory_space<vmem>>[vector<16xi32>], vector<16xi32>,
        tpu.vector_store_idx %arg6[%or3A_380], %select_n3A_315 {add = true} : memref<16384xi32, #tpu.memory_space<vmem>>[vector<16xi32>], vector<16xi32>,
        tpu.vector_store_idx %arg6[%or3A_381], %select_n3A_321 {add = true} : memref<16384xi32, #tpu.memory_space<vmem>>[vector<16xi32>], vector<16xi32>,
        tpu.vector_store_idx %arg6[%or3A_382], %select_n3A_327 {add = true} : memref<16384xi32, #tpu.memory_space<vmem>>[vector<16xi32>], vector<16xi32>,
        tpu.vector_store_idx %arg6[%or3A_383], %select_n3A_333 {add = true} : memref<16384xi32, #tpu.memory_space<vmem>>[vector<16xi32>], vector<16xi32>,
        tpu.vector_store_idx %arg6[%or3A_384], %select_n3A_339 {add = true} : memref<16384xi32, #tpu.memory_space<vmem>>[vector<16xi32>], vector<16xi32>,
        tpu.vector_store_idx %arg6[%or3A_385], %select_n3A_345 {add = true} : memref<16384xi32, #tpu.memory_space<vmem>>[vector<16xi32>], vector<16xi32>,
        tpu.vector_store_idx %arg6[%or3A_386], %select_n3A_351 {add = true} : memref<16384xi32, #tpu.memory_space<vmem>>[vector<16xi32>], vector<16xi32>,
        tpu.vector_store_idx %arg6[%or3A_387], %select_n3A_357 {add = true} : memref<16384xi32, #tpu.memory_space<vmem>>[vector<16xi32>], vector<16xi32>,
        tpu.vector_store_idx %arg6[%or3A_388], %select_n3A_363 {add = true} : memref<16384xi32, #tpu.memory_space<vmem>>[vector<16xi32>], vector<16xi32>,
        tpu.vector_store_idx %arg6[%or3A_389], %select_n3A_369 {add = true} : memref<16384xi32, #tpu.memory_space<vmem>>[vector<16xi32>], vector<16xi32>,
        tpu.vector_store_idx %arg6[%or3A_390], %select_n3A_375 {add = true} : memref<16384xi32, #tpu.memory_space<vmem>>[vector<16xi32>], vector<16xi32>,
      }
      %scan3A_47 = arith.constant 64 : i32
      %lt3A = arith.constant 3 : i32
      %lt3A_48 = arith.cmpi slt, %scan3A_29, %lt3A : i32
      %convert_element_type3A = arith.extui %lt3A_48 : i1 to i32
      %cond3A = arith.constant 0 : i32
      %cond3A_49 = arith.cmpi ne, %convert_element_type3A, %cond3A : i32
      scf.if %cond3A_49 {
        %mul3A_60 = arith.constant 2 : i32
        %mul3A_61 = arith.muli %mul3A_60, %scan3A_29 : i32
        %add3A_62 = arith.constant 2 : i32
        %add3A_63 = arith.addi %mul3A_61, %add3A_62 : i32
        %mul3A_64 = arith.constant 16384 : i32
        %mul3A_65 = arith.muli %add3A_63, %mul3A_64 : i32
        %add3A_66 = arith.addi %mul3A_2, %mul3A_65 : i32
        %dma_start3A_67 = tpu.memref_slice %arg2[%add3A_66] : memref<4194304xi32, #tpu.memory_space<hbm>> -> memref<16384xi32, #tpu.memory_space<hbm>>
        %dma_start3A_68 = tpu.memref_slice %arg2[%add3A_66] : memref<4194304xi32, #tpu.memory_space<hbm>> -> memref<16384xi32, #tpu.memory_space<hbm>>
        tpu.enqueue_dma source(%dma_start3A_68 : memref<16384xi32, #tpu.memory_space<hbm>>) target(%arg4 : memref<16384xi32, #tpu.memory_space<vmem>>) target_semaphore(%arg7 : memref<!tpu.dma_semaphore, #tpu.memory_space<semaphore_mem>>)
      } else {
      }
      %dma_wait3A_50 = arith.constant 0 : i32
      %dma_wait3A_51 = tpu.memref_slice %arg2[%dma_wait3A_50] : memref<4194304xi32, #tpu.memory_space<hbm>> -> memref<16384xi32, #tpu.memory_space<hbm>>
      %dma_wait3A_52 = arith.constant 0 : i32
      %dma_wait3A_53 = tpu.memref_slice %arg2[%dma_wait3A_52] : memref<4194304xi32, #tpu.memory_space<hbm>> -> memref<16384xi32, #tpu.memory_space<hbm>>
      tpu.wait_dma2 semaphore(%arg8 : memref<!tpu.dma_semaphore, #tpu.memory_space<semaphore_mem>>) src(%dma_wait3A_53 : memref<16384xi32, #tpu.memory_space<hbm>>) dst(%arg5 : memref<16384xi32, #tpu.memory_space<vmem>>)
      %scan3A_54 = arith.constant 0 : i32
      %scan3A_55 = arith.constant 0 : i32
      %scan3A_56 = arith.constant 64 : i32
      %scan3A_57 = arith.addi %scan3A_55, %scan3A_56 : i32
      %scan3A_58 = arith.constant 1 : i32
      scf.for %scan3A_60 = %scan3A_55 to %scan3A_57 step %scan3A_58  : i32 {
        %mul3A_61 = arith.constant 16 : i32
        %mul3A_62 = arith.muli %scan3A_60, %mul3A_61 : i32
        %add3A_63 = arith.constant 0 : i32
        %add3A_64 = arith.addi %mul3A_62, %add3A_63 : i32
        %mul3A_65 = arith.constant 16 : i32
        %mul3A_66 = arith.muli %add3A_64, %mul3A_65 : i32
        %get3A = arith.index_cast %mul3A_66 : i32 to index
        %get3A_67 = tpu.vector_load %arg5[%get3A] {strides = array<i32>} : memref<16384xi32, #tpu.memory_space<vmem>>, vector<16xi32>,
        %mul3A_68 = arith.constant 16 : i32
        %mul3A_69 = arith.muli %scan3A_60, %mul3A_68 : i32
        %add3A_70 = arith.constant 1 : i32
        %add3A_71 = arith.addi %mul3A_69, %add3A_70 : i32
        %mul3A_72 = arith.constant 16 : i32
        %mul3A_73 = arith.muli %add3A_71, %mul3A_72 : i32
        %get3A_74 = arith.index_cast %mul3A_73 : i32 to index
        %get3A_75 = tpu.vector_load %arg5[%get3A_74] {strides = array<i32>} : memref<16384xi32, #tpu.memory_space<vmem>>, vector<16xi32>,
        %mul3A_76 = arith.constant 16 : i32
        %mul3A_77 = arith.muli %scan3A_60, %mul3A_76 : i32
        %add3A_78 = arith.constant 2 : i32
        %add3A_79 = arith.addi %mul3A_77, %add3A_78 : i32
        %mul3A_80 = arith.constant 16 : i32
        %mul3A_81 = arith.muli %add3A_79, %mul3A_80 : i32
        %get3A_82 = arith.index_cast %mul3A_81 : i32 to index
        %get3A_83 = tpu.vector_load %arg5[%get3A_82] {strides = array<i32>} : memref<16384xi32, #tpu.memory_space<vmem>>, vector<16xi32>,
        %mul3A_84 = arith.constant 16 : i32
        %mul3A_85 = arith.muli %scan3A_60, %mul3A_84 : i32
        %add3A_86 = arith.constant 3 : i32
        %add3A_87 = arith.addi %mul3A_85, %add3A_86 : i32
        %mul3A_88 = arith.constant 16 : i32
        %mul3A_89 = arith.muli %add3A_87, %mul3A_88 : i32
        %get3A_90 = arith.index_cast %mul3A_89 : i32 to index
        %get3A_91 = tpu.vector_load %arg5[%get3A_90] {strides = array<i32>} : memref<16384xi32, #tpu.memory_space<vmem>>, vector<16xi32>,
        %mul3A_92 = arith.constant 16 : i32
        %mul3A_93 = arith.muli %scan3A_60, %mul3A_92 : i32
        %add3A_94 = arith.constant 4 : i32
        %add3A_95 = arith.addi %mul3A_93, %add3A_94 : i32
        %mul3A_96 = arith.constant 16 : i32
        %mul3A_97 = arith.muli %add3A_95, %mul3A_96 : i32
        %get3A_98 = arith.index_cast %mul3A_97 : i32 to index
        %get3A_99 = tpu.vector_load %arg5[%get3A_98] {strides = array<i32>} : memref<16384xi32, #tpu.memory_space<vmem>>, vector<16xi32>,
        %mul3A_100 = arith.constant 16 : i32
        %mul3A_101 = arith.muli %scan3A_60, %mul3A_100 : i32
        %add3A_102 = arith.constant 5 : i32
        %add3A_103 = arith.addi %mul3A_101, %add3A_102 : i32
        %mul3A_104 = arith.constant 16 : i32
        %mul3A_105 = arith.muli %add3A_103, %mul3A_104 : i32
        %get3A_106 = arith.index_cast %mul3A_105 : i32 to index
        %get3A_107 = tpu.vector_load %arg5[%get3A_106] {strides = array<i32>} : memref<16384xi32, #tpu.memory_space<vmem>>, vector<16xi32>,
        %mul3A_108 = arith.constant 16 : i32
        %mul3A_109 = arith.muli %scan3A_60, %mul3A_108 : i32
        %add3A_110 = arith.constant 6 : i32
        %add3A_111 = arith.addi %mul3A_109, %add3A_110 : i32
        %mul3A_112 = arith.constant 16 : i32
        %mul3A_113 = arith.muli %add3A_111, %mul3A_112 : i32
        %get3A_114 = arith.index_cast %mul3A_113 : i32 to index
        %get3A_115 = tpu.vector_load %arg5[%get3A_114] {strides = array<i32>} : memref<16384xi32, #tpu.memory_space<vmem>>, vector<16xi32>,
        %mul3A_116 = arith.constant 16 : i32
        %mul3A_117 = arith.muli %scan3A_60, %mul3A_116 : i32
        %add3A_118 = arith.constant 7 : i32
        %add3A_119 = arith.addi %mul3A_117, %add3A_118 : i32
        %mul3A_120 = arith.constant 16 : i32
        %mul3A_121 = arith.muli %add3A_119, %mul3A_120 : i32
        %get3A_122 = arith.index_cast %mul3A_121 : i32 to index
        %get3A_123 = tpu.vector_load %arg5[%get3A_122] {strides = array<i32>} : memref<16384xi32, #tpu.memory_space<vmem>>, vector<16xi32>,
        %mul3A_124 = arith.constant 16 : i32
        %mul3A_125 = arith.muli %scan3A_60, %mul3A_124 : i32
        %add3A_126 = arith.constant 8 : i32
        %add3A_127 = arith.addi %mul3A_125, %add3A_126 : i32
        %mul3A_128 = arith.constant 16 : i32
        %mul3A_129 = arith.muli %add3A_127, %mul3A_128 : i32
        %get3A_130 = arith.index_cast %mul3A_129 : i32 to index
        %get3A_131 = tpu.vector_load %arg5[%get3A_130] {strides = array<i32>} : memref<16384xi32, #tpu.memory_space<vmem>>, vector<16xi32>,
        %mul3A_132 = arith.constant 16 : i32
        %mul3A_133 = arith.muli %scan3A_60, %mul3A_132 : i32
        %add3A_134 = arith.constant 9 : i32
        %add3A_135 = arith.addi %mul3A_133, %add3A_134 : i32
        %mul3A_136 = arith.constant 16 : i32
        %mul3A_137 = arith.muli %add3A_135, %mul3A_136 : i32
        %get3A_138 = arith.index_cast %mul3A_137 : i32 to index
        %get3A_139 = tpu.vector_load %arg5[%get3A_138] {strides = array<i32>} : memref<16384xi32, #tpu.memory_space<vmem>>, vector<16xi32>,
        %mul3A_140 = arith.constant 16 : i32
        %mul3A_141 = arith.muli %scan3A_60, %mul3A_140 : i32
        %add3A_142 = arith.constant 10 : i32
        %add3A_143 = arith.addi %mul3A_141, %add3A_142 : i32
        %mul3A_144 = arith.constant 16 : i32
        %mul3A_145 = arith.muli %add3A_143, %mul3A_144 : i32
        %get3A_146 = arith.index_cast %mul3A_145 : i32 to index
        %get3A_147 = tpu.vector_load %arg5[%get3A_146] {strides = array<i32>} : memref<16384xi32, #tpu.memory_space<vmem>>, vector<16xi32>,
        %mul3A_148 = arith.constant 16 : i32
        %mul3A_149 = arith.muli %scan3A_60, %mul3A_148 : i32
        %add3A_150 = arith.constant 11 : i32
        %add3A_151 = arith.addi %mul3A_149, %add3A_150 : i32
        %mul3A_152 = arith.constant 16 : i32
        %mul3A_153 = arith.muli %add3A_151, %mul3A_152 : i32
        %get3A_154 = arith.index_cast %mul3A_153 : i32 to index
        %get3A_155 = tpu.vector_load %arg5[%get3A_154] {strides = array<i32>} : memref<16384xi32, #tpu.memory_space<vmem>>, vector<16xi32>,
        %mul3A_156 = arith.constant 16 : i32
        %mul3A_157 = arith.muli %scan3A_60, %mul3A_156 : i32
        %add3A_158 = arith.constant 12 : i32
        %add3A_159 = arith.addi %mul3A_157, %add3A_158 : i32
        %mul3A_160 = arith.constant 16 : i32
        %mul3A_161 = arith.muli %add3A_159, %mul3A_160 : i32
        %get3A_162 = arith.index_cast %mul3A_161 : i32 to index
        %get3A_163 = tpu.vector_load %arg5[%get3A_162] {strides = array<i32>} : memref<16384xi32, #tpu.memory_space<vmem>>, vector<16xi32>,
        %mul3A_164 = arith.constant 16 : i32
        %mul3A_165 = arith.muli %scan3A_60, %mul3A_164 : i32
        %add3A_166 = arith.constant 13 : i32
        %add3A_167 = arith.addi %mul3A_165, %add3A_166 : i32
        %mul3A_168 = arith.constant 16 : i32
        %mul3A_169 = arith.muli %add3A_167, %mul3A_168 : i32
        %get3A_170 = arith.index_cast %mul3A_169 : i32 to index
        %get3A_171 = tpu.vector_load %arg5[%get3A_170] {strides = array<i32>} : memref<16384xi32, #tpu.memory_space<vmem>>, vector<16xi32>,
        %mul3A_172 = arith.constant 16 : i32
        %mul3A_173 = arith.muli %scan3A_60, %mul3A_172 : i32
        %add3A_174 = arith.constant 14 : i32
        %add3A_175 = arith.addi %mul3A_173, %add3A_174 : i32
        %mul3A_176 = arith.constant 16 : i32
        %mul3A_177 = arith.muli %add3A_175, %mul3A_176 : i32
        %get3A_178 = arith.index_cast %mul3A_177 : i32 to index
        %get3A_179 = tpu.vector_load %arg5[%get3A_178] {strides = array<i32>} : memref<16384xi32, #tpu.memory_space<vmem>>, vector<16xi32>,
        %mul3A_180 = arith.constant 16 : i32
        %mul3A_181 = arith.muli %scan3A_60, %mul3A_180 : i32
        %add3A_182 = arith.constant 15 : i32
        %add3A_183 = arith.addi %mul3A_181, %add3A_182 : i32
        %mul3A_184 = arith.constant 16 : i32
        %mul3A_185 = arith.muli %add3A_183, %mul3A_184 : i32
        %get3A_186 = arith.index_cast %mul3A_185 : i32 to index
        %get3A_187 = tpu.vector_load %arg5[%get3A_186] {strides = array<i32>} : memref<16384xi32, #tpu.memory_space<vmem>>, vector<16xi32>,
        %shift_right_logical3A = arith.constant 21 : i32
        %shift_right_logical3A_188 = vector.broadcast %shift_right_logical3A : i32 to vector<16xi32>
        %shift_right_logical3A_189 = arith.shrui %get3A_67, %shift_right_logical3A_188 : vector<16xi32>
        %and3A = arith.constant 1023 : i32
        %and3A_190 = vector.broadcast %and3A : i32 to vector<16xi32>
        %and3A_191 = arith.andi %shift_right_logical3A_189, %and3A_190 : vector<16xi32>
        %shift_right_logical3A_192 = arith.constant 21 : i32
        %shift_right_logical3A_193 = vector.broadcast %shift_right_logical3A_192 : i32 to vector<16xi32>
        %shift_right_logical3A_194 = arith.shrui %get3A_75, %shift_right_logical3A_193 : vector<16xi32>
        %and3A_195 = arith.constant 1023 : i32
        %and3A_196 = vector.broadcast %and3A_195 : i32 to vector<16xi32>
        %and3A_197 = arith.andi %shift_right_logical3A_194, %and3A_196 : vector<16xi32>
        %shift_right_logical3A_198 = arith.constant 21 : i32
        %shift_right_logical3A_199 = vector.broadcast %shift_right_logical3A_198 : i32 to vector<16xi32>
        %shift_right_logical3A_200 = arith.shrui %get3A_83, %shift_right_logical3A_199 : vector<16xi32>
        %and3A_201 = arith.constant 1023 : i32
        %and3A_202 = vector.broadcast %and3A_201 : i32 to vector<16xi32>
        %and3A_203 = arith.andi %shift_right_logical3A_200, %and3A_202 : vector<16xi32>
        %shift_right_logical3A_204 = arith.constant 21 : i32
        %shift_right_logical3A_205 = vector.broadcast %shift_right_logical3A_204 : i32 to vector<16xi32>
        %shift_right_logical3A_206 = arith.shrui %get3A_91, %shift_right_logical3A_205 : vector<16xi32>
        %and3A_207 = arith.constant 1023 : i32
        %and3A_208 = vector.broadcast %and3A_207 : i32 to vector<16xi32>
        %and3A_209 = arith.andi %shift_right_logical3A_206, %and3A_208 : vector<16xi32>
        %shift_right_logical3A_210 = arith.constant 21 : i32
        %shift_right_logical3A_211 = vector.broadcast %shift_right_logical3A_210 : i32 to vector<16xi32>
        %shift_right_logical3A_212 = arith.shrui %get3A_99, %shift_right_logical3A_211 : vector<16xi32>
        %and3A_213 = arith.constant 1023 : i32
        %and3A_214 = vector.broadcast %and3A_213 : i32 to vector<16xi32>
        %and3A_215 = arith.andi %shift_right_logical3A_212, %and3A_214 : vector<16xi32>
        %shift_right_logical3A_216 = arith.constant 21 : i32
        %shift_right_logical3A_217 = vector.broadcast %shift_right_logical3A_216 : i32 to vector<16xi32>
        %shift_right_logical3A_218 = arith.shrui %get3A_107, %shift_right_logical3A_217 : vector<16xi32>
        %and3A_219 = arith.constant 1023 : i32
        %and3A_220 = vector.broadcast %and3A_219 : i32 to vector<16xi32>
        %and3A_221 = arith.andi %shift_right_logical3A_218, %and3A_220 : vector<16xi32>
        %shift_right_logical3A_222 = arith.constant 21 : i32
        %shift_right_logical3A_223 = vector.broadcast %shift_right_logical3A_222 : i32 to vector<16xi32>
        %shift_right_logical3A_224 = arith.shrui %get3A_115, %shift_right_logical3A_223 : vector<16xi32>
        %and3A_225 = arith.constant 1023 : i32
        %and3A_226 = vector.broadcast %and3A_225 : i32 to vector<16xi32>
        %and3A_227 = arith.andi %shift_right_logical3A_224, %and3A_226 : vector<16xi32>
        %shift_right_logical3A_228 = arith.constant 21 : i32
        %shift_right_logical3A_229 = vector.broadcast %shift_right_logical3A_228 : i32 to vector<16xi32>
        %shift_right_logical3A_230 = arith.shrui %get3A_123, %shift_right_logical3A_229 : vector<16xi32>
        %and3A_231 = arith.constant 1023 : i32
        %and3A_232 = vector.broadcast %and3A_231 : i32 to vector<16xi32>
        %and3A_233 = arith.andi %shift_right_logical3A_230, %and3A_232 : vector<16xi32>
        %shift_right_logical3A_234 = arith.constant 21 : i32
        %shift_right_logical3A_235 = vector.broadcast %shift_right_logical3A_234 : i32 to vector<16xi32>
        %shift_right_logical3A_236 = arith.shrui %get3A_131, %shift_right_logical3A_235 : vector<16xi32>
        %and3A_237 = arith.constant 1023 : i32
        %and3A_238 = vector.broadcast %and3A_237 : i32 to vector<16xi32>
        %and3A_239 = arith.andi %shift_right_logical3A_236, %and3A_238 : vector<16xi32>
        %shift_right_logical3A_240 = arith.constant 21 : i32
        %shift_right_logical3A_241 = vector.broadcast %shift_right_logical3A_240 : i32 to vector<16xi32>
        %shift_right_logical3A_242 = arith.shrui %get3A_139, %shift_right_logical3A_241 : vector<16xi32>
        %and3A_243 = arith.constant 1023 : i32
        %and3A_244 = vector.broadcast %and3A_243 : i32 to vector<16xi32>
        %and3A_245 = arith.andi %shift_right_logical3A_242, %and3A_244 : vector<16xi32>
        %shift_right_logical3A_246 = arith.constant 21 : i32
        %shift_right_logical3A_247 = vector.broadcast %shift_right_logical3A_246 : i32 to vector<16xi32>
        %shift_right_logical3A_248 = arith.shrui %get3A_147, %shift_right_logical3A_247 : vector<16xi32>
        %and3A_249 = arith.constant 1023 : i32
        %and3A_250 = vector.broadcast %and3A_249 : i32 to vector<16xi32>
        %and3A_251 = arith.andi %shift_right_logical3A_248, %and3A_250 : vector<16xi32>
        %shift_right_logical3A_252 = arith.constant 21 : i32
        %shift_right_logical3A_253 = vector.broadcast %shift_right_logical3A_252 : i32 to vector<16xi32>
        %shift_right_logical3A_254 = arith.shrui %get3A_155, %shift_right_logical3A_253 : vector<16xi32>
        %and3A_255 = arith.constant 1023 : i32
        %and3A_256 = vector.broadcast %and3A_255 : i32 to vector<16xi32>
        %and3A_257 = arith.andi %shift_right_logical3A_254, %and3A_256 : vector<16xi32>
        %shift_right_logical3A_258 = arith.constant 21 : i32
        %shift_right_logical3A_259 = vector.broadcast %shift_right_logical3A_258 : i32 to vector<16xi32>
        %shift_right_logical3A_260 = arith.shrui %get3A_163, %shift_right_logical3A_259 : vector<16xi32>
        %and3A_261 = arith.constant 1023 : i32
        %and3A_262 = vector.broadcast %and3A_261 : i32 to vector<16xi32>
        %and3A_263 = arith.andi %shift_right_logical3A_260, %and3A_262 : vector<16xi32>
        %shift_right_logical3A_264 = arith.constant 21 : i32
        %shift_right_logical3A_265 = vector.broadcast %shift_right_logical3A_264 : i32 to vector<16xi32>
        %shift_right_logical3A_266 = arith.shrui %get3A_171, %shift_right_logical3A_265 : vector<16xi32>
        %and3A_267 = arith.constant 1023 : i32
        %and3A_268 = vector.broadcast %and3A_267 : i32 to vector<16xi32>
        %and3A_269 = arith.andi %shift_right_logical3A_266, %and3A_268 : vector<16xi32>
        %shift_right_logical3A_270 = arith.constant 21 : i32
        %shift_right_logical3A_271 = vector.broadcast %shift_right_logical3A_270 : i32 to vector<16xi32>
        %shift_right_logical3A_272 = arith.shrui %get3A_179, %shift_right_logical3A_271 : vector<16xi32>
        %and3A_273 = arith.constant 1023 : i32
        %and3A_274 = vector.broadcast %and3A_273 : i32 to vector<16xi32>
        %and3A_275 = arith.andi %shift_right_logical3A_272, %and3A_274 : vector<16xi32>
        %shift_right_logical3A_276 = arith.constant 21 : i32
        %shift_right_logical3A_277 = vector.broadcast %shift_right_logical3A_276 : i32 to vector<16xi32>
        %shift_right_logical3A_278 = arith.shrui %get3A_187, %shift_right_logical3A_277 : vector<16xi32>
        %and3A_279 = arith.constant 1023 : i32
        %and3A_280 = vector.broadcast %and3A_279 : i32 to vector<16xi32>
        %and3A_281 = arith.andi %shift_right_logical3A_278, %and3A_280 : vector<16xi32>
        %lt3A_282 = arith.constant 0 : i32
        %lt3A_283 = vector.broadcast %lt3A_282 : i32 to vector<16xi32>
        %lt3A_284 = arith.cmpi slt, %get3A_67, %lt3A_283 : vector<16xi32>
        %jit3A = arith.constant 1 : i32
        %broadcast_in_dim3A_285 = vector.broadcast %jit3A : i32 to vector<16xi32>
        %select_n3A = arith.select %lt3A_284, %broadcast_in_dim3A_285, %broadcast_in_dim3A_8 : vector<16xi1>, vector<16xi32>
        %lt3A_286 = arith.constant 0 : i32
        %lt3A_287 = vector.broadcast %lt3A_286 : i32 to vector<16xi32>
        %lt3A_288 = arith.cmpi slt, %get3A_75, %lt3A_287 : vector<16xi32>
        %jit3A_289 = arith.constant 1 : i32
        %broadcast_in_dim3A_290 = vector.broadcast %jit3A_289 : i32 to vector<16xi32>
        %select_n3A_291 = arith.select %lt3A_288, %broadcast_in_dim3A_290, %broadcast_in_dim3A_8 : vector<16xi1>, vector<16xi32>
        %lt3A_292 = arith.constant 0 : i32
        %lt3A_293 = vector.broadcast %lt3A_292 : i32 to vector<16xi32>
        %lt3A_294 = arith.cmpi slt, %get3A_83, %lt3A_293 : vector<16xi32>
        %jit3A_295 = arith.constant 1 : i32
        %broadcast_in_dim3A_296 = vector.broadcast %jit3A_295 : i32 to vector<16xi32>
        %select_n3A_297 = arith.select %lt3A_294, %broadcast_in_dim3A_296, %broadcast_in_dim3A_8 : vector<16xi1>, vector<16xi32>
        %lt3A_298 = arith.constant 0 : i32
        %lt3A_299 = vector.broadcast %lt3A_298 : i32 to vector<16xi32>
        %lt3A_300 = arith.cmpi slt, %get3A_91, %lt3A_299 : vector<16xi32>
        %jit3A_301 = arith.constant 1 : i32
        %broadcast_in_dim3A_302 = vector.broadcast %jit3A_301 : i32 to vector<16xi32>
        %select_n3A_303 = arith.select %lt3A_300, %broadcast_in_dim3A_302, %broadcast_in_dim3A_8 : vector<16xi1>, vector<16xi32>
        %lt3A_304 = arith.constant 0 : i32
        %lt3A_305 = vector.broadcast %lt3A_304 : i32 to vector<16xi32>
        %lt3A_306 = arith.cmpi slt, %get3A_99, %lt3A_305 : vector<16xi32>
        %jit3A_307 = arith.constant 1 : i32
        %broadcast_in_dim3A_308 = vector.broadcast %jit3A_307 : i32 to vector<16xi32>
        %select_n3A_309 = arith.select %lt3A_306, %broadcast_in_dim3A_308, %broadcast_in_dim3A_8 : vector<16xi1>, vector<16xi32>
        %lt3A_310 = arith.constant 0 : i32
        %lt3A_311 = vector.broadcast %lt3A_310 : i32 to vector<16xi32>
        %lt3A_312 = arith.cmpi slt, %get3A_107, %lt3A_311 : vector<16xi32>
        %jit3A_313 = arith.constant 1 : i32
        %broadcast_in_dim3A_314 = vector.broadcast %jit3A_313 : i32 to vector<16xi32>
        %select_n3A_315 = arith.select %lt3A_312, %broadcast_in_dim3A_314, %broadcast_in_dim3A_8 : vector<16xi1>, vector<16xi32>
        %lt3A_316 = arith.constant 0 : i32
        %lt3A_317 = vector.broadcast %lt3A_316 : i32 to vector<16xi32>
        %lt3A_318 = arith.cmpi slt, %get3A_115, %lt3A_317 : vector<16xi32>
        %jit3A_319 = arith.constant 1 : i32
        %broadcast_in_dim3A_320 = vector.broadcast %jit3A_319 : i32 to vector<16xi32>
        %select_n3A_321 = arith.select %lt3A_318, %broadcast_in_dim3A_320, %broadcast_in_dim3A_8 : vector<16xi1>, vector<16xi32>
        %lt3A_322 = arith.constant 0 : i32
        %lt3A_323 = vector.broadcast %lt3A_322 : i32 to vector<16xi32>
        %lt3A_324 = arith.cmpi slt, %get3A_123, %lt3A_323 : vector<16xi32>
        %jit3A_325 = arith.constant 1 : i32
        %broadcast_in_dim3A_326 = vector.broadcast %jit3A_325 : i32 to vector<16xi32>
        %select_n3A_327 = arith.select %lt3A_324, %broadcast_in_dim3A_326, %broadcast_in_dim3A_8 : vector<16xi1>, vector<16xi32>
        %lt3A_328 = arith.constant 0 : i32
        %lt3A_329 = vector.broadcast %lt3A_328 : i32 to vector<16xi32>
        %lt3A_330 = arith.cmpi slt, %get3A_131, %lt3A_329 : vector<16xi32>
        %jit3A_331 = arith.constant 1 : i32
        %broadcast_in_dim3A_332 = vector.broadcast %jit3A_331 : i32 to vector<16xi32>
        %select_n3A_333 = arith.select %lt3A_330, %broadcast_in_dim3A_332, %broadcast_in_dim3A_8 : vector<16xi1>, vector<16xi32>
        %lt3A_334 = arith.constant 0 : i32
        %lt3A_335 = vector.broadcast %lt3A_334 : i32 to vector<16xi32>
        %lt3A_336 = arith.cmpi slt, %get3A_139, %lt3A_335 : vector<16xi32>
        %jit3A_337 = arith.constant 1 : i32
        %broadcast_in_dim3A_338 = vector.broadcast %jit3A_337 : i32 to vector<16xi32>
        %select_n3A_339 = arith.select %lt3A_336, %broadcast_in_dim3A_338, %broadcast_in_dim3A_8 : vector<16xi1>, vector<16xi32>
        %lt3A_340 = arith.constant 0 : i32
        %lt3A_341 = vector.broadcast %lt3A_340 : i32 to vector<16xi32>
        %lt3A_342 = arith.cmpi slt, %get3A_147, %lt3A_341 : vector<16xi32>
        %jit3A_343 = arith.constant 1 : i32
        %broadcast_in_dim3A_344 = vector.broadcast %jit3A_343 : i32 to vector<16xi32>
        %select_n3A_345 = arith.select %lt3A_342, %broadcast_in_dim3A_344, %broadcast_in_dim3A_8 : vector<16xi1>, vector<16xi32>
        %lt3A_346 = arith.constant 0 : i32
        %lt3A_347 = vector.broadcast %lt3A_346 : i32 to vector<16xi32>
        %lt3A_348 = arith.cmpi slt, %get3A_155, %lt3A_347 : vector<16xi32>
        %jit3A_349 = arith.constant 1 : i32
        %broadcast_in_dim3A_350 = vector.broadcast %jit3A_349 : i32 to vector<16xi32>
        %select_n3A_351 = arith.select %lt3A_348, %broadcast_in_dim3A_350, %broadcast_in_dim3A_8 : vector<16xi1>, vector<16xi32>
        %lt3A_352 = arith.constant 0 : i32
        %lt3A_353 = vector.broadcast %lt3A_352 : i32 to vector<16xi32>
        %lt3A_354 = arith.cmpi slt, %get3A_163, %lt3A_353 : vector<16xi32>
        %jit3A_355 = arith.constant 1 : i32
        %broadcast_in_dim3A_356 = vector.broadcast %jit3A_355 : i32 to vector<16xi32>
        %select_n3A_357 = arith.select %lt3A_354, %broadcast_in_dim3A_356, %broadcast_in_dim3A_8 : vector<16xi1>, vector<16xi32>
        %lt3A_358 = arith.constant 0 : i32
        %lt3A_359 = vector.broadcast %lt3A_358 : i32 to vector<16xi32>
        %lt3A_360 = arith.cmpi slt, %get3A_171, %lt3A_359 : vector<16xi32>
        %jit3A_361 = arith.constant 1 : i32
        %broadcast_in_dim3A_362 = vector.broadcast %jit3A_361 : i32 to vector<16xi32>
        %select_n3A_363 = arith.select %lt3A_360, %broadcast_in_dim3A_362, %broadcast_in_dim3A_8 : vector<16xi1>, vector<16xi32>
        %lt3A_364 = arith.constant 0 : i32
        %lt3A_365 = vector.broadcast %lt3A_364 : i32 to vector<16xi32>
        %lt3A_366 = arith.cmpi slt, %get3A_179, %lt3A_365 : vector<16xi32>
        %jit3A_367 = arith.constant 1 : i32
        %broadcast_in_dim3A_368 = vector.broadcast %jit3A_367 : i32 to vector<16xi32>
        %select_n3A_369 = arith.select %lt3A_366, %broadcast_in_dim3A_368, %broadcast_in_dim3A_8 : vector<16xi1>, vector<16xi32>
        %lt3A_370 = arith.constant 0 : i32
        %lt3A_371 = vector.broadcast %lt3A_370 : i32 to vector<16xi32>
        %lt3A_372 = arith.cmpi slt, %get3A_187, %lt3A_371 : vector<16xi32>
        %jit3A_373 = arith.constant 1 : i32
        %broadcast_in_dim3A_374 = vector.broadcast %jit3A_373 : i32 to vector<16xi32>
        %select_n3A_375 = arith.select %lt3A_372, %broadcast_in_dim3A_374, %broadcast_in_dim3A_8 : vector<16xi1>, vector<16xi32>
        %or3A = arith.ori %mul3A_5, %and3A_191 : vector<16xi32>
        %or3A_376 = arith.ori %mul3A_5, %and3A_197 : vector<16xi32>
        %or3A_377 = arith.ori %mul3A_5, %and3A_203 : vector<16xi32>
        %or3A_378 = arith.ori %mul3A_5, %and3A_209 : vector<16xi32>
        %or3A_379 = arith.ori %mul3A_5, %and3A_215 : vector<16xi32>
        %or3A_380 = arith.ori %mul3A_5, %and3A_221 : vector<16xi32>
        %or3A_381 = arith.ori %mul3A_5, %and3A_227 : vector<16xi32>
        %or3A_382 = arith.ori %mul3A_5, %and3A_233 : vector<16xi32>
        %or3A_383 = arith.ori %mul3A_5, %and3A_239 : vector<16xi32>
        %or3A_384 = arith.ori %mul3A_5, %and3A_245 : vector<16xi32>
        %or3A_385 = arith.ori %mul3A_5, %and3A_251 : vector<16xi32>
        %or3A_386 = arith.ori %mul3A_5, %and3A_257 : vector<16xi32>
        %or3A_387 = arith.ori %mul3A_5, %and3A_263 : vector<16xi32>
        %or3A_388 = arith.ori %mul3A_5, %and3A_269 : vector<16xi32>
        %or3A_389 = arith.ori %mul3A_5, %and3A_275 : vector<16xi32>
        %or3A_390 = arith.ori %mul3A_5, %and3A_281 : vector<16xi32>
        tpu.vector_store_idx %arg6[%or3A], %select_n3A {add = true} : memref<16384xi32, #tpu.memory_space<vmem>>[vector<16xi32>], vector<16xi32>,
        tpu.vector_store_idx %arg6[%or3A_376], %select_n3A_291 {add = true} : memref<16384xi32, #tpu.memory_space<vmem>>[vector<16xi32>], vector<16xi32>,
        tpu.vector_store_idx %arg6[%or3A_377], %select_n3A_297 {add = true} : memref<16384xi32, #tpu.memory_space<vmem>>[vector<16xi32>], vector<16xi32>,
        tpu.vector_store_idx %arg6[%or3A_378], %select_n3A_303 {add = true} : memref<16384xi32, #tpu.memory_space<vmem>>[vector<16xi32>], vector<16xi32>,
        tpu.vector_store_idx %arg6[%or3A_379], %select_n3A_309 {add = true} : memref<16384xi32, #tpu.memory_space<vmem>>[vector<16xi32>], vector<16xi32>,
        tpu.vector_store_idx %arg6[%or3A_380], %select_n3A_315 {add = true} : memref<16384xi32, #tpu.memory_space<vmem>>[vector<16xi32>], vector<16xi32>,
        tpu.vector_store_idx %arg6[%or3A_381], %select_n3A_321 {add = true} : memref<16384xi32, #tpu.memory_space<vmem>>[vector<16xi32>], vector<16xi32>,
        tpu.vector_store_idx %arg6[%or3A_382], %select_n3A_327 {add = true} : memref<16384xi32, #tpu.memory_space<vmem>>[vector<16xi32>], vector<16xi32>,
        tpu.vector_store_idx %arg6[%or3A_383], %select_n3A_333 {add = true} : memref<16384xi32, #tpu.memory_space<vmem>>[vector<16xi32>], vector<16xi32>,
        tpu.vector_store_idx %arg6[%or3A_384], %select_n3A_339 {add = true} : memref<16384xi32, #tpu.memory_space<vmem>>[vector<16xi32>], vector<16xi32>,
        tpu.vector_store_idx %arg6[%or3A_385], %select_n3A_345 {add = true} : memref<16384xi32, #tpu.memory_space<vmem>>[vector<16xi32>], vector<16xi32>,
        tpu.vector_store_idx %arg6[%or3A_386], %select_n3A_351 {add = true} : memref<16384xi32, #tpu.memory_space<vmem>>[vector<16xi32>], vector<16xi32>,
        tpu.vector_store_idx %arg6[%or3A_387], %select_n3A_357 {add = true} : memref<16384xi32, #tpu.memory_space<vmem>>[vector<16xi32>], vector<16xi32>,
        tpu.vector_store_idx %arg6[%or3A_388], %select_n3A_363 {add = true} : memref<16384xi32, #tpu.memory_space<vmem>>[vector<16xi32>], vector<16xi32>,
        tpu.vector_store_idx %arg6[%or3A_389], %select_n3A_369 {add = true} : memref<16384xi32, #tpu.memory_space<vmem>>[vector<16xi32>], vector<16xi32>,
        tpu.vector_store_idx %arg6[%or3A_390], %select_n3A_375 {add = true} : memref<16384xi32, #tpu.memory_space<vmem>>[vector<16xi32>], vector<16xi32>,
      }
      %scan3A_59 = arith.constant 64 : i32
    }
    %scan3A_22 = arith.constant 4 : i32
    %scan3A_23 = arith.constant 0 : i32
    %scan3A_24 = arith.constant 0 : i32
    %scan3A_25 = arith.constant 64 : i32
    %scan3A_26 = arith.addi %scan3A_24, %scan3A_25 : i32
    %scan3A_27 = arith.constant 1 : i32
    scf.for %scan3A_29 = %scan3A_24 to %scan3A_26 step %scan3A_27  : i32 {
      %mul3A_30 = arith.constant 16 : i32
      %mul3A_31 = arith.muli %scan3A_29, %mul3A_30 : i32
      %get3A = arith.index_cast %mul3A_31 : i32 to index
      %get3A_32 = tpu.vector_load %arg6[%get3A] {strides = array<i32>} : memref<16384xi32, #tpu.memory_space<vmem>>, vector<16xi32>,
      %mul3A_33 = arith.constant 16 : i32
      %mul3A_34 = arith.muli %scan3A_29, %mul3A_33 : i32
      %add3A_35 = arith.constant 1024 : i32
      %add3A_36 = arith.addi %add3A_35, %mul3A_34 : i32
      %get3A_37 = arith.index_cast %add3A_36 : i32 to index
      %get3A_38 = tpu.vector_load %arg6[%get3A_37] {strides = array<i32>} : memref<16384xi32, #tpu.memory_space<vmem>>, vector<16xi32>,
      %add3A_39 = arith.addi %get3A_32, %get3A_38 : vector<16xi32>
      %mul3A_40 = arith.constant 16 : i32
      %mul3A_41 = arith.muli %scan3A_29, %mul3A_40 : i32
      %add3A_42 = arith.constant 2048 : i32
      %add3A_43 = arith.addi %add3A_42, %mul3A_41 : i32
      %get3A_44 = arith.index_cast %add3A_43 : i32 to index
      %get3A_45 = tpu.vector_load %arg6[%get3A_44] {strides = array<i32>} : memref<16384xi32, #tpu.memory_space<vmem>>, vector<16xi32>,
      %add3A_46 = arith.addi %add3A_39, %get3A_45 : vector<16xi32>
      %mul3A_47 = arith.constant 16 : i32
      %mul3A_48 = arith.muli %scan3A_29, %mul3A_47 : i32
      %add3A_49 = arith.constant 3072 : i32
      %add3A_50 = arith.addi %add3A_49, %mul3A_48 : i32
      %get3A_51 = arith.index_cast %add3A_50 : i32 to index
      %get3A_52 = tpu.vector_load %arg6[%get3A_51] {strides = array<i32>} : memref<16384xi32, #tpu.memory_space<vmem>>, vector<16xi32>,
      %add3A_53 = arith.addi %add3A_46, %get3A_52 : vector<16xi32>
      %mul3A_54 = arith.constant 16 : i32
      %mul3A_55 = arith.muli %scan3A_29, %mul3A_54 : i32
      %add3A_56 = arith.constant 4096 : i32
      %add3A_57 = arith.addi %add3A_56, %mul3A_55 : i32
      %get3A_58 = arith.index_cast %add3A_57 : i32 to index
      %get3A_59 = tpu.vector_load %arg6[%get3A_58] {strides = array<i32>} : memref<16384xi32, #tpu.memory_space<vmem>>, vector<16xi32>,
      %add3A_60 = arith.addi %add3A_53, %get3A_59 : vector<16xi32>
      %mul3A_61 = arith.constant 16 : i32
      %mul3A_62 = arith.muli %scan3A_29, %mul3A_61 : i32
      %add3A_63 = arith.constant 5120 : i32
      %add3A_64 = arith.addi %add3A_63, %mul3A_62 : i32
      %get3A_65 = arith.index_cast %add3A_64 : i32 to index
      %get3A_66 = tpu.vector_load %arg6[%get3A_65] {strides = array<i32>} : memref<16384xi32, #tpu.memory_space<vmem>>, vector<16xi32>,
      %add3A_67 = arith.addi %add3A_60, %get3A_66 : vector<16xi32>
      %mul3A_68 = arith.constant 16 : i32
      %mul3A_69 = arith.muli %scan3A_29, %mul3A_68 : i32
      %add3A_70 = arith.constant 6144 : i32
      %add3A_71 = arith.addi %add3A_70, %mul3A_69 : i32
      %get3A_72 = arith.index_cast %add3A_71 : i32 to index
      %get3A_73 = tpu.vector_load %arg6[%get3A_72] {strides = array<i32>} : memref<16384xi32, #tpu.memory_space<vmem>>, vector<16xi32>,
      %add3A_74 = arith.addi %add3A_67, %get3A_73 : vector<16xi32>
      %mul3A_75 = arith.constant 16 : i32
      %mul3A_76 = arith.muli %scan3A_29, %mul3A_75 : i32
      %add3A_77 = arith.constant 7168 : i32
      %add3A_78 = arith.addi %add3A_77, %mul3A_76 : i32
      %get3A_79 = arith.index_cast %add3A_78 : i32 to index
      %get3A_80 = tpu.vector_load %arg6[%get3A_79] {strides = array<i32>} : memref<16384xi32, #tpu.memory_space<vmem>>, vector<16xi32>,
      %add3A_81 = arith.addi %add3A_74, %get3A_80 : vector<16xi32>
      %mul3A_82 = arith.constant 16 : i32
      %mul3A_83 = arith.muli %scan3A_29, %mul3A_82 : i32
      %add3A_84 = arith.constant 8192 : i32
      %add3A_85 = arith.addi %add3A_84, %mul3A_83 : i32
      %get3A_86 = arith.index_cast %add3A_85 : i32 to index
      %get3A_87 = tpu.vector_load %arg6[%get3A_86] {strides = array<i32>} : memref<16384xi32, #tpu.memory_space<vmem>>, vector<16xi32>,
      %add3A_88 = arith.addi %add3A_81, %get3A_87 : vector<16xi32>
      %mul3A_89 = arith.constant 16 : i32
      %mul3A_90 = arith.muli %scan3A_29, %mul3A_89 : i32
      %add3A_91 = arith.constant 9216 : i32
      %add3A_92 = arith.addi %add3A_91, %mul3A_90 : i32
      %get3A_93 = arith.index_cast %add3A_92 : i32 to index
      %get3A_94 = tpu.vector_load %arg6[%get3A_93] {strides = array<i32>} : memref<16384xi32, #tpu.memory_space<vmem>>, vector<16xi32>,
      %add3A_95 = arith.addi %add3A_88, %get3A_94 : vector<16xi32>
      %mul3A_96 = arith.constant 16 : i32
      %mul3A_97 = arith.muli %scan3A_29, %mul3A_96 : i32
      %add3A_98 = arith.constant 10240 : i32
      %add3A_99 = arith.addi %add3A_98, %mul3A_97 : i32
      %get3A_100 = arith.index_cast %add3A_99 : i32 to index
      %get3A_101 = tpu.vector_load %arg6[%get3A_100] {strides = array<i32>} : memref<16384xi32, #tpu.memory_space<vmem>>, vector<16xi32>,
      %add3A_102 = arith.addi %add3A_95, %get3A_101 : vector<16xi32>
      %mul3A_103 = arith.constant 16 : i32
      %mul3A_104 = arith.muli %scan3A_29, %mul3A_103 : i32
      %add3A_105 = arith.constant 11264 : i32
      %add3A_106 = arith.addi %add3A_105, %mul3A_104 : i32
      %get3A_107 = arith.index_cast %add3A_106 : i32 to index
      %get3A_108 = tpu.vector_load %arg6[%get3A_107] {strides = array<i32>} : memref<16384xi32, #tpu.memory_space<vmem>>, vector<16xi32>,
      %add3A_109 = arith.addi %add3A_102, %get3A_108 : vector<16xi32>
      %mul3A_110 = arith.constant 16 : i32
      %mul3A_111 = arith.muli %scan3A_29, %mul3A_110 : i32
      %add3A_112 = arith.constant 12288 : i32
      %add3A_113 = arith.addi %add3A_112, %mul3A_111 : i32
      %get3A_114 = arith.index_cast %add3A_113 : i32 to index
      %get3A_115 = tpu.vector_load %arg6[%get3A_114] {strides = array<i32>} : memref<16384xi32, #tpu.memory_space<vmem>>, vector<16xi32>,
      %add3A_116 = arith.addi %add3A_109, %get3A_115 : vector<16xi32>
      %mul3A_117 = arith.constant 16 : i32
      %mul3A_118 = arith.muli %scan3A_29, %mul3A_117 : i32
      %add3A_119 = arith.constant 13312 : i32
      %add3A_120 = arith.addi %add3A_119, %mul3A_118 : i32
      %get3A_121 = arith.index_cast %add3A_120 : i32 to index
      %get3A_122 = tpu.vector_load %arg6[%get3A_121] {strides = array<i32>} : memref<16384xi32, #tpu.memory_space<vmem>>, vector<16xi32>,
      %add3A_123 = arith.addi %add3A_116, %get3A_122 : vector<16xi32>
      %mul3A_124 = arith.constant 16 : i32
      %mul3A_125 = arith.muli %scan3A_29, %mul3A_124 : i32
      %add3A_126 = arith.constant 14336 : i32
      %add3A_127 = arith.addi %add3A_126, %mul3A_125 : i32
      %get3A_128 = arith.index_cast %add3A_127 : i32 to index
      %get3A_129 = tpu.vector_load %arg6[%get3A_128] {strides = array<i32>} : memref<16384xi32, #tpu.memory_space<vmem>>, vector<16xi32>,
      %add3A_130 = arith.addi %add3A_123, %get3A_129 : vector<16xi32>
      %mul3A_131 = arith.constant 16 : i32
      %mul3A_132 = arith.muli %scan3A_29, %mul3A_131 : i32
      %add3A_133 = arith.constant 15360 : i32
      %add3A_134 = arith.addi %add3A_133, %mul3A_132 : i32
      %get3A_135 = arith.index_cast %add3A_134 : i32 to index
      %get3A_136 = tpu.vector_load %arg6[%get3A_135] {strides = array<i32>} : memref<16384xi32, #tpu.memory_space<vmem>>, vector<16xi32>,
      %add3A_137 = arith.addi %add3A_130, %get3A_136 : vector<16xi32>
      %mul3A_138 = arith.constant 16 : i32
      %mul3A_139 = arith.muli %scan3A_29, %mul3A_138 : i32
      %swap3A = arith.index_cast %mul3A_139 : i32 to index
      %swap3A_140 = tpu.vector_load %arg6[%swap3A] {strides = array<i32>} : memref<16384xi32, #tpu.memory_space<vmem>>, vector<16xi32>,
      tpu.vector_store %arg6[%swap3A], %add3A_137 {strides = array<i32>} : memref<16384xi32, #tpu.memory_space<vmem>>, vector<16xi32>,
    }
    %scan3A_28 = arith.constant 64 : i32
    "tpu.region"() ({
      %run_scoped3A = tpu.sem_alloc : memref<!tpu.dma_semaphore, #tpu.memory_space<semaphore_mem>>
      %dma_start3A_29 = arith.constant 0 : i32
      %dma_start3A_30 = tpu.memref_slice %arg6[%dma_start3A_29] : memref<16384xi32, #tpu.memory_space<vmem>> -> memref<1024xi32, #tpu.memory_space<vmem>>
      %dma_start3A_31 = arith.constant 0 : i32
      %dma_start3A_32 = tpu.memref_slice %arg3[%add3A, %dma_start3A_31] : memref<32x1024xi32, #tpu.memory_space<hbm>> -> memref<1x1024xi32, #tpu.memory_space<hbm>>
      %dma_start3A_33 = tpu.memref_squeeze %dma_start3A_32 : memref<1x1024xi32, #tpu.memory_space<hbm>> -> memref<1024xi32, #tpu.memory_space<hbm>>
      %dma_start3A_34 = arith.constant 0 : i32
      %dma_start3A_35 = tpu.memref_slice %arg3[%add3A, %dma_start3A_34] : memref<32x1024xi32, #tpu.memory_space<hbm>> -> memref<1x1024xi32, #tpu.memory_space<hbm>>
      %dma_start3A_36 = tpu.memref_squeeze %dma_start3A_35 : memref<1x1024xi32, #tpu.memory_space<hbm>> -> memref<1024xi32, #tpu.memory_space<hbm>>
      %dma_start3A_37 = arith.constant 0 : i32
      %dma_start3A_38 = tpu.memref_slice %arg6[%dma_start3A_37] : memref<16384xi32, #tpu.memory_space<vmem>> -> memref<1024xi32, #tpu.memory_space<vmem>>
      tpu.enqueue_dma source(%dma_start3A_38 : memref<1024xi32, #tpu.memory_space<vmem>>) target(%dma_start3A_36 : memref<1024xi32, #tpu.memory_space<hbm>>) target_semaphore(%run_scoped3A : memref<!tpu.dma_semaphore, #tpu.memory_space<semaphore_mem>>)
      %dma_wait3A = arith.constant 0 : i32
      %dma_wait3A_39 = tpu.memref_slice %arg6[%dma_wait3A] : memref<16384xi32, #tpu.memory_space<vmem>> -> memref<1024xi32, #tpu.memory_space<vmem>>
      %dma_wait3A_40 = arith.constant 0 : i32
      %dma_wait3A_41 = tpu.memref_slice %arg3[%add3A, %dma_wait3A_40] : memref<32x1024xi32, #tpu.memory_space<hbm>> -> memref<1x1024xi32, #tpu.memory_space<hbm>>
      %dma_wait3A_42 = tpu.memref_squeeze %dma_wait3A_41 : memref<1x1024xi32, #tpu.memory_space<hbm>> -> memref<1024xi32, #tpu.memory_space<hbm>>
      %dma_wait3A_43 = arith.constant 0 : i32
      %dma_wait3A_44 = tpu.memref_slice %arg3[%add3A, %dma_wait3A_43] : memref<32x1024xi32, #tpu.memory_space<hbm>> -> memref<1x1024xi32, #tpu.memory_space<hbm>>
      %dma_wait3A_45 = tpu.memref_squeeze %dma_wait3A_44 : memref<1x1024xi32, #tpu.memory_space<hbm>> -> memref<1024xi32, #tpu.memory_space<hbm>>
      %dma_wait3A_46 = arith.constant 0 : i32
      %dma_wait3A_47 = tpu.memref_slice %arg6[%dma_wait3A_46] : memref<16384xi32, #tpu.memory_space<vmem>> -> memref<1024xi32, #tpu.memory_space<vmem>>
      tpu.wait_dma2 semaphore(%run_scoped3A : memref<!tpu.dma_semaphore, #tpu.memory_space<semaphore_mem>>) src(%dma_wait3A_47 : memref<1024xi32, #tpu.memory_space<vmem>>) dst(%dma_wait3A_45 : memref<1024xi32, #tpu.memory_space<hbm>>)
      tpu.yield
    }) : () -> ()
    return
  }
}

#map = affine_map<(d0, d1) -> (0)>
#map1 = affine_map<(d0, d1) -> (0, 0)>
module attributes {stable_mosaic.version = 14 : i64} {
  func.func @body(%arg0: i32, %arg1: i32, %arg2: memref<4194304xi32, #tpu.memory_space<hbm>>, %arg3: memref<16xi32, #tpu.memory_space<hbm>>, %arg4: memref<32x2048xi32, #tpu.memory_space<hbm>>, %arg5: memref<16384xi32, #tpu.memory_space<vmem>>, %arg6: memref<16384xi32, #tpu.memory_space<vmem>>, %arg7: memref<32768xi32, #tpu.memory_space<vmem>>, %arg8: memref<16xi32, #tpu.memory_space<vmem>>, %arg9: memref<!tpu.dma_semaphore, #tpu.memory_space<semaphore_mem>>, %arg10: memref<!tpu.dma_semaphore, #tpu.memory_space<semaphore_mem>>) attributes {dimension_semantics = [#tpu.dimension_semantics<core_parallel>, #tpu.dimension_semantics<subcore_parallel>], iteration_bounds = array<i64: 2, 16>, scalar_prefetch = 0 : i64, scratch_operands = 6 : i64, tpu.core_type = #tpu.core_type<sc_vector_subcore>, window_params = [{transform_indices = #map}, {transform_indices = #map}, {transform_indices = #map1}]} {
    %mul3A = arith.constant 2 : i32
    %mul3A_0 = arith.muli %arg1, %mul3A : i32
    %add3A = arith.addi %mul3A_0, %arg0 : i32
    %mul3A_1 = arith.constant 131072 : i32
    %mul3A_2 = arith.muli %add3A, %mul3A_1 : i32
    %iota3A = tpu.iota {dimensions = array<i32: 0>} : vector<16xi32>
    %mul3A_3 = arith.constant 2048 : i32
    %mul3A_4 = vector.broadcast %mul3A_3 : i32 to vector<16xi32>
    %mul3A_5 = arith.muli %iota3A, %mul3A_4 : vector<16xi32>
    "tpu.region"() ({
      %run_scoped3A = tpu.sem_alloc : memref<!tpu.dma_semaphore, #tpu.memory_space<semaphore_mem>>
      tpu.enqueue_dma source(%arg3 : memref<16xi32, #tpu.memory_space<hbm>>) target(%arg8 : memref<16xi32, #tpu.memory_space<vmem>>) target_semaphore(%run_scoped3A : memref<!tpu.dma_semaphore, #tpu.memory_space<semaphore_mem>>)
      tpu.wait_dma2 semaphore(%run_scoped3A : memref<!tpu.dma_semaphore, #tpu.memory_space<semaphore_mem>>) src(%arg3 : memref<16xi32, #tpu.memory_space<hbm>>) dst(%arg8 : memref<16xi32, #tpu.memory_space<vmem>>)
      tpu.yield
    }) : () -> ()
    %get3A = arith.constant 0 : index
    %get3A_6 = tpu.vector_load %arg8[%get3A] {strides = array<i32>} : memref<16xi32, #tpu.memory_space<vmem>>, vector<16xi32>,
    %broadcast_in_dim3A = arith.constant 0 : i32
    %broadcast_in_dim3A_7 = vector.broadcast %broadcast_in_dim3A : i32 to vector<16xi32>
    %broadcast_in_dim3A_8 = arith.constant 20 : i32
    %broadcast_in_dim3A_9 = vector.broadcast %broadcast_in_dim3A_8 : i32 to vector<16xi32>
    %scan3A = arith.constant 0 : i32
    %scan3A_10 = arith.constant 0 : i32
    %scan3A_11 = arith.constant 256 : i32
    %scan3A_12 = arith.addi %scan3A_10, %scan3A_11 : i32
    %scan3A_13 = arith.constant 1 : i32
    scf.for %scan3A_30 = %scan3A_10 to %scan3A_12 step %scan3A_13  : i32 {
      %mul3A_31 = arith.constant 128 : i32
      %mul3A_32 = arith.muli %scan3A_30, %mul3A_31 : i32
      %add3A_33 = arith.constant 0 : i32
      %add3A_34 = arith.addi %mul3A_32, %add3A_33 : i32
      %swap3A = arith.index_cast %add3A_34 : i32 to index
      %swap3A_35 = tpu.vector_load %arg7[%swap3A] {strides = array<i32>} : memref<32768xi32, #tpu.memory_space<vmem>>, vector<16xi32>,
      tpu.vector_store %arg7[%swap3A], %broadcast_in_dim3A_7 {strides = array<i32>} : memref<32768xi32, #tpu.memory_space<vmem>>, vector<16xi32>,
      %mul3A_36 = arith.constant 128 : i32
      %mul3A_37 = arith.muli %scan3A_30, %mul3A_36 : i32
      %add3A_38 = arith.constant 16 : i32
      %add3A_39 = arith.addi %mul3A_37, %add3A_38 : i32
      %swap3A_40 = arith.index_cast %add3A_39 : i32 to index
      %swap3A_41 = tpu.vector_load %arg7[%swap3A_40] {strides = array<i32>} : memref<32768xi32, #tpu.memory_space<vmem>>, vector<16xi32>,
      tpu.vector_store %arg7[%swap3A_40], %broadcast_in_dim3A_7 {strides = array<i32>} : memref<32768xi32, #tpu.memory_space<vmem>>, vector<16xi32>,
      %mul3A_42 = arith.constant 128 : i32
      %mul3A_43 = arith.muli %scan3A_30, %mul3A_42 : i32
      %add3A_44 = arith.constant 32 : i32
      %add3A_45 = arith.addi %mul3A_43, %add3A_44 : i32
      %swap3A_46 = arith.index_cast %add3A_45 : i32 to index
      %swap3A_47 = tpu.vector_load %arg7[%swap3A_46] {strides = array<i32>} : memref<32768xi32, #tpu.memory_space<vmem>>, vector<16xi32>,
      tpu.vector_store %arg7[%swap3A_46], %broadcast_in_dim3A_7 {strides = array<i32>} : memref<32768xi32, #tpu.memory_space<vmem>>, vector<16xi32>,
      %mul3A_48 = arith.constant 128 : i32
      %mul3A_49 = arith.muli %scan3A_30, %mul3A_48 : i32
      %add3A_50 = arith.constant 48 : i32
      %add3A_51 = arith.addi %mul3A_49, %add3A_50 : i32
      %swap3A_52 = arith.index_cast %add3A_51 : i32 to index
      %swap3A_53 = tpu.vector_load %arg7[%swap3A_52] {strides = array<i32>} : memref<32768xi32, #tpu.memory_space<vmem>>, vector<16xi32>,
      tpu.vector_store %arg7[%swap3A_52], %broadcast_in_dim3A_7 {strides = array<i32>} : memref<32768xi32, #tpu.memory_space<vmem>>, vector<16xi32>,
      %mul3A_54 = arith.constant 128 : i32
      %mul3A_55 = arith.muli %scan3A_30, %mul3A_54 : i32
      %add3A_56 = arith.constant 64 : i32
      %add3A_57 = arith.addi %mul3A_55, %add3A_56 : i32
      %swap3A_58 = arith.index_cast %add3A_57 : i32 to index
      %swap3A_59 = tpu.vector_load %arg7[%swap3A_58] {strides = array<i32>} : memref<32768xi32, #tpu.memory_space<vmem>>, vector<16xi32>,
      tpu.vector_store %arg7[%swap3A_58], %broadcast_in_dim3A_7 {strides = array<i32>} : memref<32768xi32, #tpu.memory_space<vmem>>, vector<16xi32>,
      %mul3A_60 = arith.constant 128 : i32
      %mul3A_61 = arith.muli %scan3A_30, %mul3A_60 : i32
      %add3A_62 = arith.constant 80 : i32
      %add3A_63 = arith.addi %mul3A_61, %add3A_62 : i32
      %swap3A_64 = arith.index_cast %add3A_63 : i32 to index
      %swap3A_65 = tpu.vector_load %arg7[%swap3A_64] {strides = array<i32>} : memref<32768xi32, #tpu.memory_space<vmem>>, vector<16xi32>,
      tpu.vector_store %arg7[%swap3A_64], %broadcast_in_dim3A_7 {strides = array<i32>} : memref<32768xi32, #tpu.memory_space<vmem>>, vector<16xi32>,
      %mul3A_66 = arith.constant 128 : i32
      %mul3A_67 = arith.muli %scan3A_30, %mul3A_66 : i32
      %add3A_68 = arith.constant 96 : i32
      %add3A_69 = arith.addi %mul3A_67, %add3A_68 : i32
      %swap3A_70 = arith.index_cast %add3A_69 : i32 to index
      %swap3A_71 = tpu.vector_load %arg7[%swap3A_70] {strides = array<i32>} : memref<32768xi32, #tpu.memory_space<vmem>>, vector<16xi32>,
      tpu.vector_store %arg7[%swap3A_70], %broadcast_in_dim3A_7 {strides = array<i32>} : memref<32768xi32, #tpu.memory_space<vmem>>, vector<16xi32>,
      %mul3A_72 = arith.constant 128 : i32
      %mul3A_73 = arith.muli %scan3A_30, %mul3A_72 : i32
      %add3A_74 = arith.constant 112 : i32
      %add3A_75 = arith.addi %mul3A_73, %add3A_74 : i32
      %swap3A_76 = arith.index_cast %add3A_75 : i32 to index
      %swap3A_77 = tpu.vector_load %arg7[%swap3A_76] {strides = array<i32>} : memref<32768xi32, #tpu.memory_space<vmem>>, vector<16xi32>,
      tpu.vector_store %arg7[%swap3A_76], %broadcast_in_dim3A_7 {strides = array<i32>} : memref<32768xi32, #tpu.memory_space<vmem>>, vector<16xi32>,
    }
    %scan3A_14 = arith.constant 256 : i32
    %add3A_15 = arith.constant 0 : i32
    %add3A_16 = arith.addi %mul3A_2, %add3A_15 : i32
    %dma_start3A = tpu.memref_slice %arg2[%add3A_16] : memref<4194304xi32, #tpu.memory_space<hbm>> -> memref<16384xi32, #tpu.memory_space<hbm>>
    %dma_start3A_17 = tpu.memref_slice %arg2[%add3A_16] : memref<4194304xi32, #tpu.memory_space<hbm>> -> memref<16384xi32, #tpu.memory_space<hbm>>
    tpu.enqueue_dma source(%dma_start3A_17 : memref<16384xi32, #tpu.memory_space<hbm>>) target(%arg5 : memref<16384xi32, #tpu.memory_space<vmem>>) target_semaphore(%arg9 : memref<!tpu.dma_semaphore, #tpu.memory_space<semaphore_mem>>)
    %scan3A_18 = arith.constant 0 : i32
    %scan3A_19 = arith.constant 0 : i32
    %scan3A_20 = arith.constant 4 : i32
    %scan3A_21 = arith.addi %scan3A_19, %scan3A_20 : i32
    %scan3A_22 = arith.constant 1 : i32
    scf.for %scan3A_30 = %scan3A_19 to %scan3A_21 step %scan3A_22  : i32 {
      %mul3A_31 = arith.constant 2 : i32
      %mul3A_32 = arith.muli %mul3A_31, %scan3A_30 : i32
      %add3A_33 = arith.constant 1 : i32
      %add3A_34 = arith.addi %mul3A_32, %add3A_33 : i32
      %mul3A_35 = arith.constant 16384 : i32
      %mul3A_36 = arith.muli %add3A_34, %mul3A_35 : i32
      %add3A_37 = arith.addi %mul3A_2, %mul3A_36 : i32
      %dma_start3A_38 = tpu.memref_slice %arg2[%add3A_37] : memref<4194304xi32, #tpu.memory_space<hbm>> -> memref<16384xi32, #tpu.memory_space<hbm>>
      %dma_start3A_39 = tpu.memref_slice %arg2[%add3A_37] : memref<4194304xi32, #tpu.memory_space<hbm>> -> memref<16384xi32, #tpu.memory_space<hbm>>
      tpu.enqueue_dma source(%dma_start3A_39 : memref<16384xi32, #tpu.memory_space<hbm>>) target(%arg6 : memref<16384xi32, #tpu.memory_space<vmem>>) target_semaphore(%arg10 : memref<!tpu.dma_semaphore, #tpu.memory_space<semaphore_mem>>)
      %dma_wait3A = arith.constant 0 : i32
      %dma_wait3A_40 = tpu.memref_slice %arg2[%dma_wait3A] : memref<4194304xi32, #tpu.memory_space<hbm>> -> memref<16384xi32, #tpu.memory_space<hbm>>
      %dma_wait3A_41 = arith.constant 0 : i32
      %dma_wait3A_42 = tpu.memref_slice %arg2[%dma_wait3A_41] : memref<4194304xi32, #tpu.memory_space<hbm>> -> memref<16384xi32, #tpu.memory_space<hbm>>
      tpu.wait_dma2 semaphore(%arg9 : memref<!tpu.dma_semaphore, #tpu.memory_space<semaphore_mem>>) src(%dma_wait3A_42 : memref<16384xi32, #tpu.memory_space<hbm>>) dst(%arg5 : memref<16384xi32, #tpu.memory_space<vmem>>)
      %scan3A_43 = arith.constant 0 : i32
      %scan3A_44 = arith.constant 0 : i32
      %scan3A_45 = arith.constant 64 : i32
      %scan3A_46 = arith.addi %scan3A_44, %scan3A_45 : i32
      %scan3A_47 = arith.constant 1 : i32
      scf.for %scan3A_61 = %scan3A_44 to %scan3A_46 step %scan3A_47  : i32 {
        %mul3A_62 = arith.constant 16 : i32
        %mul3A_63 = arith.muli %scan3A_61, %mul3A_62 : i32
        %add3A_64 = arith.constant 0 : i32
        %add3A_65 = arith.addi %mul3A_63, %add3A_64 : i32
        %mul3A_66 = arith.constant 16 : i32
        %mul3A_67 = arith.muli %add3A_65, %mul3A_66 : i32
        %get3A_68 = arith.index_cast %mul3A_67 : i32 to index
        %get3A_69 = tpu.vector_load %arg5[%get3A_68] {strides = array<i32>} : memref<16384xi32, #tpu.memory_space<vmem>>, vector<16xi32>,
        %mul3A_70 = arith.constant 16 : i32
        %mul3A_71 = arith.muli %scan3A_61, %mul3A_70 : i32
        %add3A_72 = arith.constant 1 : i32
        %add3A_73 = arith.addi %mul3A_71, %add3A_72 : i32
        %mul3A_74 = arith.constant 16 : i32
        %mul3A_75 = arith.muli %add3A_73, %mul3A_74 : i32
        %get3A_76 = arith.index_cast %mul3A_75 : i32 to index
        %get3A_77 = tpu.vector_load %arg5[%get3A_76] {strides = array<i32>} : memref<16384xi32, #tpu.memory_space<vmem>>, vector<16xi32>,
        %mul3A_78 = arith.constant 16 : i32
        %mul3A_79 = arith.muli %scan3A_61, %mul3A_78 : i32
        %add3A_80 = arith.constant 2 : i32
        %add3A_81 = arith.addi %mul3A_79, %add3A_80 : i32
        %mul3A_82 = arith.constant 16 : i32
        %mul3A_83 = arith.muli %add3A_81, %mul3A_82 : i32
        %get3A_84 = arith.index_cast %mul3A_83 : i32 to index
        %get3A_85 = tpu.vector_load %arg5[%get3A_84] {strides = array<i32>} : memref<16384xi32, #tpu.memory_space<vmem>>, vector<16xi32>,
        %mul3A_86 = arith.constant 16 : i32
        %mul3A_87 = arith.muli %scan3A_61, %mul3A_86 : i32
        %add3A_88 = arith.constant 3 : i32
        %add3A_89 = arith.addi %mul3A_87, %add3A_88 : i32
        %mul3A_90 = arith.constant 16 : i32
        %mul3A_91 = arith.muli %add3A_89, %mul3A_90 : i32
        %get3A_92 = arith.index_cast %mul3A_91 : i32 to index
        %get3A_93 = tpu.vector_load %arg5[%get3A_92] {strides = array<i32>} : memref<16384xi32, #tpu.memory_space<vmem>>, vector<16xi32>,
        %mul3A_94 = arith.constant 16 : i32
        %mul3A_95 = arith.muli %scan3A_61, %mul3A_94 : i32
        %add3A_96 = arith.constant 4 : i32
        %add3A_97 = arith.addi %mul3A_95, %add3A_96 : i32
        %mul3A_98 = arith.constant 16 : i32
        %mul3A_99 = arith.muli %add3A_97, %mul3A_98 : i32
        %get3A_100 = arith.index_cast %mul3A_99 : i32 to index
        %get3A_101 = tpu.vector_load %arg5[%get3A_100] {strides = array<i32>} : memref<16384xi32, #tpu.memory_space<vmem>>, vector<16xi32>,
        %mul3A_102 = arith.constant 16 : i32
        %mul3A_103 = arith.muli %scan3A_61, %mul3A_102 : i32
        %add3A_104 = arith.constant 5 : i32
        %add3A_105 = arith.addi %mul3A_103, %add3A_104 : i32
        %mul3A_106 = arith.constant 16 : i32
        %mul3A_107 = arith.muli %add3A_105, %mul3A_106 : i32
        %get3A_108 = arith.index_cast %mul3A_107 : i32 to index
        %get3A_109 = tpu.vector_load %arg5[%get3A_108] {strides = array<i32>} : memref<16384xi32, #tpu.memory_space<vmem>>, vector<16xi32>,
        %mul3A_110 = arith.constant 16 : i32
        %mul3A_111 = arith.muli %scan3A_61, %mul3A_110 : i32
        %add3A_112 = arith.constant 6 : i32
        %add3A_113 = arith.addi %mul3A_111, %add3A_112 : i32
        %mul3A_114 = arith.constant 16 : i32
        %mul3A_115 = arith.muli %add3A_113, %mul3A_114 : i32
        %get3A_116 = arith.index_cast %mul3A_115 : i32 to index
        %get3A_117 = tpu.vector_load %arg5[%get3A_116] {strides = array<i32>} : memref<16384xi32, #tpu.memory_space<vmem>>, vector<16xi32>,
        %mul3A_118 = arith.constant 16 : i32
        %mul3A_119 = arith.muli %scan3A_61, %mul3A_118 : i32
        %add3A_120 = arith.constant 7 : i32
        %add3A_121 = arith.addi %mul3A_119, %add3A_120 : i32
        %mul3A_122 = arith.constant 16 : i32
        %mul3A_123 = arith.muli %add3A_121, %mul3A_122 : i32
        %get3A_124 = arith.index_cast %mul3A_123 : i32 to index
        %get3A_125 = tpu.vector_load %arg5[%get3A_124] {strides = array<i32>} : memref<16384xi32, #tpu.memory_space<vmem>>, vector<16xi32>,
        %mul3A_126 = arith.constant 16 : i32
        %mul3A_127 = arith.muli %scan3A_61, %mul3A_126 : i32
        %add3A_128 = arith.constant 8 : i32
        %add3A_129 = arith.addi %mul3A_127, %add3A_128 : i32
        %mul3A_130 = arith.constant 16 : i32
        %mul3A_131 = arith.muli %add3A_129, %mul3A_130 : i32
        %get3A_132 = arith.index_cast %mul3A_131 : i32 to index
        %get3A_133 = tpu.vector_load %arg5[%get3A_132] {strides = array<i32>} : memref<16384xi32, #tpu.memory_space<vmem>>, vector<16xi32>,
        %mul3A_134 = arith.constant 16 : i32
        %mul3A_135 = arith.muli %scan3A_61, %mul3A_134 : i32
        %add3A_136 = arith.constant 9 : i32
        %add3A_137 = arith.addi %mul3A_135, %add3A_136 : i32
        %mul3A_138 = arith.constant 16 : i32
        %mul3A_139 = arith.muli %add3A_137, %mul3A_138 : i32
        %get3A_140 = arith.index_cast %mul3A_139 : i32 to index
        %get3A_141 = tpu.vector_load %arg5[%get3A_140] {strides = array<i32>} : memref<16384xi32, #tpu.memory_space<vmem>>, vector<16xi32>,
        %mul3A_142 = arith.constant 16 : i32
        %mul3A_143 = arith.muli %scan3A_61, %mul3A_142 : i32
        %add3A_144 = arith.constant 10 : i32
        %add3A_145 = arith.addi %mul3A_143, %add3A_144 : i32
        %mul3A_146 = arith.constant 16 : i32
        %mul3A_147 = arith.muli %add3A_145, %mul3A_146 : i32
        %get3A_148 = arith.index_cast %mul3A_147 : i32 to index
        %get3A_149 = tpu.vector_load %arg5[%get3A_148] {strides = array<i32>} : memref<16384xi32, #tpu.memory_space<vmem>>, vector<16xi32>,
        %mul3A_150 = arith.constant 16 : i32
        %mul3A_151 = arith.muli %scan3A_61, %mul3A_150 : i32
        %add3A_152 = arith.constant 11 : i32
        %add3A_153 = arith.addi %mul3A_151, %add3A_152 : i32
        %mul3A_154 = arith.constant 16 : i32
        %mul3A_155 = arith.muli %add3A_153, %mul3A_154 : i32
        %get3A_156 = arith.index_cast %mul3A_155 : i32 to index
        %get3A_157 = tpu.vector_load %arg5[%get3A_156] {strides = array<i32>} : memref<16384xi32, #tpu.memory_space<vmem>>, vector<16xi32>,
        %mul3A_158 = arith.constant 16 : i32
        %mul3A_159 = arith.muli %scan3A_61, %mul3A_158 : i32
        %add3A_160 = arith.constant 12 : i32
        %add3A_161 = arith.addi %mul3A_159, %add3A_160 : i32
        %mul3A_162 = arith.constant 16 : i32
        %mul3A_163 = arith.muli %add3A_161, %mul3A_162 : i32
        %get3A_164 = arith.index_cast %mul3A_163 : i32 to index
        %get3A_165 = tpu.vector_load %arg5[%get3A_164] {strides = array<i32>} : memref<16384xi32, #tpu.memory_space<vmem>>, vector<16xi32>,
        %mul3A_166 = arith.constant 16 : i32
        %mul3A_167 = arith.muli %scan3A_61, %mul3A_166 : i32
        %add3A_168 = arith.constant 13 : i32
        %add3A_169 = arith.addi %mul3A_167, %add3A_168 : i32
        %mul3A_170 = arith.constant 16 : i32
        %mul3A_171 = arith.muli %add3A_169, %mul3A_170 : i32
        %get3A_172 = arith.index_cast %mul3A_171 : i32 to index
        %get3A_173 = tpu.vector_load %arg5[%get3A_172] {strides = array<i32>} : memref<16384xi32, #tpu.memory_space<vmem>>, vector<16xi32>,
        %mul3A_174 = arith.constant 16 : i32
        %mul3A_175 = arith.muli %scan3A_61, %mul3A_174 : i32
        %add3A_176 = arith.constant 14 : i32
        %add3A_177 = arith.addi %mul3A_175, %add3A_176 : i32
        %mul3A_178 = arith.constant 16 : i32
        %mul3A_179 = arith.muli %add3A_177, %mul3A_178 : i32
        %get3A_180 = arith.index_cast %mul3A_179 : i32 to index
        %get3A_181 = tpu.vector_load %arg5[%get3A_180] {strides = array<i32>} : memref<16384xi32, #tpu.memory_space<vmem>>, vector<16xi32>,
        %mul3A_182 = arith.constant 16 : i32
        %mul3A_183 = arith.muli %scan3A_61, %mul3A_182 : i32
        %add3A_184 = arith.constant 15 : i32
        %add3A_185 = arith.addi %mul3A_183, %add3A_184 : i32
        %mul3A_186 = arith.constant 16 : i32
        %mul3A_187 = arith.muli %add3A_185, %mul3A_186 : i32
        %get3A_188 = arith.index_cast %mul3A_187 : i32 to index
        %get3A_189 = tpu.vector_load %arg5[%get3A_188] {strides = array<i32>} : memref<16384xi32, #tpu.memory_space<vmem>>, vector<16xi32>,
        %shift_right_logical3A = arith.constant 21 : i32
        %shift_right_logical3A_190 = vector.broadcast %shift_right_logical3A : i32 to vector<16xi32>
        %shift_right_logical3A_191 = arith.shrui %get3A_69, %shift_right_logical3A_190 : vector<16xi32>
        %and3A = arith.constant 1023 : i32
        %and3A_192 = vector.broadcast %and3A : i32 to vector<16xi32>
        %and3A_193 = arith.andi %shift_right_logical3A_191, %and3A_192 : vector<16xi32>
        %shift_right_logical3A_194 = arith.constant 21 : i32
        %shift_right_logical3A_195 = vector.broadcast %shift_right_logical3A_194 : i32 to vector<16xi32>
        %shift_right_logical3A_196 = arith.shrui %get3A_77, %shift_right_logical3A_195 : vector<16xi32>
        %and3A_197 = arith.constant 1023 : i32
        %and3A_198 = vector.broadcast %and3A_197 : i32 to vector<16xi32>
        %and3A_199 = arith.andi %shift_right_logical3A_196, %and3A_198 : vector<16xi32>
        %shift_right_logical3A_200 = arith.constant 21 : i32
        %shift_right_logical3A_201 = vector.broadcast %shift_right_logical3A_200 : i32 to vector<16xi32>
        %shift_right_logical3A_202 = arith.shrui %get3A_85, %shift_right_logical3A_201 : vector<16xi32>
        %and3A_203 = arith.constant 1023 : i32
        %and3A_204 = vector.broadcast %and3A_203 : i32 to vector<16xi32>
        %and3A_205 = arith.andi %shift_right_logical3A_202, %and3A_204 : vector<16xi32>
        %shift_right_logical3A_206 = arith.constant 21 : i32
        %shift_right_logical3A_207 = vector.broadcast %shift_right_logical3A_206 : i32 to vector<16xi32>
        %shift_right_logical3A_208 = arith.shrui %get3A_93, %shift_right_logical3A_207 : vector<16xi32>
        %and3A_209 = arith.constant 1023 : i32
        %and3A_210 = vector.broadcast %and3A_209 : i32 to vector<16xi32>
        %and3A_211 = arith.andi %shift_right_logical3A_208, %and3A_210 : vector<16xi32>
        %shift_right_logical3A_212 = arith.constant 21 : i32
        %shift_right_logical3A_213 = vector.broadcast %shift_right_logical3A_212 : i32 to vector<16xi32>
        %shift_right_logical3A_214 = arith.shrui %get3A_101, %shift_right_logical3A_213 : vector<16xi32>
        %and3A_215 = arith.constant 1023 : i32
        %and3A_216 = vector.broadcast %and3A_215 : i32 to vector<16xi32>
        %and3A_217 = arith.andi %shift_right_logical3A_214, %and3A_216 : vector<16xi32>
        %shift_right_logical3A_218 = arith.constant 21 : i32
        %shift_right_logical3A_219 = vector.broadcast %shift_right_logical3A_218 : i32 to vector<16xi32>
        %shift_right_logical3A_220 = arith.shrui %get3A_109, %shift_right_logical3A_219 : vector<16xi32>
        %and3A_221 = arith.constant 1023 : i32
        %and3A_222 = vector.broadcast %and3A_221 : i32 to vector<16xi32>
        %and3A_223 = arith.andi %shift_right_logical3A_220, %and3A_222 : vector<16xi32>
        %shift_right_logical3A_224 = arith.constant 21 : i32
        %shift_right_logical3A_225 = vector.broadcast %shift_right_logical3A_224 : i32 to vector<16xi32>
        %shift_right_logical3A_226 = arith.shrui %get3A_117, %shift_right_logical3A_225 : vector<16xi32>
        %and3A_227 = arith.constant 1023 : i32
        %and3A_228 = vector.broadcast %and3A_227 : i32 to vector<16xi32>
        %and3A_229 = arith.andi %shift_right_logical3A_226, %and3A_228 : vector<16xi32>
        %shift_right_logical3A_230 = arith.constant 21 : i32
        %shift_right_logical3A_231 = vector.broadcast %shift_right_logical3A_230 : i32 to vector<16xi32>
        %shift_right_logical3A_232 = arith.shrui %get3A_125, %shift_right_logical3A_231 : vector<16xi32>
        %and3A_233 = arith.constant 1023 : i32
        %and3A_234 = vector.broadcast %and3A_233 : i32 to vector<16xi32>
        %and3A_235 = arith.andi %shift_right_logical3A_232, %and3A_234 : vector<16xi32>
        %shift_right_logical3A_236 = arith.constant 21 : i32
        %shift_right_logical3A_237 = vector.broadcast %shift_right_logical3A_236 : i32 to vector<16xi32>
        %shift_right_logical3A_238 = arith.shrui %get3A_133, %shift_right_logical3A_237 : vector<16xi32>
        %and3A_239 = arith.constant 1023 : i32
        %and3A_240 = vector.broadcast %and3A_239 : i32 to vector<16xi32>
        %and3A_241 = arith.andi %shift_right_logical3A_238, %and3A_240 : vector<16xi32>
        %shift_right_logical3A_242 = arith.constant 21 : i32
        %shift_right_logical3A_243 = vector.broadcast %shift_right_logical3A_242 : i32 to vector<16xi32>
        %shift_right_logical3A_244 = arith.shrui %get3A_141, %shift_right_logical3A_243 : vector<16xi32>
        %and3A_245 = arith.constant 1023 : i32
        %and3A_246 = vector.broadcast %and3A_245 : i32 to vector<16xi32>
        %and3A_247 = arith.andi %shift_right_logical3A_244, %and3A_246 : vector<16xi32>
        %shift_right_logical3A_248 = arith.constant 21 : i32
        %shift_right_logical3A_249 = vector.broadcast %shift_right_logical3A_248 : i32 to vector<16xi32>
        %shift_right_logical3A_250 = arith.shrui %get3A_149, %shift_right_logical3A_249 : vector<16xi32>
        %and3A_251 = arith.constant 1023 : i32
        %and3A_252 = vector.broadcast %and3A_251 : i32 to vector<16xi32>
        %and3A_253 = arith.andi %shift_right_logical3A_250, %and3A_252 : vector<16xi32>
        %shift_right_logical3A_254 = arith.constant 21 : i32
        %shift_right_logical3A_255 = vector.broadcast %shift_right_logical3A_254 : i32 to vector<16xi32>
        %shift_right_logical3A_256 = arith.shrui %get3A_157, %shift_right_logical3A_255 : vector<16xi32>
        %and3A_257 = arith.constant 1023 : i32
        %and3A_258 = vector.broadcast %and3A_257 : i32 to vector<16xi32>
        %and3A_259 = arith.andi %shift_right_logical3A_256, %and3A_258 : vector<16xi32>
        %shift_right_logical3A_260 = arith.constant 21 : i32
        %shift_right_logical3A_261 = vector.broadcast %shift_right_logical3A_260 : i32 to vector<16xi32>
        %shift_right_logical3A_262 = arith.shrui %get3A_165, %shift_right_logical3A_261 : vector<16xi32>
        %and3A_263 = arith.constant 1023 : i32
        %and3A_264 = vector.broadcast %and3A_263 : i32 to vector<16xi32>
        %and3A_265 = arith.andi %shift_right_logical3A_262, %and3A_264 : vector<16xi32>
        %shift_right_logical3A_266 = arith.constant 21 : i32
        %shift_right_logical3A_267 = vector.broadcast %shift_right_logical3A_266 : i32 to vector<16xi32>
        %shift_right_logical3A_268 = arith.shrui %get3A_173, %shift_right_logical3A_267 : vector<16xi32>
        %and3A_269 = arith.constant 1023 : i32
        %and3A_270 = vector.broadcast %and3A_269 : i32 to vector<16xi32>
        %and3A_271 = arith.andi %shift_right_logical3A_268, %and3A_270 : vector<16xi32>
        %shift_right_logical3A_272 = arith.constant 21 : i32
        %shift_right_logical3A_273 = vector.broadcast %shift_right_logical3A_272 : i32 to vector<16xi32>
        %shift_right_logical3A_274 = arith.shrui %get3A_181, %shift_right_logical3A_273 : vector<16xi32>
        %and3A_275 = arith.constant 1023 : i32
        %and3A_276 = vector.broadcast %and3A_275 : i32 to vector<16xi32>
        %and3A_277 = arith.andi %shift_right_logical3A_274, %and3A_276 : vector<16xi32>
        %shift_right_logical3A_278 = arith.constant 21 : i32
        %shift_right_logical3A_279 = vector.broadcast %shift_right_logical3A_278 : i32 to vector<16xi32>
        %shift_right_logical3A_280 = arith.shrui %get3A_189, %shift_right_logical3A_279 : vector<16xi32>
        %and3A_281 = arith.constant 1023 : i32
        %and3A_282 = vector.broadcast %and3A_281 : i32 to vector<16xi32>
        %and3A_283 = arith.andi %shift_right_logical3A_280, %and3A_282 : vector<16xi32>
        %eq3A = arith.cmpi eq, %and3A_193, %get3A_6 : vector<16xi32>
        %eq3A_284 = arith.cmpi eq, %and3A_199, %get3A_6 : vector<16xi32>
        %eq3A_285 = arith.cmpi eq, %and3A_205, %get3A_6 : vector<16xi32>
        %eq3A_286 = arith.cmpi eq, %and3A_211, %get3A_6 : vector<16xi32>
        %eq3A_287 = arith.cmpi eq, %and3A_217, %get3A_6 : vector<16xi32>
        %eq3A_288 = arith.cmpi eq, %and3A_223, %get3A_6 : vector<16xi32>
        %eq3A_289 = arith.cmpi eq, %and3A_229, %get3A_6 : vector<16xi32>
        %eq3A_290 = arith.cmpi eq, %and3A_235, %get3A_6 : vector<16xi32>
        %eq3A_291 = arith.cmpi eq, %and3A_241, %get3A_6 : vector<16xi32>
        %eq3A_292 = arith.cmpi eq, %and3A_247, %get3A_6 : vector<16xi32>
        %eq3A_293 = arith.cmpi eq, %and3A_253, %get3A_6 : vector<16xi32>
        %eq3A_294 = arith.cmpi eq, %and3A_259, %get3A_6 : vector<16xi32>
        %eq3A_295 = arith.cmpi eq, %and3A_265, %get3A_6 : vector<16xi32>
        %eq3A_296 = arith.cmpi eq, %and3A_271, %get3A_6 : vector<16xi32>
        %eq3A_297 = arith.cmpi eq, %and3A_277, %get3A_6 : vector<16xi32>
        %eq3A_298 = arith.cmpi eq, %and3A_283, %get3A_6 : vector<16xi32>
        %shift_right_logical3A_299 = arith.constant 10 : i32
        %shift_right_logical3A_300 = vector.broadcast %shift_right_logical3A_299 : i32 to vector<16xi32>
        %shift_right_logical3A_301 = arith.shrui %get3A_69, %shift_right_logical3A_300 : vector<16xi32>
        %and3A_302 = arith.constant 2047 : i32
        %and3A_303 = vector.broadcast %and3A_302 : i32 to vector<16xi32>
        %and3A_304 = arith.andi %shift_right_logical3A_301, %and3A_303 : vector<16xi32>
        %shift_right_logical3A_305 = arith.constant 10 : i32
        %shift_right_logical3A_306 = vector.broadcast %shift_right_logical3A_305 : i32 to vector<16xi32>
        %shift_right_logical3A_307 = arith.shrui %get3A_77, %shift_right_logical3A_306 : vector<16xi32>
        %and3A_308 = arith.constant 2047 : i32
        %and3A_309 = vector.broadcast %and3A_308 : i32 to vector<16xi32>
        %and3A_310 = arith.andi %shift_right_logical3A_307, %and3A_309 : vector<16xi32>
        %shift_right_logical3A_311 = arith.constant 10 : i32
        %shift_right_logical3A_312 = vector.broadcast %shift_right_logical3A_311 : i32 to vector<16xi32>
        %shift_right_logical3A_313 = arith.shrui %get3A_85, %shift_right_logical3A_312 : vector<16xi32>
        %and3A_314 = arith.constant 2047 : i32
        %and3A_315 = vector.broadcast %and3A_314 : i32 to vector<16xi32>
        %and3A_316 = arith.andi %shift_right_logical3A_313, %and3A_315 : vector<16xi32>
        %shift_right_logical3A_317 = arith.constant 10 : i32
        %shift_right_logical3A_318 = vector.broadcast %shift_right_logical3A_317 : i32 to vector<16xi32>
        %shift_right_logical3A_319 = arith.shrui %get3A_93, %shift_right_logical3A_318 : vector<16xi32>
        %and3A_320 = arith.constant 2047 : i32
        %and3A_321 = vector.broadcast %and3A_320 : i32 to vector<16xi32>
        %and3A_322 = arith.andi %shift_right_logical3A_319, %and3A_321 : vector<16xi32>
        %shift_right_logical3A_323 = arith.constant 10 : i32
        %shift_right_logical3A_324 = vector.broadcast %shift_right_logical3A_323 : i32 to vector<16xi32>
        %shift_right_logical3A_325 = arith.shrui %get3A_101, %shift_right_logical3A_324 : vector<16xi32>
        %and3A_326 = arith.constant 2047 : i32
        %and3A_327 = vector.broadcast %and3A_326 : i32 to vector<16xi32>
        %and3A_328 = arith.andi %shift_right_logical3A_325, %and3A_327 : vector<16xi32>
        %shift_right_logical3A_329 = arith.constant 10 : i32
        %shift_right_logical3A_330 = vector.broadcast %shift_right_logical3A_329 : i32 to vector<16xi32>
        %shift_right_logical3A_331 = arith.shrui %get3A_109, %shift_right_logical3A_330 : vector<16xi32>
        %and3A_332 = arith.constant 2047 : i32
        %and3A_333 = vector.broadcast %and3A_332 : i32 to vector<16xi32>
        %and3A_334 = arith.andi %shift_right_logical3A_331, %and3A_333 : vector<16xi32>
        %shift_right_logical3A_335 = arith.constant 10 : i32
        %shift_right_logical3A_336 = vector.broadcast %shift_right_logical3A_335 : i32 to vector<16xi32>
        %shift_right_logical3A_337 = arith.shrui %get3A_117, %shift_right_logical3A_336 : vector<16xi32>
        %and3A_338 = arith.constant 2047 : i32
        %and3A_339 = vector.broadcast %and3A_338 : i32 to vector<16xi32>
        %and3A_340 = arith.andi %shift_right_logical3A_337, %and3A_339 : vector<16xi32>
        %shift_right_logical3A_341 = arith.constant 10 : i32
        %shift_right_logical3A_342 = vector.broadcast %shift_right_logical3A_341 : i32 to vector<16xi32>
        %shift_right_logical3A_343 = arith.shrui %get3A_125, %shift_right_logical3A_342 : vector<16xi32>
        %and3A_344 = arith.constant 2047 : i32
        %and3A_345 = vector.broadcast %and3A_344 : i32 to vector<16xi32>
        %and3A_346 = arith.andi %shift_right_logical3A_343, %and3A_345 : vector<16xi32>
        %shift_right_logical3A_347 = arith.constant 10 : i32
        %shift_right_logical3A_348 = vector.broadcast %shift_right_logical3A_347 : i32 to vector<16xi32>
        %shift_right_logical3A_349 = arith.shrui %get3A_133, %shift_right_logical3A_348 : vector<16xi32>
        %and3A_350 = arith.constant 2047 : i32
        %and3A_351 = vector.broadcast %and3A_350 : i32 to vector<16xi32>
        %and3A_352 = arith.andi %shift_right_logical3A_349, %and3A_351 : vector<16xi32>
        %shift_right_logical3A_353 = arith.constant 10 : i32
        %shift_right_logical3A_354 = vector.broadcast %shift_right_logical3A_353 : i32 to vector<16xi32>
        %shift_right_logical3A_355 = arith.shrui %get3A_141, %shift_right_logical3A_354 : vector<16xi32>
        %and3A_356 = arith.constant 2047 : i32
        %and3A_357 = vector.broadcast %and3A_356 : i32 to vector<16xi32>
        %and3A_358 = arith.andi %shift_right_logical3A_355, %and3A_357 : vector<16xi32>
        %shift_right_logical3A_359 = arith.constant 10 : i32
        %shift_right_logical3A_360 = vector.broadcast %shift_right_logical3A_359 : i32 to vector<16xi32>
        %shift_right_logical3A_361 = arith.shrui %get3A_149, %shift_right_logical3A_360 : vector<16xi32>
        %and3A_362 = arith.constant 2047 : i32
        %and3A_363 = vector.broadcast %and3A_362 : i32 to vector<16xi32>
        %and3A_364 = arith.andi %shift_right_logical3A_361, %and3A_363 : vector<16xi32>
        %shift_right_logical3A_365 = arith.constant 10 : i32
        %shift_right_logical3A_366 = vector.broadcast %shift_right_logical3A_365 : i32 to vector<16xi32>
        %shift_right_logical3A_367 = arith.shrui %get3A_157, %shift_right_logical3A_366 : vector<16xi32>
        %and3A_368 = arith.constant 2047 : i32
        %and3A_369 = vector.broadcast %and3A_368 : i32 to vector<16xi32>
        %and3A_370 = arith.andi %shift_right_logical3A_367, %and3A_369 : vector<16xi32>
        %shift_right_logical3A_371 = arith.constant 10 : i32
        %shift_right_logical3A_372 = vector.broadcast %shift_right_logical3A_371 : i32 to vector<16xi32>
        %shift_right_logical3A_373 = arith.shrui %get3A_165, %shift_right_logical3A_372 : vector<16xi32>
        %and3A_374 = arith.constant 2047 : i32
        %and3A_375 = vector.broadcast %and3A_374 : i32 to vector<16xi32>
        %and3A_376 = arith.andi %shift_right_logical3A_373, %and3A_375 : vector<16xi32>
        %shift_right_logical3A_377 = arith.constant 10 : i32
        %shift_right_logical3A_378 = vector.broadcast %shift_right_logical3A_377 : i32 to vector<16xi32>
        %shift_right_logical3A_379 = arith.shrui %get3A_173, %shift_right_logical3A_378 : vector<16xi32>
        %and3A_380 = arith.constant 2047 : i32
        %and3A_381 = vector.broadcast %and3A_380 : i32 to vector<16xi32>
        %and3A_382 = arith.andi %shift_right_logical3A_379, %and3A_381 : vector<16xi32>
        %shift_right_logical3A_383 = arith.constant 10 : i32
        %shift_right_logical3A_384 = vector.broadcast %shift_right_logical3A_383 : i32 to vector<16xi32>
        %shift_right_logical3A_385 = arith.shrui %get3A_181, %shift_right_logical3A_384 : vector<16xi32>
        %and3A_386 = arith.constant 2047 : i32
        %and3A_387 = vector.broadcast %and3A_386 : i32 to vector<16xi32>
        %and3A_388 = arith.andi %shift_right_logical3A_385, %and3A_387 : vector<16xi32>
        %shift_right_logical3A_389 = arith.constant 10 : i32
        %shift_right_logical3A_390 = vector.broadcast %shift_right_logical3A_389 : i32 to vector<16xi32>
        %shift_right_logical3A_391 = arith.shrui %get3A_189, %shift_right_logical3A_390 : vector<16xi32>
        %and3A_392 = arith.constant 2047 : i32
        %and3A_393 = vector.broadcast %and3A_392 : i32 to vector<16xi32>
        %and3A_394 = arith.andi %shift_right_logical3A_391, %and3A_393 : vector<16xi32>
        %lt3A_395 = arith.constant 0 : i32
        %lt3A_396 = vector.broadcast %lt3A_395 : i32 to vector<16xi32>
        %lt3A_397 = arith.cmpi slt, %get3A_69, %lt3A_396 : vector<16xi32>
        %jit3A = arith.constant 1 : i32
        %broadcast_in_dim3A_398 = vector.broadcast %jit3A : i32 to vector<16xi32>
        %select_n3A = arith.select %lt3A_397, %broadcast_in_dim3A_398, %broadcast_in_dim3A_9 : vector<16xi1>, vector<16xi32>
        %lt3A_399 = arith.constant 0 : i32
        %lt3A_400 = vector.broadcast %lt3A_399 : i32 to vector<16xi32>
        %lt3A_401 = arith.cmpi slt, %get3A_77, %lt3A_400 : vector<16xi32>
        %jit3A_402 = arith.constant 1 : i32
        %broadcast_in_dim3A_403 = vector.broadcast %jit3A_402 : i32 to vector<16xi32>
        %select_n3A_404 = arith.select %lt3A_401, %broadcast_in_dim3A_403, %broadcast_in_dim3A_9 : vector<16xi1>, vector<16xi32>
        %lt3A_405 = arith.constant 0 : i32
        %lt3A_406 = vector.broadcast %lt3A_405 : i32 to vector<16xi32>
        %lt3A_407 = arith.cmpi slt, %get3A_85, %lt3A_406 : vector<16xi32>
        %jit3A_408 = arith.constant 1 : i32
        %broadcast_in_dim3A_409 = vector.broadcast %jit3A_408 : i32 to vector<16xi32>
        %select_n3A_410 = arith.select %lt3A_407, %broadcast_in_dim3A_409, %broadcast_in_dim3A_9 : vector<16xi1>, vector<16xi32>
        %lt3A_411 = arith.constant 0 : i32
        %lt3A_412 = vector.broadcast %lt3A_411 : i32 to vector<16xi32>
        %lt3A_413 = arith.cmpi slt, %get3A_93, %lt3A_412 : vector<16xi32>
        %jit3A_414 = arith.constant 1 : i32
        %broadcast_in_dim3A_415 = vector.broadcast %jit3A_414 : i32 to vector<16xi32>
        %select_n3A_416 = arith.select %lt3A_413, %broadcast_in_dim3A_415, %broadcast_in_dim3A_9 : vector<16xi1>, vector<16xi32>
        %lt3A_417 = arith.constant 0 : i32
        %lt3A_418 = vector.broadcast %lt3A_417 : i32 to vector<16xi32>
        %lt3A_419 = arith.cmpi slt, %get3A_101, %lt3A_418 : vector<16xi32>
        %jit3A_420 = arith.constant 1 : i32
        %broadcast_in_dim3A_421 = vector.broadcast %jit3A_420 : i32 to vector<16xi32>
        %select_n3A_422 = arith.select %lt3A_419, %broadcast_in_dim3A_421, %broadcast_in_dim3A_9 : vector<16xi1>, vector<16xi32>
        %lt3A_423 = arith.constant 0 : i32
        %lt3A_424 = vector.broadcast %lt3A_423 : i32 to vector<16xi32>
        %lt3A_425 = arith.cmpi slt, %get3A_109, %lt3A_424 : vector<16xi32>
        %jit3A_426 = arith.constant 1 : i32
        %broadcast_in_dim3A_427 = vector.broadcast %jit3A_426 : i32 to vector<16xi32>
        %select_n3A_428 = arith.select %lt3A_425, %broadcast_in_dim3A_427, %broadcast_in_dim3A_9 : vector<16xi1>, vector<16xi32>
        %lt3A_429 = arith.constant 0 : i32
        %lt3A_430 = vector.broadcast %lt3A_429 : i32 to vector<16xi32>
        %lt3A_431 = arith.cmpi slt, %get3A_117, %lt3A_430 : vector<16xi32>
        %jit3A_432 = arith.constant 1 : i32
        %broadcast_in_dim3A_433 = vector.broadcast %jit3A_432 : i32 to vector<16xi32>
        %select_n3A_434 = arith.select %lt3A_431, %broadcast_in_dim3A_433, %broadcast_in_dim3A_9 : vector<16xi1>, vector<16xi32>
        %lt3A_435 = arith.constant 0 : i32
        %lt3A_436 = vector.broadcast %lt3A_435 : i32 to vector<16xi32>
        %lt3A_437 = arith.cmpi slt, %get3A_125, %lt3A_436 : vector<16xi32>
        %jit3A_438 = arith.constant 1 : i32
        %broadcast_in_dim3A_439 = vector.broadcast %jit3A_438 : i32 to vector<16xi32>
        %select_n3A_440 = arith.select %lt3A_437, %broadcast_in_dim3A_439, %broadcast_in_dim3A_9 : vector<16xi1>, vector<16xi32>
        %lt3A_441 = arith.constant 0 : i32
        %lt3A_442 = vector.broadcast %lt3A_441 : i32 to vector<16xi32>
        %lt3A_443 = arith.cmpi slt, %get3A_133, %lt3A_442 : vector<16xi32>
        %jit3A_444 = arith.constant 1 : i32
        %broadcast_in_dim3A_445 = vector.broadcast %jit3A_444 : i32 to vector<16xi32>
        %select_n3A_446 = arith.select %lt3A_443, %broadcast_in_dim3A_445, %broadcast_in_dim3A_9 : vector<16xi1>, vector<16xi32>
        %lt3A_447 = arith.constant 0 : i32
        %lt3A_448 = vector.broadcast %lt3A_447 : i32 to vector<16xi32>
        %lt3A_449 = arith.cmpi slt, %get3A_141, %lt3A_448 : vector<16xi32>
        %jit3A_450 = arith.constant 1 : i32
        %broadcast_in_dim3A_451 = vector.broadcast %jit3A_450 : i32 to vector<16xi32>
        %select_n3A_452 = arith.select %lt3A_449, %broadcast_in_dim3A_451, %broadcast_in_dim3A_9 : vector<16xi1>, vector<16xi32>
        %lt3A_453 = arith.constant 0 : i32
        %lt3A_454 = vector.broadcast %lt3A_453 : i32 to vector<16xi32>
        %lt3A_455 = arith.cmpi slt, %get3A_149, %lt3A_454 : vector<16xi32>
        %jit3A_456 = arith.constant 1 : i32
        %broadcast_in_dim3A_457 = vector.broadcast %jit3A_456 : i32 to vector<16xi32>
        %select_n3A_458 = arith.select %lt3A_455, %broadcast_in_dim3A_457, %broadcast_in_dim3A_9 : vector<16xi1>, vector<16xi32>
        %lt3A_459 = arith.constant 0 : i32
        %lt3A_460 = vector.broadcast %lt3A_459 : i32 to vector<16xi32>
        %lt3A_461 = arith.cmpi slt, %get3A_157, %lt3A_460 : vector<16xi32>
        %jit3A_462 = arith.constant 1 : i32
        %broadcast_in_dim3A_463 = vector.broadcast %jit3A_462 : i32 to vector<16xi32>
        %select_n3A_464 = arith.select %lt3A_461, %broadcast_in_dim3A_463, %broadcast_in_dim3A_9 : vector<16xi1>, vector<16xi32>
        %lt3A_465 = arith.constant 0 : i32
        %lt3A_466 = vector.broadcast %lt3A_465 : i32 to vector<16xi32>
        %lt3A_467 = arith.cmpi slt, %get3A_165, %lt3A_466 : vector<16xi32>
        %jit3A_468 = arith.constant 1 : i32
        %broadcast_in_dim3A_469 = vector.broadcast %jit3A_468 : i32 to vector<16xi32>
        %select_n3A_470 = arith.select %lt3A_467, %broadcast_in_dim3A_469, %broadcast_in_dim3A_9 : vector<16xi1>, vector<16xi32>
        %lt3A_471 = arith.constant 0 : i32
        %lt3A_472 = vector.broadcast %lt3A_471 : i32 to vector<16xi32>
        %lt3A_473 = arith.cmpi slt, %get3A_173, %lt3A_472 : vector<16xi32>
        %jit3A_474 = arith.constant 1 : i32
        %broadcast_in_dim3A_475 = vector.broadcast %jit3A_474 : i32 to vector<16xi32>
        %select_n3A_476 = arith.select %lt3A_473, %broadcast_in_dim3A_475, %broadcast_in_dim3A_9 : vector<16xi1>, vector<16xi32>
        %lt3A_477 = arith.constant 0 : i32
        %lt3A_478 = vector.broadcast %lt3A_477 : i32 to vector<16xi32>
        %lt3A_479 = arith.cmpi slt, %get3A_181, %lt3A_478 : vector<16xi32>
        %jit3A_480 = arith.constant 1 : i32
        %broadcast_in_dim3A_481 = vector.broadcast %jit3A_480 : i32 to vector<16xi32>
        %select_n3A_482 = arith.select %lt3A_479, %broadcast_in_dim3A_481, %broadcast_in_dim3A_9 : vector<16xi1>, vector<16xi32>
        %lt3A_483 = arith.constant 0 : i32
        %lt3A_484 = vector.broadcast %lt3A_483 : i32 to vector<16xi32>
        %lt3A_485 = arith.cmpi slt, %get3A_189, %lt3A_484 : vector<16xi32>
        %jit3A_486 = arith.constant 1 : i32
        %broadcast_in_dim3A_487 = vector.broadcast %jit3A_486 : i32 to vector<16xi32>
        %select_n3A_488 = arith.select %lt3A_485, %broadcast_in_dim3A_487, %broadcast_in_dim3A_9 : vector<16xi1>, vector<16xi32>
        %or3A = arith.ori %mul3A_5, %and3A_304 : vector<16xi32>
        %or3A_489 = arith.ori %mul3A_5, %and3A_310 : vector<16xi32>
        %or3A_490 = arith.ori %mul3A_5, %and3A_316 : vector<16xi32>
        %or3A_491 = arith.ori %mul3A_5, %and3A_322 : vector<16xi32>
        %or3A_492 = arith.ori %mul3A_5, %and3A_328 : vector<16xi32>
        %or3A_493 = arith.ori %mul3A_5, %and3A_334 : vector<16xi32>
        %or3A_494 = arith.ori %mul3A_5, %and3A_340 : vector<16xi32>
        %or3A_495 = arith.ori %mul3A_5, %and3A_346 : vector<16xi32>
        %or3A_496 = arith.ori %mul3A_5, %and3A_352 : vector<16xi32>
        %or3A_497 = arith.ori %mul3A_5, %and3A_358 : vector<16xi32>
        %or3A_498 = arith.ori %mul3A_5, %and3A_364 : vector<16xi32>
        %or3A_499 = arith.ori %mul3A_5, %and3A_370 : vector<16xi32>
        %or3A_500 = arith.ori %mul3A_5, %and3A_376 : vector<16xi32>
        %or3A_501 = arith.ori %mul3A_5, %and3A_382 : vector<16xi32>
        %or3A_502 = arith.ori %mul3A_5, %and3A_388 : vector<16xi32>
        %or3A_503 = arith.ori %mul3A_5, %and3A_394 : vector<16xi32>
        tpu.vector_store_idx %arg7[%or3A], %select_n3A masked %eq3A {add = true} : memref<32768xi32, #tpu.memory_space<vmem>>[vector<16xi32>], vector<16xi32>, vector<16xi1>
        tpu.vector_store_idx %arg7[%or3A_489], %select_n3A_404 masked %eq3A_284 {add = true} : memref<32768xi32, #tpu.memory_space<vmem>>[vector<16xi32>], vector<16xi32>, vector<16xi1>
        tpu.vector_store_idx %arg7[%or3A_490], %select_n3A_410 masked %eq3A_285 {add = true} : memref<32768xi32, #tpu.memory_space<vmem>>[vector<16xi32>], vector<16xi32>, vector<16xi1>
        tpu.vector_store_idx %arg7[%or3A_491], %select_n3A_416 masked %eq3A_286 {add = true} : memref<32768xi32, #tpu.memory_space<vmem>>[vector<16xi32>], vector<16xi32>, vector<16xi1>
        tpu.vector_store_idx %arg7[%or3A_492], %select_n3A_422 masked %eq3A_287 {add = true} : memref<32768xi32, #tpu.memory_space<vmem>>[vector<16xi32>], vector<16xi32>, vector<16xi1>
        tpu.vector_store_idx %arg7[%or3A_493], %select_n3A_428 masked %eq3A_288 {add = true} : memref<32768xi32, #tpu.memory_space<vmem>>[vector<16xi32>], vector<16xi32>, vector<16xi1>
        tpu.vector_store_idx %arg7[%or3A_494], %select_n3A_434 masked %eq3A_289 {add = true} : memref<32768xi32, #tpu.memory_space<vmem>>[vector<16xi32>], vector<16xi32>, vector<16xi1>
        tpu.vector_store_idx %arg7[%or3A_495], %select_n3A_440 masked %eq3A_290 {add = true} : memref<32768xi32, #tpu.memory_space<vmem>>[vector<16xi32>], vector<16xi32>, vector<16xi1>
        tpu.vector_store_idx %arg7[%or3A_496], %select_n3A_446 masked %eq3A_291 {add = true} : memref<32768xi32, #tpu.memory_space<vmem>>[vector<16xi32>], vector<16xi32>, vector<16xi1>
        tpu.vector_store_idx %arg7[%or3A_497], %select_n3A_452 masked %eq3A_292 {add = true} : memref<32768xi32, #tpu.memory_space<vmem>>[vector<16xi32>], vector<16xi32>, vector<16xi1>
        tpu.vector_store_idx %arg7[%or3A_498], %select_n3A_458 masked %eq3A_293 {add = true} : memref<32768xi32, #tpu.memory_space<vmem>>[vector<16xi32>], vector<16xi32>, vector<16xi1>
        tpu.vector_store_idx %arg7[%or3A_499], %select_n3A_464 masked %eq3A_294 {add = true} : memref<32768xi32, #tpu.memory_space<vmem>>[vector<16xi32>], vector<16xi32>, vector<16xi1>
        tpu.vector_store_idx %arg7[%or3A_500], %select_n3A_470 masked %eq3A_295 {add = true} : memref<32768xi32, #tpu.memory_space<vmem>>[vector<16xi32>], vector<16xi32>, vector<16xi1>
        tpu.vector_store_idx %arg7[%or3A_501], %select_n3A_476 masked %eq3A_296 {add = true} : memref<32768xi32, #tpu.memory_space<vmem>>[vector<16xi32>], vector<16xi32>, vector<16xi1>
        tpu.vector_store_idx %arg7[%or3A_502], %select_n3A_482 masked %eq3A_297 {add = true} : memref<32768xi32, #tpu.memory_space<vmem>>[vector<16xi32>], vector<16xi32>, vector<16xi1>
        tpu.vector_store_idx %arg7[%or3A_503], %select_n3A_488 masked %eq3A_298 {add = true} : memref<32768xi32, #tpu.memory_space<vmem>>[vector<16xi32>], vector<16xi32>, vector<16xi1>
      }
      %scan3A_48 = arith.constant 64 : i32
      %lt3A = arith.constant 3 : i32
      %lt3A_49 = arith.cmpi slt, %scan3A_30, %lt3A : i32
      %convert_element_type3A = arith.extui %lt3A_49 : i1 to i32
      %cond3A = arith.constant 0 : i32
      %cond3A_50 = arith.cmpi ne, %convert_element_type3A, %cond3A : i32
      scf.if %cond3A_50 {
        %mul3A_61 = arith.constant 2 : i32
        %mul3A_62 = arith.muli %mul3A_61, %scan3A_30 : i32
        %add3A_63 = arith.constant 2 : i32
        %add3A_64 = arith.addi %mul3A_62, %add3A_63 : i32
        %mul3A_65 = arith.constant 16384 : i32
        %mul3A_66 = arith.muli %add3A_64, %mul3A_65 : i32
        %add3A_67 = arith.addi %mul3A_2, %mul3A_66 : i32
        %dma_start3A_68 = tpu.memref_slice %arg2[%add3A_67] : memref<4194304xi32, #tpu.memory_space<hbm>> -> memref<16384xi32, #tpu.memory_space<hbm>>
        %dma_start3A_69 = tpu.memref_slice %arg2[%add3A_67] : memref<4194304xi32, #tpu.memory_space<hbm>> -> memref<16384xi32, #tpu.memory_space<hbm>>
        tpu.enqueue_dma source(%dma_start3A_69 : memref<16384xi32, #tpu.memory_space<hbm>>) target(%arg5 : memref<16384xi32, #tpu.memory_space<vmem>>) target_semaphore(%arg9 : memref<!tpu.dma_semaphore, #tpu.memory_space<semaphore_mem>>)
      } else {
      }
      %dma_wait3A_51 = arith.constant 0 : i32
      %dma_wait3A_52 = tpu.memref_slice %arg2[%dma_wait3A_51] : memref<4194304xi32, #tpu.memory_space<hbm>> -> memref<16384xi32, #tpu.memory_space<hbm>>
      %dma_wait3A_53 = arith.constant 0 : i32
      %dma_wait3A_54 = tpu.memref_slice %arg2[%dma_wait3A_53] : memref<4194304xi32, #tpu.memory_space<hbm>> -> memref<16384xi32, #tpu.memory_space<hbm>>
      tpu.wait_dma2 semaphore(%arg10 : memref<!tpu.dma_semaphore, #tpu.memory_space<semaphore_mem>>) src(%dma_wait3A_54 : memref<16384xi32, #tpu.memory_space<hbm>>) dst(%arg6 : memref<16384xi32, #tpu.memory_space<vmem>>)
      %scan3A_55 = arith.constant 0 : i32
      %scan3A_56 = arith.constant 0 : i32
      %scan3A_57 = arith.constant 64 : i32
      %scan3A_58 = arith.addi %scan3A_56, %scan3A_57 : i32
      %scan3A_59 = arith.constant 1 : i32
      scf.for %scan3A_61 = %scan3A_56 to %scan3A_58 step %scan3A_59  : i32 {
        %mul3A_62 = arith.constant 16 : i32
        %mul3A_63 = arith.muli %scan3A_61, %mul3A_62 : i32
        %add3A_64 = arith.constant 0 : i32
        %add3A_65 = arith.addi %mul3A_63, %add3A_64 : i32
        %mul3A_66 = arith.constant 16 : i32
        %mul3A_67 = arith.muli %add3A_65, %mul3A_66 : i32
        %get3A_68 = arith.index_cast %mul3A_67 : i32 to index
        %get3A_69 = tpu.vector_load %arg6[%get3A_68] {strides = array<i32>} : memref<16384xi32, #tpu.memory_space<vmem>>, vector<16xi32>,
        %mul3A_70 = arith.constant 16 : i32
        %mul3A_71 = arith.muli %scan3A_61, %mul3A_70 : i32
        %add3A_72 = arith.constant 1 : i32
        %add3A_73 = arith.addi %mul3A_71, %add3A_72 : i32
        %mul3A_74 = arith.constant 16 : i32
        %mul3A_75 = arith.muli %add3A_73, %mul3A_74 : i32
        %get3A_76 = arith.index_cast %mul3A_75 : i32 to index
        %get3A_77 = tpu.vector_load %arg6[%get3A_76] {strides = array<i32>} : memref<16384xi32, #tpu.memory_space<vmem>>, vector<16xi32>,
        %mul3A_78 = arith.constant 16 : i32
        %mul3A_79 = arith.muli %scan3A_61, %mul3A_78 : i32
        %add3A_80 = arith.constant 2 : i32
        %add3A_81 = arith.addi %mul3A_79, %add3A_80 : i32
        %mul3A_82 = arith.constant 16 : i32
        %mul3A_83 = arith.muli %add3A_81, %mul3A_82 : i32
        %get3A_84 = arith.index_cast %mul3A_83 : i32 to index
        %get3A_85 = tpu.vector_load %arg6[%get3A_84] {strides = array<i32>} : memref<16384xi32, #tpu.memory_space<vmem>>, vector<16xi32>,
        %mul3A_86 = arith.constant 16 : i32
        %mul3A_87 = arith.muli %scan3A_61, %mul3A_86 : i32
        %add3A_88 = arith.constant 3 : i32
        %add3A_89 = arith.addi %mul3A_87, %add3A_88 : i32
        %mul3A_90 = arith.constant 16 : i32
        %mul3A_91 = arith.muli %add3A_89, %mul3A_90 : i32
        %get3A_92 = arith.index_cast %mul3A_91 : i32 to index
        %get3A_93 = tpu.vector_load %arg6[%get3A_92] {strides = array<i32>} : memref<16384xi32, #tpu.memory_space<vmem>>, vector<16xi32>,
        %mul3A_94 = arith.constant 16 : i32
        %mul3A_95 = arith.muli %scan3A_61, %mul3A_94 : i32
        %add3A_96 = arith.constant 4 : i32
        %add3A_97 = arith.addi %mul3A_95, %add3A_96 : i32
        %mul3A_98 = arith.constant 16 : i32
        %mul3A_99 = arith.muli %add3A_97, %mul3A_98 : i32
        %get3A_100 = arith.index_cast %mul3A_99 : i32 to index
        %get3A_101 = tpu.vector_load %arg6[%get3A_100] {strides = array<i32>} : memref<16384xi32, #tpu.memory_space<vmem>>, vector<16xi32>,
        %mul3A_102 = arith.constant 16 : i32
        %mul3A_103 = arith.muli %scan3A_61, %mul3A_102 : i32
        %add3A_104 = arith.constant 5 : i32
        %add3A_105 = arith.addi %mul3A_103, %add3A_104 : i32
        %mul3A_106 = arith.constant 16 : i32
        %mul3A_107 = arith.muli %add3A_105, %mul3A_106 : i32
        %get3A_108 = arith.index_cast %mul3A_107 : i32 to index
        %get3A_109 = tpu.vector_load %arg6[%get3A_108] {strides = array<i32>} : memref<16384xi32, #tpu.memory_space<vmem>>, vector<16xi32>,
        %mul3A_110 = arith.constant 16 : i32
        %mul3A_111 = arith.muli %scan3A_61, %mul3A_110 : i32
        %add3A_112 = arith.constant 6 : i32
        %add3A_113 = arith.addi %mul3A_111, %add3A_112 : i32
        %mul3A_114 = arith.constant 16 : i32
        %mul3A_115 = arith.muli %add3A_113, %mul3A_114 : i32
        %get3A_116 = arith.index_cast %mul3A_115 : i32 to index
        %get3A_117 = tpu.vector_load %arg6[%get3A_116] {strides = array<i32>} : memref<16384xi32, #tpu.memory_space<vmem>>, vector<16xi32>,
        %mul3A_118 = arith.constant 16 : i32
        %mul3A_119 = arith.muli %scan3A_61, %mul3A_118 : i32
        %add3A_120 = arith.constant 7 : i32
        %add3A_121 = arith.addi %mul3A_119, %add3A_120 : i32
        %mul3A_122 = arith.constant 16 : i32
        %mul3A_123 = arith.muli %add3A_121, %mul3A_122 : i32
        %get3A_124 = arith.index_cast %mul3A_123 : i32 to index
        %get3A_125 = tpu.vector_load %arg6[%get3A_124] {strides = array<i32>} : memref<16384xi32, #tpu.memory_space<vmem>>, vector<16xi32>,
        %mul3A_126 = arith.constant 16 : i32
        %mul3A_127 = arith.muli %scan3A_61, %mul3A_126 : i32
        %add3A_128 = arith.constant 8 : i32
        %add3A_129 = arith.addi %mul3A_127, %add3A_128 : i32
        %mul3A_130 = arith.constant 16 : i32
        %mul3A_131 = arith.muli %add3A_129, %mul3A_130 : i32
        %get3A_132 = arith.index_cast %mul3A_131 : i32 to index
        %get3A_133 = tpu.vector_load %arg6[%get3A_132] {strides = array<i32>} : memref<16384xi32, #tpu.memory_space<vmem>>, vector<16xi32>,
        %mul3A_134 = arith.constant 16 : i32
        %mul3A_135 = arith.muli %scan3A_61, %mul3A_134 : i32
        %add3A_136 = arith.constant 9 : i32
        %add3A_137 = arith.addi %mul3A_135, %add3A_136 : i32
        %mul3A_138 = arith.constant 16 : i32
        %mul3A_139 = arith.muli %add3A_137, %mul3A_138 : i32
        %get3A_140 = arith.index_cast %mul3A_139 : i32 to index
        %get3A_141 = tpu.vector_load %arg6[%get3A_140] {strides = array<i32>} : memref<16384xi32, #tpu.memory_space<vmem>>, vector<16xi32>,
        %mul3A_142 = arith.constant 16 : i32
        %mul3A_143 = arith.muli %scan3A_61, %mul3A_142 : i32
        %add3A_144 = arith.constant 10 : i32
        %add3A_145 = arith.addi %mul3A_143, %add3A_144 : i32
        %mul3A_146 = arith.constant 16 : i32
        %mul3A_147 = arith.muli %add3A_145, %mul3A_146 : i32
        %get3A_148 = arith.index_cast %mul3A_147 : i32 to index
        %get3A_149 = tpu.vector_load %arg6[%get3A_148] {strides = array<i32>} : memref<16384xi32, #tpu.memory_space<vmem>>, vector<16xi32>,
        %mul3A_150 = arith.constant 16 : i32
        %mul3A_151 = arith.muli %scan3A_61, %mul3A_150 : i32
        %add3A_152 = arith.constant 11 : i32
        %add3A_153 = arith.addi %mul3A_151, %add3A_152 : i32
        %mul3A_154 = arith.constant 16 : i32
        %mul3A_155 = arith.muli %add3A_153, %mul3A_154 : i32
        %get3A_156 = arith.index_cast %mul3A_155 : i32 to index
        %get3A_157 = tpu.vector_load %arg6[%get3A_156] {strides = array<i32>} : memref<16384xi32, #tpu.memory_space<vmem>>, vector<16xi32>,
        %mul3A_158 = arith.constant 16 : i32
        %mul3A_159 = arith.muli %scan3A_61, %mul3A_158 : i32
        %add3A_160 = arith.constant 12 : i32
        %add3A_161 = arith.addi %mul3A_159, %add3A_160 : i32
        %mul3A_162 = arith.constant 16 : i32
        %mul3A_163 = arith.muli %add3A_161, %mul3A_162 : i32
        %get3A_164 = arith.index_cast %mul3A_163 : i32 to index
        %get3A_165 = tpu.vector_load %arg6[%get3A_164] {strides = array<i32>} : memref<16384xi32, #tpu.memory_space<vmem>>, vector<16xi32>,
        %mul3A_166 = arith.constant 16 : i32
        %mul3A_167 = arith.muli %scan3A_61, %mul3A_166 : i32
        %add3A_168 = arith.constant 13 : i32
        %add3A_169 = arith.addi %mul3A_167, %add3A_168 : i32
        %mul3A_170 = arith.constant 16 : i32
        %mul3A_171 = arith.muli %add3A_169, %mul3A_170 : i32
        %get3A_172 = arith.index_cast %mul3A_171 : i32 to index
        %get3A_173 = tpu.vector_load %arg6[%get3A_172] {strides = array<i32>} : memref<16384xi32, #tpu.memory_space<vmem>>, vector<16xi32>,
        %mul3A_174 = arith.constant 16 : i32
        %mul3A_175 = arith.muli %scan3A_61, %mul3A_174 : i32
        %add3A_176 = arith.constant 14 : i32
        %add3A_177 = arith.addi %mul3A_175, %add3A_176 : i32
        %mul3A_178 = arith.constant 16 : i32
        %mul3A_179 = arith.muli %add3A_177, %mul3A_178 : i32
        %get3A_180 = arith.index_cast %mul3A_179 : i32 to index
        %get3A_181 = tpu.vector_load %arg6[%get3A_180] {strides = array<i32>} : memref<16384xi32, #tpu.memory_space<vmem>>, vector<16xi32>,
        %mul3A_182 = arith.constant 16 : i32
        %mul3A_183 = arith.muli %scan3A_61, %mul3A_182 : i32
        %add3A_184 = arith.constant 15 : i32
        %add3A_185 = arith.addi %mul3A_183, %add3A_184 : i32
        %mul3A_186 = arith.constant 16 : i32
        %mul3A_187 = arith.muli %add3A_185, %mul3A_186 : i32
        %get3A_188 = arith.index_cast %mul3A_187 : i32 to index
        %get3A_189 = tpu.vector_load %arg6[%get3A_188] {strides = array<i32>} : memref<16384xi32, #tpu.memory_space<vmem>>, vector<16xi32>,
        %shift_right_logical3A = arith.constant 21 : i32
        %shift_right_logical3A_190 = vector.broadcast %shift_right_logical3A : i32 to vector<16xi32>
        %shift_right_logical3A_191 = arith.shrui %get3A_69, %shift_right_logical3A_190 : vector<16xi32>
        %and3A = arith.constant 1023 : i32
        %and3A_192 = vector.broadcast %and3A : i32 to vector<16xi32>
        %and3A_193 = arith.andi %shift_right_logical3A_191, %and3A_192 : vector<16xi32>
        %shift_right_logical3A_194 = arith.constant 21 : i32
        %shift_right_logical3A_195 = vector.broadcast %shift_right_logical3A_194 : i32 to vector<16xi32>
        %shift_right_logical3A_196 = arith.shrui %get3A_77, %shift_right_logical3A_195 : vector<16xi32>
        %and3A_197 = arith.constant 1023 : i32
        %and3A_198 = vector.broadcast %and3A_197 : i32 to vector<16xi32>
        %and3A_199 = arith.andi %shift_right_logical3A_196, %and3A_198 : vector<16xi32>
        %shift_right_logical3A_200 = arith.constant 21 : i32
        %shift_right_logical3A_201 = vector.broadcast %shift_right_logical3A_200 : i32 to vector<16xi32>
        %shift_right_logical3A_202 = arith.shrui %get3A_85, %shift_right_logical3A_201 : vector<16xi32>
        %and3A_203 = arith.constant 1023 : i32
        %and3A_204 = vector.broadcast %and3A_203 : i32 to vector<16xi32>
        %and3A_205 = arith.andi %shift_right_logical3A_202, %and3A_204 : vector<16xi32>
        %shift_right_logical3A_206 = arith.constant 21 : i32
        %shift_right_logical3A_207 = vector.broadcast %shift_right_logical3A_206 : i32 to vector<16xi32>
        %shift_right_logical3A_208 = arith.shrui %get3A_93, %shift_right_logical3A_207 : vector<16xi32>
        %and3A_209 = arith.constant 1023 : i32
        %and3A_210 = vector.broadcast %and3A_209 : i32 to vector<16xi32>
        %and3A_211 = arith.andi %shift_right_logical3A_208, %and3A_210 : vector<16xi32>
        %shift_right_logical3A_212 = arith.constant 21 : i32
        %shift_right_logical3A_213 = vector.broadcast %shift_right_logical3A_212 : i32 to vector<16xi32>
        %shift_right_logical3A_214 = arith.shrui %get3A_101, %shift_right_logical3A_213 : vector<16xi32>
        %and3A_215 = arith.constant 1023 : i32
        %and3A_216 = vector.broadcast %and3A_215 : i32 to vector<16xi32>
        %and3A_217 = arith.andi %shift_right_logical3A_214, %and3A_216 : vector<16xi32>
        %shift_right_logical3A_218 = arith.constant 21 : i32
        %shift_right_logical3A_219 = vector.broadcast %shift_right_logical3A_218 : i32 to vector<16xi32>
        %shift_right_logical3A_220 = arith.shrui %get3A_109, %shift_right_logical3A_219 : vector<16xi32>
        %and3A_221 = arith.constant 1023 : i32
        %and3A_222 = vector.broadcast %and3A_221 : i32 to vector<16xi32>
        %and3A_223 = arith.andi %shift_right_logical3A_220, %and3A_222 : vector<16xi32>
        %shift_right_logical3A_224 = arith.constant 21 : i32
        %shift_right_logical3A_225 = vector.broadcast %shift_right_logical3A_224 : i32 to vector<16xi32>
        %shift_right_logical3A_226 = arith.shrui %get3A_117, %shift_right_logical3A_225 : vector<16xi32>
        %and3A_227 = arith.constant 1023 : i32
        %and3A_228 = vector.broadcast %and3A_227 : i32 to vector<16xi32>
        %and3A_229 = arith.andi %shift_right_logical3A_226, %and3A_228 : vector<16xi32>
        %shift_right_logical3A_230 = arith.constant 21 : i32
        %shift_right_logical3A_231 = vector.broadcast %shift_right_logical3A_230 : i32 to vector<16xi32>
        %shift_right_logical3A_232 = arith.shrui %get3A_125, %shift_right_logical3A_231 : vector<16xi32>
        %and3A_233 = arith.constant 1023 : i32
        %and3A_234 = vector.broadcast %and3A_233 : i32 to vector<16xi32>
        %and3A_235 = arith.andi %shift_right_logical3A_232, %and3A_234 : vector<16xi32>
        %shift_right_logical3A_236 = arith.constant 21 : i32
        %shift_right_logical3A_237 = vector.broadcast %shift_right_logical3A_236 : i32 to vector<16xi32>
        %shift_right_logical3A_238 = arith.shrui %get3A_133, %shift_right_logical3A_237 : vector<16xi32>
        %and3A_239 = arith.constant 1023 : i32
        %and3A_240 = vector.broadcast %and3A_239 : i32 to vector<16xi32>
        %and3A_241 = arith.andi %shift_right_logical3A_238, %and3A_240 : vector<16xi32>
        %shift_right_logical3A_242 = arith.constant 21 : i32
        %shift_right_logical3A_243 = vector.broadcast %shift_right_logical3A_242 : i32 to vector<16xi32>
        %shift_right_logical3A_244 = arith.shrui %get3A_141, %shift_right_logical3A_243 : vector<16xi32>
        %and3A_245 = arith.constant 1023 : i32
        %and3A_246 = vector.broadcast %and3A_245 : i32 to vector<16xi32>
        %and3A_247 = arith.andi %shift_right_logical3A_244, %and3A_246 : vector<16xi32>
        %shift_right_logical3A_248 = arith.constant 21 : i32
        %shift_right_logical3A_249 = vector.broadcast %shift_right_logical3A_248 : i32 to vector<16xi32>
        %shift_right_logical3A_250 = arith.shrui %get3A_149, %shift_right_logical3A_249 : vector<16xi32>
        %and3A_251 = arith.constant 1023 : i32
        %and3A_252 = vector.broadcast %and3A_251 : i32 to vector<16xi32>
        %and3A_253 = arith.andi %shift_right_logical3A_250, %and3A_252 : vector<16xi32>
        %shift_right_logical3A_254 = arith.constant 21 : i32
        %shift_right_logical3A_255 = vector.broadcast %shift_right_logical3A_254 : i32 to vector<16xi32>
        %shift_right_logical3A_256 = arith.shrui %get3A_157, %shift_right_logical3A_255 : vector<16xi32>
        %and3A_257 = arith.constant 1023 : i32
        %and3A_258 = vector.broadcast %and3A_257 : i32 to vector<16xi32>
        %and3A_259 = arith.andi %shift_right_logical3A_256, %and3A_258 : vector<16xi32>
        %shift_right_logical3A_260 = arith.constant 21 : i32
        %shift_right_logical3A_261 = vector.broadcast %shift_right_logical3A_260 : i32 to vector<16xi32>
        %shift_right_logical3A_262 = arith.shrui %get3A_165, %shift_right_logical3A_261 : vector<16xi32>
        %and3A_263 = arith.constant 1023 : i32
        %and3A_264 = vector.broadcast %and3A_263 : i32 to vector<16xi32>
        %and3A_265 = arith.andi %shift_right_logical3A_262, %and3A_264 : vector<16xi32>
        %shift_right_logical3A_266 = arith.constant 21 : i32
        %shift_right_logical3A_267 = vector.broadcast %shift_right_logical3A_266 : i32 to vector<16xi32>
        %shift_right_logical3A_268 = arith.shrui %get3A_173, %shift_right_logical3A_267 : vector<16xi32>
        %and3A_269 = arith.constant 1023 : i32
        %and3A_270 = vector.broadcast %and3A_269 : i32 to vector<16xi32>
        %and3A_271 = arith.andi %shift_right_logical3A_268, %and3A_270 : vector<16xi32>
        %shift_right_logical3A_272 = arith.constant 21 : i32
        %shift_right_logical3A_273 = vector.broadcast %shift_right_logical3A_272 : i32 to vector<16xi32>
        %shift_right_logical3A_274 = arith.shrui %get3A_181, %shift_right_logical3A_273 : vector<16xi32>
        %and3A_275 = arith.constant 1023 : i32
        %and3A_276 = vector.broadcast %and3A_275 : i32 to vector<16xi32>
        %and3A_277 = arith.andi %shift_right_logical3A_274, %and3A_276 : vector<16xi32>
        %shift_right_logical3A_278 = arith.constant 21 : i32
        %shift_right_logical3A_279 = vector.broadcast %shift_right_logical3A_278 : i32 to vector<16xi32>
        %shift_right_logical3A_280 = arith.shrui %get3A_189, %shift_right_logical3A_279 : vector<16xi32>
        %and3A_281 = arith.constant 1023 : i32
        %and3A_282 = vector.broadcast %and3A_281 : i32 to vector<16xi32>
        %and3A_283 = arith.andi %shift_right_logical3A_280, %and3A_282 : vector<16xi32>
        %eq3A = arith.cmpi eq, %and3A_193, %get3A_6 : vector<16xi32>
        %eq3A_284 = arith.cmpi eq, %and3A_199, %get3A_6 : vector<16xi32>
        %eq3A_285 = arith.cmpi eq, %and3A_205, %get3A_6 : vector<16xi32>
        %eq3A_286 = arith.cmpi eq, %and3A_211, %get3A_6 : vector<16xi32>
        %eq3A_287 = arith.cmpi eq, %and3A_217, %get3A_6 : vector<16xi32>
        %eq3A_288 = arith.cmpi eq, %and3A_223, %get3A_6 : vector<16xi32>
        %eq3A_289 = arith.cmpi eq, %and3A_229, %get3A_6 : vector<16xi32>
        %eq3A_290 = arith.cmpi eq, %and3A_235, %get3A_6 : vector<16xi32>
        %eq3A_291 = arith.cmpi eq, %and3A_241, %get3A_6 : vector<16xi32>
        %eq3A_292 = arith.cmpi eq, %and3A_247, %get3A_6 : vector<16xi32>
        %eq3A_293 = arith.cmpi eq, %and3A_253, %get3A_6 : vector<16xi32>
        %eq3A_294 = arith.cmpi eq, %and3A_259, %get3A_6 : vector<16xi32>
        %eq3A_295 = arith.cmpi eq, %and3A_265, %get3A_6 : vector<16xi32>
        %eq3A_296 = arith.cmpi eq, %and3A_271, %get3A_6 : vector<16xi32>
        %eq3A_297 = arith.cmpi eq, %and3A_277, %get3A_6 : vector<16xi32>
        %eq3A_298 = arith.cmpi eq, %and3A_283, %get3A_6 : vector<16xi32>
        %shift_right_logical3A_299 = arith.constant 10 : i32
        %shift_right_logical3A_300 = vector.broadcast %shift_right_logical3A_299 : i32 to vector<16xi32>
        %shift_right_logical3A_301 = arith.shrui %get3A_69, %shift_right_logical3A_300 : vector<16xi32>
        %and3A_302 = arith.constant 2047 : i32
        %and3A_303 = vector.broadcast %and3A_302 : i32 to vector<16xi32>
        %and3A_304 = arith.andi %shift_right_logical3A_301, %and3A_303 : vector<16xi32>
        %shift_right_logical3A_305 = arith.constant 10 : i32
        %shift_right_logical3A_306 = vector.broadcast %shift_right_logical3A_305 : i32 to vector<16xi32>
        %shift_right_logical3A_307 = arith.shrui %get3A_77, %shift_right_logical3A_306 : vector<16xi32>
        %and3A_308 = arith.constant 2047 : i32
        %and3A_309 = vector.broadcast %and3A_308 : i32 to vector<16xi32>
        %and3A_310 = arith.andi %shift_right_logical3A_307, %and3A_309 : vector<16xi32>
        %shift_right_logical3A_311 = arith.constant 10 : i32
        %shift_right_logical3A_312 = vector.broadcast %shift_right_logical3A_311 : i32 to vector<16xi32>
        %shift_right_logical3A_313 = arith.shrui %get3A_85, %shift_right_logical3A_312 : vector<16xi32>
        %and3A_314 = arith.constant 2047 : i32
        %and3A_315 = vector.broadcast %and3A_314 : i32 to vector<16xi32>
        %and3A_316 = arith.andi %shift_right_logical3A_313, %and3A_315 : vector<16xi32>
        %shift_right_logical3A_317 = arith.constant 10 : i32
        %shift_right_logical3A_318 = vector.broadcast %shift_right_logical3A_317 : i32 to vector<16xi32>
        %shift_right_logical3A_319 = arith.shrui %get3A_93, %shift_right_logical3A_318 : vector<16xi32>
        %and3A_320 = arith.constant 2047 : i32
        %and3A_321 = vector.broadcast %and3A_320 : i32 to vector<16xi32>
        %and3A_322 = arith.andi %shift_right_logical3A_319, %and3A_321 : vector<16xi32>
        %shift_right_logical3A_323 = arith.constant 10 : i32
        %shift_right_logical3A_324 = vector.broadcast %shift_right_logical3A_323 : i32 to vector<16xi32>
        %shift_right_logical3A_325 = arith.shrui %get3A_101, %shift_right_logical3A_324 : vector<16xi32>
        %and3A_326 = arith.constant 2047 : i32
        %and3A_327 = vector.broadcast %and3A_326 : i32 to vector<16xi32>
        %and3A_328 = arith.andi %shift_right_logical3A_325, %and3A_327 : vector<16xi32>
        %shift_right_logical3A_329 = arith.constant 10 : i32
        %shift_right_logical3A_330 = vector.broadcast %shift_right_logical3A_329 : i32 to vector<16xi32>
        %shift_right_logical3A_331 = arith.shrui %get3A_109, %shift_right_logical3A_330 : vector<16xi32>
        %and3A_332 = arith.constant 2047 : i32
        %and3A_333 = vector.broadcast %and3A_332 : i32 to vector<16xi32>
        %and3A_334 = arith.andi %shift_right_logical3A_331, %and3A_333 : vector<16xi32>
        %shift_right_logical3A_335 = arith.constant 10 : i32
        %shift_right_logical3A_336 = vector.broadcast %shift_right_logical3A_335 : i32 to vector<16xi32>
        %shift_right_logical3A_337 = arith.shrui %get3A_117, %shift_right_logical3A_336 : vector<16xi32>
        %and3A_338 = arith.constant 2047 : i32
        %and3A_339 = vector.broadcast %and3A_338 : i32 to vector<16xi32>
        %and3A_340 = arith.andi %shift_right_logical3A_337, %and3A_339 : vector<16xi32>
        %shift_right_logical3A_341 = arith.constant 10 : i32
        %shift_right_logical3A_342 = vector.broadcast %shift_right_logical3A_341 : i32 to vector<16xi32>
        %shift_right_logical3A_343 = arith.shrui %get3A_125, %shift_right_logical3A_342 : vector<16xi32>
        %and3A_344 = arith.constant 2047 : i32
        %and3A_345 = vector.broadcast %and3A_344 : i32 to vector<16xi32>
        %and3A_346 = arith.andi %shift_right_logical3A_343, %and3A_345 : vector<16xi32>
        %shift_right_logical3A_347 = arith.constant 10 : i32
        %shift_right_logical3A_348 = vector.broadcast %shift_right_logical3A_347 : i32 to vector<16xi32>
        %shift_right_logical3A_349 = arith.shrui %get3A_133, %shift_right_logical3A_348 : vector<16xi32>
        %and3A_350 = arith.constant 2047 : i32
        %and3A_351 = vector.broadcast %and3A_350 : i32 to vector<16xi32>
        %and3A_352 = arith.andi %shift_right_logical3A_349, %and3A_351 : vector<16xi32>
        %shift_right_logical3A_353 = arith.constant 10 : i32
        %shift_right_logical3A_354 = vector.broadcast %shift_right_logical3A_353 : i32 to vector<16xi32>
        %shift_right_logical3A_355 = arith.shrui %get3A_141, %shift_right_logical3A_354 : vector<16xi32>
        %and3A_356 = arith.constant 2047 : i32
        %and3A_357 = vector.broadcast %and3A_356 : i32 to vector<16xi32>
        %and3A_358 = arith.andi %shift_right_logical3A_355, %and3A_357 : vector<16xi32>
        %shift_right_logical3A_359 = arith.constant 10 : i32
        %shift_right_logical3A_360 = vector.broadcast %shift_right_logical3A_359 : i32 to vector<16xi32>
        %shift_right_logical3A_361 = arith.shrui %get3A_149, %shift_right_logical3A_360 : vector<16xi32>
        %and3A_362 = arith.constant 2047 : i32
        %and3A_363 = vector.broadcast %and3A_362 : i32 to vector<16xi32>
        %and3A_364 = arith.andi %shift_right_logical3A_361, %and3A_363 : vector<16xi32>
        %shift_right_logical3A_365 = arith.constant 10 : i32
        %shift_right_logical3A_366 = vector.broadcast %shift_right_logical3A_365 : i32 to vector<16xi32>
        %shift_right_logical3A_367 = arith.shrui %get3A_157, %shift_right_logical3A_366 : vector<16xi32>
        %and3A_368 = arith.constant 2047 : i32
        %and3A_369 = vector.broadcast %and3A_368 : i32 to vector<16xi32>
        %and3A_370 = arith.andi %shift_right_logical3A_367, %and3A_369 : vector<16xi32>
        %shift_right_logical3A_371 = arith.constant 10 : i32
        %shift_right_logical3A_372 = vector.broadcast %shift_right_logical3A_371 : i32 to vector<16xi32>
        %shift_right_logical3A_373 = arith.shrui %get3A_165, %shift_right_logical3A_372 : vector<16xi32>
        %and3A_374 = arith.constant 2047 : i32
        %and3A_375 = vector.broadcast %and3A_374 : i32 to vector<16xi32>
        %and3A_376 = arith.andi %shift_right_logical3A_373, %and3A_375 : vector<16xi32>
        %shift_right_logical3A_377 = arith.constant 10 : i32
        %shift_right_logical3A_378 = vector.broadcast %shift_right_logical3A_377 : i32 to vector<16xi32>
        %shift_right_logical3A_379 = arith.shrui %get3A_173, %shift_right_logical3A_378 : vector<16xi32>
        %and3A_380 = arith.constant 2047 : i32
        %and3A_381 = vector.broadcast %and3A_380 : i32 to vector<16xi32>
        %and3A_382 = arith.andi %shift_right_logical3A_379, %and3A_381 : vector<16xi32>
        %shift_right_logical3A_383 = arith.constant 10 : i32
        %shift_right_logical3A_384 = vector.broadcast %shift_right_logical3A_383 : i32 to vector<16xi32>
        %shift_right_logical3A_385 = arith.shrui %get3A_181, %shift_right_logical3A_384 : vector<16xi32>
        %and3A_386 = arith.constant 2047 : i32
        %and3A_387 = vector.broadcast %and3A_386 : i32 to vector<16xi32>
        %and3A_388 = arith.andi %shift_right_logical3A_385, %and3A_387 : vector<16xi32>
        %shift_right_logical3A_389 = arith.constant 10 : i32
        %shift_right_logical3A_390 = vector.broadcast %shift_right_logical3A_389 : i32 to vector<16xi32>
        %shift_right_logical3A_391 = arith.shrui %get3A_189, %shift_right_logical3A_390 : vector<16xi32>
        %and3A_392 = arith.constant 2047 : i32
        %and3A_393 = vector.broadcast %and3A_392 : i32 to vector<16xi32>
        %and3A_394 = arith.andi %shift_right_logical3A_391, %and3A_393 : vector<16xi32>
        %lt3A_395 = arith.constant 0 : i32
        %lt3A_396 = vector.broadcast %lt3A_395 : i32 to vector<16xi32>
        %lt3A_397 = arith.cmpi slt, %get3A_69, %lt3A_396 : vector<16xi32>
        %jit3A = arith.constant 1 : i32
        %broadcast_in_dim3A_398 = vector.broadcast %jit3A : i32 to vector<16xi32>
        %select_n3A = arith.select %lt3A_397, %broadcast_in_dim3A_398, %broadcast_in_dim3A_9 : vector<16xi1>, vector<16xi32>
        %lt3A_399 = arith.constant 0 : i32
        %lt3A_400 = vector.broadcast %lt3A_399 : i32 to vector<16xi32>
        %lt3A_401 = arith.cmpi slt, %get3A_77, %lt3A_400 : vector<16xi32>
        %jit3A_402 = arith.constant 1 : i32
        %broadcast_in_dim3A_403 = vector.broadcast %jit3A_402 : i32 to vector<16xi32>
        %select_n3A_404 = arith.select %lt3A_401, %broadcast_in_dim3A_403, %broadcast_in_dim3A_9 : vector<16xi1>, vector<16xi32>
        %lt3A_405 = arith.constant 0 : i32
        %lt3A_406 = vector.broadcast %lt3A_405 : i32 to vector<16xi32>
        %lt3A_407 = arith.cmpi slt, %get3A_85, %lt3A_406 : vector<16xi32>
        %jit3A_408 = arith.constant 1 : i32
        %broadcast_in_dim3A_409 = vector.broadcast %jit3A_408 : i32 to vector<16xi32>
        %select_n3A_410 = arith.select %lt3A_407, %broadcast_in_dim3A_409, %broadcast_in_dim3A_9 : vector<16xi1>, vector<16xi32>
        %lt3A_411 = arith.constant 0 : i32
        %lt3A_412 = vector.broadcast %lt3A_411 : i32 to vector<16xi32>
        %lt3A_413 = arith.cmpi slt, %get3A_93, %lt3A_412 : vector<16xi32>
        %jit3A_414 = arith.constant 1 : i32
        %broadcast_in_dim3A_415 = vector.broadcast %jit3A_414 : i32 to vector<16xi32>
        %select_n3A_416 = arith.select %lt3A_413, %broadcast_in_dim3A_415, %broadcast_in_dim3A_9 : vector<16xi1>, vector<16xi32>
        %lt3A_417 = arith.constant 0 : i32
        %lt3A_418 = vector.broadcast %lt3A_417 : i32 to vector<16xi32>
        %lt3A_419 = arith.cmpi slt, %get3A_101, %lt3A_418 : vector<16xi32>
        %jit3A_420 = arith.constant 1 : i32
        %broadcast_in_dim3A_421 = vector.broadcast %jit3A_420 : i32 to vector<16xi32>
        %select_n3A_422 = arith.select %lt3A_419, %broadcast_in_dim3A_421, %broadcast_in_dim3A_9 : vector<16xi1>, vector<16xi32>
        %lt3A_423 = arith.constant 0 : i32
        %lt3A_424 = vector.broadcast %lt3A_423 : i32 to vector<16xi32>
        %lt3A_425 = arith.cmpi slt, %get3A_109, %lt3A_424 : vector<16xi32>
        %jit3A_426 = arith.constant 1 : i32
        %broadcast_in_dim3A_427 = vector.broadcast %jit3A_426 : i32 to vector<16xi32>
        %select_n3A_428 = arith.select %lt3A_425, %broadcast_in_dim3A_427, %broadcast_in_dim3A_9 : vector<16xi1>, vector<16xi32>
        %lt3A_429 = arith.constant 0 : i32
        %lt3A_430 = vector.broadcast %lt3A_429 : i32 to vector<16xi32>
        %lt3A_431 = arith.cmpi slt, %get3A_117, %lt3A_430 : vector<16xi32>
        %jit3A_432 = arith.constant 1 : i32
        %broadcast_in_dim3A_433 = vector.broadcast %jit3A_432 : i32 to vector<16xi32>
        %select_n3A_434 = arith.select %lt3A_431, %broadcast_in_dim3A_433, %broadcast_in_dim3A_9 : vector<16xi1>, vector<16xi32>
        %lt3A_435 = arith.constant 0 : i32
        %lt3A_436 = vector.broadcast %lt3A_435 : i32 to vector<16xi32>
        %lt3A_437 = arith.cmpi slt, %get3A_125, %lt3A_436 : vector<16xi32>
        %jit3A_438 = arith.constant 1 : i32
        %broadcast_in_dim3A_439 = vector.broadcast %jit3A_438 : i32 to vector<16xi32>
        %select_n3A_440 = arith.select %lt3A_437, %broadcast_in_dim3A_439, %broadcast_in_dim3A_9 : vector<16xi1>, vector<16xi32>
        %lt3A_441 = arith.constant 0 : i32
        %lt3A_442 = vector.broadcast %lt3A_441 : i32 to vector<16xi32>
        %lt3A_443 = arith.cmpi slt, %get3A_133, %lt3A_442 : vector<16xi32>
        %jit3A_444 = arith.constant 1 : i32
        %broadcast_in_dim3A_445 = vector.broadcast %jit3A_444 : i32 to vector<16xi32>
        %select_n3A_446 = arith.select %lt3A_443, %broadcast_in_dim3A_445, %broadcast_in_dim3A_9 : vector<16xi1>, vector<16xi32>
        %lt3A_447 = arith.constant 0 : i32
        %lt3A_448 = vector.broadcast %lt3A_447 : i32 to vector<16xi32>
        %lt3A_449 = arith.cmpi slt, %get3A_141, %lt3A_448 : vector<16xi32>
        %jit3A_450 = arith.constant 1 : i32
        %broadcast_in_dim3A_451 = vector.broadcast %jit3A_450 : i32 to vector<16xi32>
        %select_n3A_452 = arith.select %lt3A_449, %broadcast_in_dim3A_451, %broadcast_in_dim3A_9 : vector<16xi1>, vector<16xi32>
        %lt3A_453 = arith.constant 0 : i32
        %lt3A_454 = vector.broadcast %lt3A_453 : i32 to vector<16xi32>
        %lt3A_455 = arith.cmpi slt, %get3A_149, %lt3A_454 : vector<16xi32>
        %jit3A_456 = arith.constant 1 : i32
        %broadcast_in_dim3A_457 = vector.broadcast %jit3A_456 : i32 to vector<16xi32>
        %select_n3A_458 = arith.select %lt3A_455, %broadcast_in_dim3A_457, %broadcast_in_dim3A_9 : vector<16xi1>, vector<16xi32>
        %lt3A_459 = arith.constant 0 : i32
        %lt3A_460 = vector.broadcast %lt3A_459 : i32 to vector<16xi32>
        %lt3A_461 = arith.cmpi slt, %get3A_157, %lt3A_460 : vector<16xi32>
        %jit3A_462 = arith.constant 1 : i32
        %broadcast_in_dim3A_463 = vector.broadcast %jit3A_462 : i32 to vector<16xi32>
        %select_n3A_464 = arith.select %lt3A_461, %broadcast_in_dim3A_463, %broadcast_in_dim3A_9 : vector<16xi1>, vector<16xi32>
        %lt3A_465 = arith.constant 0 : i32
        %lt3A_466 = vector.broadcast %lt3A_465 : i32 to vector<16xi32>
        %lt3A_467 = arith.cmpi slt, %get3A_165, %lt3A_466 : vector<16xi32>
        %jit3A_468 = arith.constant 1 : i32
        %broadcast_in_dim3A_469 = vector.broadcast %jit3A_468 : i32 to vector<16xi32>
        %select_n3A_470 = arith.select %lt3A_467, %broadcast_in_dim3A_469, %broadcast_in_dim3A_9 : vector<16xi1>, vector<16xi32>
        %lt3A_471 = arith.constant 0 : i32
        %lt3A_472 = vector.broadcast %lt3A_471 : i32 to vector<16xi32>
        %lt3A_473 = arith.cmpi slt, %get3A_173, %lt3A_472 : vector<16xi32>
        %jit3A_474 = arith.constant 1 : i32
        %broadcast_in_dim3A_475 = vector.broadcast %jit3A_474 : i32 to vector<16xi32>
        %select_n3A_476 = arith.select %lt3A_473, %broadcast_in_dim3A_475, %broadcast_in_dim3A_9 : vector<16xi1>, vector<16xi32>
        %lt3A_477 = arith.constant 0 : i32
        %lt3A_478 = vector.broadcast %lt3A_477 : i32 to vector<16xi32>
        %lt3A_479 = arith.cmpi slt, %get3A_181, %lt3A_478 : vector<16xi32>
        %jit3A_480 = arith.constant 1 : i32
        %broadcast_in_dim3A_481 = vector.broadcast %jit3A_480 : i32 to vector<16xi32>
        %select_n3A_482 = arith.select %lt3A_479, %broadcast_in_dim3A_481, %broadcast_in_dim3A_9 : vector<16xi1>, vector<16xi32>
        %lt3A_483 = arith.constant 0 : i32
        %lt3A_484 = vector.broadcast %lt3A_483 : i32 to vector<16xi32>
        %lt3A_485 = arith.cmpi slt, %get3A_189, %lt3A_484 : vector<16xi32>
        %jit3A_486 = arith.constant 1 : i32
        %broadcast_in_dim3A_487 = vector.broadcast %jit3A_486 : i32 to vector<16xi32>
        %select_n3A_488 = arith.select %lt3A_485, %broadcast_in_dim3A_487, %broadcast_in_dim3A_9 : vector<16xi1>, vector<16xi32>
        %or3A = arith.ori %mul3A_5, %and3A_304 : vector<16xi32>
        %or3A_489 = arith.ori %mul3A_5, %and3A_310 : vector<16xi32>
        %or3A_490 = arith.ori %mul3A_5, %and3A_316 : vector<16xi32>
        %or3A_491 = arith.ori %mul3A_5, %and3A_322 : vector<16xi32>
        %or3A_492 = arith.ori %mul3A_5, %and3A_328 : vector<16xi32>
        %or3A_493 = arith.ori %mul3A_5, %and3A_334 : vector<16xi32>
        %or3A_494 = arith.ori %mul3A_5, %and3A_340 : vector<16xi32>
        %or3A_495 = arith.ori %mul3A_5, %and3A_346 : vector<16xi32>
        %or3A_496 = arith.ori %mul3A_5, %and3A_352 : vector<16xi32>
        %or3A_497 = arith.ori %mul3A_5, %and3A_358 : vector<16xi32>
        %or3A_498 = arith.ori %mul3A_5, %and3A_364 : vector<16xi32>
        %or3A_499 = arith.ori %mul3A_5, %and3A_370 : vector<16xi32>
        %or3A_500 = arith.ori %mul3A_5, %and3A_376 : vector<16xi32>
        %or3A_501 = arith.ori %mul3A_5, %and3A_382 : vector<16xi32>
        %or3A_502 = arith.ori %mul3A_5, %and3A_388 : vector<16xi32>
        %or3A_503 = arith.ori %mul3A_5, %and3A_394 : vector<16xi32>
        tpu.vector_store_idx %arg7[%or3A], %select_n3A masked %eq3A {add = true} : memref<32768xi32, #tpu.memory_space<vmem>>[vector<16xi32>], vector<16xi32>, vector<16xi1>
        tpu.vector_store_idx %arg7[%or3A_489], %select_n3A_404 masked %eq3A_284 {add = true} : memref<32768xi32, #tpu.memory_space<vmem>>[vector<16xi32>], vector<16xi32>, vector<16xi1>
        tpu.vector_store_idx %arg7[%or3A_490], %select_n3A_410 masked %eq3A_285 {add = true} : memref<32768xi32, #tpu.memory_space<vmem>>[vector<16xi32>], vector<16xi32>, vector<16xi1>
        tpu.vector_store_idx %arg7[%or3A_491], %select_n3A_416 masked %eq3A_286 {add = true} : memref<32768xi32, #tpu.memory_space<vmem>>[vector<16xi32>], vector<16xi32>, vector<16xi1>
        tpu.vector_store_idx %arg7[%or3A_492], %select_n3A_422 masked %eq3A_287 {add = true} : memref<32768xi32, #tpu.memory_space<vmem>>[vector<16xi32>], vector<16xi32>, vector<16xi1>
        tpu.vector_store_idx %arg7[%or3A_493], %select_n3A_428 masked %eq3A_288 {add = true} : memref<32768xi32, #tpu.memory_space<vmem>>[vector<16xi32>], vector<16xi32>, vector<16xi1>
        tpu.vector_store_idx %arg7[%or3A_494], %select_n3A_434 masked %eq3A_289 {add = true} : memref<32768xi32, #tpu.memory_space<vmem>>[vector<16xi32>], vector<16xi32>, vector<16xi1>
        tpu.vector_store_idx %arg7[%or3A_495], %select_n3A_440 masked %eq3A_290 {add = true} : memref<32768xi32, #tpu.memory_space<vmem>>[vector<16xi32>], vector<16xi32>, vector<16xi1>
        tpu.vector_store_idx %arg7[%or3A_496], %select_n3A_446 masked %eq3A_291 {add = true} : memref<32768xi32, #tpu.memory_space<vmem>>[vector<16xi32>], vector<16xi32>, vector<16xi1>
        tpu.vector_store_idx %arg7[%or3A_497], %select_n3A_452 masked %eq3A_292 {add = true} : memref<32768xi32, #tpu.memory_space<vmem>>[vector<16xi32>], vector<16xi32>, vector<16xi1>
        tpu.vector_store_idx %arg7[%or3A_498], %select_n3A_458 masked %eq3A_293 {add = true} : memref<32768xi32, #tpu.memory_space<vmem>>[vector<16xi32>], vector<16xi32>, vector<16xi1>
        tpu.vector_store_idx %arg7[%or3A_499], %select_n3A_464 masked %eq3A_294 {add = true} : memref<32768xi32, #tpu.memory_space<vmem>>[vector<16xi32>], vector<16xi32>, vector<16xi1>
        tpu.vector_store_idx %arg7[%or3A_500], %select_n3A_470 masked %eq3A_295 {add = true} : memref<32768xi32, #tpu.memory_space<vmem>>[vector<16xi32>], vector<16xi32>, vector<16xi1>
        tpu.vector_store_idx %arg7[%or3A_501], %select_n3A_476 masked %eq3A_296 {add = true} : memref<32768xi32, #tpu.memory_space<vmem>>[vector<16xi32>], vector<16xi32>, vector<16xi1>
        tpu.vector_store_idx %arg7[%or3A_502], %select_n3A_482 masked %eq3A_297 {add = true} : memref<32768xi32, #tpu.memory_space<vmem>>[vector<16xi32>], vector<16xi32>, vector<16xi1>
        tpu.vector_store_idx %arg7[%or3A_503], %select_n3A_488 masked %eq3A_298 {add = true} : memref<32768xi32, #tpu.memory_space<vmem>>[vector<16xi32>], vector<16xi32>, vector<16xi1>
      }
      %scan3A_60 = arith.constant 64 : i32
    }
    %scan3A_23 = arith.constant 4 : i32
    %scan3A_24 = arith.constant 0 : i32
    %scan3A_25 = arith.constant 0 : i32
    %scan3A_26 = arith.constant 128 : i32
    %scan3A_27 = arith.addi %scan3A_25, %scan3A_26 : i32
    %scan3A_28 = arith.constant 1 : i32
    scf.for %scan3A_30 = %scan3A_25 to %scan3A_27 step %scan3A_28  : i32 {
      %mul3A_31 = arith.constant 16 : i32
      %mul3A_32 = arith.muli %scan3A_30, %mul3A_31 : i32
      %get3A_33 = arith.index_cast %mul3A_32 : i32 to index
      %get3A_34 = tpu.vector_load %arg7[%get3A_33] {strides = array<i32>} : memref<32768xi32, #tpu.memory_space<vmem>>, vector<16xi32>,
      %mul3A_35 = arith.constant 16 : i32
      %mul3A_36 = arith.muli %scan3A_30, %mul3A_35 : i32
      %add3A_37 = arith.constant 2048 : i32
      %add3A_38 = arith.addi %add3A_37, %mul3A_36 : i32
      %get3A_39 = arith.index_cast %add3A_38 : i32 to index
      %get3A_40 = tpu.vector_load %arg7[%get3A_39] {strides = array<i32>} : memref<32768xi32, #tpu.memory_space<vmem>>, vector<16xi32>,
      %add3A_41 = arith.addi %get3A_34, %get3A_40 : vector<16xi32>
      %mul3A_42 = arith.constant 16 : i32
      %mul3A_43 = arith.muli %scan3A_30, %mul3A_42 : i32
      %add3A_44 = arith.constant 4096 : i32
      %add3A_45 = arith.addi %add3A_44, %mul3A_43 : i32
      %get3A_46 = arith.index_cast %add3A_45 : i32 to index
      %get3A_47 = tpu.vector_load %arg7[%get3A_46] {strides = array<i32>} : memref<32768xi32, #tpu.memory_space<vmem>>, vector<16xi32>,
      %add3A_48 = arith.addi %add3A_41, %get3A_47 : vector<16xi32>
      %mul3A_49 = arith.constant 16 : i32
      %mul3A_50 = arith.muli %scan3A_30, %mul3A_49 : i32
      %add3A_51 = arith.constant 6144 : i32
      %add3A_52 = arith.addi %add3A_51, %mul3A_50 : i32
      %get3A_53 = arith.index_cast %add3A_52 : i32 to index
      %get3A_54 = tpu.vector_load %arg7[%get3A_53] {strides = array<i32>} : memref<32768xi32, #tpu.memory_space<vmem>>, vector<16xi32>,
      %add3A_55 = arith.addi %add3A_48, %get3A_54 : vector<16xi32>
      %mul3A_56 = arith.constant 16 : i32
      %mul3A_57 = arith.muli %scan3A_30, %mul3A_56 : i32
      %add3A_58 = arith.constant 8192 : i32
      %add3A_59 = arith.addi %add3A_58, %mul3A_57 : i32
      %get3A_60 = arith.index_cast %add3A_59 : i32 to index
      %get3A_61 = tpu.vector_load %arg7[%get3A_60] {strides = array<i32>} : memref<32768xi32, #tpu.memory_space<vmem>>, vector<16xi32>,
      %add3A_62 = arith.addi %add3A_55, %get3A_61 : vector<16xi32>
      %mul3A_63 = arith.constant 16 : i32
      %mul3A_64 = arith.muli %scan3A_30, %mul3A_63 : i32
      %add3A_65 = arith.constant 10240 : i32
      %add3A_66 = arith.addi %add3A_65, %mul3A_64 : i32
      %get3A_67 = arith.index_cast %add3A_66 : i32 to index
      %get3A_68 = tpu.vector_load %arg7[%get3A_67] {strides = array<i32>} : memref<32768xi32, #tpu.memory_space<vmem>>, vector<16xi32>,
      %add3A_69 = arith.addi %add3A_62, %get3A_68 : vector<16xi32>
      %mul3A_70 = arith.constant 16 : i32
      %mul3A_71 = arith.muli %scan3A_30, %mul3A_70 : i32
      %add3A_72 = arith.constant 12288 : i32
      %add3A_73 = arith.addi %add3A_72, %mul3A_71 : i32
      %get3A_74 = arith.index_cast %add3A_73 : i32 to index
      %get3A_75 = tpu.vector_load %arg7[%get3A_74] {strides = array<i32>} : memref<32768xi32, #tpu.memory_space<vmem>>, vector<16xi32>,
      %add3A_76 = arith.addi %add3A_69, %get3A_75 : vector<16xi32>
      %mul3A_77 = arith.constant 16 : i32
      %mul3A_78 = arith.muli %scan3A_30, %mul3A_77 : i32
      %add3A_79 = arith.constant 14336 : i32
      %add3A_80 = arith.addi %add3A_79, %mul3A_78 : i32
      %get3A_81 = arith.index_cast %add3A_80 : i32 to index
      %get3A_82 = tpu.vector_load %arg7[%get3A_81] {strides = array<i32>} : memref<32768xi32, #tpu.memory_space<vmem>>, vector<16xi32>,
      %add3A_83 = arith.addi %add3A_76, %get3A_82 : vector<16xi32>
      %mul3A_84 = arith.constant 16 : i32
      %mul3A_85 = arith.muli %scan3A_30, %mul3A_84 : i32
      %add3A_86 = arith.constant 16384 : i32
      %add3A_87 = arith.addi %add3A_86, %mul3A_85 : i32
      %get3A_88 = arith.index_cast %add3A_87 : i32 to index
      %get3A_89 = tpu.vector_load %arg7[%get3A_88] {strides = array<i32>} : memref<32768xi32, #tpu.memory_space<vmem>>, vector<16xi32>,
      %add3A_90 = arith.addi %add3A_83, %get3A_89 : vector<16xi32>
      %mul3A_91 = arith.constant 16 : i32
      %mul3A_92 = arith.muli %scan3A_30, %mul3A_91 : i32
      %add3A_93 = arith.constant 18432 : i32
      %add3A_94 = arith.addi %add3A_93, %mul3A_92 : i32
      %get3A_95 = arith.index_cast %add3A_94 : i32 to index
      %get3A_96 = tpu.vector_load %arg7[%get3A_95] {strides = array<i32>} : memref<32768xi32, #tpu.memory_space<vmem>>, vector<16xi32>,
      %add3A_97 = arith.addi %add3A_90, %get3A_96 : vector<16xi32>
      %mul3A_98 = arith.constant 16 : i32
      %mul3A_99 = arith.muli %scan3A_30, %mul3A_98 : i32
      %add3A_100 = arith.constant 20480 : i32
      %add3A_101 = arith.addi %add3A_100, %mul3A_99 : i32
      %get3A_102 = arith.index_cast %add3A_101 : i32 to index
      %get3A_103 = tpu.vector_load %arg7[%get3A_102] {strides = array<i32>} : memref<32768xi32, #tpu.memory_space<vmem>>, vector<16xi32>,
      %add3A_104 = arith.addi %add3A_97, %get3A_103 : vector<16xi32>
      %mul3A_105 = arith.constant 16 : i32
      %mul3A_106 = arith.muli %scan3A_30, %mul3A_105 : i32
      %add3A_107 = arith.constant 22528 : i32
      %add3A_108 = arith.addi %add3A_107, %mul3A_106 : i32
      %get3A_109 = arith.index_cast %add3A_108 : i32 to index
      %get3A_110 = tpu.vector_load %arg7[%get3A_109] {strides = array<i32>} : memref<32768xi32, #tpu.memory_space<vmem>>, vector<16xi32>,
      %add3A_111 = arith.addi %add3A_104, %get3A_110 : vector<16xi32>
      %mul3A_112 = arith.constant 16 : i32
      %mul3A_113 = arith.muli %scan3A_30, %mul3A_112 : i32
      %add3A_114 = arith.constant 24576 : i32
      %add3A_115 = arith.addi %add3A_114, %mul3A_113 : i32
      %get3A_116 = arith.index_cast %add3A_115 : i32 to index
      %get3A_117 = tpu.vector_load %arg7[%get3A_116] {strides = array<i32>} : memref<32768xi32, #tpu.memory_space<vmem>>, vector<16xi32>,
      %add3A_118 = arith.addi %add3A_111, %get3A_117 : vector<16xi32>
      %mul3A_119 = arith.constant 16 : i32
      %mul3A_120 = arith.muli %scan3A_30, %mul3A_119 : i32
      %add3A_121 = arith.constant 26624 : i32
      %add3A_122 = arith.addi %add3A_121, %mul3A_120 : i32
      %get3A_123 = arith.index_cast %add3A_122 : i32 to index
      %get3A_124 = tpu.vector_load %arg7[%get3A_123] {strides = array<i32>} : memref<32768xi32, #tpu.memory_space<vmem>>, vector<16xi32>,
      %add3A_125 = arith.addi %add3A_118, %get3A_124 : vector<16xi32>
      %mul3A_126 = arith.constant 16 : i32
      %mul3A_127 = arith.muli %scan3A_30, %mul3A_126 : i32
      %add3A_128 = arith.constant 28672 : i32
      %add3A_129 = arith.addi %add3A_128, %mul3A_127 : i32
      %get3A_130 = arith.index_cast %add3A_129 : i32 to index
      %get3A_131 = tpu.vector_load %arg7[%get3A_130] {strides = array<i32>} : memref<32768xi32, #tpu.memory_space<vmem>>, vector<16xi32>,
      %add3A_132 = arith.addi %add3A_125, %get3A_131 : vector<16xi32>
      %mul3A_133 = arith.constant 16 : i32
      %mul3A_134 = arith.muli %scan3A_30, %mul3A_133 : i32
      %add3A_135 = arith.constant 30720 : i32
      %add3A_136 = arith.addi %add3A_135, %mul3A_134 : i32
      %get3A_137 = arith.index_cast %add3A_136 : i32 to index
      %get3A_138 = tpu.vector_load %arg7[%get3A_137] {strides = array<i32>} : memref<32768xi32, #tpu.memory_space<vmem>>, vector<16xi32>,
      %add3A_139 = arith.addi %add3A_132, %get3A_138 : vector<16xi32>
      %mul3A_140 = arith.constant 16 : i32
      %mul3A_141 = arith.muli %scan3A_30, %mul3A_140 : i32
      %swap3A = arith.index_cast %mul3A_141 : i32 to index
      %swap3A_142 = tpu.vector_load %arg7[%swap3A] {strides = array<i32>} : memref<32768xi32, #tpu.memory_space<vmem>>, vector<16xi32>,
      tpu.vector_store %arg7[%swap3A], %add3A_139 {strides = array<i32>} : memref<32768xi32, #tpu.memory_space<vmem>>, vector<16xi32>,
    }
    %scan3A_29 = arith.constant 128 : i32
    "tpu.region"() ({
      %run_scoped3A = tpu.sem_alloc : memref<!tpu.dma_semaphore, #tpu.memory_space<semaphore_mem>>
      %dma_start3A_30 = arith.constant 0 : i32
      %dma_start3A_31 = tpu.memref_slice %arg7[%dma_start3A_30] : memref<32768xi32, #tpu.memory_space<vmem>> -> memref<2048xi32, #tpu.memory_space<vmem>>
      %dma_start3A_32 = arith.constant 0 : i32
      %dma_start3A_33 = tpu.memref_slice %arg4[%add3A, %dma_start3A_32] : memref<32x2048xi32, #tpu.memory_space<hbm>> -> memref<1x2048xi32, #tpu.memory_space<hbm>>
      %dma_start3A_34 = tpu.memref_squeeze %dma_start3A_33 : memref<1x2048xi32, #tpu.memory_space<hbm>> -> memref<2048xi32, #tpu.memory_space<hbm>>
      %dma_start3A_35 = arith.constant 0 : i32
      %dma_start3A_36 = tpu.memref_slice %arg4[%add3A, %dma_start3A_35] : memref<32x2048xi32, #tpu.memory_space<hbm>> -> memref<1x2048xi32, #tpu.memory_space<hbm>>
      %dma_start3A_37 = tpu.memref_squeeze %dma_start3A_36 : memref<1x2048xi32, #tpu.memory_space<hbm>> -> memref<2048xi32, #tpu.memory_space<hbm>>
      %dma_start3A_38 = arith.constant 0 : i32
      %dma_start3A_39 = tpu.memref_slice %arg7[%dma_start3A_38] : memref<32768xi32, #tpu.memory_space<vmem>> -> memref<2048xi32, #tpu.memory_space<vmem>>
      tpu.enqueue_dma source(%dma_start3A_39 : memref<2048xi32, #tpu.memory_space<vmem>>) target(%dma_start3A_37 : memref<2048xi32, #tpu.memory_space<hbm>>) target_semaphore(%run_scoped3A : memref<!tpu.dma_semaphore, #tpu.memory_space<semaphore_mem>>)
      %dma_wait3A = arith.constant 0 : i32
      %dma_wait3A_40 = tpu.memref_slice %arg7[%dma_wait3A] : memref<32768xi32, #tpu.memory_space<vmem>> -> memref<2048xi32, #tpu.memory_space<vmem>>
      %dma_wait3A_41 = arith.constant 0 : i32
      %dma_wait3A_42 = tpu.memref_slice %arg4[%add3A, %dma_wait3A_41] : memref<32x2048xi32, #tpu.memory_space<hbm>> -> memref<1x2048xi32, #tpu.memory_space<hbm>>
      %dma_wait3A_43 = tpu.memref_squeeze %dma_wait3A_42 : memref<1x2048xi32, #tpu.memory_space<hbm>> -> memref<2048xi32, #tpu.memory_space<hbm>>
      %dma_wait3A_44 = arith.constant 0 : i32
      %dma_wait3A_45 = tpu.memref_slice %arg4[%add3A, %dma_wait3A_44] : memref<32x2048xi32, #tpu.memory_space<hbm>> -> memref<1x2048xi32, #tpu.memory_space<hbm>>
      %dma_wait3A_46 = tpu.memref_squeeze %dma_wait3A_45 : memref<1x2048xi32, #tpu.memory_space<hbm>> -> memref<2048xi32, #tpu.memory_space<hbm>>
      %dma_wait3A_47 = arith.constant 0 : i32
      %dma_wait3A_48 = tpu.memref_slice %arg7[%dma_wait3A_47] : memref<32768xi32, #tpu.memory_space<vmem>> -> memref<2048xi32, #tpu.memory_space<vmem>>
      tpu.wait_dma2 semaphore(%run_scoped3A : memref<!tpu.dma_semaphore, #tpu.memory_space<semaphore_mem>>) src(%dma_wait3A_48 : memref<2048xi32, #tpu.memory_space<vmem>>) dst(%dma_wait3A_46 : memref<2048xi32, #tpu.memory_space<hbm>>)
      tpu.yield
    }) : () -> ()
    return
  }
}

#map = affine_map<(d0, d1) -> (0)>
#map1 = affine_map<(d0, d1) -> (0, 0)>
module attributes {stable_mosaic.version = 14 : i64} {
  func.func @body(%arg0: i32, %arg1: i32, %arg2: memref<4194304xi32, #tpu.memory_space<hbm>>, %arg3: memref<16xi32, #tpu.memory_space<hbm>>, %arg4: memref<32x1024xi32, #tpu.memory_space<hbm>>, %arg5: memref<16384xi32, #tpu.memory_space<vmem>>, %arg6: memref<16384xi32, #tpu.memory_space<vmem>>, %arg7: memref<16384xi32, #tpu.memory_space<vmem>>, %arg8: memref<16xi32, #tpu.memory_space<vmem>>, %arg9: memref<!tpu.dma_semaphore, #tpu.memory_space<semaphore_mem>>, %arg10: memref<!tpu.dma_semaphore, #tpu.memory_space<semaphore_mem>>) attributes {dimension_semantics = [#tpu.dimension_semantics<core_parallel>, #tpu.dimension_semantics<subcore_parallel>], iteration_bounds = array<i64: 2, 16>, scalar_prefetch = 0 : i64, scratch_operands = 6 : i64, tpu.core_type = #tpu.core_type<sc_vector_subcore>, window_params = [{transform_indices = #map}, {transform_indices = #map}, {transform_indices = #map1}]} {
    %mul3A = arith.constant 2 : i32
    %mul3A_0 = arith.muli %arg1, %mul3A : i32
    %add3A = arith.addi %mul3A_0, %arg0 : i32
    %mul3A_1 = arith.constant 131072 : i32
    %mul3A_2 = arith.muli %add3A, %mul3A_1 : i32
    %iota3A = tpu.iota {dimensions = array<i32: 0>} : vector<16xi32>
    %mul3A_3 = arith.constant 1024 : i32
    %mul3A_4 = vector.broadcast %mul3A_3 : i32 to vector<16xi32>
    %mul3A_5 = arith.muli %iota3A, %mul3A_4 : vector<16xi32>
    "tpu.region"() ({
      %run_scoped3A = tpu.sem_alloc : memref<!tpu.dma_semaphore, #tpu.memory_space<semaphore_mem>>
      tpu.enqueue_dma source(%arg3 : memref<16xi32, #tpu.memory_space<hbm>>) target(%arg8 : memref<16xi32, #tpu.memory_space<vmem>>) target_semaphore(%run_scoped3A : memref<!tpu.dma_semaphore, #tpu.memory_space<semaphore_mem>>)
      tpu.wait_dma2 semaphore(%run_scoped3A : memref<!tpu.dma_semaphore, #tpu.memory_space<semaphore_mem>>) src(%arg3 : memref<16xi32, #tpu.memory_space<hbm>>) dst(%arg8 : memref<16xi32, #tpu.memory_space<vmem>>)
      tpu.yield
    }) : () -> ()
    %get3A = arith.constant 0 : index
    %get3A_6 = tpu.vector_load %arg8[%get3A] {strides = array<i32>} : memref<16xi32, #tpu.memory_space<vmem>>, vector<16xi32>,
    %broadcast_in_dim3A = arith.constant 0 : i32
    %broadcast_in_dim3A_7 = vector.broadcast %broadcast_in_dim3A : i32 to vector<16xi32>
    %broadcast_in_dim3A_8 = arith.constant 20 : i32
    %broadcast_in_dim3A_9 = vector.broadcast %broadcast_in_dim3A_8 : i32 to vector<16xi32>
    %scan3A = arith.constant 0 : i32
    %scan3A_10 = arith.constant 0 : i32
    %scan3A_11 = arith.constant 128 : i32
    %scan3A_12 = arith.addi %scan3A_10, %scan3A_11 : i32
    %scan3A_13 = arith.constant 1 : i32
    scf.for %scan3A_30 = %scan3A_10 to %scan3A_12 step %scan3A_13  : i32 {
      %mul3A_31 = arith.constant 128 : i32
      %mul3A_32 = arith.muli %scan3A_30, %mul3A_31 : i32
      %add3A_33 = arith.constant 0 : i32
      %add3A_34 = arith.addi %mul3A_32, %add3A_33 : i32
      %swap3A = arith.index_cast %add3A_34 : i32 to index
      %swap3A_35 = tpu.vector_load %arg7[%swap3A] {strides = array<i32>} : memref<16384xi32, #tpu.memory_space<vmem>>, vector<16xi32>,
      tpu.vector_store %arg7[%swap3A], %broadcast_in_dim3A_7 {strides = array<i32>} : memref<16384xi32, #tpu.memory_space<vmem>>, vector<16xi32>,
      %mul3A_36 = arith.constant 128 : i32
      %mul3A_37 = arith.muli %scan3A_30, %mul3A_36 : i32
      %add3A_38 = arith.constant 16 : i32
      %add3A_39 = arith.addi %mul3A_37, %add3A_38 : i32
      %swap3A_40 = arith.index_cast %add3A_39 : i32 to index
      %swap3A_41 = tpu.vector_load %arg7[%swap3A_40] {strides = array<i32>} : memref<16384xi32, #tpu.memory_space<vmem>>, vector<16xi32>,
      tpu.vector_store %arg7[%swap3A_40], %broadcast_in_dim3A_7 {strides = array<i32>} : memref<16384xi32, #tpu.memory_space<vmem>>, vector<16xi32>,
      %mul3A_42 = arith.constant 128 : i32
      %mul3A_43 = arith.muli %scan3A_30, %mul3A_42 : i32
      %add3A_44 = arith.constant 32 : i32
      %add3A_45 = arith.addi %mul3A_43, %add3A_44 : i32
      %swap3A_46 = arith.index_cast %add3A_45 : i32 to index
      %swap3A_47 = tpu.vector_load %arg7[%swap3A_46] {strides = array<i32>} : memref<16384xi32, #tpu.memory_space<vmem>>, vector<16xi32>,
      tpu.vector_store %arg7[%swap3A_46], %broadcast_in_dim3A_7 {strides = array<i32>} : memref<16384xi32, #tpu.memory_space<vmem>>, vector<16xi32>,
      %mul3A_48 = arith.constant 128 : i32
      %mul3A_49 = arith.muli %scan3A_30, %mul3A_48 : i32
      %add3A_50 = arith.constant 48 : i32
      %add3A_51 = arith.addi %mul3A_49, %add3A_50 : i32
      %swap3A_52 = arith.index_cast %add3A_51 : i32 to index
      %swap3A_53 = tpu.vector_load %arg7[%swap3A_52] {strides = array<i32>} : memref<16384xi32, #tpu.memory_space<vmem>>, vector<16xi32>,
      tpu.vector_store %arg7[%swap3A_52], %broadcast_in_dim3A_7 {strides = array<i32>} : memref<16384xi32, #tpu.memory_space<vmem>>, vector<16xi32>,
      %mul3A_54 = arith.constant 128 : i32
      %mul3A_55 = arith.muli %scan3A_30, %mul3A_54 : i32
      %add3A_56 = arith.constant 64 : i32
      %add3A_57 = arith.addi %mul3A_55, %add3A_56 : i32
      %swap3A_58 = arith.index_cast %add3A_57 : i32 to index
      %swap3A_59 = tpu.vector_load %arg7[%swap3A_58] {strides = array<i32>} : memref<16384xi32, #tpu.memory_space<vmem>>, vector<16xi32>,
      tpu.vector_store %arg7[%swap3A_58], %broadcast_in_dim3A_7 {strides = array<i32>} : memref<16384xi32, #tpu.memory_space<vmem>>, vector<16xi32>,
      %mul3A_60 = arith.constant 128 : i32
      %mul3A_61 = arith.muli %scan3A_30, %mul3A_60 : i32
      %add3A_62 = arith.constant 80 : i32
      %add3A_63 = arith.addi %mul3A_61, %add3A_62 : i32
      %swap3A_64 = arith.index_cast %add3A_63 : i32 to index
      %swap3A_65 = tpu.vector_load %arg7[%swap3A_64] {strides = array<i32>} : memref<16384xi32, #tpu.memory_space<vmem>>, vector<16xi32>,
      tpu.vector_store %arg7[%swap3A_64], %broadcast_in_dim3A_7 {strides = array<i32>} : memref<16384xi32, #tpu.memory_space<vmem>>, vector<16xi32>,
      %mul3A_66 = arith.constant 128 : i32
      %mul3A_67 = arith.muli %scan3A_30, %mul3A_66 : i32
      %add3A_68 = arith.constant 96 : i32
      %add3A_69 = arith.addi %mul3A_67, %add3A_68 : i32
      %swap3A_70 = arith.index_cast %add3A_69 : i32 to index
      %swap3A_71 = tpu.vector_load %arg7[%swap3A_70] {strides = array<i32>} : memref<16384xi32, #tpu.memory_space<vmem>>, vector<16xi32>,
      tpu.vector_store %arg7[%swap3A_70], %broadcast_in_dim3A_7 {strides = array<i32>} : memref<16384xi32, #tpu.memory_space<vmem>>, vector<16xi32>,
      %mul3A_72 = arith.constant 128 : i32
      %mul3A_73 = arith.muli %scan3A_30, %mul3A_72 : i32
      %add3A_74 = arith.constant 112 : i32
      %add3A_75 = arith.addi %mul3A_73, %add3A_74 : i32
      %swap3A_76 = arith.index_cast %add3A_75 : i32 to index
      %swap3A_77 = tpu.vector_load %arg7[%swap3A_76] {strides = array<i32>} : memref<16384xi32, #tpu.memory_space<vmem>>, vector<16xi32>,
      tpu.vector_store %arg7[%swap3A_76], %broadcast_in_dim3A_7 {strides = array<i32>} : memref<16384xi32, #tpu.memory_space<vmem>>, vector<16xi32>,
    }
    %scan3A_14 = arith.constant 128 : i32
    %add3A_15 = arith.constant 0 : i32
    %add3A_16 = arith.addi %mul3A_2, %add3A_15 : i32
    %dma_start3A = tpu.memref_slice %arg2[%add3A_16] : memref<4194304xi32, #tpu.memory_space<hbm>> -> memref<16384xi32, #tpu.memory_space<hbm>>
    %dma_start3A_17 = tpu.memref_slice %arg2[%add3A_16] : memref<4194304xi32, #tpu.memory_space<hbm>> -> memref<16384xi32, #tpu.memory_space<hbm>>
    tpu.enqueue_dma source(%dma_start3A_17 : memref<16384xi32, #tpu.memory_space<hbm>>) target(%arg5 : memref<16384xi32, #tpu.memory_space<vmem>>) target_semaphore(%arg9 : memref<!tpu.dma_semaphore, #tpu.memory_space<semaphore_mem>>)
    %scan3A_18 = arith.constant 0 : i32
    %scan3A_19 = arith.constant 0 : i32
    %scan3A_20 = arith.constant 4 : i32
    %scan3A_21 = arith.addi %scan3A_19, %scan3A_20 : i32
    %scan3A_22 = arith.constant 1 : i32
    scf.for %scan3A_30 = %scan3A_19 to %scan3A_21 step %scan3A_22  : i32 {
      %mul3A_31 = arith.constant 2 : i32
      %mul3A_32 = arith.muli %mul3A_31, %scan3A_30 : i32
      %add3A_33 = arith.constant 1 : i32
      %add3A_34 = arith.addi %mul3A_32, %add3A_33 : i32
      %mul3A_35 = arith.constant 16384 : i32
      %mul3A_36 = arith.muli %add3A_34, %mul3A_35 : i32
      %add3A_37 = arith.addi %mul3A_2, %mul3A_36 : i32
      %dma_start3A_38 = tpu.memref_slice %arg2[%add3A_37] : memref<4194304xi32, #tpu.memory_space<hbm>> -> memref<16384xi32, #tpu.memory_space<hbm>>
      %dma_start3A_39 = tpu.memref_slice %arg2[%add3A_37] : memref<4194304xi32, #tpu.memory_space<hbm>> -> memref<16384xi32, #tpu.memory_space<hbm>>
      tpu.enqueue_dma source(%dma_start3A_39 : memref<16384xi32, #tpu.memory_space<hbm>>) target(%arg6 : memref<16384xi32, #tpu.memory_space<vmem>>) target_semaphore(%arg10 : memref<!tpu.dma_semaphore, #tpu.memory_space<semaphore_mem>>)
      %dma_wait3A = arith.constant 0 : i32
      %dma_wait3A_40 = tpu.memref_slice %arg2[%dma_wait3A] : memref<4194304xi32, #tpu.memory_space<hbm>> -> memref<16384xi32, #tpu.memory_space<hbm>>
      %dma_wait3A_41 = arith.constant 0 : i32
      %dma_wait3A_42 = tpu.memref_slice %arg2[%dma_wait3A_41] : memref<4194304xi32, #tpu.memory_space<hbm>> -> memref<16384xi32, #tpu.memory_space<hbm>>
      tpu.wait_dma2 semaphore(%arg9 : memref<!tpu.dma_semaphore, #tpu.memory_space<semaphore_mem>>) src(%dma_wait3A_42 : memref<16384xi32, #tpu.memory_space<hbm>>) dst(%arg5 : memref<16384xi32, #tpu.memory_space<vmem>>)
      %scan3A_43 = arith.constant 0 : i32
      %scan3A_44 = arith.constant 0 : i32
      %scan3A_45 = arith.constant 64 : i32
      %scan3A_46 = arith.addi %scan3A_44, %scan3A_45 : i32
      %scan3A_47 = arith.constant 1 : i32
      scf.for %scan3A_61 = %scan3A_44 to %scan3A_46 step %scan3A_47  : i32 {
        %mul3A_62 = arith.constant 16 : i32
        %mul3A_63 = arith.muli %scan3A_61, %mul3A_62 : i32
        %add3A_64 = arith.constant 0 : i32
        %add3A_65 = arith.addi %mul3A_63, %add3A_64 : i32
        %mul3A_66 = arith.constant 16 : i32
        %mul3A_67 = arith.muli %add3A_65, %mul3A_66 : i32
        %get3A_68 = arith.index_cast %mul3A_67 : i32 to index
        %get3A_69 = tpu.vector_load %arg5[%get3A_68] {strides = array<i32>} : memref<16384xi32, #tpu.memory_space<vmem>>, vector<16xi32>,
        %mul3A_70 = arith.constant 16 : i32
        %mul3A_71 = arith.muli %scan3A_61, %mul3A_70 : i32
        %add3A_72 = arith.constant 1 : i32
        %add3A_73 = arith.addi %mul3A_71, %add3A_72 : i32
        %mul3A_74 = arith.constant 16 : i32
        %mul3A_75 = arith.muli %add3A_73, %mul3A_74 : i32
        %get3A_76 = arith.index_cast %mul3A_75 : i32 to index
        %get3A_77 = tpu.vector_load %arg5[%get3A_76] {strides = array<i32>} : memref<16384xi32, #tpu.memory_space<vmem>>, vector<16xi32>,
        %mul3A_78 = arith.constant 16 : i32
        %mul3A_79 = arith.muli %scan3A_61, %mul3A_78 : i32
        %add3A_80 = arith.constant 2 : i32
        %add3A_81 = arith.addi %mul3A_79, %add3A_80 : i32
        %mul3A_82 = arith.constant 16 : i32
        %mul3A_83 = arith.muli %add3A_81, %mul3A_82 : i32
        %get3A_84 = arith.index_cast %mul3A_83 : i32 to index
        %get3A_85 = tpu.vector_load %arg5[%get3A_84] {strides = array<i32>} : memref<16384xi32, #tpu.memory_space<vmem>>, vector<16xi32>,
        %mul3A_86 = arith.constant 16 : i32
        %mul3A_87 = arith.muli %scan3A_61, %mul3A_86 : i32
        %add3A_88 = arith.constant 3 : i32
        %add3A_89 = arith.addi %mul3A_87, %add3A_88 : i32
        %mul3A_90 = arith.constant 16 : i32
        %mul3A_91 = arith.muli %add3A_89, %mul3A_90 : i32
        %get3A_92 = arith.index_cast %mul3A_91 : i32 to index
        %get3A_93 = tpu.vector_load %arg5[%get3A_92] {strides = array<i32>} : memref<16384xi32, #tpu.memory_space<vmem>>, vector<16xi32>,
        %mul3A_94 = arith.constant 16 : i32
        %mul3A_95 = arith.muli %scan3A_61, %mul3A_94 : i32
        %add3A_96 = arith.constant 4 : i32
        %add3A_97 = arith.addi %mul3A_95, %add3A_96 : i32
        %mul3A_98 = arith.constant 16 : i32
        %mul3A_99 = arith.muli %add3A_97, %mul3A_98 : i32
        %get3A_100 = arith.index_cast %mul3A_99 : i32 to index
        %get3A_101 = tpu.vector_load %arg5[%get3A_100] {strides = array<i32>} : memref<16384xi32, #tpu.memory_space<vmem>>, vector<16xi32>,
        %mul3A_102 = arith.constant 16 : i32
        %mul3A_103 = arith.muli %scan3A_61, %mul3A_102 : i32
        %add3A_104 = arith.constant 5 : i32
        %add3A_105 = arith.addi %mul3A_103, %add3A_104 : i32
        %mul3A_106 = arith.constant 16 : i32
        %mul3A_107 = arith.muli %add3A_105, %mul3A_106 : i32
        %get3A_108 = arith.index_cast %mul3A_107 : i32 to index
        %get3A_109 = tpu.vector_load %arg5[%get3A_108] {strides = array<i32>} : memref<16384xi32, #tpu.memory_space<vmem>>, vector<16xi32>,
        %mul3A_110 = arith.constant 16 : i32
        %mul3A_111 = arith.muli %scan3A_61, %mul3A_110 : i32
        %add3A_112 = arith.constant 6 : i32
        %add3A_113 = arith.addi %mul3A_111, %add3A_112 : i32
        %mul3A_114 = arith.constant 16 : i32
        %mul3A_115 = arith.muli %add3A_113, %mul3A_114 : i32
        %get3A_116 = arith.index_cast %mul3A_115 : i32 to index
        %get3A_117 = tpu.vector_load %arg5[%get3A_116] {strides = array<i32>} : memref<16384xi32, #tpu.memory_space<vmem>>, vector<16xi32>,
        %mul3A_118 = arith.constant 16 : i32
        %mul3A_119 = arith.muli %scan3A_61, %mul3A_118 : i32
        %add3A_120 = arith.constant 7 : i32
        %add3A_121 = arith.addi %mul3A_119, %add3A_120 : i32
        %mul3A_122 = arith.constant 16 : i32
        %mul3A_123 = arith.muli %add3A_121, %mul3A_122 : i32
        %get3A_124 = arith.index_cast %mul3A_123 : i32 to index
        %get3A_125 = tpu.vector_load %arg5[%get3A_124] {strides = array<i32>} : memref<16384xi32, #tpu.memory_space<vmem>>, vector<16xi32>,
        %mul3A_126 = arith.constant 16 : i32
        %mul3A_127 = arith.muli %scan3A_61, %mul3A_126 : i32
        %add3A_128 = arith.constant 8 : i32
        %add3A_129 = arith.addi %mul3A_127, %add3A_128 : i32
        %mul3A_130 = arith.constant 16 : i32
        %mul3A_131 = arith.muli %add3A_129, %mul3A_130 : i32
        %get3A_132 = arith.index_cast %mul3A_131 : i32 to index
        %get3A_133 = tpu.vector_load %arg5[%get3A_132] {strides = array<i32>} : memref<16384xi32, #tpu.memory_space<vmem>>, vector<16xi32>,
        %mul3A_134 = arith.constant 16 : i32
        %mul3A_135 = arith.muli %scan3A_61, %mul3A_134 : i32
        %add3A_136 = arith.constant 9 : i32
        %add3A_137 = arith.addi %mul3A_135, %add3A_136 : i32
        %mul3A_138 = arith.constant 16 : i32
        %mul3A_139 = arith.muli %add3A_137, %mul3A_138 : i32
        %get3A_140 = arith.index_cast %mul3A_139 : i32 to index
        %get3A_141 = tpu.vector_load %arg5[%get3A_140] {strides = array<i32>} : memref<16384xi32, #tpu.memory_space<vmem>>, vector<16xi32>,
        %mul3A_142 = arith.constant 16 : i32
        %mul3A_143 = arith.muli %scan3A_61, %mul3A_142 : i32
        %add3A_144 = arith.constant 10 : i32
        %add3A_145 = arith.addi %mul3A_143, %add3A_144 : i32
        %mul3A_146 = arith.constant 16 : i32
        %mul3A_147 = arith.muli %add3A_145, %mul3A_146 : i32
        %get3A_148 = arith.index_cast %mul3A_147 : i32 to index
        %get3A_149 = tpu.vector_load %arg5[%get3A_148] {strides = array<i32>} : memref<16384xi32, #tpu.memory_space<vmem>>, vector<16xi32>,
        %mul3A_150 = arith.constant 16 : i32
        %mul3A_151 = arith.muli %scan3A_61, %mul3A_150 : i32
        %add3A_152 = arith.constant 11 : i32
        %add3A_153 = arith.addi %mul3A_151, %add3A_152 : i32
        %mul3A_154 = arith.constant 16 : i32
        %mul3A_155 = arith.muli %add3A_153, %mul3A_154 : i32
        %get3A_156 = arith.index_cast %mul3A_155 : i32 to index
        %get3A_157 = tpu.vector_load %arg5[%get3A_156] {strides = array<i32>} : memref<16384xi32, #tpu.memory_space<vmem>>, vector<16xi32>,
        %mul3A_158 = arith.constant 16 : i32
        %mul3A_159 = arith.muli %scan3A_61, %mul3A_158 : i32
        %add3A_160 = arith.constant 12 : i32
        %add3A_161 = arith.addi %mul3A_159, %add3A_160 : i32
        %mul3A_162 = arith.constant 16 : i32
        %mul3A_163 = arith.muli %add3A_161, %mul3A_162 : i32
        %get3A_164 = arith.index_cast %mul3A_163 : i32 to index
        %get3A_165 = tpu.vector_load %arg5[%get3A_164] {strides = array<i32>} : memref<16384xi32, #tpu.memory_space<vmem>>, vector<16xi32>,
        %mul3A_166 = arith.constant 16 : i32
        %mul3A_167 = arith.muli %scan3A_61, %mul3A_166 : i32
        %add3A_168 = arith.constant 13 : i32
        %add3A_169 = arith.addi %mul3A_167, %add3A_168 : i32
        %mul3A_170 = arith.constant 16 : i32
        %mul3A_171 = arith.muli %add3A_169, %mul3A_170 : i32
        %get3A_172 = arith.index_cast %mul3A_171 : i32 to index
        %get3A_173 = tpu.vector_load %arg5[%get3A_172] {strides = array<i32>} : memref<16384xi32, #tpu.memory_space<vmem>>, vector<16xi32>,
        %mul3A_174 = arith.constant 16 : i32
        %mul3A_175 = arith.muli %scan3A_61, %mul3A_174 : i32
        %add3A_176 = arith.constant 14 : i32
        %add3A_177 = arith.addi %mul3A_175, %add3A_176 : i32
        %mul3A_178 = arith.constant 16 : i32
        %mul3A_179 = arith.muli %add3A_177, %mul3A_178 : i32
        %get3A_180 = arith.index_cast %mul3A_179 : i32 to index
        %get3A_181 = tpu.vector_load %arg5[%get3A_180] {strides = array<i32>} : memref<16384xi32, #tpu.memory_space<vmem>>, vector<16xi32>,
        %mul3A_182 = arith.constant 16 : i32
        %mul3A_183 = arith.muli %scan3A_61, %mul3A_182 : i32
        %add3A_184 = arith.constant 15 : i32
        %add3A_185 = arith.addi %mul3A_183, %add3A_184 : i32
        %mul3A_186 = arith.constant 16 : i32
        %mul3A_187 = arith.muli %add3A_185, %mul3A_186 : i32
        %get3A_188 = arith.index_cast %mul3A_187 : i32 to index
        %get3A_189 = tpu.vector_load %arg5[%get3A_188] {strides = array<i32>} : memref<16384xi32, #tpu.memory_space<vmem>>, vector<16xi32>,
        %shift_right_logical3A = arith.constant 10 : i32
        %shift_right_logical3A_190 = vector.broadcast %shift_right_logical3A : i32 to vector<16xi32>
        %shift_right_logical3A_191 = arith.shrui %get3A_69, %shift_right_logical3A_190 : vector<16xi32>
        %and3A = arith.constant 2097151 : i32
        %and3A_192 = vector.broadcast %and3A : i32 to vector<16xi32>
        %and3A_193 = arith.andi %shift_right_logical3A_191, %and3A_192 : vector<16xi32>
        %shift_right_logical3A_194 = arith.constant 10 : i32
        %shift_right_logical3A_195 = vector.broadcast %shift_right_logical3A_194 : i32 to vector<16xi32>
        %shift_right_logical3A_196 = arith.shrui %get3A_77, %shift_right_logical3A_195 : vector<16xi32>
        %and3A_197 = arith.constant 2097151 : i32
        %and3A_198 = vector.broadcast %and3A_197 : i32 to vector<16xi32>
        %and3A_199 = arith.andi %shift_right_logical3A_196, %and3A_198 : vector<16xi32>
        %shift_right_logical3A_200 = arith.constant 10 : i32
        %shift_right_logical3A_201 = vector.broadcast %shift_right_logical3A_200 : i32 to vector<16xi32>
        %shift_right_logical3A_202 = arith.shrui %get3A_85, %shift_right_logical3A_201 : vector<16xi32>
        %and3A_203 = arith.constant 2097151 : i32
        %and3A_204 = vector.broadcast %and3A_203 : i32 to vector<16xi32>
        %and3A_205 = arith.andi %shift_right_logical3A_202, %and3A_204 : vector<16xi32>
        %shift_right_logical3A_206 = arith.constant 10 : i32
        %shift_right_logical3A_207 = vector.broadcast %shift_right_logical3A_206 : i32 to vector<16xi32>
        %shift_right_logical3A_208 = arith.shrui %get3A_93, %shift_right_logical3A_207 : vector<16xi32>
        %and3A_209 = arith.constant 2097151 : i32
        %and3A_210 = vector.broadcast %and3A_209 : i32 to vector<16xi32>
        %and3A_211 = arith.andi %shift_right_logical3A_208, %and3A_210 : vector<16xi32>
        %shift_right_logical3A_212 = arith.constant 10 : i32
        %shift_right_logical3A_213 = vector.broadcast %shift_right_logical3A_212 : i32 to vector<16xi32>
        %shift_right_logical3A_214 = arith.shrui %get3A_101, %shift_right_logical3A_213 : vector<16xi32>
        %and3A_215 = arith.constant 2097151 : i32
        %and3A_216 = vector.broadcast %and3A_215 : i32 to vector<16xi32>
        %and3A_217 = arith.andi %shift_right_logical3A_214, %and3A_216 : vector<16xi32>
        %shift_right_logical3A_218 = arith.constant 10 : i32
        %shift_right_logical3A_219 = vector.broadcast %shift_right_logical3A_218 : i32 to vector<16xi32>
        %shift_right_logical3A_220 = arith.shrui %get3A_109, %shift_right_logical3A_219 : vector<16xi32>
        %and3A_221 = arith.constant 2097151 : i32
        %and3A_222 = vector.broadcast %and3A_221 : i32 to vector<16xi32>
        %and3A_223 = arith.andi %shift_right_logical3A_220, %and3A_222 : vector<16xi32>
        %shift_right_logical3A_224 = arith.constant 10 : i32
        %shift_right_logical3A_225 = vector.broadcast %shift_right_logical3A_224 : i32 to vector<16xi32>
        %shift_right_logical3A_226 = arith.shrui %get3A_117, %shift_right_logical3A_225 : vector<16xi32>
        %and3A_227 = arith.constant 2097151 : i32
        %and3A_228 = vector.broadcast %and3A_227 : i32 to vector<16xi32>
        %and3A_229 = arith.andi %shift_right_logical3A_226, %and3A_228 : vector<16xi32>
        %shift_right_logical3A_230 = arith.constant 10 : i32
        %shift_right_logical3A_231 = vector.broadcast %shift_right_logical3A_230 : i32 to vector<16xi32>
        %shift_right_logical3A_232 = arith.shrui %get3A_125, %shift_right_logical3A_231 : vector<16xi32>
        %and3A_233 = arith.constant 2097151 : i32
        %and3A_234 = vector.broadcast %and3A_233 : i32 to vector<16xi32>
        %and3A_235 = arith.andi %shift_right_logical3A_232, %and3A_234 : vector<16xi32>
        %shift_right_logical3A_236 = arith.constant 10 : i32
        %shift_right_logical3A_237 = vector.broadcast %shift_right_logical3A_236 : i32 to vector<16xi32>
        %shift_right_logical3A_238 = arith.shrui %get3A_133, %shift_right_logical3A_237 : vector<16xi32>
        %and3A_239 = arith.constant 2097151 : i32
        %and3A_240 = vector.broadcast %and3A_239 : i32 to vector<16xi32>
        %and3A_241 = arith.andi %shift_right_logical3A_238, %and3A_240 : vector<16xi32>
        %shift_right_logical3A_242 = arith.constant 10 : i32
        %shift_right_logical3A_243 = vector.broadcast %shift_right_logical3A_242 : i32 to vector<16xi32>
        %shift_right_logical3A_244 = arith.shrui %get3A_141, %shift_right_logical3A_243 : vector<16xi32>
        %and3A_245 = arith.constant 2097151 : i32
        %and3A_246 = vector.broadcast %and3A_245 : i32 to vector<16xi32>
        %and3A_247 = arith.andi %shift_right_logical3A_244, %and3A_246 : vector<16xi32>
        %shift_right_logical3A_248 = arith.constant 10 : i32
        %shift_right_logical3A_249 = vector.broadcast %shift_right_logical3A_248 : i32 to vector<16xi32>
        %shift_right_logical3A_250 = arith.shrui %get3A_149, %shift_right_logical3A_249 : vector<16xi32>
        %and3A_251 = arith.constant 2097151 : i32
        %and3A_252 = vector.broadcast %and3A_251 : i32 to vector<16xi32>
        %and3A_253 = arith.andi %shift_right_logical3A_250, %and3A_252 : vector<16xi32>
        %shift_right_logical3A_254 = arith.constant 10 : i32
        %shift_right_logical3A_255 = vector.broadcast %shift_right_logical3A_254 : i32 to vector<16xi32>
        %shift_right_logical3A_256 = arith.shrui %get3A_157, %shift_right_logical3A_255 : vector<16xi32>
        %and3A_257 = arith.constant 2097151 : i32
        %and3A_258 = vector.broadcast %and3A_257 : i32 to vector<16xi32>
        %and3A_259 = arith.andi %shift_right_logical3A_256, %and3A_258 : vector<16xi32>
        %shift_right_logical3A_260 = arith.constant 10 : i32
        %shift_right_logical3A_261 = vector.broadcast %shift_right_logical3A_260 : i32 to vector<16xi32>
        %shift_right_logical3A_262 = arith.shrui %get3A_165, %shift_right_logical3A_261 : vector<16xi32>
        %and3A_263 = arith.constant 2097151 : i32
        %and3A_264 = vector.broadcast %and3A_263 : i32 to vector<16xi32>
        %and3A_265 = arith.andi %shift_right_logical3A_262, %and3A_264 : vector<16xi32>
        %shift_right_logical3A_266 = arith.constant 10 : i32
        %shift_right_logical3A_267 = vector.broadcast %shift_right_logical3A_266 : i32 to vector<16xi32>
        %shift_right_logical3A_268 = arith.shrui %get3A_173, %shift_right_logical3A_267 : vector<16xi32>
        %and3A_269 = arith.constant 2097151 : i32
        %and3A_270 = vector.broadcast %and3A_269 : i32 to vector<16xi32>
        %and3A_271 = arith.andi %shift_right_logical3A_268, %and3A_270 : vector<16xi32>
        %shift_right_logical3A_272 = arith.constant 10 : i32
        %shift_right_logical3A_273 = vector.broadcast %shift_right_logical3A_272 : i32 to vector<16xi32>
        %shift_right_logical3A_274 = arith.shrui %get3A_181, %shift_right_logical3A_273 : vector<16xi32>
        %and3A_275 = arith.constant 2097151 : i32
        %and3A_276 = vector.broadcast %and3A_275 : i32 to vector<16xi32>
        %and3A_277 = arith.andi %shift_right_logical3A_274, %and3A_276 : vector<16xi32>
        %shift_right_logical3A_278 = arith.constant 10 : i32
        %shift_right_logical3A_279 = vector.broadcast %shift_right_logical3A_278 : i32 to vector<16xi32>
        %shift_right_logical3A_280 = arith.shrui %get3A_189, %shift_right_logical3A_279 : vector<16xi32>
        %and3A_281 = arith.constant 2097151 : i32
        %and3A_282 = vector.broadcast %and3A_281 : i32 to vector<16xi32>
        %and3A_283 = arith.andi %shift_right_logical3A_280, %and3A_282 : vector<16xi32>
        %eq3A = arith.cmpi eq, %and3A_193, %get3A_6 : vector<16xi32>
        %eq3A_284 = arith.cmpi eq, %and3A_199, %get3A_6 : vector<16xi32>
        %eq3A_285 = arith.cmpi eq, %and3A_205, %get3A_6 : vector<16xi32>
        %eq3A_286 = arith.cmpi eq, %and3A_211, %get3A_6 : vector<16xi32>
        %eq3A_287 = arith.cmpi eq, %and3A_217, %get3A_6 : vector<16xi32>
        %eq3A_288 = arith.cmpi eq, %and3A_223, %get3A_6 : vector<16xi32>
        %eq3A_289 = arith.cmpi eq, %and3A_229, %get3A_6 : vector<16xi32>
        %eq3A_290 = arith.cmpi eq, %and3A_235, %get3A_6 : vector<16xi32>
        %eq3A_291 = arith.cmpi eq, %and3A_241, %get3A_6 : vector<16xi32>
        %eq3A_292 = arith.cmpi eq, %and3A_247, %get3A_6 : vector<16xi32>
        %eq3A_293 = arith.cmpi eq, %and3A_253, %get3A_6 : vector<16xi32>
        %eq3A_294 = arith.cmpi eq, %and3A_259, %get3A_6 : vector<16xi32>
        %eq3A_295 = arith.cmpi eq, %and3A_265, %get3A_6 : vector<16xi32>
        %eq3A_296 = arith.cmpi eq, %and3A_271, %get3A_6 : vector<16xi32>
        %eq3A_297 = arith.cmpi eq, %and3A_277, %get3A_6 : vector<16xi32>
        %eq3A_298 = arith.cmpi eq, %and3A_283, %get3A_6 : vector<16xi32>
        %and3A_299 = arith.constant 1023 : i32
        %and3A_300 = vector.broadcast %and3A_299 : i32 to vector<16xi32>
        %and3A_301 = arith.andi %get3A_69, %and3A_300 : vector<16xi32>
        %and3A_302 = arith.constant 1023 : i32
        %and3A_303 = vector.broadcast %and3A_302 : i32 to vector<16xi32>
        %and3A_304 = arith.andi %get3A_77, %and3A_303 : vector<16xi32>
        %and3A_305 = arith.constant 1023 : i32
        %and3A_306 = vector.broadcast %and3A_305 : i32 to vector<16xi32>
        %and3A_307 = arith.andi %get3A_85, %and3A_306 : vector<16xi32>
        %and3A_308 = arith.constant 1023 : i32
        %and3A_309 = vector.broadcast %and3A_308 : i32 to vector<16xi32>
        %and3A_310 = arith.andi %get3A_93, %and3A_309 : vector<16xi32>
        %and3A_311 = arith.constant 1023 : i32
        %and3A_312 = vector.broadcast %and3A_311 : i32 to vector<16xi32>
        %and3A_313 = arith.andi %get3A_101, %and3A_312 : vector<16xi32>
        %and3A_314 = arith.constant 1023 : i32
        %and3A_315 = vector.broadcast %and3A_314 : i32 to vector<16xi32>
        %and3A_316 = arith.andi %get3A_109, %and3A_315 : vector<16xi32>
        %and3A_317 = arith.constant 1023 : i32
        %and3A_318 = vector.broadcast %and3A_317 : i32 to vector<16xi32>
        %and3A_319 = arith.andi %get3A_117, %and3A_318 : vector<16xi32>
        %and3A_320 = arith.constant 1023 : i32
        %and3A_321 = vector.broadcast %and3A_320 : i32 to vector<16xi32>
        %and3A_322 = arith.andi %get3A_125, %and3A_321 : vector<16xi32>
        %and3A_323 = arith.constant 1023 : i32
        %and3A_324 = vector.broadcast %and3A_323 : i32 to vector<16xi32>
        %and3A_325 = arith.andi %get3A_133, %and3A_324 : vector<16xi32>
        %and3A_326 = arith.constant 1023 : i32
        %and3A_327 = vector.broadcast %and3A_326 : i32 to vector<16xi32>
        %and3A_328 = arith.andi %get3A_141, %and3A_327 : vector<16xi32>
        %and3A_329 = arith.constant 1023 : i32
        %and3A_330 = vector.broadcast %and3A_329 : i32 to vector<16xi32>
        %and3A_331 = arith.andi %get3A_149, %and3A_330 : vector<16xi32>
        %and3A_332 = arith.constant 1023 : i32
        %and3A_333 = vector.broadcast %and3A_332 : i32 to vector<16xi32>
        %and3A_334 = arith.andi %get3A_157, %and3A_333 : vector<16xi32>
        %and3A_335 = arith.constant 1023 : i32
        %and3A_336 = vector.broadcast %and3A_335 : i32 to vector<16xi32>
        %and3A_337 = arith.andi %get3A_165, %and3A_336 : vector<16xi32>
        %and3A_338 = arith.constant 1023 : i32
        %and3A_339 = vector.broadcast %and3A_338 : i32 to vector<16xi32>
        %and3A_340 = arith.andi %get3A_173, %and3A_339 : vector<16xi32>
        %and3A_341 = arith.constant 1023 : i32
        %and3A_342 = vector.broadcast %and3A_341 : i32 to vector<16xi32>
        %and3A_343 = arith.andi %get3A_181, %and3A_342 : vector<16xi32>
        %and3A_344 = arith.constant 1023 : i32
        %and3A_345 = vector.broadcast %and3A_344 : i32 to vector<16xi32>
        %and3A_346 = arith.andi %get3A_189, %and3A_345 : vector<16xi32>
        %lt3A_347 = arith.constant 0 : i32
        %lt3A_348 = vector.broadcast %lt3A_347 : i32 to vector<16xi32>
        %lt3A_349 = arith.cmpi slt, %get3A_69, %lt3A_348 : vector<16xi32>
        %jit3A = arith.constant 1 : i32
        %broadcast_in_dim3A_350 = vector.broadcast %jit3A : i32 to vector<16xi32>
        %select_n3A = arith.select %lt3A_349, %broadcast_in_dim3A_350, %broadcast_in_dim3A_9 : vector<16xi1>, vector<16xi32>
        %lt3A_351 = arith.constant 0 : i32
        %lt3A_352 = vector.broadcast %lt3A_351 : i32 to vector<16xi32>
        %lt3A_353 = arith.cmpi slt, %get3A_77, %lt3A_352 : vector<16xi32>
        %jit3A_354 = arith.constant 1 : i32
        %broadcast_in_dim3A_355 = vector.broadcast %jit3A_354 : i32 to vector<16xi32>
        %select_n3A_356 = arith.select %lt3A_353, %broadcast_in_dim3A_355, %broadcast_in_dim3A_9 : vector<16xi1>, vector<16xi32>
        %lt3A_357 = arith.constant 0 : i32
        %lt3A_358 = vector.broadcast %lt3A_357 : i32 to vector<16xi32>
        %lt3A_359 = arith.cmpi slt, %get3A_85, %lt3A_358 : vector<16xi32>
        %jit3A_360 = arith.constant 1 : i32
        %broadcast_in_dim3A_361 = vector.broadcast %jit3A_360 : i32 to vector<16xi32>
        %select_n3A_362 = arith.select %lt3A_359, %broadcast_in_dim3A_361, %broadcast_in_dim3A_9 : vector<16xi1>, vector<16xi32>
        %lt3A_363 = arith.constant 0 : i32
        %lt3A_364 = vector.broadcast %lt3A_363 : i32 to vector<16xi32>
        %lt3A_365 = arith.cmpi slt, %get3A_93, %lt3A_364 : vector<16xi32>
        %jit3A_366 = arith.constant 1 : i32
        %broadcast_in_dim3A_367 = vector.broadcast %jit3A_366 : i32 to vector<16xi32>
        %select_n3A_368 = arith.select %lt3A_365, %broadcast_in_dim3A_367, %broadcast_in_dim3A_9 : vector<16xi1>, vector<16xi32>
        %lt3A_369 = arith.constant 0 : i32
        %lt3A_370 = vector.broadcast %lt3A_369 : i32 to vector<16xi32>
        %lt3A_371 = arith.cmpi slt, %get3A_101, %lt3A_370 : vector<16xi32>
        %jit3A_372 = arith.constant 1 : i32
        %broadcast_in_dim3A_373 = vector.broadcast %jit3A_372 : i32 to vector<16xi32>
        %select_n3A_374 = arith.select %lt3A_371, %broadcast_in_dim3A_373, %broadcast_in_dim3A_9 : vector<16xi1>, vector<16xi32>
        %lt3A_375 = arith.constant 0 : i32
        %lt3A_376 = vector.broadcast %lt3A_375 : i32 to vector<16xi32>
        %lt3A_377 = arith.cmpi slt, %get3A_109, %lt3A_376 : vector<16xi32>
        %jit3A_378 = arith.constant 1 : i32
        %broadcast_in_dim3A_379 = vector.broadcast %jit3A_378 : i32 to vector<16xi32>
        %select_n3A_380 = arith.select %lt3A_377, %broadcast_in_dim3A_379, %broadcast_in_dim3A_9 : vector<16xi1>, vector<16xi32>
        %lt3A_381 = arith.constant 0 : i32
        %lt3A_382 = vector.broadcast %lt3A_381 : i32 to vector<16xi32>
        %lt3A_383 = arith.cmpi slt, %get3A_117, %lt3A_382 : vector<16xi32>
        %jit3A_384 = arith.constant 1 : i32
        %broadcast_in_dim3A_385 = vector.broadcast %jit3A_384 : i32 to vector<16xi32>
        %select_n3A_386 = arith.select %lt3A_383, %broadcast_in_dim3A_385, %broadcast_in_dim3A_9 : vector<16xi1>, vector<16xi32>
        %lt3A_387 = arith.constant 0 : i32
        %lt3A_388 = vector.broadcast %lt3A_387 : i32 to vector<16xi32>
        %lt3A_389 = arith.cmpi slt, %get3A_125, %lt3A_388 : vector<16xi32>
        %jit3A_390 = arith.constant 1 : i32
        %broadcast_in_dim3A_391 = vector.broadcast %jit3A_390 : i32 to vector<16xi32>
        %select_n3A_392 = arith.select %lt3A_389, %broadcast_in_dim3A_391, %broadcast_in_dim3A_9 : vector<16xi1>, vector<16xi32>
        %lt3A_393 = arith.constant 0 : i32
        %lt3A_394 = vector.broadcast %lt3A_393 : i32 to vector<16xi32>
        %lt3A_395 = arith.cmpi slt, %get3A_133, %lt3A_394 : vector<16xi32>
        %jit3A_396 = arith.constant 1 : i32
        %broadcast_in_dim3A_397 = vector.broadcast %jit3A_396 : i32 to vector<16xi32>
        %select_n3A_398 = arith.select %lt3A_395, %broadcast_in_dim3A_397, %broadcast_in_dim3A_9 : vector<16xi1>, vector<16xi32>
        %lt3A_399 = arith.constant 0 : i32
        %lt3A_400 = vector.broadcast %lt3A_399 : i32 to vector<16xi32>
        %lt3A_401 = arith.cmpi slt, %get3A_141, %lt3A_400 : vector<16xi32>
        %jit3A_402 = arith.constant 1 : i32
        %broadcast_in_dim3A_403 = vector.broadcast %jit3A_402 : i32 to vector<16xi32>
        %select_n3A_404 = arith.select %lt3A_401, %broadcast_in_dim3A_403, %broadcast_in_dim3A_9 : vector<16xi1>, vector<16xi32>
        %lt3A_405 = arith.constant 0 : i32
        %lt3A_406 = vector.broadcast %lt3A_405 : i32 to vector<16xi32>
        %lt3A_407 = arith.cmpi slt, %get3A_149, %lt3A_406 : vector<16xi32>
        %jit3A_408 = arith.constant 1 : i32
        %broadcast_in_dim3A_409 = vector.broadcast %jit3A_408 : i32 to vector<16xi32>
        %select_n3A_410 = arith.select %lt3A_407, %broadcast_in_dim3A_409, %broadcast_in_dim3A_9 : vector<16xi1>, vector<16xi32>
        %lt3A_411 = arith.constant 0 : i32
        %lt3A_412 = vector.broadcast %lt3A_411 : i32 to vector<16xi32>
        %lt3A_413 = arith.cmpi slt, %get3A_157, %lt3A_412 : vector<16xi32>
        %jit3A_414 = arith.constant 1 : i32
        %broadcast_in_dim3A_415 = vector.broadcast %jit3A_414 : i32 to vector<16xi32>
        %select_n3A_416 = arith.select %lt3A_413, %broadcast_in_dim3A_415, %broadcast_in_dim3A_9 : vector<16xi1>, vector<16xi32>
        %lt3A_417 = arith.constant 0 : i32
        %lt3A_418 = vector.broadcast %lt3A_417 : i32 to vector<16xi32>
        %lt3A_419 = arith.cmpi slt, %get3A_165, %lt3A_418 : vector<16xi32>
        %jit3A_420 = arith.constant 1 : i32
        %broadcast_in_dim3A_421 = vector.broadcast %jit3A_420 : i32 to vector<16xi32>
        %select_n3A_422 = arith.select %lt3A_419, %broadcast_in_dim3A_421, %broadcast_in_dim3A_9 : vector<16xi1>, vector<16xi32>
        %lt3A_423 = arith.constant 0 : i32
        %lt3A_424 = vector.broadcast %lt3A_423 : i32 to vector<16xi32>
        %lt3A_425 = arith.cmpi slt, %get3A_173, %lt3A_424 : vector<16xi32>
        %jit3A_426 = arith.constant 1 : i32
        %broadcast_in_dim3A_427 = vector.broadcast %jit3A_426 : i32 to vector<16xi32>
        %select_n3A_428 = arith.select %lt3A_425, %broadcast_in_dim3A_427, %broadcast_in_dim3A_9 : vector<16xi1>, vector<16xi32>
        %lt3A_429 = arith.constant 0 : i32
        %lt3A_430 = vector.broadcast %lt3A_429 : i32 to vector<16xi32>
        %lt3A_431 = arith.cmpi slt, %get3A_181, %lt3A_430 : vector<16xi32>
        %jit3A_432 = arith.constant 1 : i32
        %broadcast_in_dim3A_433 = vector.broadcast %jit3A_432 : i32 to vector<16xi32>
        %select_n3A_434 = arith.select %lt3A_431, %broadcast_in_dim3A_433, %broadcast_in_dim3A_9 : vector<16xi1>, vector<16xi32>
        %lt3A_435 = arith.constant 0 : i32
        %lt3A_436 = vector.broadcast %lt3A_435 : i32 to vector<16xi32>
        %lt3A_437 = arith.cmpi slt, %get3A_189, %lt3A_436 : vector<16xi32>
        %jit3A_438 = arith.constant 1 : i32
        %broadcast_in_dim3A_439 = vector.broadcast %jit3A_438 : i32 to vector<16xi32>
        %select_n3A_440 = arith.select %lt3A_437, %broadcast_in_dim3A_439, %broadcast_in_dim3A_9 : vector<16xi1>, vector<16xi32>
        %or3A = arith.ori %mul3A_5, %and3A_301 : vector<16xi32>
        %or3A_441 = arith.ori %mul3A_5, %and3A_304 : vector<16xi32>
        %or3A_442 = arith.ori %mul3A_5, %and3A_307 : vector<16xi32>
        %or3A_443 = arith.ori %mul3A_5, %and3A_310 : vector<16xi32>
        %or3A_444 = arith.ori %mul3A_5, %and3A_313 : vector<16xi32>
        %or3A_445 = arith.ori %mul3A_5, %and3A_316 : vector<16xi32>
        %or3A_446 = arith.ori %mul3A_5, %and3A_319 : vector<16xi32>
        %or3A_447 = arith.ori %mul3A_5, %and3A_322 : vector<16xi32>
        %or3A_448 = arith.ori %mul3A_5, %and3A_325 : vector<16xi32>
        %or3A_449 = arith.ori %mul3A_5, %and3A_328 : vector<16xi32>
        %or3A_450 = arith.ori %mul3A_5, %and3A_331 : vector<16xi32>
        %or3A_451 = arith.ori %mul3A_5, %and3A_334 : vector<16xi32>
        %or3A_452 = arith.ori %mul3A_5, %and3A_337 : vector<16xi32>
        %or3A_453 = arith.ori %mul3A_5, %and3A_340 : vector<16xi32>
        %or3A_454 = arith.ori %mul3A_5, %and3A_343 : vector<16xi32>
        %or3A_455 = arith.ori %mul3A_5, %and3A_346 : vector<16xi32>
        tpu.vector_store_idx %arg7[%or3A], %select_n3A masked %eq3A {add = true} : memref<16384xi32, #tpu.memory_space<vmem>>[vector<16xi32>], vector<16xi32>, vector<16xi1>
        tpu.vector_store_idx %arg7[%or3A_441], %select_n3A_356 masked %eq3A_284 {add = true} : memref<16384xi32, #tpu.memory_space<vmem>>[vector<16xi32>], vector<16xi32>, vector<16xi1>
        tpu.vector_store_idx %arg7[%or3A_442], %select_n3A_362 masked %eq3A_285 {add = true} : memref<16384xi32, #tpu.memory_space<vmem>>[vector<16xi32>], vector<16xi32>, vector<16xi1>
        tpu.vector_store_idx %arg7[%or3A_443], %select_n3A_368 masked %eq3A_286 {add = true} : memref<16384xi32, #tpu.memory_space<vmem>>[vector<16xi32>], vector<16xi32>, vector<16xi1>
        tpu.vector_store_idx %arg7[%or3A_444], %select_n3A_374 masked %eq3A_287 {add = true} : memref<16384xi32, #tpu.memory_space<vmem>>[vector<16xi32>], vector<16xi32>, vector<16xi1>
        tpu.vector_store_idx %arg7[%or3A_445], %select_n3A_380 masked %eq3A_288 {add = true} : memref<16384xi32, #tpu.memory_space<vmem>>[vector<16xi32>], vector<16xi32>, vector<16xi1>
        tpu.vector_store_idx %arg7[%or3A_446], %select_n3A_386 masked %eq3A_289 {add = true} : memref<16384xi32, #tpu.memory_space<vmem>>[vector<16xi32>], vector<16xi32>, vector<16xi1>
        tpu.vector_store_idx %arg7[%or3A_447], %select_n3A_392 masked %eq3A_290 {add = true} : memref<16384xi32, #tpu.memory_space<vmem>>[vector<16xi32>], vector<16xi32>, vector<16xi1>
        tpu.vector_store_idx %arg7[%or3A_448], %select_n3A_398 masked %eq3A_291 {add = true} : memref<16384xi32, #tpu.memory_space<vmem>>[vector<16xi32>], vector<16xi32>, vector<16xi1>
        tpu.vector_store_idx %arg7[%or3A_449], %select_n3A_404 masked %eq3A_292 {add = true} : memref<16384xi32, #tpu.memory_space<vmem>>[vector<16xi32>], vector<16xi32>, vector<16xi1>
        tpu.vector_store_idx %arg7[%or3A_450], %select_n3A_410 masked %eq3A_293 {add = true} : memref<16384xi32, #tpu.memory_space<vmem>>[vector<16xi32>], vector<16xi32>, vector<16xi1>
        tpu.vector_store_idx %arg7[%or3A_451], %select_n3A_416 masked %eq3A_294 {add = true} : memref<16384xi32, #tpu.memory_space<vmem>>[vector<16xi32>], vector<16xi32>, vector<16xi1>
        tpu.vector_store_idx %arg7[%or3A_452], %select_n3A_422 masked %eq3A_295 {add = true} : memref<16384xi32, #tpu.memory_space<vmem>>[vector<16xi32>], vector<16xi32>, vector<16xi1>
        tpu.vector_store_idx %arg7[%or3A_453], %select_n3A_428 masked %eq3A_296 {add = true} : memref<16384xi32, #tpu.memory_space<vmem>>[vector<16xi32>], vector<16xi32>, vector<16xi1>
        tpu.vector_store_idx %arg7[%or3A_454], %select_n3A_434 masked %eq3A_297 {add = true} : memref<16384xi32, #tpu.memory_space<vmem>>[vector<16xi32>], vector<16xi32>, vector<16xi1>
        tpu.vector_store_idx %arg7[%or3A_455], %select_n3A_440 masked %eq3A_298 {add = true} : memref<16384xi32, #tpu.memory_space<vmem>>[vector<16xi32>], vector<16xi32>, vector<16xi1>
      }
      %scan3A_48 = arith.constant 64 : i32
      %lt3A = arith.constant 3 : i32
      %lt3A_49 = arith.cmpi slt, %scan3A_30, %lt3A : i32
      %convert_element_type3A = arith.extui %lt3A_49 : i1 to i32
      %cond3A = arith.constant 0 : i32
      %cond3A_50 = arith.cmpi ne, %convert_element_type3A, %cond3A : i32
      scf.if %cond3A_50 {
        %mul3A_61 = arith.constant 2 : i32
        %mul3A_62 = arith.muli %mul3A_61, %scan3A_30 : i32
        %add3A_63 = arith.constant 2 : i32
        %add3A_64 = arith.addi %mul3A_62, %add3A_63 : i32
        %mul3A_65 = arith.constant 16384 : i32
        %mul3A_66 = arith.muli %add3A_64, %mul3A_65 : i32
        %add3A_67 = arith.addi %mul3A_2, %mul3A_66 : i32
        %dma_start3A_68 = tpu.memref_slice %arg2[%add3A_67] : memref<4194304xi32, #tpu.memory_space<hbm>> -> memref<16384xi32, #tpu.memory_space<hbm>>
        %dma_start3A_69 = tpu.memref_slice %arg2[%add3A_67] : memref<4194304xi32, #tpu.memory_space<hbm>> -> memref<16384xi32, #tpu.memory_space<hbm>>
        tpu.enqueue_dma source(%dma_start3A_69 : memref<16384xi32, #tpu.memory_space<hbm>>) target(%arg5 : memref<16384xi32, #tpu.memory_space<vmem>>) target_semaphore(%arg9 : memref<!tpu.dma_semaphore, #tpu.memory_space<semaphore_mem>>)
      } else {
      }
      %dma_wait3A_51 = arith.constant 0 : i32
      %dma_wait3A_52 = tpu.memref_slice %arg2[%dma_wait3A_51] : memref<4194304xi32, #tpu.memory_space<hbm>> -> memref<16384xi32, #tpu.memory_space<hbm>>
      %dma_wait3A_53 = arith.constant 0 : i32
      %dma_wait3A_54 = tpu.memref_slice %arg2[%dma_wait3A_53] : memref<4194304xi32, #tpu.memory_space<hbm>> -> memref<16384xi32, #tpu.memory_space<hbm>>
      tpu.wait_dma2 semaphore(%arg10 : memref<!tpu.dma_semaphore, #tpu.memory_space<semaphore_mem>>) src(%dma_wait3A_54 : memref<16384xi32, #tpu.memory_space<hbm>>) dst(%arg6 : memref<16384xi32, #tpu.memory_space<vmem>>)
      %scan3A_55 = arith.constant 0 : i32
      %scan3A_56 = arith.constant 0 : i32
      %scan3A_57 = arith.constant 64 : i32
      %scan3A_58 = arith.addi %scan3A_56, %scan3A_57 : i32
      %scan3A_59 = arith.constant 1 : i32
      scf.for %scan3A_61 = %scan3A_56 to %scan3A_58 step %scan3A_59  : i32 {
        %mul3A_62 = arith.constant 16 : i32
        %mul3A_63 = arith.muli %scan3A_61, %mul3A_62 : i32
        %add3A_64 = arith.constant 0 : i32
        %add3A_65 = arith.addi %mul3A_63, %add3A_64 : i32
        %mul3A_66 = arith.constant 16 : i32
        %mul3A_67 = arith.muli %add3A_65, %mul3A_66 : i32
        %get3A_68 = arith.index_cast %mul3A_67 : i32 to index
        %get3A_69 = tpu.vector_load %arg6[%get3A_68] {strides = array<i32>} : memref<16384xi32, #tpu.memory_space<vmem>>, vector<16xi32>,
        %mul3A_70 = arith.constant 16 : i32
        %mul3A_71 = arith.muli %scan3A_61, %mul3A_70 : i32
        %add3A_72 = arith.constant 1 : i32
        %add3A_73 = arith.addi %mul3A_71, %add3A_72 : i32
        %mul3A_74 = arith.constant 16 : i32
        %mul3A_75 = arith.muli %add3A_73, %mul3A_74 : i32
        %get3A_76 = arith.index_cast %mul3A_75 : i32 to index
        %get3A_77 = tpu.vector_load %arg6[%get3A_76] {strides = array<i32>} : memref<16384xi32, #tpu.memory_space<vmem>>, vector<16xi32>,
        %mul3A_78 = arith.constant 16 : i32
        %mul3A_79 = arith.muli %scan3A_61, %mul3A_78 : i32
        %add3A_80 = arith.constant 2 : i32
        %add3A_81 = arith.addi %mul3A_79, %add3A_80 : i32
        %mul3A_82 = arith.constant 16 : i32
        %mul3A_83 = arith.muli %add3A_81, %mul3A_82 : i32
        %get3A_84 = arith.index_cast %mul3A_83 : i32 to index
        %get3A_85 = tpu.vector_load %arg6[%get3A_84] {strides = array<i32>} : memref<16384xi32, #tpu.memory_space<vmem>>, vector<16xi32>,
        %mul3A_86 = arith.constant 16 : i32
        %mul3A_87 = arith.muli %scan3A_61, %mul3A_86 : i32
        %add3A_88 = arith.constant 3 : i32
        %add3A_89 = arith.addi %mul3A_87, %add3A_88 : i32
        %mul3A_90 = arith.constant 16 : i32
        %mul3A_91 = arith.muli %add3A_89, %mul3A_90 : i32
        %get3A_92 = arith.index_cast %mul3A_91 : i32 to index
        %get3A_93 = tpu.vector_load %arg6[%get3A_92] {strides = array<i32>} : memref<16384xi32, #tpu.memory_space<vmem>>, vector<16xi32>,
        %mul3A_94 = arith.constant 16 : i32
        %mul3A_95 = arith.muli %scan3A_61, %mul3A_94 : i32
        %add3A_96 = arith.constant 4 : i32
        %add3A_97 = arith.addi %mul3A_95, %add3A_96 : i32
        %mul3A_98 = arith.constant 16 : i32
        %mul3A_99 = arith.muli %add3A_97, %mul3A_98 : i32
        %get3A_100 = arith.index_cast %mul3A_99 : i32 to index
        %get3A_101 = tpu.vector_load %arg6[%get3A_100] {strides = array<i32>} : memref<16384xi32, #tpu.memory_space<vmem>>, vector<16xi32>,
        %mul3A_102 = arith.constant 16 : i32
        %mul3A_103 = arith.muli %scan3A_61, %mul3A_102 : i32
        %add3A_104 = arith.constant 5 : i32
        %add3A_105 = arith.addi %mul3A_103, %add3A_104 : i32
        %mul3A_106 = arith.constant 16 : i32
        %mul3A_107 = arith.muli %add3A_105, %mul3A_106 : i32
        %get3A_108 = arith.index_cast %mul3A_107 : i32 to index
        %get3A_109 = tpu.vector_load %arg6[%get3A_108] {strides = array<i32>} : memref<16384xi32, #tpu.memory_space<vmem>>, vector<16xi32>,
        %mul3A_110 = arith.constant 16 : i32
        %mul3A_111 = arith.muli %scan3A_61, %mul3A_110 : i32
        %add3A_112 = arith.constant 6 : i32
        %add3A_113 = arith.addi %mul3A_111, %add3A_112 : i32
        %mul3A_114 = arith.constant 16 : i32
        %mul3A_115 = arith.muli %add3A_113, %mul3A_114 : i32
        %get3A_116 = arith.index_cast %mul3A_115 : i32 to index
        %get3A_117 = tpu.vector_load %arg6[%get3A_116] {strides = array<i32>} : memref<16384xi32, #tpu.memory_space<vmem>>, vector<16xi32>,
        %mul3A_118 = arith.constant 16 : i32
        %mul3A_119 = arith.muli %scan3A_61, %mul3A_118 : i32
        %add3A_120 = arith.constant 7 : i32
        %add3A_121 = arith.addi %mul3A_119, %add3A_120 : i32
        %mul3A_122 = arith.constant 16 : i32
        %mul3A_123 = arith.muli %add3A_121, %mul3A_122 : i32
        %get3A_124 = arith.index_cast %mul3A_123 : i32 to index
        %get3A_125 = tpu.vector_load %arg6[%get3A_124] {strides = array<i32>} : memref<16384xi32, #tpu.memory_space<vmem>>, vector<16xi32>,
        %mul3A_126 = arith.constant 16 : i32
        %mul3A_127 = arith.muli %scan3A_61, %mul3A_126 : i32
        %add3A_128 = arith.constant 8 : i32
        %add3A_129 = arith.addi %mul3A_127, %add3A_128 : i32
        %mul3A_130 = arith.constant 16 : i32
        %mul3A_131 = arith.muli %add3A_129, %mul3A_130 : i32
        %get3A_132 = arith.index_cast %mul3A_131 : i32 to index
        %get3A_133 = tpu.vector_load %arg6[%get3A_132] {strides = array<i32>} : memref<16384xi32, #tpu.memory_space<vmem>>, vector<16xi32>,
        %mul3A_134 = arith.constant 16 : i32
        %mul3A_135 = arith.muli %scan3A_61, %mul3A_134 : i32
        %add3A_136 = arith.constant 9 : i32
        %add3A_137 = arith.addi %mul3A_135, %add3A_136 : i32
        %mul3A_138 = arith.constant 16 : i32
        %mul3A_139 = arith.muli %add3A_137, %mul3A_138 : i32
        %get3A_140 = arith.index_cast %mul3A_139 : i32 to index
        %get3A_141 = tpu.vector_load %arg6[%get3A_140] {strides = array<i32>} : memref<16384xi32, #tpu.memory_space<vmem>>, vector<16xi32>,
        %mul3A_142 = arith.constant 16 : i32
        %mul3A_143 = arith.muli %scan3A_61, %mul3A_142 : i32
        %add3A_144 = arith.constant 10 : i32
        %add3A_145 = arith.addi %mul3A_143, %add3A_144 : i32
        %mul3A_146 = arith.constant 16 : i32
        %mul3A_147 = arith.muli %add3A_145, %mul3A_146 : i32
        %get3A_148 = arith.index_cast %mul3A_147 : i32 to index
        %get3A_149 = tpu.vector_load %arg6[%get3A_148] {strides = array<i32>} : memref<16384xi32, #tpu.memory_space<vmem>>, vector<16xi32>,
        %mul3A_150 = arith.constant 16 : i32
        %mul3A_151 = arith.muli %scan3A_61, %mul3A_150 : i32
        %add3A_152 = arith.constant 11 : i32
        %add3A_153 = arith.addi %mul3A_151, %add3A_152 : i32
        %mul3A_154 = arith.constant 16 : i32
        %mul3A_155 = arith.muli %add3A_153, %mul3A_154 : i32
        %get3A_156 = arith.index_cast %mul3A_155 : i32 to index
        %get3A_157 = tpu.vector_load %arg6[%get3A_156] {strides = array<i32>} : memref<16384xi32, #tpu.memory_space<vmem>>, vector<16xi32>,
        %mul3A_158 = arith.constant 16 : i32
        %mul3A_159 = arith.muli %scan3A_61, %mul3A_158 : i32
        %add3A_160 = arith.constant 12 : i32
        %add3A_161 = arith.addi %mul3A_159, %add3A_160 : i32
        %mul3A_162 = arith.constant 16 : i32
        %mul3A_163 = arith.muli %add3A_161, %mul3A_162 : i32
        %get3A_164 = arith.index_cast %mul3A_163 : i32 to index
        %get3A_165 = tpu.vector_load %arg6[%get3A_164] {strides = array<i32>} : memref<16384xi32, #tpu.memory_space<vmem>>, vector<16xi32>,
        %mul3A_166 = arith.constant 16 : i32
        %mul3A_167 = arith.muli %scan3A_61, %mul3A_166 : i32
        %add3A_168 = arith.constant 13 : i32
        %add3A_169 = arith.addi %mul3A_167, %add3A_168 : i32
        %mul3A_170 = arith.constant 16 : i32
        %mul3A_171 = arith.muli %add3A_169, %mul3A_170 : i32
        %get3A_172 = arith.index_cast %mul3A_171 : i32 to index
        %get3A_173 = tpu.vector_load %arg6[%get3A_172] {strides = array<i32>} : memref<16384xi32, #tpu.memory_space<vmem>>, vector<16xi32>,
        %mul3A_174 = arith.constant 16 : i32
        %mul3A_175 = arith.muli %scan3A_61, %mul3A_174 : i32
        %add3A_176 = arith.constant 14 : i32
        %add3A_177 = arith.addi %mul3A_175, %add3A_176 : i32
        %mul3A_178 = arith.constant 16 : i32
        %mul3A_179 = arith.muli %add3A_177, %mul3A_178 : i32
        %get3A_180 = arith.index_cast %mul3A_179 : i32 to index
        %get3A_181 = tpu.vector_load %arg6[%get3A_180] {strides = array<i32>} : memref<16384xi32, #tpu.memory_space<vmem>>, vector<16xi32>,
        %mul3A_182 = arith.constant 16 : i32
        %mul3A_183 = arith.muli %scan3A_61, %mul3A_182 : i32
        %add3A_184 = arith.constant 15 : i32
        %add3A_185 = arith.addi %mul3A_183, %add3A_184 : i32
        %mul3A_186 = arith.constant 16 : i32
        %mul3A_187 = arith.muli %add3A_185, %mul3A_186 : i32
        %get3A_188 = arith.index_cast %mul3A_187 : i32 to index
        %get3A_189 = tpu.vector_load %arg6[%get3A_188] {strides = array<i32>} : memref<16384xi32, #tpu.memory_space<vmem>>, vector<16xi32>,
        %shift_right_logical3A = arith.constant 10 : i32
        %shift_right_logical3A_190 = vector.broadcast %shift_right_logical3A : i32 to vector<16xi32>
        %shift_right_logical3A_191 = arith.shrui %get3A_69, %shift_right_logical3A_190 : vector<16xi32>
        %and3A = arith.constant 2097151 : i32
        %and3A_192 = vector.broadcast %and3A : i32 to vector<16xi32>
        %and3A_193 = arith.andi %shift_right_logical3A_191, %and3A_192 : vector<16xi32>
        %shift_right_logical3A_194 = arith.constant 10 : i32
        %shift_right_logical3A_195 = vector.broadcast %shift_right_logical3A_194 : i32 to vector<16xi32>
        %shift_right_logical3A_196 = arith.shrui %get3A_77, %shift_right_logical3A_195 : vector<16xi32>
        %and3A_197 = arith.constant 2097151 : i32
        %and3A_198 = vector.broadcast %and3A_197 : i32 to vector<16xi32>
        %and3A_199 = arith.andi %shift_right_logical3A_196, %and3A_198 : vector<16xi32>
        %shift_right_logical3A_200 = arith.constant 10 : i32
        %shift_right_logical3A_201 = vector.broadcast %shift_right_logical3A_200 : i32 to vector<16xi32>
        %shift_right_logical3A_202 = arith.shrui %get3A_85, %shift_right_logical3A_201 : vector<16xi32>
        %and3A_203 = arith.constant 2097151 : i32
        %and3A_204 = vector.broadcast %and3A_203 : i32 to vector<16xi32>
        %and3A_205 = arith.andi %shift_right_logical3A_202, %and3A_204 : vector<16xi32>
        %shift_right_logical3A_206 = arith.constant 10 : i32
        %shift_right_logical3A_207 = vector.broadcast %shift_right_logical3A_206 : i32 to vector<16xi32>
        %shift_right_logical3A_208 = arith.shrui %get3A_93, %shift_right_logical3A_207 : vector<16xi32>
        %and3A_209 = arith.constant 2097151 : i32
        %and3A_210 = vector.broadcast %and3A_209 : i32 to vector<16xi32>
        %and3A_211 = arith.andi %shift_right_logical3A_208, %and3A_210 : vector<16xi32>
        %shift_right_logical3A_212 = arith.constant 10 : i32
        %shift_right_logical3A_213 = vector.broadcast %shift_right_logical3A_212 : i32 to vector<16xi32>
        %shift_right_logical3A_214 = arith.shrui %get3A_101, %shift_right_logical3A_213 : vector<16xi32>
        %and3A_215 = arith.constant 2097151 : i32
        %and3A_216 = vector.broadcast %and3A_215 : i32 to vector<16xi32>
        %and3A_217 = arith.andi %shift_right_logical3A_214, %and3A_216 : vector<16xi32>
        %shift_right_logical3A_218 = arith.constant 10 : i32
        %shift_right_logical3A_219 = vector.broadcast %shift_right_logical3A_218 : i32 to vector<16xi32>
        %shift_right_logical3A_220 = arith.shrui %get3A_109, %shift_right_logical3A_219 : vector<16xi32>
        %and3A_221 = arith.constant 2097151 : i32
        %and3A_222 = vector.broadcast %and3A_221 : i32 to vector<16xi32>
        %and3A_223 = arith.andi %shift_right_logical3A_220, %and3A_222 : vector<16xi32>
        %shift_right_logical3A_224 = arith.constant 10 : i32
        %shift_right_logical3A_225 = vector.broadcast %shift_right_logical3A_224 : i32 to vector<16xi32>
        %shift_right_logical3A_226 = arith.shrui %get3A_117, %shift_right_logical3A_225 : vector<16xi32>
        %and3A_227 = arith.constant 2097151 : i32
        %and3A_228 = vector.broadcast %and3A_227 : i32 to vector<16xi32>
        %and3A_229 = arith.andi %shift_right_logical3A_226, %and3A_228 : vector<16xi32>
        %shift_right_logical3A_230 = arith.constant 10 : i32
        %shift_right_logical3A_231 = vector.broadcast %shift_right_logical3A_230 : i32 to vector<16xi32>
        %shift_right_logical3A_232 = arith.shrui %get3A_125, %shift_right_logical3A_231 : vector<16xi32>
        %and3A_233 = arith.constant 2097151 : i32
        %and3A_234 = vector.broadcast %and3A_233 : i32 to vector<16xi32>
        %and3A_235 = arith.andi %shift_right_logical3A_232, %and3A_234 : vector<16xi32>
        %shift_right_logical3A_236 = arith.constant 10 : i32
        %shift_right_logical3A_237 = vector.broadcast %shift_right_logical3A_236 : i32 to vector<16xi32>
        %shift_right_logical3A_238 = arith.shrui %get3A_133, %shift_right_logical3A_237 : vector<16xi32>
        %and3A_239 = arith.constant 2097151 : i32
        %and3A_240 = vector.broadcast %and3A_239 : i32 to vector<16xi32>
        %and3A_241 = arith.andi %shift_right_logical3A_238, %and3A_240 : vector<16xi32>
        %shift_right_logical3A_242 = arith.constant 10 : i32
        %shift_right_logical3A_243 = vector.broadcast %shift_right_logical3A_242 : i32 to vector<16xi32>
        %shift_right_logical3A_244 = arith.shrui %get3A_141, %shift_right_logical3A_243 : vector<16xi32>
        %and3A_245 = arith.constant 2097151 : i32
        %and3A_246 = vector.broadcast %and3A_245 : i32 to vector<16xi32>
        %and3A_247 = arith.andi %shift_right_logical3A_244, %and3A_246 : vector<16xi32>
        %shift_right_logical3A_248 = arith.constant 10 : i32
        %shift_right_logical3A_249 = vector.broadcast %shift_right_logical3A_248 : i32 to vector<16xi32>
        %shift_right_logical3A_250 = arith.shrui %get3A_149, %shift_right_logical3A_249 : vector<16xi32>
        %and3A_251 = arith.constant 2097151 : i32
        %and3A_252 = vector.broadcast %and3A_251 : i32 to vector<16xi32>
        %and3A_253 = arith.andi %shift_right_logical3A_250, %and3A_252 : vector<16xi32>
        %shift_right_logical3A_254 = arith.constant 10 : i32
        %shift_right_logical3A_255 = vector.broadcast %shift_right_logical3A_254 : i32 to vector<16xi32>
        %shift_right_logical3A_256 = arith.shrui %get3A_157, %shift_right_logical3A_255 : vector<16xi32>
        %and3A_257 = arith.constant 2097151 : i32
        %and3A_258 = vector.broadcast %and3A_257 : i32 to vector<16xi32>
        %and3A_259 = arith.andi %shift_right_logical3A_256, %and3A_258 : vector<16xi32>
        %shift_right_logical3A_260 = arith.constant 10 : i32
        %shift_right_logical3A_261 = vector.broadcast %shift_right_logical3A_260 : i32 to vector<16xi32>
        %shift_right_logical3A_262 = arith.shrui %get3A_165, %shift_right_logical3A_261 : vector<16xi32>
        %and3A_263 = arith.constant 2097151 : i32
        %and3A_264 = vector.broadcast %and3A_263 : i32 to vector<16xi32>
        %and3A_265 = arith.andi %shift_right_logical3A_262, %and3A_264 : vector<16xi32>
        %shift_right_logical3A_266 = arith.constant 10 : i32
        %shift_right_logical3A_267 = vector.broadcast %shift_right_logical3A_266 : i32 to vector<16xi32>
        %shift_right_logical3A_268 = arith.shrui %get3A_173, %shift_right_logical3A_267 : vector<16xi32>
        %and3A_269 = arith.constant 2097151 : i32
        %and3A_270 = vector.broadcast %and3A_269 : i32 to vector<16xi32>
        %and3A_271 = arith.andi %shift_right_logical3A_268, %and3A_270 : vector<16xi32>
        %shift_right_logical3A_272 = arith.constant 10 : i32
        %shift_right_logical3A_273 = vector.broadcast %shift_right_logical3A_272 : i32 to vector<16xi32>
        %shift_right_logical3A_274 = arith.shrui %get3A_181, %shift_right_logical3A_273 : vector<16xi32>
        %and3A_275 = arith.constant 2097151 : i32
        %and3A_276 = vector.broadcast %and3A_275 : i32 to vector<16xi32>
        %and3A_277 = arith.andi %shift_right_logical3A_274, %and3A_276 : vector<16xi32>
        %shift_right_logical3A_278 = arith.constant 10 : i32
        %shift_right_logical3A_279 = vector.broadcast %shift_right_logical3A_278 : i32 to vector<16xi32>
        %shift_right_logical3A_280 = arith.shrui %get3A_189, %shift_right_logical3A_279 : vector<16xi32>
        %and3A_281 = arith.constant 2097151 : i32
        %and3A_282 = vector.broadcast %and3A_281 : i32 to vector<16xi32>
        %and3A_283 = arith.andi %shift_right_logical3A_280, %and3A_282 : vector<16xi32>
        %eq3A = arith.cmpi eq, %and3A_193, %get3A_6 : vector<16xi32>
        %eq3A_284 = arith.cmpi eq, %and3A_199, %get3A_6 : vector<16xi32>
        %eq3A_285 = arith.cmpi eq, %and3A_205, %get3A_6 : vector<16xi32>
        %eq3A_286 = arith.cmpi eq, %and3A_211, %get3A_6 : vector<16xi32>
        %eq3A_287 = arith.cmpi eq, %and3A_217, %get3A_6 : vector<16xi32>
        %eq3A_288 = arith.cmpi eq, %and3A_223, %get3A_6 : vector<16xi32>
        %eq3A_289 = arith.cmpi eq, %and3A_229, %get3A_6 : vector<16xi32>
        %eq3A_290 = arith.cmpi eq, %and3A_235, %get3A_6 : vector<16xi32>
        %eq3A_291 = arith.cmpi eq, %and3A_241, %get3A_6 : vector<16xi32>
        %eq3A_292 = arith.cmpi eq, %and3A_247, %get3A_6 : vector<16xi32>
        %eq3A_293 = arith.cmpi eq, %and3A_253, %get3A_6 : vector<16xi32>
        %eq3A_294 = arith.cmpi eq, %and3A_259, %get3A_6 : vector<16xi32>
        %eq3A_295 = arith.cmpi eq, %and3A_265, %get3A_6 : vector<16xi32>
        %eq3A_296 = arith.cmpi eq, %and3A_271, %get3A_6 : vector<16xi32>
        %eq3A_297 = arith.cmpi eq, %and3A_277, %get3A_6 : vector<16xi32>
        %eq3A_298 = arith.cmpi eq, %and3A_283, %get3A_6 : vector<16xi32>
        %and3A_299 = arith.constant 1023 : i32
        %and3A_300 = vector.broadcast %and3A_299 : i32 to vector<16xi32>
        %and3A_301 = arith.andi %get3A_69, %and3A_300 : vector<16xi32>
        %and3A_302 = arith.constant 1023 : i32
        %and3A_303 = vector.broadcast %and3A_302 : i32 to vector<16xi32>
        %and3A_304 = arith.andi %get3A_77, %and3A_303 : vector<16xi32>
        %and3A_305 = arith.constant 1023 : i32
        %and3A_306 = vector.broadcast %and3A_305 : i32 to vector<16xi32>
        %and3A_307 = arith.andi %get3A_85, %and3A_306 : vector<16xi32>
        %and3A_308 = arith.constant 1023 : i32
        %and3A_309 = vector.broadcast %and3A_308 : i32 to vector<16xi32>
        %and3A_310 = arith.andi %get3A_93, %and3A_309 : vector<16xi32>
        %and3A_311 = arith.constant 1023 : i32
        %and3A_312 = vector.broadcast %and3A_311 : i32 to vector<16xi32>
        %and3A_313 = arith.andi %get3A_101, %and3A_312 : vector<16xi32>
        %and3A_314 = arith.constant 1023 : i32
        %and3A_315 = vector.broadcast %and3A_314 : i32 to vector<16xi32>
        %and3A_316 = arith.andi %get3A_109, %and3A_315 : vector<16xi32>
        %and3A_317 = arith.constant 1023 : i32
        %and3A_318 = vector.broadcast %and3A_317 : i32 to vector<16xi32>
        %and3A_319 = arith.andi %get3A_117, %and3A_318 : vector<16xi32>
        %and3A_320 = arith.constant 1023 : i32
        %and3A_321 = vector.broadcast %and3A_320 : i32 to vector<16xi32>
        %and3A_322 = arith.andi %get3A_125, %and3A_321 : vector<16xi32>
        %and3A_323 = arith.constant 1023 : i32
        %and3A_324 = vector.broadcast %and3A_323 : i32 to vector<16xi32>
        %and3A_325 = arith.andi %get3A_133, %and3A_324 : vector<16xi32>
        %and3A_326 = arith.constant 1023 : i32
        %and3A_327 = vector.broadcast %and3A_326 : i32 to vector<16xi32>
        %and3A_328 = arith.andi %get3A_141, %and3A_327 : vector<16xi32>
        %and3A_329 = arith.constant 1023 : i32
        %and3A_330 = vector.broadcast %and3A_329 : i32 to vector<16xi32>
        %and3A_331 = arith.andi %get3A_149, %and3A_330 : vector<16xi32>
        %and3A_332 = arith.constant 1023 : i32
        %and3A_333 = vector.broadcast %and3A_332 : i32 to vector<16xi32>
        %and3A_334 = arith.andi %get3A_157, %and3A_333 : vector<16xi32>
        %and3A_335 = arith.constant 1023 : i32
        %and3A_336 = vector.broadcast %and3A_335 : i32 to vector<16xi32>
        %and3A_337 = arith.andi %get3A_165, %and3A_336 : vector<16xi32>
        %and3A_338 = arith.constant 1023 : i32
        %and3A_339 = vector.broadcast %and3A_338 : i32 to vector<16xi32>
        %and3A_340 = arith.andi %get3A_173, %and3A_339 : vector<16xi32>
        %and3A_341 = arith.constant 1023 : i32
        %and3A_342 = vector.broadcast %and3A_341 : i32 to vector<16xi32>
        %and3A_343 = arith.andi %get3A_181, %and3A_342 : vector<16xi32>
        %and3A_344 = arith.constant 1023 : i32
        %and3A_345 = vector.broadcast %and3A_344 : i32 to vector<16xi32>
        %and3A_346 = arith.andi %get3A_189, %and3A_345 : vector<16xi32>
        %lt3A_347 = arith.constant 0 : i32
        %lt3A_348 = vector.broadcast %lt3A_347 : i32 to vector<16xi32>
        %lt3A_349 = arith.cmpi slt, %get3A_69, %lt3A_348 : vector<16xi32>
        %jit3A = arith.constant 1 : i32
        %broadcast_in_dim3A_350 = vector.broadcast %jit3A : i32 to vector<16xi32>
        %select_n3A = arith.select %lt3A_349, %broadcast_in_dim3A_350, %broadcast_in_dim3A_9 : vector<16xi1>, vector<16xi32>
        %lt3A_351 = arith.constant 0 : i32
        %lt3A_352 = vector.broadcast %lt3A_351 : i32 to vector<16xi32>
        %lt3A_353 = arith.cmpi slt, %get3A_77, %lt3A_352 : vector<16xi32>
        %jit3A_354 = arith.constant 1 : i32
        %broadcast_in_dim3A_355 = vector.broadcast %jit3A_354 : i32 to vector<16xi32>
        %select_n3A_356 = arith.select %lt3A_353, %broadcast_in_dim3A_355, %broadcast_in_dim3A_9 : vector<16xi1>, vector<16xi32>
        %lt3A_357 = arith.constant 0 : i32
        %lt3A_358 = vector.broadcast %lt3A_357 : i32 to vector<16xi32>
        %lt3A_359 = arith.cmpi slt, %get3A_85, %lt3A_358 : vector<16xi32>
        %jit3A_360 = arith.constant 1 : i32
        %broadcast_in_dim3A_361 = vector.broadcast %jit3A_360 : i32 to vector<16xi32>
        %select_n3A_362 = arith.select %lt3A_359, %broadcast_in_dim3A_361, %broadcast_in_dim3A_9 : vector<16xi1>, vector<16xi32>
        %lt3A_363 = arith.constant 0 : i32
        %lt3A_364 = vector.broadcast %lt3A_363 : i32 to vector<16xi32>
        %lt3A_365 = arith.cmpi slt, %get3A_93, %lt3A_364 : vector<16xi32>
        %jit3A_366 = arith.constant 1 : i32
        %broadcast_in_dim3A_367 = vector.broadcast %jit3A_366 : i32 to vector<16xi32>
        %select_n3A_368 = arith.select %lt3A_365, %broadcast_in_dim3A_367, %broadcast_in_dim3A_9 : vector<16xi1>, vector<16xi32>
        %lt3A_369 = arith.constant 0 : i32
        %lt3A_370 = vector.broadcast %lt3A_369 : i32 to vector<16xi32>
        %lt3A_371 = arith.cmpi slt, %get3A_101, %lt3A_370 : vector<16xi32>
        %jit3A_372 = arith.constant 1 : i32
        %broadcast_in_dim3A_373 = vector.broadcast %jit3A_372 : i32 to vector<16xi32>
        %select_n3A_374 = arith.select %lt3A_371, %broadcast_in_dim3A_373, %broadcast_in_dim3A_9 : vector<16xi1>, vector<16xi32>
        %lt3A_375 = arith.constant 0 : i32
        %lt3A_376 = vector.broadcast %lt3A_375 : i32 to vector<16xi32>
        %lt3A_377 = arith.cmpi slt, %get3A_109, %lt3A_376 : vector<16xi32>
        %jit3A_378 = arith.constant 1 : i32
        %broadcast_in_dim3A_379 = vector.broadcast %jit3A_378 : i32 to vector<16xi32>
        %select_n3A_380 = arith.select %lt3A_377, %broadcast_in_dim3A_379, %broadcast_in_dim3A_9 : vector<16xi1>, vector<16xi32>
        %lt3A_381 = arith.constant 0 : i32
        %lt3A_382 = vector.broadcast %lt3A_381 : i32 to vector<16xi32>
        %lt3A_383 = arith.cmpi slt, %get3A_117, %lt3A_382 : vector<16xi32>
        %jit3A_384 = arith.constant 1 : i32
        %broadcast_in_dim3A_385 = vector.broadcast %jit3A_384 : i32 to vector<16xi32>
        %select_n3A_386 = arith.select %lt3A_383, %broadcast_in_dim3A_385, %broadcast_in_dim3A_9 : vector<16xi1>, vector<16xi32>
        %lt3A_387 = arith.constant 0 : i32
        %lt3A_388 = vector.broadcast %lt3A_387 : i32 to vector<16xi32>
        %lt3A_389 = arith.cmpi slt, %get3A_125, %lt3A_388 : vector<16xi32>
        %jit3A_390 = arith.constant 1 : i32
        %broadcast_in_dim3A_391 = vector.broadcast %jit3A_390 : i32 to vector<16xi32>
        %select_n3A_392 = arith.select %lt3A_389, %broadcast_in_dim3A_391, %broadcast_in_dim3A_9 : vector<16xi1>, vector<16xi32>
        %lt3A_393 = arith.constant 0 : i32
        %lt3A_394 = vector.broadcast %lt3A_393 : i32 to vector<16xi32>
        %lt3A_395 = arith.cmpi slt, %get3A_133, %lt3A_394 : vector<16xi32>
        %jit3A_396 = arith.constant 1 : i32
        %broadcast_in_dim3A_397 = vector.broadcast %jit3A_396 : i32 to vector<16xi32>
        %select_n3A_398 = arith.select %lt3A_395, %broadcast_in_dim3A_397, %broadcast_in_dim3A_9 : vector<16xi1>, vector<16xi32>
        %lt3A_399 = arith.constant 0 : i32
        %lt3A_400 = vector.broadcast %lt3A_399 : i32 to vector<16xi32>
        %lt3A_401 = arith.cmpi slt, %get3A_141, %lt3A_400 : vector<16xi32>
        %jit3A_402 = arith.constant 1 : i32
        %broadcast_in_dim3A_403 = vector.broadcast %jit3A_402 : i32 to vector<16xi32>
        %select_n3A_404 = arith.select %lt3A_401, %broadcast_in_dim3A_403, %broadcast_in_dim3A_9 : vector<16xi1>, vector<16xi32>
        %lt3A_405 = arith.constant 0 : i32
        %lt3A_406 = vector.broadcast %lt3A_405 : i32 to vector<16xi32>
        %lt3A_407 = arith.cmpi slt, %get3A_149, %lt3A_406 : vector<16xi32>
        %jit3A_408 = arith.constant 1 : i32
        %broadcast_in_dim3A_409 = vector.broadcast %jit3A_408 : i32 to vector<16xi32>
        %select_n3A_410 = arith.select %lt3A_407, %broadcast_in_dim3A_409, %broadcast_in_dim3A_9 : vector<16xi1>, vector<16xi32>
        %lt3A_411 = arith.constant 0 : i32
        %lt3A_412 = vector.broadcast %lt3A_411 : i32 to vector<16xi32>
        %lt3A_413 = arith.cmpi slt, %get3A_157, %lt3A_412 : vector<16xi32>
        %jit3A_414 = arith.constant 1 : i32
        %broadcast_in_dim3A_415 = vector.broadcast %jit3A_414 : i32 to vector<16xi32>
        %select_n3A_416 = arith.select %lt3A_413, %broadcast_in_dim3A_415, %broadcast_in_dim3A_9 : vector<16xi1>, vector<16xi32>
        %lt3A_417 = arith.constant 0 : i32
        %lt3A_418 = vector.broadcast %lt3A_417 : i32 to vector<16xi32>
        %lt3A_419 = arith.cmpi slt, %get3A_165, %lt3A_418 : vector<16xi32>
        %jit3A_420 = arith.constant 1 : i32
        %broadcast_in_dim3A_421 = vector.broadcast %jit3A_420 : i32 to vector<16xi32>
        %select_n3A_422 = arith.select %lt3A_419, %broadcast_in_dim3A_421, %broadcast_in_dim3A_9 : vector<16xi1>, vector<16xi32>
        %lt3A_423 = arith.constant 0 : i32
        %lt3A_424 = vector.broadcast %lt3A_423 : i32 to vector<16xi32>
        %lt3A_425 = arith.cmpi slt, %get3A_173, %lt3A_424 : vector<16xi32>
        %jit3A_426 = arith.constant 1 : i32
        %broadcast_in_dim3A_427 = vector.broadcast %jit3A_426 : i32 to vector<16xi32>
        %select_n3A_428 = arith.select %lt3A_425, %broadcast_in_dim3A_427, %broadcast_in_dim3A_9 : vector<16xi1>, vector<16xi32>
        %lt3A_429 = arith.constant 0 : i32
        %lt3A_430 = vector.broadcast %lt3A_429 : i32 to vector<16xi32>
        %lt3A_431 = arith.cmpi slt, %get3A_181, %lt3A_430 : vector<16xi32>
        %jit3A_432 = arith.constant 1 : i32
        %broadcast_in_dim3A_433 = vector.broadcast %jit3A_432 : i32 to vector<16xi32>
        %select_n3A_434 = arith.select %lt3A_431, %broadcast_in_dim3A_433, %broadcast_in_dim3A_9 : vector<16xi1>, vector<16xi32>
        %lt3A_435 = arith.constant 0 : i32
        %lt3A_436 = vector.broadcast %lt3A_435 : i32 to vector<16xi32>
        %lt3A_437 = arith.cmpi slt, %get3A_189, %lt3A_436 : vector<16xi32>
        %jit3A_438 = arith.constant 1 : i32
        %broadcast_in_dim3A_439 = vector.broadcast %jit3A_438 : i32 to vector<16xi32>
        %select_n3A_440 = arith.select %lt3A_437, %broadcast_in_dim3A_439, %broadcast_in_dim3A_9 : vector<16xi1>, vector<16xi32>
        %or3A = arith.ori %mul3A_5, %and3A_301 : vector<16xi32>
        %or3A_441 = arith.ori %mul3A_5, %and3A_304 : vector<16xi32>
        %or3A_442 = arith.ori %mul3A_5, %and3A_307 : vector<16xi32>
        %or3A_443 = arith.ori %mul3A_5, %and3A_310 : vector<16xi32>
        %or3A_444 = arith.ori %mul3A_5, %and3A_313 : vector<16xi32>
        %or3A_445 = arith.ori %mul3A_5, %and3A_316 : vector<16xi32>
        %or3A_446 = arith.ori %mul3A_5, %and3A_319 : vector<16xi32>
        %or3A_447 = arith.ori %mul3A_5, %and3A_322 : vector<16xi32>
        %or3A_448 = arith.ori %mul3A_5, %and3A_325 : vector<16xi32>
        %or3A_449 = arith.ori %mul3A_5, %and3A_328 : vector<16xi32>
        %or3A_450 = arith.ori %mul3A_5, %and3A_331 : vector<16xi32>
        %or3A_451 = arith.ori %mul3A_5, %and3A_334 : vector<16xi32>
        %or3A_452 = arith.ori %mul3A_5, %and3A_337 : vector<16xi32>
        %or3A_453 = arith.ori %mul3A_5, %and3A_340 : vector<16xi32>
        %or3A_454 = arith.ori %mul3A_5, %and3A_343 : vector<16xi32>
        %or3A_455 = arith.ori %mul3A_5, %and3A_346 : vector<16xi32>
        tpu.vector_store_idx %arg7[%or3A], %select_n3A masked %eq3A {add = true} : memref<16384xi32, #tpu.memory_space<vmem>>[vector<16xi32>], vector<16xi32>, vector<16xi1>
        tpu.vector_store_idx %arg7[%or3A_441], %select_n3A_356 masked %eq3A_284 {add = true} : memref<16384xi32, #tpu.memory_space<vmem>>[vector<16xi32>], vector<16xi32>, vector<16xi1>
        tpu.vector_store_idx %arg7[%or3A_442], %select_n3A_362 masked %eq3A_285 {add = true} : memref<16384xi32, #tpu.memory_space<vmem>>[vector<16xi32>], vector<16xi32>, vector<16xi1>
        tpu.vector_store_idx %arg7[%or3A_443], %select_n3A_368 masked %eq3A_286 {add = true} : memref<16384xi32, #tpu.memory_space<vmem>>[vector<16xi32>], vector<16xi32>, vector<16xi1>
        tpu.vector_store_idx %arg7[%or3A_444], %select_n3A_374 masked %eq3A_287 {add = true} : memref<16384xi32, #tpu.memory_space<vmem>>[vector<16xi32>], vector<16xi32>, vector<16xi1>
        tpu.vector_store_idx %arg7[%or3A_445], %select_n3A_380 masked %eq3A_288 {add = true} : memref<16384xi32, #tpu.memory_space<vmem>>[vector<16xi32>], vector<16xi32>, vector<16xi1>
        tpu.vector_store_idx %arg7[%or3A_446], %select_n3A_386 masked %eq3A_289 {add = true} : memref<16384xi32, #tpu.memory_space<vmem>>[vector<16xi32>], vector<16xi32>, vector<16xi1>
        tpu.vector_store_idx %arg7[%or3A_447], %select_n3A_392 masked %eq3A_290 {add = true} : memref<16384xi32, #tpu.memory_space<vmem>>[vector<16xi32>], vector<16xi32>, vector<16xi1>
        tpu.vector_store_idx %arg7[%or3A_448], %select_n3A_398 masked %eq3A_291 {add = true} : memref<16384xi32, #tpu.memory_space<vmem>>[vector<16xi32>], vector<16xi32>, vector<16xi1>
        tpu.vector_store_idx %arg7[%or3A_449], %select_n3A_404 masked %eq3A_292 {add = true} : memref<16384xi32, #tpu.memory_space<vmem>>[vector<16xi32>], vector<16xi32>, vector<16xi1>
        tpu.vector_store_idx %arg7[%or3A_450], %select_n3A_410 masked %eq3A_293 {add = true} : memref<16384xi32, #tpu.memory_space<vmem>>[vector<16xi32>], vector<16xi32>, vector<16xi1>
        tpu.vector_store_idx %arg7[%or3A_451], %select_n3A_416 masked %eq3A_294 {add = true} : memref<16384xi32, #tpu.memory_space<vmem>>[vector<16xi32>], vector<16xi32>, vector<16xi1>
        tpu.vector_store_idx %arg7[%or3A_452], %select_n3A_422 masked %eq3A_295 {add = true} : memref<16384xi32, #tpu.memory_space<vmem>>[vector<16xi32>], vector<16xi32>, vector<16xi1>
        tpu.vector_store_idx %arg7[%or3A_453], %select_n3A_428 masked %eq3A_296 {add = true} : memref<16384xi32, #tpu.memory_space<vmem>>[vector<16xi32>], vector<16xi32>, vector<16xi1>
        tpu.vector_store_idx %arg7[%or3A_454], %select_n3A_434 masked %eq3A_297 {add = true} : memref<16384xi32, #tpu.memory_space<vmem>>[vector<16xi32>], vector<16xi32>, vector<16xi1>
        tpu.vector_store_idx %arg7[%or3A_455], %select_n3A_440 masked %eq3A_298 {add = true} : memref<16384xi32, #tpu.memory_space<vmem>>[vector<16xi32>], vector<16xi32>, vector<16xi1>
      }
      %scan3A_60 = arith.constant 64 : i32
    }
    %scan3A_23 = arith.constant 4 : i32
    %scan3A_24 = arith.constant 0 : i32
    %scan3A_25 = arith.constant 0 : i32
    %scan3A_26 = arith.constant 64 : i32
    %scan3A_27 = arith.addi %scan3A_25, %scan3A_26 : i32
    %scan3A_28 = arith.constant 1 : i32
    scf.for %scan3A_30 = %scan3A_25 to %scan3A_27 step %scan3A_28  : i32 {
      %mul3A_31 = arith.constant 16 : i32
      %mul3A_32 = arith.muli %scan3A_30, %mul3A_31 : i32
      %get3A_33 = arith.index_cast %mul3A_32 : i32 to index
      %get3A_34 = tpu.vector_load %arg7[%get3A_33] {strides = array<i32>} : memref<16384xi32, #tpu.memory_space<vmem>>, vector<16xi32>,
      %mul3A_35 = arith.constant 16 : i32
      %mul3A_36 = arith.muli %scan3A_30, %mul3A_35 : i32
      %add3A_37 = arith.constant 1024 : i32
      %add3A_38 = arith.addi %add3A_37, %mul3A_36 : i32
      %get3A_39 = arith.index_cast %add3A_38 : i32 to index
      %get3A_40 = tpu.vector_load %arg7[%get3A_39] {strides = array<i32>} : memref<16384xi32, #tpu.memory_space<vmem>>, vector<16xi32>,
      %add3A_41 = arith.addi %get3A_34, %get3A_40 : vector<16xi32>
      %mul3A_42 = arith.constant 16 : i32
      %mul3A_43 = arith.muli %scan3A_30, %mul3A_42 : i32
      %add3A_44 = arith.constant 2048 : i32
      %add3A_45 = arith.addi %add3A_44, %mul3A_43 : i32
      %get3A_46 = arith.index_cast %add3A_45 : i32 to index
      %get3A_47 = tpu.vector_load %arg7[%get3A_46] {strides = array<i32>} : memref<16384xi32, #tpu.memory_space<vmem>>, vector<16xi32>,
      %add3A_48 = arith.addi %add3A_41, %get3A_47 : vector<16xi32>
      %mul3A_49 = arith.constant 16 : i32
      %mul3A_50 = arith.muli %scan3A_30, %mul3A_49 : i32
      %add3A_51 = arith.constant 3072 : i32
      %add3A_52 = arith.addi %add3A_51, %mul3A_50 : i32
      %get3A_53 = arith.index_cast %add3A_52 : i32 to index
      %get3A_54 = tpu.vector_load %arg7[%get3A_53] {strides = array<i32>} : memref<16384xi32, #tpu.memory_space<vmem>>, vector<16xi32>,
      %add3A_55 = arith.addi %add3A_48, %get3A_54 : vector<16xi32>
      %mul3A_56 = arith.constant 16 : i32
      %mul3A_57 = arith.muli %scan3A_30, %mul3A_56 : i32
      %add3A_58 = arith.constant 4096 : i32
      %add3A_59 = arith.addi %add3A_58, %mul3A_57 : i32
      %get3A_60 = arith.index_cast %add3A_59 : i32 to index
      %get3A_61 = tpu.vector_load %arg7[%get3A_60] {strides = array<i32>} : memref<16384xi32, #tpu.memory_space<vmem>>, vector<16xi32>,
      %add3A_62 = arith.addi %add3A_55, %get3A_61 : vector<16xi32>
      %mul3A_63 = arith.constant 16 : i32
      %mul3A_64 = arith.muli %scan3A_30, %mul3A_63 : i32
      %add3A_65 = arith.constant 5120 : i32
      %add3A_66 = arith.addi %add3A_65, %mul3A_64 : i32
      %get3A_67 = arith.index_cast %add3A_66 : i32 to index
      %get3A_68 = tpu.vector_load %arg7[%get3A_67] {strides = array<i32>} : memref<16384xi32, #tpu.memory_space<vmem>>, vector<16xi32>,
      %add3A_69 = arith.addi %add3A_62, %get3A_68 : vector<16xi32>
      %mul3A_70 = arith.constant 16 : i32
      %mul3A_71 = arith.muli %scan3A_30, %mul3A_70 : i32
      %add3A_72 = arith.constant 6144 : i32
      %add3A_73 = arith.addi %add3A_72, %mul3A_71 : i32
      %get3A_74 = arith.index_cast %add3A_73 : i32 to index
      %get3A_75 = tpu.vector_load %arg7[%get3A_74] {strides = array<i32>} : memref<16384xi32, #tpu.memory_space<vmem>>, vector<16xi32>,
      %add3A_76 = arith.addi %add3A_69, %get3A_75 : vector<16xi32>
      %mul3A_77 = arith.constant 16 : i32
      %mul3A_78 = arith.muli %scan3A_30, %mul3A_77 : i32
      %add3A_79 = arith.constant 7168 : i32
      %add3A_80 = arith.addi %add3A_79, %mul3A_78 : i32
      %get3A_81 = arith.index_cast %add3A_80 : i32 to index
      %get3A_82 = tpu.vector_load %arg7[%get3A_81] {strides = array<i32>} : memref<16384xi32, #tpu.memory_space<vmem>>, vector<16xi32>,
      %add3A_83 = arith.addi %add3A_76, %get3A_82 : vector<16xi32>
      %mul3A_84 = arith.constant 16 : i32
      %mul3A_85 = arith.muli %scan3A_30, %mul3A_84 : i32
      %add3A_86 = arith.constant 8192 : i32
      %add3A_87 = arith.addi %add3A_86, %mul3A_85 : i32
      %get3A_88 = arith.index_cast %add3A_87 : i32 to index
      %get3A_89 = tpu.vector_load %arg7[%get3A_88] {strides = array<i32>} : memref<16384xi32, #tpu.memory_space<vmem>>, vector<16xi32>,
      %add3A_90 = arith.addi %add3A_83, %get3A_89 : vector<16xi32>
      %mul3A_91 = arith.constant 16 : i32
      %mul3A_92 = arith.muli %scan3A_30, %mul3A_91 : i32
      %add3A_93 = arith.constant 9216 : i32
      %add3A_94 = arith.addi %add3A_93, %mul3A_92 : i32
      %get3A_95 = arith.index_cast %add3A_94 : i32 to index
      %get3A_96 = tpu.vector_load %arg7[%get3A_95] {strides = array<i32>} : memref<16384xi32, #tpu.memory_space<vmem>>, vector<16xi32>,
      %add3A_97 = arith.addi %add3A_90, %get3A_96 : vector<16xi32>
      %mul3A_98 = arith.constant 16 : i32
      %mul3A_99 = arith.muli %scan3A_30, %mul3A_98 : i32
      %add3A_100 = arith.constant 10240 : i32
      %add3A_101 = arith.addi %add3A_100, %mul3A_99 : i32
      %get3A_102 = arith.index_cast %add3A_101 : i32 to index
      %get3A_103 = tpu.vector_load %arg7[%get3A_102] {strides = array<i32>} : memref<16384xi32, #tpu.memory_space<vmem>>, vector<16xi32>,
      %add3A_104 = arith.addi %add3A_97, %get3A_103 : vector<16xi32>
      %mul3A_105 = arith.constant 16 : i32
      %mul3A_106 = arith.muli %scan3A_30, %mul3A_105 : i32
      %add3A_107 = arith.constant 11264 : i32
      %add3A_108 = arith.addi %add3A_107, %mul3A_106 : i32
      %get3A_109 = arith.index_cast %add3A_108 : i32 to index
      %get3A_110 = tpu.vector_load %arg7[%get3A_109] {strides = array<i32>} : memref<16384xi32, #tpu.memory_space<vmem>>, vector<16xi32>,
      %add3A_111 = arith.addi %add3A_104, %get3A_110 : vector<16xi32>
      %mul3A_112 = arith.constant 16 : i32
      %mul3A_113 = arith.muli %scan3A_30, %mul3A_112 : i32
      %add3A_114 = arith.constant 12288 : i32
      %add3A_115 = arith.addi %add3A_114, %mul3A_113 : i32
      %get3A_116 = arith.index_cast %add3A_115 : i32 to index
      %get3A_117 = tpu.vector_load %arg7[%get3A_116] {strides = array<i32>} : memref<16384xi32, #tpu.memory_space<vmem>>, vector<16xi32>,
      %add3A_118 = arith.addi %add3A_111, %get3A_117 : vector<16xi32>
      %mul3A_119 = arith.constant 16 : i32
      %mul3A_120 = arith.muli %scan3A_30, %mul3A_119 : i32
      %add3A_121 = arith.constant 13312 : i32
      %add3A_122 = arith.addi %add3A_121, %mul3A_120 : i32
      %get3A_123 = arith.index_cast %add3A_122 : i32 to index
      %get3A_124 = tpu.vector_load %arg7[%get3A_123] {strides = array<i32>} : memref<16384xi32, #tpu.memory_space<vmem>>, vector<16xi32>,
      %add3A_125 = arith.addi %add3A_118, %get3A_124 : vector<16xi32>
      %mul3A_126 = arith.constant 16 : i32
      %mul3A_127 = arith.muli %scan3A_30, %mul3A_126 : i32
      %add3A_128 = arith.constant 14336 : i32
      %add3A_129 = arith.addi %add3A_128, %mul3A_127 : i32
      %get3A_130 = arith.index_cast %add3A_129 : i32 to index
      %get3A_131 = tpu.vector_load %arg7[%get3A_130] {strides = array<i32>} : memref<16384xi32, #tpu.memory_space<vmem>>, vector<16xi32>,
      %add3A_132 = arith.addi %add3A_125, %get3A_131 : vector<16xi32>
      %mul3A_133 = arith.constant 16 : i32
      %mul3A_134 = arith.muli %scan3A_30, %mul3A_133 : i32
      %add3A_135 = arith.constant 15360 : i32
      %add3A_136 = arith.addi %add3A_135, %mul3A_134 : i32
      %get3A_137 = arith.index_cast %add3A_136 : i32 to index
      %get3A_138 = tpu.vector_load %arg7[%get3A_137] {strides = array<i32>} : memref<16384xi32, #tpu.memory_space<vmem>>, vector<16xi32>,
      %add3A_139 = arith.addi %add3A_132, %get3A_138 : vector<16xi32>
      %mul3A_140 = arith.constant 16 : i32
      %mul3A_141 = arith.muli %scan3A_30, %mul3A_140 : i32
      %swap3A = arith.index_cast %mul3A_141 : i32 to index
      %swap3A_142 = tpu.vector_load %arg7[%swap3A] {strides = array<i32>} : memref<16384xi32, #tpu.memory_space<vmem>>, vector<16xi32>,
      tpu.vector_store %arg7[%swap3A], %add3A_139 {strides = array<i32>} : memref<16384xi32, #tpu.memory_space<vmem>>, vector<16xi32>,
    }
    %scan3A_29 = arith.constant 64 : i32
    "tpu.region"() ({
      %run_scoped3A = tpu.sem_alloc : memref<!tpu.dma_semaphore, #tpu.memory_space<semaphore_mem>>
      %dma_start3A_30 = arith.constant 0 : i32
      %dma_start3A_31 = tpu.memref_slice %arg7[%dma_start3A_30] : memref<16384xi32, #tpu.memory_space<vmem>> -> memref<1024xi32, #tpu.memory_space<vmem>>
      %dma_start3A_32 = arith.constant 0 : i32
      %dma_start3A_33 = tpu.memref_slice %arg4[%add3A, %dma_start3A_32] : memref<32x1024xi32, #tpu.memory_space<hbm>> -> memref<1x1024xi32, #tpu.memory_space<hbm>>
      %dma_start3A_34 = tpu.memref_squeeze %dma_start3A_33 : memref<1x1024xi32, #tpu.memory_space<hbm>> -> memref<1024xi32, #tpu.memory_space<hbm>>
      %dma_start3A_35 = arith.constant 0 : i32
      %dma_start3A_36 = tpu.memref_slice %arg4[%add3A, %dma_start3A_35] : memref<32x1024xi32, #tpu.memory_space<hbm>> -> memref<1x1024xi32, #tpu.memory_space<hbm>>
      %dma_start3A_37 = tpu.memref_squeeze %dma_start3A_36 : memref<1x1024xi32, #tpu.memory_space<hbm>> -> memref<1024xi32, #tpu.memory_space<hbm>>
      %dma_start3A_38 = arith.constant 0 : i32
      %dma_start3A_39 = tpu.memref_slice %arg7[%dma_start3A_38] : memref<16384xi32, #tpu.memory_space<vmem>> -> memref<1024xi32, #tpu.memory_space<vmem>>
      tpu.enqueue_dma source(%dma_start3A_39 : memref<1024xi32, #tpu.memory_space<vmem>>) target(%dma_start3A_37 : memref<1024xi32, #tpu.memory_space<hbm>>) target_semaphore(%run_scoped3A : memref<!tpu.dma_semaphore, #tpu.memory_space<semaphore_mem>>)
      %dma_wait3A = arith.constant 0 : i32
      %dma_wait3A_40 = tpu.memref_slice %arg7[%dma_wait3A] : memref<16384xi32, #tpu.memory_space<vmem>> -> memref<1024xi32, #tpu.memory_space<vmem>>
      %dma_wait3A_41 = arith.constant 0 : i32
      %dma_wait3A_42 = tpu.memref_slice %arg4[%add3A, %dma_wait3A_41] : memref<32x1024xi32, #tpu.memory_space<hbm>> -> memref<1x1024xi32, #tpu.memory_space<hbm>>
      %dma_wait3A_43 = tpu.memref_squeeze %dma_wait3A_42 : memref<1x1024xi32, #tpu.memory_space<hbm>> -> memref<1024xi32, #tpu.memory_space<hbm>>
      %dma_wait3A_44 = arith.constant 0 : i32
      %dma_wait3A_45 = tpu.memref_slice %arg4[%add3A, %dma_wait3A_44] : memref<32x1024xi32, #tpu.memory_space<hbm>> -> memref<1x1024xi32, #tpu.memory_space<hbm>>
      %dma_wait3A_46 = tpu.memref_squeeze %dma_wait3A_45 : memref<1x1024xi32, #tpu.memory_space<hbm>> -> memref<1024xi32, #tpu.memory_space<hbm>>
      %dma_wait3A_47 = arith.constant 0 : i32
      %dma_wait3A_48 = tpu.memref_slice %arg7[%dma_wait3A_47] : memref<16384xi32, #tpu.memory_space<vmem>> -> memref<1024xi32, #tpu.memory_space<vmem>>
      tpu.wait_dma2 semaphore(%run_scoped3A : memref<!tpu.dma_semaphore, #tpu.memory_space<semaphore_mem>>) src(%dma_wait3A_48 : memref<1024xi32, #tpu.memory_space<vmem>>) dst(%dma_wait3A_46 : memref<1024xi32, #tpu.memory_space<hbm>>)
      tpu.yield
    }) : () -> ()
    return
  }
}

module attributes {stable_mosaic.version = 14 : i64} {
  func.func @_tc_finish_body(%arg0: i32, %arg1: memref<1xf32, #tpu.memory_space<smem>>, %arg2: memref<128x2048xi32, #tpu.memory_space<vmem>>, %arg3: memref<1x1xf32, #tpu.memory_space<smem>>, %arg4: memref<1x1xf32, #tpu.memory_space<smem>>, %arg5: memref<1x1xf32, #tpu.memory_space<smem>>, %arg6: memref<1x1xf32, #tpu.memory_space<smem>>) attributes {dimension_semantics = [#tpu.dimension_semantics<arbitrary>], iteration_bounds = array<i64: 16>, scalar_prefetch = 0 : i64, scratch_operands = 0 : i64, tpu.core_type = #tpu.core_type<tc>, window_params = [{transform_indices = @transform_0, window_bounds = array<i64: 1>}, {transform_indices = @transform_1, window_bounds = array<i64: 128, 2048>}, {transform_indices = @transform_2, window_bounds = array<i64: 1, 1>}, {transform_indices = @transform_3, window_bounds = array<i64: 1, 1>}, {transform_indices = @transform_4, window_bounds = array<i64: 1, 1>}, {transform_indices = @transform_5, window_bounds = array<i64: 1, 1>}]} {
    %get3A = arith.constant 0 : index
    %get3A_0 = memref.load %arg1[%get3A] : memref<1xf32, #tpu.memory_space<smem>>
    %get3A_1 = arith.constant 0 : index
    %get3A_2 = arith.constant 0 : index
    %get3A_3 = vector.load %arg2[%get3A_1, %get3A_2] : memref<128x2048xi32, #tpu.memory_space<vmem>>, vector<128x2048xi32>
    %and3A = arith.constant 2147483647 : i32
    %and3A_4 = vector.broadcast %and3A : i32 to vector<128x2048xi32>
    %and3A_5 = arith.andi %get3A_3, %and3A_4 : vector<128x2048xi32>
    %bitcast_convert_type3A = tpu.bitcast %and3A_5 : vector<128x2048xi32> -> vector<128x2048xf32>
    %ge3A = arith.constant 0 : i32
    %ge3A_6 = vector.broadcast %ge3A : i32 to vector<128x2048xi32>
    %ge3A_7 = arith.cmpi sge, %get3A_3, %ge3A_6 : vector<128x2048xi32>
    %gt3A = vector.broadcast %get3A_0 : f32 to vector<128x2048xf32>
    %gt3A_8 = arith.cmpf ogt, %bitcast_convert_type3A, %gt3A : vector<128x2048xf32>
    %and3A_9 = arith.andi %ge3A_7, %gt3A_8 : vector<128x2048xi1>
    %sub3A = arith.constant 1.000000e+00 : f32
    %sub3A_10 = vector.broadcast %sub3A : f32 to vector<128x2048xf32>
    %sub3A_11 = arith.subf %sub3A_10, %bitcast_convert_type3A : vector<128x2048xf32>
    %add3A = vector.broadcast %get3A_0 : f32 to vector<128x2048xf32>
    %add3A_12 = arith.addf %sub3A_11, %add3A : vector<128x2048xf32>
    %log3A = math.log %add3A_12 : vector<128x2048xf32>
    %neg3A = arith.constant 0.000000e+00 : f32
    %neg3A_13 = vector.broadcast %neg3A : f32 to vector<128x2048xf32>
    %neg3A_14 = arith.subf %neg3A_13, %log3A : vector<128x2048xf32>
    %jit3A = arith.constant 0.000000e+00 : f32
    %broadcast_in_dim3A = vector.broadcast %jit3A : f32 to vector<128x2048xf32>
    %select_n3A = arith.select %and3A_9, %neg3A_14, %broadcast_in_dim3A : vector<128x2048xi1>, vector<128x2048xf32>
    %reduce_sum3A = vector.shape_cast %select_n3A : vector<128x2048xf32> to vector<1x128x2048xf32>
    %reduce_sum3A_15 = arith.constant dense<0.000000e+00> : vector<1xf32>
    %reduce_sum3A_16 = vector.multi_reduction <add>, %reduce_sum3A, %reduce_sum3A_15 [1, 2] : vector<1x128x2048xf32> to vector<1xf32>
    %reduce_sum3A_17 = vector.shape_cast %reduce_sum3A_16 : vector<1xf32> to vector<1x1x1xf32>
    %reduce_sum3A_18 = vector.extract %reduce_sum3A_17[0, 0, 0] : f32 from vector<1x1x1xf32>
    %jit3A_19 = arith.constant 1.000000e+00 : f32
    %jit3A_20 = arith.constant 0.000000e+00 : f32
    %broadcast_in_dim3A_21 = vector.broadcast %jit3A_19 : f32 to vector<128x2048xf32>
    %broadcast_in_dim3A_22 = vector.broadcast %jit3A_20 : f32 to vector<128x2048xf32>
    %select_n3A_23 = arith.select %and3A_9, %broadcast_in_dim3A_21, %broadcast_in_dim3A_22 : vector<128x2048xi1>, vector<128x2048xf32>
    %reduce_sum3A_24 = vector.shape_cast %select_n3A_23 : vector<128x2048xf32> to vector<1x128x2048xf32>
    %reduce_sum3A_25 = arith.constant dense<0.000000e+00> : vector<1xf32>
    %reduce_sum3A_26 = vector.multi_reduction <add>, %reduce_sum3A_24, %reduce_sum3A_25 [1, 2] : vector<1x128x2048xf32> to vector<1xf32>
    %reduce_sum3A_27 = vector.shape_cast %reduce_sum3A_26 : vector<1xf32> to vector<1x1x1xf32>
    %reduce_sum3A_28 = vector.extract %reduce_sum3A_27[0, 0, 0] : f32 from vector<1x1x1xf32>
    %sub3A_29 = arith.constant 1.000000e+00 : f32
    %sub3A_30 = vector.broadcast %sub3A_29 : f32 to vector<128x2048xf32>
    %sub3A_31 = arith.subf %bitcast_convert_type3A, %sub3A_30 : vector<128x2048xf32>
    %select_n3A_32 = arith.select %ge3A_7, %bitcast_convert_type3A, %sub3A_31 : vector<128x2048xi1>, vector<128x2048xf32>
    %mul3A = arith.mulf %select_n3A_32, %select_n3A_32 : vector<128x2048xf32>
    %reduce_sum3A_33 = vector.shape_cast %mul3A : vector<128x2048xf32> to vector<1x128x2048xf32>
    %reduce_sum3A_34 = arith.constant dense<0.000000e+00> : vector<1xf32>
    %reduce_sum3A_35 = vector.multi_reduction <add>, %reduce_sum3A_33, %reduce_sum3A_34 [1, 2] : vector<1x128x2048xf32> to vector<1xf32>
    %reduce_sum3A_36 = vector.shape_cast %reduce_sum3A_35 : vector<1xf32> to vector<1x1x1xf32>
    %reduce_sum3A_37 = vector.extract %reduce_sum3A_36[0, 0, 0] : f32 from vector<1x1x1xf32>
    %eq3A = arith.constant 0 : i32
    %eq3A_38 = arith.cmpi eq, %arg0, %eq3A : i32
    %convert_element_type3A = arith.extui %eq3A_38 : i1 to i32
    %cond3A = arith.constant 0 : i32
    %cond3A_39 = arith.cmpi ne, %convert_element_type3A, %cond3A : i32
    scf.if %cond3A_39 {
      %swap3A_65 = arith.constant 0.000000e+00 : f32
      %swap3A_66 = arith.constant 0 : index
      %swap3A_67 = arith.constant 0 : index
      %swap3A_68 = memref.load %arg3[%swap3A_66, %swap3A_67] : memref<1x1xf32, #tpu.memory_space<smem>>
      memref.store %swap3A_65, %arg3[%swap3A_66, %swap3A_67] : memref<1x1xf32, #tpu.memory_space<smem>>
      %swap3A_69 = arith.constant 0.000000e+00 : f32
      %swap3A_70 = arith.constant 0 : index
      %swap3A_71 = arith.constant 0 : index
      %swap3A_72 = memref.load %arg4[%swap3A_70, %swap3A_71] : memref<1x1xf32, #tpu.memory_space<smem>>
      memref.store %swap3A_69, %arg4[%swap3A_70, %swap3A_71] : memref<1x1xf32, #tpu.memory_space<smem>>
      %swap3A_73 = arith.constant 0.000000e+00 : f32
      %swap3A_74 = arith.constant 0 : index
      %swap3A_75 = arith.constant 0 : index
      %swap3A_76 = memref.load %arg5[%swap3A_74, %swap3A_75] : memref<1x1xf32, #tpu.memory_space<smem>>
      memref.store %swap3A_73, %arg5[%swap3A_74, %swap3A_75] : memref<1x1xf32, #tpu.memory_space<smem>>
    } else {
    }
    %get3A_40 = arith.constant 0 : index
    %get3A_41 = arith.constant 0 : index
    %get3A_42 = memref.load %arg3[%get3A_40, %get3A_41] : memref<1x1xf32, #tpu.memory_space<smem>>
    %add3A_43 = arith.addf %get3A_42, %reduce_sum3A_18 : f32
    %swap3A = arith.constant 0 : index
    %swap3A_44 = arith.constant 0 : index
    %swap3A_45 = memref.load %arg3[%swap3A, %swap3A_44] : memref<1x1xf32, #tpu.memory_space<smem>>
    memref.store %add3A_43, %arg3[%swap3A, %swap3A_44] : memref<1x1xf32, #tpu.memory_space<smem>>
    %get3A_46 = arith.constant 0 : index
    %get3A_47 = arith.constant 0 : index
    %get3A_48 = memref.load %arg4[%get3A_46, %get3A_47] : memref<1x1xf32, #tpu.memory_space<smem>>
    %add3A_49 = arith.addf %get3A_48, %reduce_sum3A_28 : f32
    %swap3A_50 = arith.constant 0 : index
    %swap3A_51 = arith.constant 0 : index
    %swap3A_52 = memref.load %arg4[%swap3A_50, %swap3A_51] : memref<1x1xf32, #tpu.memory_space<smem>>
    memref.store %add3A_49, %arg4[%swap3A_50, %swap3A_51] : memref<1x1xf32, #tpu.memory_space<smem>>
    %get3A_53 = arith.constant 0 : index
    %get3A_54 = arith.constant 0 : index
    %get3A_55 = memref.load %arg5[%get3A_53, %get3A_54] : memref<1x1xf32, #tpu.memory_space<smem>>
    %add3A_56 = arith.addf %get3A_55, %reduce_sum3A_37 : f32
    %swap3A_57 = arith.constant 0 : index
    %swap3A_58 = arith.constant 0 : index
    %swap3A_59 = memref.load %arg5[%swap3A_57, %swap3A_58] : memref<1x1xf32, #tpu.memory_space<smem>>
    memref.store %add3A_56, %arg5[%swap3A_57, %swap3A_58] : memref<1x1xf32, #tpu.memory_space<smem>>
    %eq3A_60 = arith.constant 15 : i32
    %eq3A_61 = arith.cmpi eq, %arg0, %eq3A_60 : i32
    %convert_element_type3A_62 = arith.extui %eq3A_61 : i1 to i32
    %cond3A_63 = arith.constant 0 : i32
    %cond3A_64 = arith.cmpi ne, %convert_element_type3A_62, %cond3A_63 : i32
    scf.if %cond3A_64 {
      %get3A_65 = arith.constant 0 : index
      %get3A_66 = arith.constant 0 : index
      %get3A_67 = memref.load %arg5[%get3A_65, %get3A_66] : memref<1x1xf32, #tpu.memory_space<smem>>
      %div3A = arith.constant 0x4A800000 : f32
      %div3A_68 = arith.divf %get3A_67, %div3A : f32
      %get3A_69 = arith.constant 0 : index
      %get3A_70 = arith.constant 0 : index
      %get3A_71 = memref.load %arg3[%get3A_69, %get3A_70] : memref<1x1xf32, #tpu.memory_space<smem>>
      %get3A_72 = arith.constant 0 : index
      %get3A_73 = arith.constant 0 : index
      %get3A_74 = memref.load %arg4[%get3A_72, %get3A_73] : memref<1x1xf32, #tpu.memory_space<smem>>
      %div3A_75 = arith.divf %get3A_71, %get3A_74 : f32
      %add3A_76 = arith.addf %div3A_68, %div3A_75 : f32
      %swap3A_77 = arith.constant 0 : index
      %swap3A_78 = arith.constant 0 : index
      %swap3A_79 = memref.load %arg6[%swap3A_77, %swap3A_78] : memref<1x1xf32, #tpu.memory_space<smem>>
      memref.store %add3A_76, %arg6[%swap3A_77, %swap3A_78] : memref<1x1xf32, #tpu.memory_space<smem>>
    } else {
    }
    return
  }
  func.func @transform_0(%arg0: i32) -> i32 {
    %c0_i32 = arith.constant 0 : i32
    %c0_i32_0 = arith.constant 0 : i32
    return %c0_i32 : i32
  }
  func.func @transform_1(%arg0: i32) -> (i32, i32) {
    %c0_i32 = arith.constant 0 : i32
    %c0_i32_0 = arith.constant 0 : i32
    return %arg0, %c0_i32 : i32, i32
  }
  func.func @transform_2(%arg0: i32) -> (i32, i32) {
    %c0_i32 = arith.constant 0 : i32
    %c0_i32_0 = arith.constant 0 : i32
    %c0_i32_1 = arith.constant 0 : i32
    return %c0_i32, %c0_i32_0 : i32, i32
  }
  func.func @transform_3(%arg0: i32) -> (i32, i32) {
    %c0_i32 = arith.constant 0 : i32
    %c0_i32_0 = arith.constant 0 : i32
    %c0_i32_1 = arith.constant 0 : i32
    return %c0_i32, %c0_i32_0 : i32, i32
  }
  func.func @transform_4(%arg0: i32) -> (i32, i32) {
    %c0_i32 = arith.constant 0 : i32
    %c0_i32_0 = arith.constant 0 : i32
    %c0_i32_1 = arith.constant 0 : i32
    return %c0_i32, %c0_i32_0 : i32, i32
  }
  func.func @transform_5(%arg0: i32) -> (i32, i32) {
    %c0_i32 = arith.constant 0 : i32
    %c0_i32_0 = arith.constant 0 : i32
    %c0_i32_1 = arith.constant 0 : i32
    return %c0_i32, %c0_i32_0 : i32, i32
  }
}

</mosaic_0001>

<sc_bundles>
// kernel: kernel.12.cloned.1.call-start
scs
__scs_entry_jumppad:
0x0: {  	(pc) =	sbr.rel $0x88, $3  }
0x1: {  	(tag) =	ssettag $0x0;
	lr =	simm.s32 $0x1  }
0x2: {  	[smem:$0x3F9F] =	sst lr;
	_ =	strace $0xD0000000  }
0x3: {  	_ = 	snop  }
0x4: {  	_ = 	snop  }
0x5: {  	_ = 	snop  }
0x6: {  	_ = 	snop  }
0x7: {  	_ = 	snop  }
__scs_overlays_trampoline_lowered:
0x8: {  	[smem:$0x3FAE] =	sst s0  }
0x9: {  	[smem:$0x3FAF] =	sst s1  }
0xa: {  	[smem:$0x3FB0] =	sst s2  }
0xb: {  	[smem:$0x3FB1] =	sst s3  }
0xc: {  	[smem:$0x3FB2] =	sst s4  }
0xd: {  	[smem:$0x3FB3] =	sst s5  }
0xe: {  	[smem:$0x3FB4] =	sst s6  }
0xf: {  	[smem:$0x3FB5] =	sst s7  }
0x10: {  	[smem:$0x3FB6] =	sst s8  }
0x11: {  	[smem:$0x3FB7] =	sst s9;
	s0 =	simm.s32 @!p0 $0x0  }
0x12: {  	s1 =	sld [smem:$0x3F9D];
	s0 =	simm.s32 @p0 $0x1  }
0x13: {  	[smem:$0x3FB8] =	sst s0;
	s0 =	simm.s32 @!p1 $0x0  }
0x14: {  	s2 =	sld [smem:$0x3F9C];
	s0 =	simm.s32 @p1 $0x1  }
0x15: {  	[smem:$0x3FB9] =	sst s0;
	s0 =	simm.s32 @!p2 $0x0  }
0x16: {  	s3 =	sld [smem:$0x3FDB];
	s0 =	simm.s32 @p2 $0x1  }
0x17: {  	s4 =	simm.s32 $0x1BF5;
	[smem:$0x3FBB] =	sst s0  }
0x18: {  	s0 =	sld [smem:$0x3F9E];
	_ =	swait.ge [sflag:s4], $0x0  }
0x19: {  	s7 =	sld [smem:$0x3F9F]  }
0x1a: {  	s8 =	sadd.s32 $0xFFFFE003, lr  }
0x1b: {  	s9 =	sadd.s32 $0xFFFFFEF7, lr;
	s5 =	simm.s32 $0xFFFFFFFF;
	p2 =	slt.u32 s8, $0xFFFFF086  }
0x1c: {  	p1 =	slt.u32 s9, $0xF7A;
	s5 =	simm.s32 @!p2 $0x0  }
0x1d: {  	s5 =	simm.s32 @p1 $0x1;
	p0 =	seq.s32 s7, s2  }
0x1e: {  	s7 =	smul.u32 @!p0 $0xF7A, s2;
	p2 =	seq.s32 @!p0 s5, $0x0  }
0x1f: {  	s9 =	smul.u32 $0xF7A, s1;
	s8 =	simm.s32 @!p0 $0x1BF5;
	p2 =	por !p2, p0  }
0x20: {  	[sflag:s8] =	ssyncset.s32 @!p0 $0xFFFFF086;
	s6 =	sadd.s32 @!p0 s3, s7;
	s7 =	simm.s32 @!p0 $0x108  }
0x21: {  	s3 =	sadd.s32 s3, s9;
	s6 =	sadd.s32 @!p0 $0x88, s6;
	s7 =	simm.s32 @p2 $0x1082  }
0x22: {  	[simem:s7], [sflag:s8] =	dma.local @!p0 [hbm:s6], $0xF7A  }
0x23: {  	s9 =	sor.u32 $0xD0000000, s2;
	s6 =	simm.s32 $0x108;
	_ =	swait.ge @!p0 [sflag:s8], $0x0  }
0x24: {  	s3 =	sadd.s32 $0x88, s3;
	s6 =	simm.s32 @!p1 $0x1082;
	[sflag:s4] =	ssyncset.s32 $0xFFFFF086  }
0x25: {  	[simem:s6], [sflag:s4] =	dma.local [hbm:s3], $0xF7A  }
0x26: {  	[smem:$0x3F9F] =	sst s1;
	(tag) =	ssettag s2;
	_ =	strace s9  }
0x27: {  	s1 =	sld [smem:$0x3FAF]  }
0x28: {  	s2 =	sld [smem:$0x3FB0]  }
0x29: {  	s4 =	sld [smem:$0x3FB2]  }
0x2a: {  	p0 =	seq.s32 s5, $0x0;
	s5 =	sld [smem:$0x3FB3]  }
0x2b: {  	s6 =	sld [smem:$0x3FB4]  }
0x2c: {  	s7 =	sld [smem:$0x3FB5]  }
0x2d: {  	s3 =	simm.s32 $0x108;
	s8 =	sld [smem:$0x3FB6]  }
0x2e: {  	s3 =	simm.s32 @!p0 $0x1082;
	s9 =	sld [smem:$0x3FB7]  }
0x2f: {  	lr =	sadd.s32 s0, s3;
	s0 =	sld [smem:$0x3FAE]  }
0x30: {  	s3 =	sld [smem:$0x3FB1]  }
0x31: {  	[smem:$0x3FBA] =	sst s10  }
0x32: {  	s10 =	sld [smem:$0x3FB8];
	_ =	sdelay $0x3  }
0x33: {  	p0 =	seq.s32 s10, $0x1;
	s10 =	sld [smem:$0x3FBA];
	_ =	sdelay $0x3  }
0x34: {  	[smem:$0x3FBA] =	sst s10  }
0x35: {  	s10 =	sld [smem:$0x3FB9];
	_ =	sdelay $0x3  }
0x36: {  	p1 =	seq.s32 s10, $0x1;
	s10 =	sld [smem:$0x3FBA];
	_ =	sdelay $0x3  }
0x37: {  	[smem:$0x3FBA] =	sst s10  }
0x38: {  	s10 =	sld [smem:$0x3FBB]  }
0x39: {  	_ = 	snop;
	(pc) =	sbr.ind lr, $3  }
0x3a: {  	_ = 	snop  }
0x3b: {  	_ = 	snop  }
0x3c: {  	p2 =	seq.s32 s10, $0x1;
	s10 =	sld [smem:$0x3FBA]  }
0x3d: {  	_ =	shalt  }
0x3e: {  	_ =	shalt  }
0x3f: {  	_ =	shalt  }
0x40: {  	_ =	shalt  }
0x41: {  	_ =	shalt  }
0x42: {  	_ =	shalt  }
0x43: {  	_ =	shalt  }
0x44: {  	_ =	shalt  }
0x45: {  	_ =	shalt  }
0x46: {  	_ =	shalt  }
0x47: {  	_ =	shalt  }
0x48: {  	_ =	shalt  }
0x49: {  	_ =	shalt  }
0x4a: {  	_ =	shalt  }
0x4b: {  	_ =	shalt  }
0x4c: {  	_ =	shalt  }
0x4d: {  	_ =	shalt  }
0x4e: {  	_ =	shalt  }
0x4f: {  	_ =	shalt  }
0x50: {  	_ =	shalt  }
0x51: {  	_ =	shalt  }
0x52: {  	_ =	shalt  }
0x53: {  	_ =	shalt  }
0x54: {  	_ =	shalt  }
0x55: {  	_ =	shalt  }
0x56: {  	_ =	shalt  }
0x57: {  	_ =	shalt  }
0x58: {  	_ =	shalt  }
0x59: {  	_ =	shalt  }
0x5a: {  	_ =	shalt  }
0x5b: {  	_ =	shalt  }
0x5c: {  	_ =	shalt  }
0x5d: {  	_ =	shalt  }
0x5e: {  	_ =	shalt  }
0x5f: {  	_ =	shalt  }
0x60: {  	_ =	shalt  }
0x61: {  	_ =	shalt  }
0x62: {  	_ =	shalt  }
0x63: {  	_ =	shalt  }
0x64: {  	_ =	shalt  }
0x65: {  	_ =	shalt  }
0x66: {  	_ =	shalt  }
0x67: {  	_ =	shalt  }
0x68: {  	_ =	shalt  }
0x69: {  	_ =	shalt  }
0x6a: {  	_ =	shalt  }
0x6b: {  	_ =	shalt  }
0x6c: {  	_ =	shalt  }
0x6d: {  	_ =	shalt  }
0x6e: {  	_ =	shalt  }
0x6f: {  	_ =	shalt  }
0x70: {  	_ =	shalt  }
0x71: {  	_ =	shalt  }
0x72: {  	_ =	shalt  }
0x73: {  	_ =	shalt  }
0x74: {  	_ =	shalt  }
0x75: {  	_ =	shalt  }
0x76: {  	_ =	shalt  }
0x77: {  	_ =	shalt  }
0x78: {  	_ =	shalt  }
0x79: {  	_ =	shalt  }
0x7a: {  	_ =	shalt  }
0x7b: {  	_ =	shalt  }
0x7c: {  	_ =	shalt  }
0x7d: {  	_ =	shalt  }
0x7e: {  	_ =	shalt  }
0x7f: {  	_ =	shalt  }
0x80: {  	_ =	shalt  }
0x81: {  	_ =	shalt  }
0x82: {  	_ =	shalt  }
0x83: {  	_ =	shalt  }
0x84: {  	_ =	shalt  }
0x85: {  	_ =	shalt  }
0x86: {  	_ =	shalt  }
0x87: {  	_ =	shalt  }
.Lfunc_end0:
.L_simem_size_0:
called_computation.2_lowered:
.L_overlay_start_0:
0x88: {  	s2 =	sld [smem:$0x3FD9]  }
0x89: {  	s3 =	sld [smem:$0x3FFE];
	_ =	sdelay $0x1  }
0x8a: {  	s1 =	srdreg.scid  }
0x8b: {  	s0 =	sand.u32 $0x1, s1  }
0x8c: {  	s16 =	sshll.u32 s0, $0xA;
	s2 =	sadd.s32 s3, s2  }
0x8d: {  	s2 =	sadd.s32 s2, s16  }
0x8e: {  	[smem:$0x3FC6] =	sst s2  }
0x8f: {  	_ = 	snop  }
0x90: {  	(tm) =	ssettm $0x1  }
0x91: {  	s17 =	sld [smem:$0x3FFB];
	_ =	sdelay $0x3  }
0x92: {  	_ =	strace s17  }
0x93: {  	s2 =	sld [smem:$0x3FFC];
	_ =	sdelay $0x3  }
0x94: {  	_ =	strace s2  }
0x95: {  	s2 =	sld [smem:$0x3FFD];
	_ =	sdelay $0x3  }
0x96: {  	_ =	strace s2  }
0x97: {  	_ =	strace $0x8FFFFFFF  }
0x98: {  	s18 =	sld [smem:$0x3FDB];
	_ =	sdelay $0x1  }
0x99: {  	s19 =	simm.s32 $_scs_section_size  }
0x9a: {  	s4 =	simm.s32 $_size__tile_overlayer_lowered;
	s5 =	simm.s32 $_tile_overlayer_lowered  }
0x9b: {  	s22 =	simm.s32 $0x1BFF;
	s21 =	sshll.u32 s5, $0x1;
	s2 =	sadd.s32 s19, s18  }
0x9c: {  	s6 =	simm.s32 $0x0;
	s20 =	sshll.u32 s4, $0x1;
	s4 =	sadd.s32 s21, s2  }
0x9d: {  	[timem:s6], [sflag:s22] =	dma.local [hbm:s4], s20  }
0x9e: {  	_ =	swait.ge [sflag:s22], s20  }
0x9f: {  	s3 =	ssub.s32 $0x0, s20;
	[sflag:s22] =	ssyncset.done $0x0  }
0xa0: {  	[sflag:s22] =	ssyncadd.s32 s3;
	_ =	sdelay $0x1  }
0xa1: {  	s23 =	simm.s32 $0x1B8B  }
0xa2: {  	_ =	swait.ge [sflag:s23], $0x1  }
0xa3: {  	[sflag:s23] =	ssyncset.done $0x0  }
0xa4: {  	s25 =	simm.s32 $0x1B8E;
	s24 =	sld [smem:$0x3FFE];
	[sflag:s23] =	ssyncadd.s32 $0xFFFFFFFF  }
0xa5: {  	s26 =	simm.s32 $execute0_lowered;
	[smem:$0x3FD2] =	sst s25  }
0xa6: {  	s4 =	sshll.u32 s26, $0x1;
	_ =	strace $0x8000004C;
	[dreg:$0x1] =	wrdreg $0xFFFFFFFF  }
0xa7: {  	s28 =	simm.s32 $_size_execute0_lowered;
	s2 =	sadd.s32 s2, s4;
	[dreg:$0x0] =	wrdreg $0x0  }
0xa8: {  	s4 =	sshll.u32 s28, $0x1;
	[dreg:$0x2] =	wrdreg s2  }
0xa9: {  	[dreg:$0x3] =	wrdreg s4  }
0xaa: {  	[dreg:$0x4] =	wrdreg $0xC0  }
0xab: {  	_ =	task [dreg:s6], $0x5FFFF  }
0xac: {  	[dreg:$0x1] =	wrdreg $0xFFFFFFFF  }
0xad: {  	[dreg:$0x0] =	wrdreg $0x60  }
0xae: {  	[dreg:$0x2] =	wrdreg s24  }
0xaf: {  	[dreg:$0x3] =	wrdreg $0x9  }
0xb0: {  	_ =	task.clear_ibuf [dreg:s6], $0x4FFFF;
	_ =	strace $0x9000004C  }
0xb1: {  	s29 =	simm.s32 $0x9;
	_ =	strace $0x8000004E  }
0xb2: {  	_ =	swait.ge [sflag:s29], $0x1  }
0xb3: {  	[sflag:s29] =	ssyncadd.s32 $0xFFFFFFFF  }
0xb4: {  	_ =	strace $0x9000004E  }
0xb5: {  	_ =	sfence  }
0xb6: {  	s30 =	sld [smem:$0x0];
	_ =	sdelay $0x2  }
0xb7: {  	s31 =	sshll.u32 s1, $0xD;
	s1 =	sshrl.u32 s1, $0x2  }
0xb8: {  	s3 =	sand.u32 $0x4000, s31;
	s1 =	sadd.s32 s1, s30  }
0xb9: {  	s0 =	sor.u32 s3, s0;
	s1 =	sshll.u32 s1, $0x11  }
0xba: {  	s0 =	sor.u32 s1, s0  }
0xbb: {  	s0 =	sadd.s32 $0x8F2B, s0  }
0xbc: {  	[sflag:s0] =	ssyncadd.remote.s32 $0x1  }
0xbd: {  	_ =	sfence.sel $0xFFFF  }
0xbe: {  	[dreg:$0x0] =	wrdreg $0xFFFFFFFF;
	(pc) =	sbr.abs _section_cstart, $3  }
0xbf: {  	[dreg:$0x1] =	wrdreg $0xFFFFFFFF  }
0xc0: {  	_ =	task.clear_ibuf [dreg:s6], $0x2FFFF;
	_ =	strace $0x9FFFFFFF  }
0xc1: {  	(tm) =	ssettm $0x7FFFFFFF  }
tec
execute0_lowered:
.L_overlay_start_1:
0x0: {  	(tag) =	ssettag $0x1  }
0x1: {  	s1 =	rddreg [dreg:$0x0]  }
0x2: {  	s0 =	rddreg [dreg:$0x1]  }
0x3: {  	s3 =	simm.s32 $0x0;
	s2 =	stileid.u32;
	s5 =	srdreg.scid  }
0x4: {  	s11 =	simm.s32 $0x3;
	s12 =	simm.s32 $0x4000;
	s13 =	simm.s32 $0x1  }
0x5: {  	s14 =	simm.s32 $0x8000;
	s15 =	simm.s32 $0x2;
	s16 =	simm.s32 $0x80  }
0x6: {  	s17 =	simm.s32 $0x400;
	s18 =	simm.s32 $0x0;
	[smem:$0x7FF] =	sst s3  }
0x7: {  	s4 =	sadd.s32 $0x80000, s1;
	s6 =	sshll.u32 s2, $0x8;
	s5 =	sand.u32 $0x1, s5  }
0x8: {  	s7 =	sshll.u32 s2, $0x1;
	_ =	strace $0x8000004D;
	s6 =	sand.u32 $0xC00, s6  }
0x9: {  	s8 =	ssub.s32 $0x2, s5;
	s5 =	sor.u32 s5, s7;
	s28 =	sadd.s32 s6, s1  }
0xa: {  	s29 =	sshrl.u32 s8, $0x1;
	s9 =	sshll.u32 s5, $0x4;
	s30 =	sshll.u32 s5, $0xE  }
0xb: {  	s5 =	sshll.u32 s5, $0x11;
	s10 =	ssub.s32 s8, s29;
	s31 =	sand.u32 $0x70, s9  }
0xc: {  	v2 =	vlaneseq.u32;
	s6 =	sadd.s32 s1, s30;
	s7 =	sor.u32 $0x8000, s5;
	s8 =	sadd.s32 s31, s28  }
0xd: {  	v0 =	vimm.s32 $0x0;
	v1 =	vimm.s32 $0x14;
	v2 =	vmul.u32 $0x400, v2;
	s9 =	smax.u32 s10, $0x1;
	s10 =	simm.s32 $0xC000;
	s8 =	sadd.s32 $0x80200, s8  }
.LBB2_1:
0xe: {  	[tilespmem:s10], [sflag:$0x3] =	stream.linear.gather [hbm4b:s4+s3], $0x80, $0x38;
	[tilespmem:$0xC080] =	vst v63  }
0xf: {  	_ =	swait.ge [sflag:s11], $0x80  }
0x10: {  	[sflag:s11] =	ssyncset.done $0x0  }
0x11: {  	[sflag:s11] =	ssyncadd.s32 $0xFFFFFF80  }
0x12: {  	v3 =	vld [tilespmem:$0xC000];
	_ =	sdelay $0x3  }
0x13: {  	s19 =	simm.s32 $0x0;
	s20 =	simm.s32 $0x200  }
.LBB2_2:
0x14: {  	p0 =	sne.s32 s20, $0xFE00;
	[tilespmem:s19+$0x8070] =	vst v0  }
0x15: {  	[tilespmem:s19+$0x8000] =	vst v0  }
0x16: {  	[tilespmem:s19+$0x8010] =	vst v0  }
.Ltmp0:
0x17: {  	[tilespmem:s19+$0x8020] =	vst v0;
	(pc) =	sbr.rel @p0 .LBB2_2-.Ltmp0, $4  }
0x18: {  	[tilespmem:s19+$0x8030] =	vst v0  }
0x19: {  	[tilespmem:s19+$0x8040] =	vst v0  }
0x1a: {  	[tilespmem:s19+$0x8050] =	vst v0  }
0x1b: {  	[tilespmem:s19+$0x8060] =	vst v0;
	s19 =	sshra.s32 s20, $0x2;
	s20 =	sadd.s32 $0x200, s20  }
0x1c: {  	[tilespmem:s19+$0x8070] =	vst v0  }
0x1d: {  	[tilespmem:s19+$0x8000] =	vst v0  }
0x1e: {  	[tilespmem:s19+$0x8010] =	vst v0  }
0x1f: {  	[tilespmem:s19+$0x8020] =	vst v0  }
0x20: {  	[tilespmem:s19+$0x8030] =	vst v0  }
0x21: {  	[tilespmem:s19+$0x8040] =	vst v0  }
0x22: {  	[tilespmem:s19+$0x8050] =	vst v0  }
0x23: {  	[tilespmem:s19+$0x8060] =	vst v0;
	s19 =	simm.s32 $0x0;
	s20 =	simm.s32 $0x0  }
0x24: {  	[tilespmem:s19], [sflag:$0x1] =	stream.linear.gather [hbm4b:s6+s19], $0x4000, $0x38;
	[tilespmem:$0xC080] =	vst v63  }
.LBB2_4:
0x25: {  	s21 =	sshll.u32 s20, $0xF  }
0x26: {  	s22 =	sor.u32 s21, s5  }
0x27: {  	s22 =	sshrl.u32 s22, $0x3  }
0x28: {  	s22 =	sadd.s32 s22, s1  }
0x29: {  	s22 =	sadd.s32 $0x800, s22  }
0x2a: {  	[tilespmem:s12], [sflag:$0x2] =	stream.linear.gather [hbm4b:s22+s19], $0x4000, $0x38;
	[tilespmem:$0xC080] =	vst v63  }
0x2b: {  	_ =	swait.ge [sflag:s13], $0x4000  }
0x2c: {  	[sflag:s13] =	ssyncset.done $0x0  }
0x2d: {  	s31 =	simm.s32 $0x0;
	[sflag:s13] =	ssyncadd.s32 $0xFFFFC000  }
0x2e: {  	v4 =	vld [tilespmem:s31+$0x10]  }
0x2f: {  	v5 =	vld [tilespmem:s31+$0x20]  }
0x30: {  	v6 =	vld [tilespmem:s31+$0x30]  }
0x31: {  	v7 =	vld [tilespmem:s31+$0x0]  }
0x32: {  	v11 =	vld [tilespmem:s31+$0x40]  }
0x33: {  	v12 =	vld [tilespmem:s31+$0x50]  }
0x34: {  	v14 =	vld [tilespmem:s31+$0x60]  }
0x35: {  	v28 =	vld [tilespmem:s31+$0x70]  }
0x36: {  	v20 =	vld [tilespmem:s31+$0x80];
	v8 =	vshrl.u32 v4, $0xA;
	vm0 =	vlt.s32 v4, $0x0  }
0x37: {  	vm3 =	vlt.s32 v5, $0x0;
	v9 =	vshrl.u32 v5, $0xA;
	vm4 =	vlt.s32 v6, $0x0  }
0x38: {  	v10 =	vand.u32 $0x3FF, v7;
	v4 =	vand.u32 $0x3FF, v4;
	v5 =	vand.u32 $0x3FF, v5  }
0x39: {  	v17 =	vshrl.u32 v11, $0xA;
	vm6 =	vlt.s32 v12, $0x0;
	vm7 =	vlt.s32 v14, $0x0  }
0x3a: {  	vm8 =	vlt.s32 v11, $0x0;
	v21 =	vand.u32 $0x3FF, v14;
	v26 =	vshrl.u32 v28, $0xA  }
0x3b: {  	v24 =	vshrl.u32 v20, $0xA;
	v35 =	vand.u32 $0x3FF, v28;
	v8 =	vand.u32 $0x1FFFFF, v8  }
0x3c: {  	v16 =	vsel vm0, $0x1, v1;
	v13 =	vand.u32 $0x1FFFFF, v9;
	vm0 =	vlt.s32 v7, $0x0  }
0x3d: {  	v7 =	vshrl.u32 v7, $0xA;
	v23 =	vor.u32 v2, v10;
	v10 =	vand.u32 $0x3FF, v12  }
0x3e: {  	v30 =	vor.u32 v2, v5;
	v5 =	vshrl.u32 v14, $0xA;
	v29 =	vor.u32 v2, v4  }
0x3f: {  	v14 =	vsel vm6, $0x1, v1;
	v32 =	vand.u32 $0x1FFFFF, v17;
	v33 =	vsel vm3, $0x1, v1  }
0x40: {  	v34 =	vsel vm4, $0x1, v1;
	v17 =	vsel vm7, $0x1, v1;
	vm1 =	veq.s32 v8, v3  }
0x41: {  	v19 =	vld [tilespmem:s31+$0x90];
	v8 =	vshrl.u32 v6, $0xA;
	v15 =	vand.u32 $0x1FFFFF, v7;
	v7 =	vshrl.u32 v12, $0xA  }
0x42: {  	v8 =	vand.u32 $0x1FFFFF, v8;
	v18 =	vand.u32 $0x1FFFFF, v7;
	v7 =	vld [tilespmem:s31+$0xC0];
	vm5 =	veq.s32 v15, v3  }
0x43: {  	v21 =	vor.u32 v2, v21;
	vm2 =	veq.s32 v8, v3;
	v8 =	vand.u32 $0x3FF, v11;
	v11 =	vld [tilespmem:s31+$0xA0]  }
0x44: {  	v27 =	vand.u32 $0x1FFFFF, v26;
	vm9 =	veq.s32 v13, v3;
	v9 =	vor.u32 v2, v8;
	v8 =	vld [tilespmem:s31+$0xB0]  }
0x45: {  	v4 =	vld [tilespmem:s31+$0xF0];
	v22 =	vsel vm0, $0x1, v1;
	v6 =	vand.u32 $0x3FF, v6;
	v10 =	vor.u32 v2, v10  }
0x46: {  	v25 =	vand.u32 $0x1FFFFF, v5;
	v5 =	vld [tilespmem:s31+$0xE0];
	vm3 =	veq.s32 v32, v3;
	v31 =	vor.u32 v2, v6  }
0x47: {  	v15 =	vsel vm8, $0x1, v1;
	v6 =	vld [tilespmem:s31+$0xD0];
	vm0 =	veq.s32 v18, v3;
	v18 =	vand.u32 $0x3FF, v7  }
0x48: {  	v12 =	vshrl.u32 v7, $0xA;
	[tilespmem:v23+s14+$0x0] =	vst.idx.add.s32.msk vm5, v22;
	v22 =	vand.u32 $0x3FF, v20;
	v26 =	vand.u32 $0x3FF, v11  }
0x49: {  	v23 =	vor.u32 v2, v35;
	v13 =	vand.u32 $0x3FF, v8;
	[tilespmem:v29+s14+$0x0] =	vst.idx.add.s32.msk vm1, v16;
	v16 =	vshrl.u32 v11, $0xA  }
0x4a: {  	v29 =	vshrl.u32 v8, $0xA;
	vm1 =	vlt.s32 v28, $0x0;
	[tilespmem:v30+s14+$0x0] =	vst.idx.add.s32.msk vm9, v33;
	v28 =	vand.u32 $0x1FFFFF, v16  }
0x4b: {  	s22 =	simm.s32 $0x400;
	v16 =	vor.u32 v2, v22;
	v22 =	vsel vm1, $0x1, v1;
	v30 =	vand.u32 $0x3FF, v19;
	[tilespmem:v31+s14+$0x0] =	vst.idx.add.s32.msk vm2, v34  }
.LBB2_5:
0x4c: {  	p0 =	sne.s32 s22, $0xFC00;
	v29 =	vand.u32 $0x1FFFFF, v29;
	vm4 =	veq.s32 v25, v3;
	vm5 =	vlt.s32 v20, $0x0;
	s23 =	smov.u32 s22;
	s22 =	sadd.s32 $0x400, s22  }
0x4d: {  	vm1 =	veq.s32 v28, v3;
	vm6 =	vlt.s32 v19, $0x0;
	v20 =	vor.u32 v2, v30  }
0x4e: {  	v19 =	vshrl.u32 v19, $0xA;
	vm2 =	veq.s32 v29, v3;
	v25 =	vsel vm5, $0x1, v1  }
0x4f: {  	v28 =	vshrl.u32 v6, $0xA;
	v19 =	vand.u32 $0x1FFFFF, v19;
	vm5 =	vlt.s32 v11, $0x0  }
0x50: {  	vm7 =	veq.s32 v27, v3;
	v11 =	vsel vm6, $0x1, v1;
	[tilespmem:v9+s14+$0x0] =	vst.idx.add.s32.msk vm3, v15;
	v9 =	vor.u32 v2, v26  }
0x51: {  	v15 =	vand.u32 $0x1FFFFF, v28;
	vm3 =	veq.s32 v19, v3;
	[tilespmem:v10+s14+$0x0] =	vst.idx.add.s32.msk vm0, v14;
	v10 =	vor.u32 v2, v18  }
0x52: {  	v13 =	vor.u32 v2, v13;
	v14 =	vand.u32 $0x1FFFFF, v24;
	[tilespmem:v21+s14+$0x0] =	vst.idx.add.s32.msk vm4, v17;
	v17 =	vand.u32 $0x3FF, v6  }
0x53: {  	vm4 =	veq.s32 v14, v3;
	v14 =	vsel vm5, $0x1, v1;
	vm5 =	vlt.s32 v8, $0x0  }
0x54: {  	vm6 =	vlt.s32 v7, $0x0;
	v8 =	vshrl.u32 v4, $0xA;
	v7 =	vor.u32 v2, v17  }
0x55: {  	v12 =	vand.u32 $0x1FFFFF, v12;
	vm8 =	veq.s32 v15, v3;
	v8 =	vand.u32 $0x1FFFFF, v8  }
0x56: {  	v15 =	vshrl.u32 v5, $0xA;
	vm0 =	veq.s32 v8, v3;
	v8 =	vsel vm5, $0x1, v1;
	[tilespmem:v23+s14+$0x0] =	vst.idx.add.s32.msk vm7, v22  }
0x57: {  	v15 =	vand.u32 $0x1FFFFF, v15;
	vm5 =	veq.s32 v12, v3;
	v12 =	vand.u32 $0x3FF, v5  }
0x58: {  	v17 =	vsel vm6, $0x1, v1;
	vm6 =	vlt.s32 v6, $0x0;
	v6 =	vand.u32 $0x3FF, v4  }
0x59: {  	vm9 =	vlt.s32 v5, $0x0;
	vm10 =	vlt.s32 v4, $0x0;
	vm7 =	veq.s32 v15, v3;
	[tilespmem:v16+s14+$0x0] =	vst.idx.add.s32.msk vm4, v25  }
0x5a: {  	v4 =	vor.u32 v2, v12;
	[tilespmem:v20+s14+$0x0] =	vst.idx.add.s32.msk vm3, v11  }
0x5b: {  	v5 =	vor.u32 v2, v6;
	[tilespmem:v9+s14+$0x0] =	vst.idx.add.s32.msk vm1, v14  }
0x5c: {  	[tilespmem:v13+s14+$0x0] =	vst.idx.add.s32.msk vm2, v8  }
0x5d: {  	v6 =	vsel vm6, $0x1, v1;
	[tilespmem:v10+s14+$0x0] =	vst.idx.add.s32.msk vm5, v17  }
0x5e: {  	v8 =	vsel vm9, $0x1, v1;
	[tilespmem:v7+s14+$0x0] =	vst.idx.add.s32.msk vm8, v6  }
0x5f: {  	s23 =	sshra.s32 s23, $0x2;
	v6 =	vsel vm10, $0x1, v1;
	[tilespmem:v4+s14+$0x0] =	vst.idx.add.s32.msk vm7, v8  }
0x60: {  	[tilespmem:v5+s14+$0x0] =	vst.idx.add.s32.msk vm0, v6  }
0x61: {  	v6 =	vld [tilespmem:s23+$0x10]  }
0x62: {  	v8 =	vld [tilespmem:s23+$0x20]  }
0x63: {  	v9 =	vld [tilespmem:s23+$0x30]  }
0x64: {  	v10 =	vld [tilespmem:s23+$0x0]  }
0x65: {  	v12 =	vld [tilespmem:s23+$0x40]  }
0x66: {  	v13 =	vld [tilespmem:s23+$0x50];
	v5 =	vshrl.u32 v6, $0xA;
	vm0 =	vlt.s32 v6, $0x0  }
0x67: {  	v4 =	vld [tilespmem:s23+$0xF0];
	v7 =	vand.u32 $0x1FFFFF, v5;
	v16 =	vsel vm0, $0x1, v1;
	vm3 =	vlt.s32 v8, $0x0  }
0x68: {  	v11 =	vshrl.u32 v8, $0xA;
	v5 =	vld [tilespmem:s23+$0xE0];
	vm2 =	veq.s32 v7, v3;
	vm4 =	vlt.s32 v9, $0x0  }
0x69: {  	v17 =	vand.u32 $0x3FF, v6;
	v7 =	vshrl.u32 v9, $0xA;
	v14 =	vld [tilespmem:s23+$0x60];
	v15 =	vand.u32 $0x3FF, v10  }
0x6a: {  	v18 =	vand.u32 $0x1FFFFF, v11;
	v11 =	vand.u32 $0x1FFFFF, v7;
	vm0 =	vlt.s32 v10, $0x0;
	v6 =	vld [tilespmem:s23+$0xD0]  }
0x6b: {  	v20 =	vand.u32 $0x3FF, v8;
	vm1 =	veq.s32 v11, v3;
	v21 =	vsel vm0, $0x1, v1;
	v7 =	vld [tilespmem:s23+$0xC0]  }
0x6c: {  	v22 =	vand.u32 $0x3FF, v9;
	v10 =	vshrl.u32 v10, $0xA;
	v9 =	vand.u32 $0x3FF, v12;
	v8 =	vld [tilespmem:s23+$0xB0]  }
0x6d: {  	v23 =	vand.u32 $0x1FFFFF, v10;
	v10 =	vshrl.u32 v13, $0xA;
	v9 =	vor.u32 v2, v9;
	v11 =	vld [tilespmem:s23+$0xA0]  }
0x6e: {  	v24 =	vshrl.u32 v12, $0xA;
	v26 =	vor.u32 v2, v15;
	v15 =	vand.u32 $0x3FF, v13;
	v28 =	vld [tilespmem:s23+$0x70]  }
0x6f: {  	v30 =	vor.u32 v2, v20;
	v25 =	vand.u32 $0x1FFFFF, v10;
	v10 =	vor.u32 v2, v15;
	v19 =	vld [tilespmem:s23+$0x90]  }
0x70: {  	vm5 =	veq.s32 v23, v3;
	vm6 =	vlt.s32 v13, $0x0;
	v15 =	vshrl.u32 v14, $0xA;
	v20 =	vld [tilespmem:s23+$0x80]  }
0x71: {  	v22 =	vor.u32 v2, v22;
	vm0 =	veq.s32 v25, v3;
	vm7 =	vlt.s32 v14, $0x0  }
0x72: {  	vm8 =	vlt.s32 v12, $0x0;
	v23 =	vor.u32 v2, v17;
	v27 =	vand.u32 $0x3FF, v14  }
0x73: {  	vm9 =	veq.s32 v18, v3;
	v25 =	vand.u32 $0x1FFFFF, v15;
	v15 =	vsel vm8, $0x1, v1  }
0x74: {  	v14 =	vsel vm6, $0x1, v1;
	v13 =	vand.u32 $0x3FF, v8;
	v29 =	vshrl.u32 v28, $0xA  }
0x75: {  	v32 =	vsel vm3, $0x1, v1;
	v31 =	vand.u32 $0x1FFFFF, v24;
	v18 =	vand.u32 $0x3FF, v7  }
0x76: {  	v33 =	vsel vm4, $0x1, v1;
	v17 =	vsel vm7, $0x1, v1;
	v12 =	vshrl.u32 v7, $0xA;
	[tilespmem:v26+s14+$0x0] =	vst.idx.add.s32.msk vm5, v21  }
.Ltmp1:
0x77: {  	v24 =	vshrl.u32 v20, $0xA;
	v21 =	vor.u32 v2, v27;
	[tilespmem:v23+s14+$0x0] =	vst.idx.add.s32.msk vm2, v16;
	v23 =	vand.u32 $0x3FF, v28;
	(pc) =	sbr.rel @p0 .LBB2_5-.Ltmp1, $4  }
0x78: {  	v27 =	vand.u32 $0x1FFFFF, v29;
	v26 =	vand.u32 $0x3FF, v11;
	v16 =	vand.u32 $0x3FF, v20  }
0x79: {  	v34 =	vshrl.u32 v11, $0xA;
	v29 =	vshrl.u32 v8, $0xA;
	vm2 =	vlt.s32 v28, $0x0;
	[tilespmem:v30+s14+$0x0] =	vst.idx.add.s32.msk vm9, v32  }
0x7a: {  	vm3 =	veq.s32 v31, v3;
	v28 =	vand.u32 $0x1FFFFF, v34;
	v16 =	vor.u32 v2, v16;
	[tilespmem:v22+s14+$0x0] =	vst.idx.add.s32.msk vm1, v33  }
0x7b: {  	v23 =	vor.u32 v2, v23;
	v30 =	vand.u32 $0x3FF, v19;
	v22 =	vsel vm2, $0x1, v1  }
0x7c: {  	_ = 	snop  }
0x7d: {  	v29 =	vand.u32 $0x1FFFFF, v29  }
0x7e: {  	vm4 =	veq.s32 v25, v3;
	vm5 =	vlt.s32 v20, $0x0;
	vm1 =	veq.s32 v28, v3  }
0x7f: {  	vm6 =	vlt.s32 v19, $0x0;
	v20 =	vor.u32 v2, v30;
	v19 =	vshrl.u32 v19, $0xA  }
0x80: {  	v28 =	vshrl.u32 v6, $0xA;
	v24 =	vand.u32 $0x1FFFFF, v24;
	vm7 =	vlt.s32 v11, $0x0  }
0x81: {  	[tilespmem:v9+s14+$0x0] =	vst.idx.add.s32.msk vm3, v15;
	v9 =	vor.u32 v2, v18;
	v25 =	vsel vm5, $0x1, v1;
	vm5 =	veq.s32 v27, v3  }
0x82: {  	v13 =	vor.u32 v2, v13;
	v19 =	vand.u32 $0x1FFFFF, v19;
	vm15 =	veq.s32 v24, v3  }
0x83: {  	v15 =	vand.u32 $0x3FF, v6;
	vm2 =	veq.s32 v29, v3;
	vm8 =	veq.s32 v19, v3  }
0x84: {  	v11 =	vsel vm6, $0x1, v1;
	v24 =	vor.u32 v2, v26;
	v26 =	vand.u32 $0x1FFFFF, v28  }
0x85: {  	[tilespmem:v10+s14+$0x0] =	vst.idx.add.s32.msk vm0, v14;
	v10 =	vsel vm7, $0x1, v1;
	vm0 =	vlt.s32 v8, $0x0;
	v8 =	vand.u32 $0x1FFFFF, v12  }
0x86: {  	v12 =	vshrl.u32 v4, $0xA;
	v14 =	vshrl.u32 v5, $0xA;
	vm3 =	veq.s32 v8, v3;
	[tilespmem:v21+s14+$0x0] =	vst.idx.add.s32.msk vm4, v17  }
0x87: {  	v8 =	vor.u32 v2, v15;
	v14 =	vand.u32 $0x1FFFFF, v14;
	vm4 =	veq.s32 v26, v3;
	[tilespmem:v23+s14+$0x0] =	vst.idx.add.s32.msk vm5, v22  }
0x88: {  	v12 =	vand.u32 $0x1FFFFF, v12;
	v15 =	vand.u32 $0x3FF, v5;
	vm5 =	veq.s32 v14, v3;
	[tilespmem:v16+s14+$0x0] =	vst.idx.add.s32.msk vm15, v25  }
0x89: {  	vm11 =	veq.s32 v12, v3;
	v12 =	vand.u32 $0x3FF, v4;
	[tilespmem:v20+s14+$0x0] =	vst.idx.add.s32.msk vm8, v11;
	v11 =	vor.u32 v2, v15  }
0x8a: {  	vm12 =	vlt.s32 v7, $0x0;
	v7 =	vsel vm0, $0x1, v1;
	[tilespmem:v24+s14+$0x0] =	vst.idx.add.s32.msk vm1, v10;
	v10 =	vor.u32 v2, v12  }
0x8b: {  	vm0 =	vlt.s32 v6, $0x0;
	v12 =	vsel vm12, $0x1, v1;
	[tilespmem:v13+s14+$0x0] =	vst.idx.add.s32.msk vm2, v7  }
0x8c: {  	p0 =	seq.s32 s20, $0x3;
	vm1 =	vlt.s32 v5, $0x0;
	v5 =	vsel vm0, $0x1, v1;
	[tilespmem:v9+s14+$0x0] =	vst.idx.add.s32.msk vm3, v12  }
0x8d: {  	s21 =	sadd.s32 @!p0 s21, s7;
	vm0 =	vlt.s32 v4, $0x0;
	v4 =	vsel vm1, $0x1, v1;
	[tilespmem:v8+s14+$0x0] =	vst.idx.add.s32.msk vm4, v5  }
0x8e: {  	s21 =	sshrl.u32 @!p0 s21, $0x3;
	v5 =	vsel vm0, $0x1, v1;
	[tilespmem:v11+s14+$0x0] =	vst.idx.add.s32.msk vm5, v4  }
0x8f: {  	s22 =	simm.s32 @!p0 $0x0;
	s21 =	sadd.s32 @!p0 s1, s21;
	[tilespmem:v10+s14+$0x0] =	vst.idx.add.s32.msk vm11, v5  }
0x90: {  	[tilespmem:s22], [sflag:$0x1] =	stream.linear.gather @!p0 [hbm4b:s21+s22], $0x4000, $0x38;
	[tilespmem:$0xC080] =	vst v63  }
0x91: {  	_ =	swait.ge [sflag:s15], $0x4000  }
0x92: {  	[sflag:s15] =	ssyncset.done $0x0  }
0x93: {  	s31 =	simm.s32 $0x0;
	[sflag:s15] =	ssyncadd.s32 $0xFFFFC000  }
0x94: {  	v4 =	vld [tilespmem:s31+$0x4010]  }
0x95: {  	v5 =	vld [tilespmem:s31+$0x4020]  }
0x96: {  	v6 =	vld [tilespmem:s31+$0x4030]  }
0x97: {  	v7 =	vld [tilespmem:s31+$0x4000]  }
0x98: {  	v11 =	vld [tilespmem:s31+$0x4040]  }
0x99: {  	v12 =	vld [tilespmem:s31+$0x4050]  }
0x9a: {  	v14 =	vld [tilespmem:s31+$0x4060]  }
0x9b: {  	v28 =	vld [tilespmem:s31+$0x4070]  }
0x9c: {  	v20 =	vld [tilespmem:s31+$0x4080];
	v8 =	vshrl.u32 v4, $0xA;
	vm0 =	vlt.s32 v4, $0x0  }
0x9d: {  	vm3 =	vlt.s32 v5, $0x0;
	v9 =	vshrl.u32 v5, $0xA;
	vm4 =	vlt.s32 v6, $0x0  }
0x9e: {  	v10 =	vand.u32 $0x3FF, v7;
	v4 =	vand.u32 $0x3FF, v4;
	v5 =	vand.u32 $0x3FF, v5  }
0x9f: {  	v17 =	vshrl.u32 v11, $0xA;
	vm13 =	vlt.s32 v12, $0x0;
	vm14 =	vlt.s32 v14, $0x0  }
0xa0: {  	vm15 =	vlt.s32 v11, $0x0;
	v21 =	vand.u32 $0x3FF, v14;
	v26 =	vshrl.u32 v28, $0xA  }
0xa1: {  	v24 =	vshrl.u32 v20, $0xA;
	v35 =	vand.u32 $0x3FF, v28;
	v8 =	vand.u32 $0x1FFFFF, v8  }
0xa2: {  	v16 =	vsel vm0, $0x1, v1;
	v13 =	vand.u32 $0x1FFFFF, v9;
	vm0 =	vlt.s32 v7, $0x0  }
0xa3: {  	v7 =	vshrl.u32 v7, $0xA;
	v23 =	vor.u32 v2, v10;
	v10 =	vand.u32 $0x3FF, v12  }
0xa4: {  	v30 =	vor.u32 v2, v5;
	v5 =	vshrl.u32 v14, $0xA;
	v29 =	vor.u32 v2, v4  }
0xa5: {  	v14 =	vsel vm13, $0x1, v1;
	v32 =	vand.u32 $0x1FFFFF, v17;
	v33 =	vsel vm3, $0x1, v1  }
0xa6: {  	v34 =	vsel vm4, $0x1, v1;
	v17 =	vsel vm14, $0x1, v1;
	vm1 =	veq.s32 v8, v3  }
0xa7: {  	v19 =	vld [tilespmem:s31+$0x4090];
	v8 =	vshrl.u32 v6, $0xA;
	v15 =	vand.u32 $0x1FFFFF, v7;
	v7 =	vshrl.u32 v12, $0xA  }
0xa8: {  	v8 =	vand.u32 $0x1FFFFF, v8;
	v18 =	vand.u32 $0x1FFFFF, v7;
	v7 =	vld [tilespmem:s31+$0x40C0];
	vm5 =	veq.s32 v15, v3  }
0xa9: {  	v21 =	vor.u32 v2, v21;
	vm2 =	veq.s32 v8, v3;
	v8 =	vand.u32 $0x3FF, v11;
	v11 =	vld [tilespmem:s31+$0x40A0]  }
0xaa: {  	v27 =	vand.u32 $0x1FFFFF, v26;
	vm9 =	veq.s32 v13, v3;
	v9 =	vor.u32 v2, v8;
	v8 =	vld [tilespmem:s31+$0x40B0]  }
0xab: {  	v4 =	vld [tilespmem:s31+$0x40F0];
	v22 =	vsel vm0, $0x1, v1;
	v6 =	vand.u32 $0x3FF, v6;
	v10 =	vor.u32 v2, v10  }
0xac: {  	v25 =	vand.u32 $0x1FFFFF, v5;
	v5 =	vld [tilespmem:s31+$0x40E0];
	vm3 =	veq.s32 v32, v3;
	v31 =	vor.u32 v2, v6  }
0xad: {  	v15 =	vsel vm15, $0x1, v1;
	v6 =	vld [tilespmem:s31+$0x40D0];
	vm0 =	veq.s32 v18, v3;
	v18 =	vand.u32 $0x3FF, v7  }
0xae: {  	v12 =	vshrl.u32 v7, $0xA;
	[tilespmem:v23+s14+$0x0] =	vst.idx.add.s32.msk vm5, v22;
	v22 =	vand.u32 $0x3FF, v20;
	v26 =	vand.u32 $0x3FF, v11  }
0xaf: {  	v23 =	vor.u32 v2, v35;
	v13 =	vand.u32 $0x3FF, v8;
	[tilespmem:v29+s14+$0x0] =	vst.idx.add.s32.msk vm1, v16;
	v16 =	vshrl.u32 v11, $0xA  }
0xb0: {  	v29 =	vshrl.u32 v8, $0xA;
	vm1 =	vlt.s32 v28, $0x0;
	[tilespmem:v30+s14+$0x0] =	vst.idx.add.s32.msk vm9, v33;
	v28 =	vand.u32 $0x1FFFFF, v16  }
0xb1: {  	s21 =	simm.s32 $0x400;
	v16 =	vor.u32 v2, v22;
	v22 =	vsel vm1, $0x1, v1;
	v30 =	vand.u32 $0x3FF, v19;
	[tilespmem:v31+s14+$0x0] =	vst.idx.add.s32.msk vm2, v34  }
.LBB2_7:
0xb2: {  	p0 =	sne.s32 s21, $0xFC00;
	v29 =	vand.u32 $0x1FFFFF, v29;
	vm4 =	veq.s32 v25, v3;
	vm5 =	vlt.s32 v20, $0x0;
	s22 =	smov.u32 s21;
	s21 =	sadd.s32 $0x400, s21  }
0xb3: {  	vm1 =	veq.s32 v28, v3;
	vm6 =	vlt.s32 v19, $0x0;
	v20 =	vor.u32 v2, v30  }
0xb4: {  	v19 =	vshrl.u32 v19, $0xA;
	vm2 =	veq.s32 v29, v3;
	v25 =	vsel vm5, $0x1, v1  }
0xb5: {  	v28 =	vshrl.u32 v6, $0xA;
	v19 =	vand.u32 $0x1FFFFF, v19;
	vm5 =	vlt.s32 v11, $0x0  }
0xb6: {  	vm7 =	veq.s32 v27, v3;
	v11 =	vsel vm6, $0x1, v1;
	[tilespmem:v9+s14+$0x0] =	vst.idx.add.s32.msk vm3, v15;
	v9 =	vor.u32 v2, v26  }
0xb7: {  	v15 =	vand.u32 $0x1FFFFF, v28;
	vm3 =	veq.s32 v19, v3;
	[tilespmem:v10+s14+$0x0] =	vst.idx.add.s32.msk vm0, v14;
	v10 =	vor.u32 v2, v18  }
0xb8: {  	v13 =	vor.u32 v2, v13;
	v14 =	vand.u32 $0x1FFFFF, v24;
	[tilespmem:v21+s14+$0x0] =	vst.idx.add.s32.msk vm4, v17;
	v17 =	vand.u32 $0x3FF, v6  }
0xb9: {  	vm4 =	veq.s32 v14, v3;
	v14 =	vsel vm5, $0x1, v1;
	vm5 =	vlt.s32 v8, $0x0  }
0xba: {  	vm6 =	vlt.s32 v7, $0x0;
	v8 =	vshrl.u32 v4, $0xA;
	v7 =	vor.u32 v2, v17  }
0xbb: {  	v12 =	vand.u32 $0x1FFFFF, v12;
	vm8 =	veq.s32 v15, v3;
	v8 =	vand.u32 $0x1FFFFF, v8  }
0xbc: {  	v15 =	vshrl.u32 v5, $0xA;
	vm0 =	veq.s32 v8, v3;
	v8 =	vsel vm5, $0x1, v1;
	[tilespmem:v23+s14+$0x0] =	vst.idx.add.s32.msk vm7, v22  }
0xbd: {  	v15 =	vand.u32 $0x1FFFFF, v15;
	vm5 =	veq.s32 v12, v3;
	v12 =	vand.u32 $0x3FF, v5  }
0xbe: {  	v17 =	vsel vm6, $0x1, v1;
	vm6 =	vlt.s32 v6, $0x0;
	v6 =	vand.u32 $0x3FF, v4  }
0xbf: {  	vm9 =	vlt.s32 v5, $0x0;
	vm10 =	vlt.s32 v4, $0x0;
	vm7 =	veq.s32 v15, v3;
	[tilespmem:v16+s14+$0x0] =	vst.idx.add.s32.msk vm4, v25  }
0xc0: {  	v4 =	vor.u32 v2, v12;
	[tilespmem:v20+s14+$0x0] =	vst.idx.add.s32.msk vm3, v11  }
0xc1: {  	v5 =	vor.u32 v2, v6;
	[tilespmem:v9+s14+$0x0] =	vst.idx.add.s32.msk vm1, v14  }
0xc2: {  	[tilespmem:v13+s14+$0x0] =	vst.idx.add.s32.msk vm2, v8  }
0xc3: {  	v6 =	vsel vm6, $0x1, v1;
	[tilespmem:v10+s14+$0x0] =	vst.idx.add.s32.msk vm5, v17  }
0xc4: {  	v8 =	vsel vm9, $0x1, v1;
	[tilespmem:v7+s14+$0x0] =	vst.idx.add.s32.msk vm8, v6  }
0xc5: {  	s22 =	sshra.s32 s22, $0x2;
	v6 =	vsel vm10, $0x1, v1;
	[tilespmem:v4+s14+$0x0] =	vst.idx.add.s32.msk vm7, v8  }
0xc6: {  	[tilespmem:v5+s14+$0x0] =	vst.idx.add.s32.msk vm0, v6  }
0xc7: {  	v6 =	vld [tilespmem:s22+$0x4010]  }
0xc8: {  	v8 =	vld [tilespmem:s22+$0x4020]  }
0xc9: {  	v9 =	vld [tilespmem:s22+$0x4030]  }
0xca: {  	v10 =	vld [tilespmem:s22+$0x4000]  }
0xcb: {  	v12 =	vld [tilespmem:s22+$0x4040]  }
0xcc: {  	v13 =	vld [tilespmem:s22+$0x4050];
	v5 =	vshrl.u32 v6, $0xA;
	vm0 =	vlt.s32 v6, $0x0  }
0xcd: {  	v4 =	vld [tilespmem:s22+$0x40F0];
	v7 =	vand.u32 $0x1FFFFF, v5;
	v16 =	vsel vm0, $0x1, v1;
	vm3 =	vlt.s32 v8, $0x0  }
0xce: {  	v11 =	vshrl.u32 v8, $0xA;
	v5 =	vld [tilespmem:s22+$0x40E0];
	vm2 =	veq.s32 v7, v3;
	vm4 =	vlt.s32 v9, $0x0  }
0xcf: {  	v17 =	vand.u32 $0x3FF, v6;
	v7 =	vshrl.u32 v9, $0xA;
	v14 =	vld [tilespmem:s22+$0x4060];
	v15 =	vand.u32 $0x3FF, v10  }
0xd0: {  	v18 =	vand.u32 $0x1FFFFF, v11;
	v11 =	vand.u32 $0x1FFFFF, v7;
	vm0 =	vlt.s32 v10, $0x0;
	v6 =	vld [tilespmem:s22+$0x40D0]  }
0xd1: {  	v20 =	vand.u32 $0x3FF, v8;
	vm1 =	veq.s32 v11, v3;
	v21 =	vsel vm0, $0x1, v1;
	v7 =	vld [tilespmem:s22+$0x40C0]  }
0xd2: {  	v22 =	vand.u32 $0x3FF, v9;
	v10 =	vshrl.u32 v10, $0xA;
	v9 =	vand.u32 $0x3FF, v12;
	v8 =	vld [tilespmem:s22+$0x40B0]  }
0xd3: {  	v23 =	vand.u32 $0x1FFFFF, v10;
	v10 =	vshrl.u32 v13, $0xA;
	v9 =	vor.u32 v2, v9;
	v11 =	vld [tilespmem:s22+$0x40A0]  }
0xd4: {  	v24 =	vshrl.u32 v12, $0xA;
	v26 =	vor.u32 v2, v15;
	v15 =	vand.u32 $0x3FF, v13;
	v28 =	vld [tilespmem:s22+$0x4070]  }
0xd5: {  	v30 =	vor.u32 v2, v20;
	v25 =	vand.u32 $0x1FFFFF, v10;
	v10 =	vor.u32 v2, v15;
	v19 =	vld [tilespmem:s22+$0x4090]  }
0xd6: {  	vm5 =	veq.s32 v23, v3;
	vm6 =	vlt.s32 v13, $0x0;
	v15 =	vshrl.u32 v14, $0xA;
	v20 =	vld [tilespmem:s22+$0x4080]  }
0xd7: {  	v22 =	vor.u32 v2, v22;
	vm0 =	veq.s32 v25, v3;
	vm7 =	vlt.s32 v14, $0x0  }
0xd8: {  	vm8 =	vlt.s32 v12, $0x0;
	v23 =	vor.u32 v2, v17;
	v27 =	vand.u32 $0x3FF, v14  }
0xd9: {  	vm9 =	veq.s32 v18, v3;
	v25 =	vand.u32 $0x1FFFFF, v15;
	v15 =	vsel vm8, $0x1, v1  }
0xda: {  	v14 =	vsel vm6, $0x1, v1;
	v13 =	vand.u32 $0x3FF, v8;
	v29 =	vshrl.u32 v28, $0xA  }
0xdb: {  	v32 =	vsel vm3, $0x1, v1;
	v31 =	vand.u32 $0x1FFFFF, v24;
	v18 =	vand.u32 $0x3FF, v7  }
0xdc: {  	v33 =	vsel vm4, $0x1, v1;
	v17 =	vsel vm7, $0x1, v1;
	v12 =	vshrl.u32 v7, $0xA;
	[tilespmem:v26+s14+$0x0] =	vst.idx.add.s32.msk vm5, v21  }
.Ltmp2:
0xdd: {  	v24 =	vshrl.u32 v20, $0xA;
	v21 =	vor.u32 v2, v27;
	[tilespmem:v23+s14+$0x0] =	vst.idx.add.s32.msk vm2, v16;
	v23 =	vand.u32 $0x3FF, v28;
	(pc) =	sbr.rel @p0 .LBB2_7-.Ltmp2, $4  }
0xde: {  	v27 =	vand.u32 $0x1FFFFF, v29;
	v26 =	vand.u32 $0x3FF, v11;
	v16 =	vand.u32 $0x3FF, v20  }
0xdf: {  	v34 =	vshrl.u32 v11, $0xA;
	v29 =	vshrl.u32 v8, $0xA;
	vm2 =	vlt.s32 v28, $0x0;
	[tilespmem:v30+s14+$0x0] =	vst.idx.add.s32.msk vm9, v32  }
0xe0: {  	vm3 =	veq.s32 v31, v3;
	v28 =	vand.u32 $0x1FFFFF, v34;
	v16 =	vor.u32 v2, v16;
	[tilespmem:v22+s14+$0x0] =	vst.idx.add.s32.msk vm1, v33  }
0xe1: {  	v23 =	vor.u32 v2, v23;
	v30 =	vand.u32 $0x3FF, v19;
	v22 =	vsel vm2, $0x1, v1  }
0xe2: {  	v29 =	vand.u32 $0x1FFFFF, v29  }
0xe3: {  	vm4 =	veq.s32 v25, v3;
	vm5 =	vlt.s32 v20, $0x0;
	vm1 =	veq.s32 v28, v3  }
0xe4: {  	vm6 =	vlt.s32 v19, $0x0;
	v44 =	vor.u32 v2, v30;
	v45 =	vshrl.u32 v19, $0xA  }
0xe5: {  	v47 =	vshrl.u32 v6, $0xA;
	vm12 =	veq.s32 v27, v3;
	v24 =	vand.u32 $0x1FFFFF, v24  }
0xe6: {  	vm7 =	vlt.s32 v11, $0x0;
	v49 =	vor.u32 v2, v26;
	v51 =	vor.u32 v2, v18  }
0xe7: {  	v13 =	vor.u32 v2, v13;
	v19 =	vand.u32 $0x1FFFFF, v45;
	vm13 =	veq.s32 v24, v3  }
0xe8: {  	v52 =	vand.u32 $0x3FF, v6;
	vm14 =	vlt.s32 v8, $0x0;
	vm8 =	veq.s32 v19, v3  }
0xe9: {  	[tilespmem:v9+s14+$0x0] =	vst.idx.add.s32.msk vm3, v15;
	v54 =	vand.u32 $0x1FFFFF, v12;
	v55 =	vshrl.u32 v4, $0xA;
	v56 =	vshrl.u32 v5, $0xA  }
0xea: {  	v58 =	vand.u32 $0x3FF, v5;
	v59 =	vand.u32 $0x3FF, v4;
	vm2 =	veq.s32 v29, v3;
	[tilespmem:v10+s14+$0x0] =	vst.idx.add.s32.msk vm0, v14  }
0xeb: {  	v46 =	vsel vm5, $0x1, v1;
	v50 =	vand.u32 $0x1FFFFF, v47;
	vm15 =	veq.s32 v54, v3;
	[tilespmem:v21+s14+$0x0] =	vst.idx.add.s32.msk vm4, v17  }
0xec: {  	v48 =	vsel vm6, $0x1, v1;
	v14 =	vand.u32 $0x1FFFFF, v56;
	vm9 =	veq.s32 v50, v3;
	[tilespmem:v23+s14+$0x0] =	vst.idx.add.s32.msk vm12, v22  }
0xed: {  	v57 =	vor.u32 v2, v52;
	v12 =	vand.u32 $0x1FFFFF, v55;
	vm10 =	veq.s32 v14, v3;
	[tilespmem:v16+s14+$0x0] =	vst.idx.add.s32.msk vm13, v46  }
0xee: {  	s20 =	sadd.s32 $0x1, s20;
	v53 =	vsel vm7, $0x1, v1;
	v60 =	vor.u32 v2, v58;
	vm11 =	veq.s32 v12, v3;
	[tilespmem:v44+s14+$0x0] =	vst.idx.add.s32.msk vm8, v48  }
0xef: {  	v61 =	vsel vm14, $0x1, v1;
	v62 =	vor.u32 v2, v59;
	p0 =	sne.s32 s20, $0x4;
	vm12 =	vlt.s32 v7, $0x0;
	[tilespmem:v49+s14+$0x0] =	vst.idx.add.s32.msk vm1, v53  }
.Ltmp3:
0xf0: {  	v63 =	vsel vm12, $0x1, v1;
	vm13 =	vlt.s32 v6, $0x0;
	[tilespmem:v13+s14+$0x0] =	vst.idx.add.s32.msk vm2, v61;
	(pc) =	sbr.rel @p0 .LBB2_4-.Ltmp3, $4  }
0xf1: {  	vm14 =	vlt.s32 v5, $0x0;
	v5 =	vsel vm13, $0x1, v1;
	[tilespmem:v51+s14+$0x0] =	vst.idx.add.s32.msk vm15, v63  }
0xf2: {  	vm15 =	vlt.s32 v4, $0x0;
	v4 =	vsel vm14, $0x1, v1;
	[tilespmem:v57+s14+$0x0] =	vst.idx.add.s32.msk vm9, v5  }
0xf3: {  	v5 =	vsel vm15, $0x1, v1;
	[tilespmem:v60+s14+$0x0] =	vst.idx.add.s32.msk vm10, v4  }
0xf4: {  	[tilespmem:v62+s14+$0x0] =	vst.idx.add.s32.msk vm11, v5  }
0xf5: {  	s19 =	simm.s32 $0x0  }
0xf6: {  	s20 =	sand.u32 $0x3F0, s19  }
0xf7: {  	s21 =	simm.s32 $0x10;
	s19 =	simm.s32 $0x8000;
	v3 =	vld [tilespmem:s20+$0x8400]  }
.LBB2_10:
0xf8: {  	p0 =	sne.s32 s21, $0x3F0;
	v4 =	vld [tilespmem:s19+$0x0]  }
0xf9: {  	v5 =	vld [tilespmem:s20+$0x8800]  }
0xfa: {  	v6 =	vld [tilespmem:s20+$0x8C00]  }
0xfb: {  	v7 =	vld [tilespmem:s20+$0x9000]  }
0xfc: {  	v8 =	vld [tilespmem:s20+$0x9400]  }
0xfd: {  	v3 =	vadd.s32 v4, v3;
	v4 =	vld [tilespmem:s20+$0x9800]  }
0xfe: {  	v3 =	vadd.s32 v5, v3;
	v5 =	vld [tilespmem:s20+$0x9C00]  }
0xff: {  	v3 =	vadd.s32 v6, v3;
	v6 =	vld [tilespmem:s20+$0xA000]  }
0x100: {  	v3 =	vadd.s32 v7, v3;
	v7 =	vld [tilespmem:s20+$0xA400]  }
0x101: {  	v3 =	vadd.s32 v8, v3;
	v8 =	vld [tilespmem:s20+$0xA800]  }
0x102: {  	v3 =	vadd.s32 v4, v3;
	v4 =	vld [tilespmem:s20+$0xAC00]  }
0x103: {  	v3 =	vadd.s32 v5, v3;
	v5 =	vld [tilespmem:s20+$0xB000]  }
0x104: {  	v3 =	vadd.s32 v6, v3;
	v6 =	vld [tilespmem:s20+$0xB400]  }
0x105: {  	v3 =	vadd.s32 v7, v3;
	v7 =	vld [tilespmem:s20+$0xB800]  }
0x106: {  	v3 =	vadd.s32 v8, v3;
	v8 =	vld [tilespmem:s20+$0xBC00]  }
0x107: {  	v3 =	vadd.s32 v4, v3  }
0x108: {  	v3 =	vadd.s32 v5, v3  }
.Ltmp4:
0x109: {  	v3 =	vadd.s32 v6, v3;
	(pc) =	sbr.rel @p0 .LBB2_10-.Ltmp4, $4  }
0x10a: {  	v3 =	vadd.s32 v7, v3  }
0x10b: {  	v3 =	vadd.s32 v8, v3  }
0x10c: {  	s20 =	sand.u32 $0x3F0, s21;
	[tilespmem:s19+$0x0] =	vst v3  }
0x10d: {  	s21 =	sadd.s32 $0x10, s21;
	s19 =	sadd.s32 $0x10, s19;
	v3 =	vld [tilespmem:s20+$0x8400]  }
0x10e: {  	v4 =	vld [tilespmem:s19+$0x0]  }
0x10f: {  	v5 =	vld [tilespmem:s20+$0x8800]  }
0x110: {  	v6 =	vld [tilespmem:s20+$0x8C00]  }
0x111: {  	v7 =	vld [tilespmem:s20+$0x9000]  }
0x112: {  	v8 =	vld [tilespmem:s20+$0x9400]  }
0x113: {  	v54 =	vld [tilespmem:s20+$0x9800];
	v3 =	vadd.s32 v4, v3  }
0x114: {  	v55 =	vld [tilespmem:s20+$0x9C00];
	v3 =	vadd.s32 v5, v3  }
0x115: {  	v56 =	vld [tilespmem:s20+$0xA000];
	v3 =	vadd.s32 v6, v3  }
0x116: {  	v57 =	vld [tilespmem:s20+$0xA400];
	v3 =	vadd.s32 v7, v3  }
0x117: {  	v58 =	vld [tilespmem:s20+$0xA800];
	v3 =	vadd.s32 v8, v3  }
0x118: {  	v59 =	vld [tilespmem:s20+$0xAC00];
	v3 =	vadd.s32 v54, v3  }
0x119: {  	v60 =	vld [tilespmem:s20+$0xB000];
	v3 =	vadd.s32 v55, v3  }
0x11a: {  	v61 =	vld [tilespmem:s20+$0xB400];
	v3 =	vadd.s32 v56, v3  }
0x11b: {  	v62 =	vld [tilespmem:s20+$0xB800];
	v3 =	vadd.s32 v57, v3  }
0x11c: {  	v63 =	vld [tilespmem:s20+$0xBC00];
	v3 =	vadd.s32 v58, v3  }
0x11d: {  	v3 =	vadd.s32 v59, v3  }
0x11e: {  	v3 =	vadd.s32 v60, v3  }
0x11f: {  	v3 =	vadd.s32 v61, v3  }
0x120: {  	s18 =	sadd.s32 $0x1, s18;
	v3 =	vadd.s32 v62, v3  }
0x121: {  	p0 =	sne.s32 s18, s9;
	v3 =	vadd.s32 v63, v3  }
.Ltmp5:
0x122: {  	[tilespmem:s19+$0x0] =	vst v3;
	(pc) =	sbr.rel @p0 .LBB2_1-.Ltmp5, $4  }
0x123: {  	[hbm4b:s8+s16] =	stream.strided.scatter [tilespmem:s14], [sflag:$0x3], $0x400, s17, s16, $0x38;
	[tilespmem:$0xC080] =	vst v63  }
0x124: {  	_ =	swait.ge [sflag:s11], $0x400  }
0x125: {  	[sflag:s11] =	ssyncset.done $0x0  }
0x126: {  	[sflag:s11] =	ssyncadd.s32 $0xFFFFFC00  }
0x127: {  	_ =	sfence.sel $0x180000  }
0x128: {  	[bflag:$0x0] =	sbarrier.arrive $0xFFFF  }
0x129: {  	p0 =	sne.s32 s2, $0x0;
	_ =	strace $0x9000004D  }
0x12a: {  	s0 =	sadd.s32 @!p0 $0x100000, s0;
	[bflag:$0x2] =	sbarrier.arrive $0xFFFF  }
0x12b: {  	[sflag:s0] =	ssyncadd.tile.s32 @!p0 $0x1;
	_ =	shalt  }
.Lfunc_end2:
_tile_overlayer_lowered:
.L_overlay_start_2:
0x12c: {  	(tag) =	ssettag $0x2  }
0x12d: {  	s0 =	rddreg [dreg:$0x0];
	s2 =	stileid.u32  }
0x12e: {  	s1 =	rddreg [dreg:$0x1];
	p0 =	sne.s32 s2, $0x0  }
0x12f: {  	s3 =	rddreg [dreg:$0x2];
	[bflag:$0x3] =	sbarrier.arrive $0xFFFF;
	s2 =	simm.s32 @!p0 $0x1C03  }
0x130: {  	[timem:s3], [sflag:s2] =	dma.local @!p0 [hbm:s0], s1  }
0x131: {  	s0 =	simm.s32 @!p0 $0x3  }
0x132: {  	_ =	swait.ge @!p0 [sflag:s0], s1  }
0x133: {  	s1 =	ssub.s32 @!p0 $0x0, s1;
	[sflag:s0] =	ssyncset.done @!p0 $0x0  }
0x134: {  	[sflag:s0] =	ssyncadd.s32 @!p0 s1  }
0x135: {  	[bflag:$0x3] =	sbarrier.arrive $0xFFFF  }
0x136: {  	_ =	shalt  }

// kernel: kernel.6.cloned.1.call-start
scs
__scs_entry_jumppad:
0x0: {  	(pc) =	sbr.rel $0x88, $3  }
0x1: {  	(tag) =	ssettag $0x0;
	lr =	simm.s32 $0x1  }
0x2: {  	[smem:$0x3F9F] =	sst lr;
	_ =	strace $0xD0000000  }
0x3: {  	_ = 	snop  }
0x4: {  	_ = 	snop  }
0x5: {  	_ = 	snop  }
0x6: {  	_ = 	snop  }
0x7: {  	_ = 	snop  }
__scs_overlays_trampoline_lowered:
0x8: {  	[smem:$0x3FAE] =	sst s0  }
0x9: {  	[smem:$0x3FAF] =	sst s1  }
0xa: {  	[smem:$0x3FB0] =	sst s2  }
0xb: {  	[smem:$0x3FB1] =	sst s3  }
0xc: {  	[smem:$0x3FB2] =	sst s4  }
0xd: {  	[smem:$0x3FB3] =	sst s5  }
0xe: {  	[smem:$0x3FB4] =	sst s6  }
0xf: {  	[smem:$0x3FB5] =	sst s7  }
0x10: {  	[smem:$0x3FB6] =	sst s8  }
0x11: {  	[smem:$0x3FB7] =	sst s9;
	s0 =	simm.s32 @!p0 $0x0  }
0x12: {  	s1 =	sld [smem:$0x3F9D];
	s0 =	simm.s32 @p0 $0x1  }
0x13: {  	[smem:$0x3FB8] =	sst s0;
	s0 =	simm.s32 @!p1 $0x0  }
0x14: {  	s2 =	sld [smem:$0x3F9C];
	s0 =	simm.s32 @p1 $0x1  }
0x15: {  	[smem:$0x3FB9] =	sst s0;
	s0 =	simm.s32 @!p2 $0x0  }
0x16: {  	s3 =	sld [smem:$0x3FDB];
	s0 =	simm.s32 @p2 $0x1  }
0x17: {  	s4 =	simm.s32 $0x1BF5;
	[smem:$0x3FBB] =	sst s0  }
0x18: {  	s0 =	sld [smem:$0x3F9E];
	_ =	swait.ge [sflag:s4], $0x0  }
0x19: {  	s7 =	sld [smem:$0x3F9F]  }
0x1a: {  	s8 =	sadd.s32 $0xFFFFE003, lr  }
0x1b: {  	s9 =	sadd.s32 $0xFFFFFEF7, lr;
	s5 =	simm.s32 $0xFFFFFFFF;
	p2 =	slt.u32 s8, $0xFFFFF086  }
0x1c: {  	p1 =	slt.u32 s9, $0xF7A;
	s5 =	simm.s32 @!p2 $0x0  }
0x1d: {  	s5 =	simm.s32 @p1 $0x1;
	p0 =	seq.s32 s7, s2  }
0x1e: {  	s7 =	smul.u32 @!p0 $0xF7A, s2;
	p2 =	seq.s32 @!p0 s5, $0x0  }
0x1f: {  	s9 =	smul.u32 $0xF7A, s1;
	s8 =	simm.s32 @!p0 $0x1BF5;
	p2 =	por !p2, p0  }
0x20: {  	[sflag:s8] =	ssyncset.s32 @!p0 $0xFFFFF086;
	s6 =	sadd.s32 @!p0 s3, s7;
	s7 =	simm.s32 @!p0 $0x108  }
0x21: {  	s3 =	sadd.s32 s3, s9;
	s6 =	sadd.s32 @!p0 $0x88, s6;
	s7 =	simm.s32 @p2 $0x1082  }
0x22: {  	[simem:s7], [sflag:s8] =	dma.local @!p0 [hbm:s6], $0xF7A  }
0x23: {  	s9 =	sor.u32 $0xD0000000, s2;
	s6 =	simm.s32 $0x108;
	_ =	swait.ge @!p0 [sflag:s8], $0x0  }
0x24: {  	s3 =	sadd.s32 $0x88, s3;
	s6 =	simm.s32 @!p1 $0x1082;
	[sflag:s4] =	ssyncset.s32 $0xFFFFF086  }
0x25: {  	[simem:s6], [sflag:s4] =	dma.local [hbm:s3], $0xF7A  }
0x26: {  	[smem:$0x3F9F] =	sst s1;
	(tag) =	ssettag s2;
	_ =	strace s9  }
0x27: {  	s1 =	sld [smem:$0x3FAF]  }
0x28: {  	s2 =	sld [smem:$0x3FB0]  }
0x29: {  	s4 =	sld [smem:$0x3FB2]  }
0x2a: {  	p0 =	seq.s32 s5, $0x0;
	s5 =	sld [smem:$0x3FB3]  }
0x2b: {  	s6 =	sld [smem:$0x3FB4]  }
0x2c: {  	s7 =	sld [smem:$0x3FB5]  }
0x2d: {  	s3 =	simm.s32 $0x108;
	s8 =	sld [smem:$0x3FB6]  }
0x2e: {  	s3 =	simm.s32 @!p0 $0x1082;
	s9 =	sld [smem:$0x3FB7]  }
0x2f: {  	lr =	sadd.s32 s0, s3;
	s0 =	sld [smem:$0x3FAE]  }
0x30: {  	s3 =	sld [smem:$0x3FB1]  }
0x31: {  	[smem:$0x3FBA] =	sst s10  }
0x32: {  	s10 =	sld [smem:$0x3FB8];
	_ =	sdelay $0x3  }
0x33: {  	p0 =	seq.s32 s10, $0x1;
	s10 =	sld [smem:$0x3FBA];
	_ =	sdelay $0x3  }
0x34: {  	[smem:$0x3FBA] =	sst s10  }
0x35: {  	s10 =	sld [smem:$0x3FB9];
	_ =	sdelay $0x3  }
0x36: {  	p1 =	seq.s32 s10, $0x1;
	s10 =	sld [smem:$0x3FBA];
	_ =	sdelay $0x3  }
0x37: {  	[smem:$0x3FBA] =	sst s10  }
0x38: {  	s10 =	sld [smem:$0x3FBB]  }
0x39: {  	_ = 	snop;
	(pc) =	sbr.ind lr, $3  }
0x3a: {  	_ = 	snop  }
0x3b: {  	_ = 	snop  }
0x3c: {  	p2 =	seq.s32 s10, $0x1;
	s10 =	sld [smem:$0x3FBA]  }
0x3d: {  	_ =	shalt  }
0x3e: {  	_ =	shalt  }
0x3f: {  	_ =	shalt  }
0x40: {  	_ =	shalt  }
0x41: {  	_ =	shalt  }
0x42: {  	_ =	shalt  }
0x43: {  	_ =	shalt  }
0x44: {  	_ =	shalt  }
0x45: {  	_ =	shalt  }
0x46: {  	_ =	shalt  }
0x47: {  	_ =	shalt  }
0x48: {  	_ =	shalt  }
0x49: {  	_ =	shalt  }
0x4a: {  	_ =	shalt  }
0x4b: {  	_ =	shalt  }
0x4c: {  	_ =	shalt  }
0x4d: {  	_ =	shalt  }
0x4e: {  	_ =	shalt  }
0x4f: {  	_ =	shalt  }
0x50: {  	_ =	shalt  }
0x51: {  	_ =	shalt  }
0x52: {  	_ =	shalt  }
0x53: {  	_ =	shalt  }
0x54: {  	_ =	shalt  }
0x55: {  	_ =	shalt  }
0x56: {  	_ =	shalt  }
0x57: {  	_ =	shalt  }
0x58: {  	_ =	shalt  }
0x59: {  	_ =	shalt  }
0x5a: {  	_ =	shalt  }
0x5b: {  	_ =	shalt  }
0x5c: {  	_ =	shalt  }
0x5d: {  	_ =	shalt  }
0x5e: {  	_ =	shalt  }
0x5f: {  	_ =	shalt  }
0x60: {  	_ =	shalt  }
0x61: {  	_ =	shalt  }
0x62: {  	_ =	shalt  }
0x63: {  	_ =	shalt  }
0x64: {  	_ =	shalt  }
0x65: {  	_ =	shalt  }
0x66: {  	_ =	shalt  }
0x67: {  	_ =	shalt  }
0x68: {  	_ =	shalt  }
0x69: {  	_ =	shalt  }
0x6a: {  	_ =	shalt  }
0x6b: {  	_ =	shalt  }
0x6c: {  	_ =	shalt  }
0x6d: {  	_ =	shalt  }
0x6e: {  	_ =	shalt  }
0x6f: {  	_ =	shalt  }
0x70: {  	_ =	shalt  }
0x71: {  	_ =	shalt  }
0x72: {  	_ =	shalt  }
0x73: {  	_ =	shalt  }
0x74: {  	_ =	shalt  }
0x75: {  	_ =	shalt  }
0x76: {  	_ =	shalt  }
0x77: {  	_ =	shalt  }
0x78: {  	_ =	shalt  }
0x79: {  	_ =	shalt  }
0x7a: {  	_ =	shalt  }
0x7b: {  	_ =	shalt  }
0x7c: {  	_ =	shalt  }
0x7d: {  	_ =	shalt  }
0x7e: {  	_ =	shalt  }
0x7f: {  	_ =	shalt  }
0x80: {  	_ =	shalt  }
0x81: {  	_ =	shalt  }
0x82: {  	_ =	shalt  }
0x83: {  	_ =	shalt  }
0x84: {  	_ =	shalt  }
0x85: {  	_ =	shalt  }
0x86: {  	_ =	shalt  }
0x87: {  	_ =	shalt  }
.Lfunc_end0:
.L_simem_size_0:
called_computation_lowered:
.L_overlay_start_0:
0x88: {  	s2 =	sld [smem:$0x3FD9]  }
0x89: {  	s3 =	sld [smem:$0x3FFE];
	_ =	sdelay $0x1  }
0x8a: {  	s1 =	srdreg.scid  }
0x8b: {  	s0 =	sand.u32 $0x1, s1  }
0x8c: {  	s16 =	sshll.u32 s0, $0xA;
	s2 =	sadd.s32 s3, s2  }
0x8d: {  	s2 =	sadd.s32 s2, s16  }
0x8e: {  	[smem:$0x3FC6] =	sst s2  }
0x8f: {  	_ = 	snop  }
0x90: {  	(tm) =	ssettm $0x1  }
0x91: {  	s17 =	sld [smem:$0x3FFB];
	_ =	sdelay $0x3  }
0x92: {  	_ =	strace s17  }
0x93: {  	s2 =	sld [smem:$0x3FFC];
	_ =	sdelay $0x3  }
0x94: {  	_ =	strace s2  }
0x95: {  	s2 =	sld [smem:$0x3FFD];
	_ =	sdelay $0x3  }
0x96: {  	_ =	strace s2  }
0x97: {  	_ =	strace $0x8FFFFFFF  }
0x98: {  	s18 =	sld [smem:$0x3FDB];
	_ =	sdelay $0x1  }
0x99: {  	s19 =	simm.s32 $_scs_section_size  }
0x9a: {  	s4 =	simm.s32 $_size__tile_overlayer_lowered;
	s5 =	simm.s32 $_tile_overlayer_lowered  }
0x9b: {  	s22 =	simm.s32 $0x1BFF;
	s21 =	sshll.u32 s5, $0x1;
	s2 =	sadd.s32 s19, s18  }
0x9c: {  	s6 =	simm.s32 $0x0;
	s20 =	sshll.u32 s4, $0x1;
	s4 =	sadd.s32 s21, s2  }
0x9d: {  	[timem:s6], [sflag:s22] =	dma.local [hbm:s4], s20  }
0x9e: {  	_ =	swait.ge [sflag:s22], s20  }
0x9f: {  	s3 =	ssub.s32 $0x0, s20;
	[sflag:s22] =	ssyncset.done $0x0  }
0xa0: {  	[sflag:s22] =	ssyncadd.s32 s3;
	_ =	sdelay $0x1  }
0xa1: {  	s23 =	simm.s32 $0x1B8B  }
0xa2: {  	_ =	swait.ge [sflag:s23], $0x1  }
0xa3: {  	[sflag:s23] =	ssyncset.done $0x0  }
0xa4: {  	s25 =	simm.s32 $0x1B8E;
	s24 =	sld [smem:$0x3FFE];
	[sflag:s23] =	ssyncadd.s32 $0xFFFFFFFF  }
0xa5: {  	s26 =	simm.s32 $execute0_lowered;
	[smem:$0x3FD2] =	sst s25  }
0xa6: {  	s4 =	sshll.u32 s26, $0x1;
	_ =	strace $0x80000046;
	[dreg:$0x1] =	wrdreg $0xFFFFFFFF  }
0xa7: {  	s28 =	simm.s32 $_size_execute0_lowered;
	s2 =	sadd.s32 s2, s4;
	[dreg:$0x0] =	wrdreg $0x0  }
0xa8: {  	s4 =	sshll.u32 s28, $0x1;
	[dreg:$0x2] =	wrdreg s2  }
0xa9: {  	[dreg:$0x3] =	wrdreg s4  }
0xaa: {  	[dreg:$0x4] =	wrdreg $0xC0  }
0xab: {  	_ =	task [dreg:s6], $0x5FFFF  }
0xac: {  	[dreg:$0x1] =	wrdreg $0xFFFFFFFF  }
0xad: {  	[dreg:$0x0] =	wrdreg $0x60  }
0xae: {  	[dreg:$0x2] =	wrdreg s24  }
0xaf: {  	[dreg:$0x3] =	wrdreg $0x9  }
0xb0: {  	_ =	task.clear_ibuf [dreg:s6], $0x4FFFF;
	_ =	strace $0x90000046  }
0xb1: {  	s29 =	simm.s32 $0x9;
	_ =	strace $0x80000048  }
0xb2: {  	_ =	swait.ge [sflag:s29], $0x1  }
0xb3: {  	[sflag:s29] =	ssyncadd.s32 $0xFFFFFFFF  }
0xb4: {  	_ =	strace $0x90000048  }
0xb5: {  	_ =	sfence  }
0xb6: {  	s30 =	sld [smem:$0x0];
	_ =	sdelay $0x2  }
0xb7: {  	s31 =	sshll.u32 s1, $0xD;
	s1 =	sshrl.u32 s1, $0x2  }
0xb8: {  	s3 =	sand.u32 $0x4000, s31;
	s1 =	sadd.s32 s1, s30  }
0xb9: {  	s0 =	sor.u32 s3, s0;
	s1 =	sshll.u32 s1, $0x11  }
0xba: {  	s0 =	sor.u32 s1, s0  }
0xbb: {  	s0 =	sadd.s32 $0x8F2B, s0  }
0xbc: {  	[sflag:s0] =	ssyncadd.remote.s32 $0x1  }
0xbd: {  	_ =	sfence.sel $0xFFFF  }
0xbe: {  	[dreg:$0x0] =	wrdreg $0xFFFFFFFF;
	(pc) =	sbr.abs _section_cstart, $3  }
0xbf: {  	[dreg:$0x1] =	wrdreg $0xFFFFFFFF  }
0xc0: {  	_ =	task.clear_ibuf [dreg:s6], $0x2FFFF;
	_ =	strace $0x9FFFFFFF  }
0xc1: {  	(tm) =	ssettm $0x7FFFFFFF  }
tec
execute0_lowered:
.L_overlay_start_1:
0x0: {  	(tag) =	ssettag $0x1  }
0x1: {  	s1 =	rddreg [dreg:$0x0]  }
0x2: {  	s0 =	rddreg [dreg:$0x1]  }
0x3: {  	s3 =	simm.s32 $0x0;
	s4 =	srdreg.scid;
	s2 =	stileid.u32  }
0x4: {  	s10 =	simm.s32 $0x1;
	s11 =	simm.s32 $0x8000;
	s12 =	simm.s32 $0x2  }
0x5: {  	s13 =	simm.s32 $0x80;
	s14 =	simm.s32 $0x400;
	s15 =	simm.s32 $0x3  }
0x6: {  	[smem:$0x7FF] =	sst s3;
	s4 =	sand.u32 $0x1, s4;
	s5 =	sshll.u32 s2, $0x8  }
0x7: {  	s7 =	sshll.u32 s2, $0x1;
	_ =	strace $0x80000047;
	s6 =	ssub.s32 $0x2, s4  }
0x8: {  	s5 =	sand.u32 $0xC00, s5;
	s7 =	sor.u32 s4, s7;
	s8 =	sshrl.u32 s6, $0x1  }
0x9: {  	s9 =	sadd.s32 s5, s1;
	s29 =	sshll.u32 s7, $0x4;
	s4 =	sshll.u32 s7, $0x11  }
0xa: {  	v2 =	vlaneseq.u32;
	s30 =	sshll.u32 s7, $0xE;
	s8 =	ssub.s32 s6, s8;
	s31 =	sand.u32 $0x70, s29  }
0xb: {  	v2 =	vmul.u32 $0x400, v2;
	s5 =	sadd.s32 s1, s30;
	s6 =	sor.u32 $0x8000, s4;
	s7 =	sadd.s32 s31, s9  }
0xc: {  	v0 =	vimm.s32 $0x0;
	v1 =	vimm.s32 $0x14;
	s8 =	smax.u32 s8, $0x1;
	s9 =	simm.s32 $0x4000;
	s7 =	sadd.s32 $0x80000, s7  }
.LBB2_1:
0xd: {  	s16 =	simm.s32 $0x0;
	s17 =	simm.s32 $0x200  }
.LBB2_2:
0xe: {  	p0 =	sne.s32 s17, $0xFE00;
	[tilespmem:s16+$0x8070] =	vst v0  }
0xf: {  	[tilespmem:s16+$0x8000] =	vst v0  }
0x10: {  	[tilespmem:s16+$0x8010] =	vst v0  }
.Ltmp0:
0x11: {  	[tilespmem:s16+$0x8020] =	vst v0;
	(pc) =	sbr.rel @p0 .LBB2_2-.Ltmp0, $4  }
0x12: {  	[tilespmem:s16+$0x8030] =	vst v0  }
0x13: {  	[tilespmem:s16+$0x8040] =	vst v0  }
0x14: {  	[tilespmem:s16+$0x8050] =	vst v0  }
0x15: {  	[tilespmem:s16+$0x8060] =	vst v0;
	s16 =	sshra.s32 s17, $0x2;
	s17 =	sadd.s32 $0x200, s17  }
0x16: {  	[tilespmem:s16+$0x8070] =	vst v0  }
0x17: {  	[tilespmem:s16+$0x8000] =	vst v0  }
0x18: {  	[tilespmem:s16+$0x8010] =	vst v0  }
0x19: {  	[tilespmem:s16+$0x8020] =	vst v0  }
0x1a: {  	[tilespmem:s16+$0x8030] =	vst v0  }
0x1b: {  	[tilespmem:s16+$0x8040] =	vst v0  }
0x1c: {  	[tilespmem:s16+$0x8050] =	vst v0  }
0x1d: {  	[tilespmem:s16+$0x8060] =	vst v0;
	s16 =	simm.s32 $0x0;
	s17 =	simm.s32 $0x0  }
0x1e: {  	[tilespmem:s16], [sflag:$0x1] =	stream.linear.gather [hbm4b:s5+s16], $0x4000, $0x38;
	[tilespmem:$0xC000] =	vst v63  }
.LBB2_4:
0x1f: {  	s18 =	sshll.u32 s17, $0xF  }
0x20: {  	s19 =	sor.u32 s18, s4  }
0x21: {  	s19 =	sshrl.u32 s19, $0x3  }
0x22: {  	s19 =	sadd.s32 s19, s1  }
0x23: {  	s19 =	sadd.s32 $0x800, s19  }
0x24: {  	[tilespmem:s9], [sflag:$0x2] =	stream.linear.gather [hbm4b:s19+s16], $0x4000, $0x38;
	[tilespmem:$0xC000] =	vst v63  }
0x25: {  	_ =	swait.ge [sflag:s10], $0x4000  }
0x26: {  	[sflag:s10] =	ssyncset.done $0x0  }
0x27: {  	s31 =	simm.s32 $0x0;
	[sflag:s10] =	ssyncadd.s32 $0xFFFFC000  }
0x28: {  	v3 =	vld [tilespmem:s31+$0x0]  }
0x29: {  	v4 =	vld [tilespmem:s31+$0x10]  }
0x2a: {  	v5 =	vld [tilespmem:s31+$0x20]  }
0x2b: {  	v7 =	vld [tilespmem:s31+$0x40]  }
0x2c: {  	v28 =	vld [tilespmem:s31+$0xA0]  }
0x2d: {  	v6 =	vld [tilespmem:s31+$0x30];
	_ =	sdelay $0x1  }
0x2e: {  	v8 =	vld [tilespmem:s31+$0x50];
	v9 =	vshrl.u32 v3, $0x15;
	vm0 =	vlt.s32 v3, $0x0  }
0x2f: {  	v14 =	vld [tilespmem:s31+$0x70];
	v11 =	vshrl.u32 v4, $0x15;
	vm1 =	vlt.s32 v4, $0x0;
	vm2 =	vlt.s32 v5, $0x0  }
0x30: {  	v5 =	vshrl.u32 v5, $0x15;
	vm3 =	vlt.s32 v7, $0x0;
	v62 =	vshrl.u32 v28, $0x15  }
0x31: {  	v10 =	vld [tilespmem:s31+$0x60];
	v4 =	vand.u32 $0x3FF, v9;
	v9 =	vand.u32 $0x3FF, v11;
	v11 =	vshrl.u32 v6, $0x15  }
0x32: {  	v16 =	vld [tilespmem:s31+$0x80];
	v5 =	vand.u32 $0x3FF, v5;
	v18 =	vsel vm1, $0x1, v1;
	v20 =	vsel vm2, $0x1, v1  }
0x33: {  	vm1 =	vlt.s32 v6, $0x0;
	v26 =	vsel vm0, $0x1, v1;
	v27 =	vsel vm3, $0x1, v1  }
0x34: {  	vm2 =	vlt.s32 v8, $0x0;
	vm3 =	vlt.s32 v14, $0x0;
	v12 =	vor.u32 v2, v4  }
0x35: {  	v13 =	vor.u32 v2, v9;
	v9 =	vshrl.u32 v7, $0x15;
	v11 =	vand.u32 $0x3FF, v11  }
0x36: {  	v3 =	vld [tilespmem:s31+$0xD0];
	v17 =	vor.u32 v2, v5;
	v5 =	vshrl.u32 v10, $0x15;
	v24 =	vsel vm1, $0x1, v1  }
0x37: {  	v23 =	vld [tilespmem:s31+$0x90];
	vm1 =	vlt.s32 v10, $0x0;
	v10 =	vshrl.u32 v16, $0x15;
	v29 =	vsel vm2, $0x1, v1  }
0x38: {  	vm2 =	vlt.s32 v16, $0x0;
	v15 =	vor.u32 v2, v11;
	v7 =	vand.u32 $0x3FF, v9;
	v9 =	vld [tilespmem:s31+$0xB0]  }
0x39: {  	v4 =	vld [tilespmem:s31+$0xC0];
	v11 =	vshrl.u32 v8, $0x15;
	v6 =	vand.u32 $0x3FF, v5;
	v8 =	vand.u32 $0x3FF, v10  }
0x3a: {  	v5 =	vld [tilespmem:s31+$0xF0];
	v10 =	vsel vm3, $0x1, v1;
	v19 =	vor.u32 v2, v7;
	v25 =	vand.u32 $0x3FF, v11  }
0x3b: {  	v7 =	vor.u32 v2, v6;
	v11 =	vshrl.u32 v14, $0x15;
	v21 =	vshrl.u32 v3, $0x15  }
0x3c: {  	v6 =	vld [tilespmem:s31+$0xE0];
	v8 =	vor.u32 v2, v8;
	v14 =	vand.u32 $0x3FF, v11;
	v21 =	vand.u32 $0x3FF, v21  }
0x3d: {  	[tilespmem:v12+s11+$0x0] =	vst.idx.add.s32.msk $0xffff, v26;
	v12 =	vshrl.u32 v23, $0x15;
	vm0 =	vlt.s32 v9, $0x0;
	v30 =	vshrl.u32 v9, $0x15  }
0x3e: {  	v9 =	vsel vm1, $0x1, v1;
	vm1 =	vlt.s32 v23, $0x0;
	v23 =	vor.u32 v2, v25  }
0x3f: {  	v22 =	vshrl.u32 v4, $0x15;
	v11 =	vshrl.u32 v5, $0x15;
	[tilespmem:v13+s11+$0x0] =	vst.idx.add.s32.msk $0xffff, v18;
	v13 =	vsel vm2, $0x1, v1  }
0x40: {  	vm2 =	vlt.s32 v28, $0x0;
	v63 =	vand.u32 $0x3FF, v12;
	v18 =	vor.u32 v2, v14;
	[tilespmem:v17+s11+$0x0] =	vst.idx.add.s32.msk $0xffff, v20  }
0x41: {  	v16 =	vshrl.u32 v6, $0x15;
	v12 =	vand.u32 $0x3FF, v30;
	v17 =	vsel vm1, $0x1, v1;
	[tilespmem:v15+s11+$0x0] =	vst.idx.add.s32.msk $0xffff, v24  }
0x42: {  	v14 =	vsel vm2, $0x1, v1;
	v12 =	vor.u32 v2, v12;
	v15 =	vand.u32 $0x3FF, v22;
	[tilespmem:v19+s11+$0x0] =	vst.idx.add.s32.msk $0xffff, v27  }
0x43: {  	s19 =	simm.s32 $0x400;
	v20 =	vand.u32 $0x3FF, v62;
	v19 =	vor.u32 v2, v63;
	v15 =	vor.u32 v2, v15;
	[tilespmem:v23+s11+$0x0] =	vst.idx.add.s32.msk $0xffff, v29  }
.LBB2_5:
0x44: {  	p0 =	sne.s32 s19, $0xFC00;
	v20 =	vor.u32 v2, v20;
	v21 =	vor.u32 v2, v21;
	v11 =	vand.u32 $0x3FF, v11;
	s20 =	smov.u32 s19;
	s19 =	sadd.s32 $0x400, s19  }
0x45: {  	v22 =	vsel vm0, $0x1, v1;
	vm0 =	vlt.s32 v5, $0x0;
	v5 =	vand.u32 $0x3FF, v16;
	[tilespmem:v7+s11+$0x0] =	vst.idx.add.s32.msk $0xffff, v9  }
0x46: {  	vm1 =	vlt.s32 v4, $0x0;
	vm2 =	vlt.s32 v3, $0x0;
	v3 =	vor.u32 v2, v11;
	[tilespmem:v18+s11+$0x0] =	vst.idx.add.s32.msk $0xffff, v10  }
0x47: {  	v4 =	vsel vm1, $0x1, v1;
	[tilespmem:v8+s11+$0x0] =	vst.idx.add.s32.msk $0xffff, v13  }
0x48: {  	vm1 =	vlt.s32 v6, $0x0;
	v5 =	vor.u32 v2, v5;
	[tilespmem:v19+s11+$0x0] =	vst.idx.add.s32.msk $0xffff, v17  }
0x49: {  	v6 =	vsel vm1, $0x1, v1;
	[tilespmem:v20+s11+$0x0] =	vst.idx.add.s32.msk $0xffff, v14  }
0x4a: {  	v7 =	vsel vm0, $0x1, v1;
	[tilespmem:v12+s11+$0x0] =	vst.idx.add.s32.msk $0xffff, v22  }
0x4b: {  	v8 =	vsel vm2, $0x1, v1;
	[tilespmem:v15+s11+$0x0] =	vst.idx.add.s32.msk $0xffff, v4  }
0x4c: {  	[tilespmem:v21+s11+$0x0] =	vst.idx.add.s32.msk $0xffff, v8  }
0x4d: {  	[tilespmem:v5+s11+$0x0] =	vst.idx.add.s32.msk $0xffff, v6  }
0x4e: {  	s20 =	sshra.s32 s20, $0x2;
	[tilespmem:v3+s11+$0x0] =	vst.idx.add.s32.msk $0xffff, v7  }
0x4f: {  	v3 =	vld [tilespmem:s20+$0x0]  }
0x50: {  	v4 =	vld [tilespmem:s20+$0x10]  }
0x51: {  	v5 =	vld [tilespmem:s20+$0x20]  }
0x52: {  	v6 =	vld [tilespmem:s20+$0x30]  }
0x53: {  	v7 =	vld [tilespmem:s20+$0x40]  }
0x54: {  	v8 =	vld [tilespmem:s20+$0x50];
	v9 =	vshrl.u32 v3, $0x15;
	vm0 =	vlt.s32 v3, $0x0  }
0x55: {  	v10 =	vld [tilespmem:s20+$0x60];
	v11 =	vshrl.u32 v4, $0x15;
	vm1 =	vlt.s32 v4, $0x0;
	v4 =	vand.u32 $0x3FF, v9  }
0x56: {  	v3 =	vld [tilespmem:s20+$0xD0];
	vm2 =	vlt.s32 v5, $0x0;
	v9 =	vor.u32 v2, v4;
	v11 =	vand.u32 $0x3FF, v11  }
0x57: {  	v5 =	vshrl.u32 v5, $0x15;
	v4 =	vld [tilespmem:s20+$0xC0];
	v12 =	vshrl.u32 v6, $0x15;
	v11 =	vor.u32 v2, v11  }
0x58: {  	v5 =	vand.u32 $0x3FF, v5;
	v13 =	vld [tilespmem:s20+$0x70];
	v14 =	vshrl.u32 v7, $0x15;
	v12 =	vand.u32 $0x3FF, v12  }
0x59: {  	vm3 =	vlt.s32 v7, $0x0;
	v15 =	vld [tilespmem:s20+$0x80];
	v12 =	vor.u32 v2, v12;
	v7 =	vand.u32 $0x3FF, v14  }
0x5a: {  	v17 =	vor.u32 v2, v5;
	v16 =	vshrl.u32 v8, $0x15;
	v14 =	vld [tilespmem:s20+$0xB0];
	v18 =	vor.u32 v2, v7  }
0x5b: {  	v20 =	vsel vm1, $0x1, v1;
	v7 =	vshrl.u32 v10, $0x15;
	v19 =	vld [tilespmem:s20+$0x90];
	v21 =	vshrl.u32 v3, $0x15  }
0x5c: {  	v24 =	vsel vm2, $0x1, v1;
	vm1 =	vlt.s32 v6, $0x0;
	v22 =	vld [tilespmem:s20+$0xA0];
	v23 =	vshrl.u32 v4, $0x15  }
0x5d: {  	v25 =	vsel vm1, $0x1, v1;
	v16 =	vand.u32 $0x3FF, v16;
	v7 =	vand.u32 $0x3FF, v7;
	v5 =	vld [tilespmem:s20+$0xF0]  }
0x5e: {  	v26 =	vsel vm0, $0x1, v1;
	v27 =	vsel vm3, $0x1, v1;
	v7 =	vor.u32 v2, v7;
	v6 =	vld [tilespmem:s20+$0xE0]  }
0x5f: {  	vm1 =	vlt.s32 v10, $0x0;
	v28 =	vshrl.u32 v13, $0x15;
	vm0 =	vlt.s32 v14, $0x0;
	[tilespmem:v9+s11+$0x0] =	vst.idx.add.s32.msk $0xffff, v26  }
0x60: {  	vm2 =	vlt.s32 v8, $0x0;
	vm3 =	vlt.s32 v13, $0x0;
	v10 =	vshrl.u32 v15, $0x15;
	[tilespmem:v11+s11+$0x0] =	vst.idx.add.s32.msk $0xffff, v20  }
0x61: {  	v26 =	vsel vm2, $0x1, v1;
	vm2 =	vlt.s32 v15, $0x0;
	v15 =	vand.u32 $0x3FF, v28;
	[tilespmem:v17+s11+$0x0] =	vst.idx.add.s32.msk $0xffff, v24  }
0x62: {  	v14 =	vshrl.u32 v14, $0x15;
	v9 =	vsel vm1, $0x1, v1;
	v8 =	vand.u32 $0x3FF, v10;
	[tilespmem:v12+s11+$0x0] =	vst.idx.add.s32.msk $0xffff, v25  }
0x63: {  	v10 =	vsel vm3, $0x1, v1;
	v8 =	vor.u32 v2, v8;
	v11 =	vshrl.u32 v5, $0x15;
	[tilespmem:v18+s11+$0x0] =	vst.idx.add.s32.msk $0xffff, v27  }
0x64: {  	vm1 =	vlt.s32 v19, $0x0;
	v12 =	vshrl.u32 v19, $0x15;
	v19 =	vor.u32 v2, v16  }
.Ltmp1:
0x65: {  	v13 =	vsel vm2, $0x1, v1;
	v20 =	vshrl.u32 v22, $0x15;
	v16 =	vshrl.u32 v6, $0x15;
	(pc) =	sbr.rel @p0 .LBB2_5-.Ltmp1, $4  }
0x66: {  	vm2 =	vlt.s32 v22, $0x0;
	v22 =	vand.u32 $0x3FF, v12;
	v12 =	vand.u32 $0x3FF, v14  }
0x67: {  	v17 =	vsel vm1, $0x1, v1;
	v18 =	vor.u32 v2, v15;
	v12 =	vor.u32 v2, v12  }
0x68: {  	v20 =	vand.u32 $0x3FF, v20;
	v14 =	vsel vm2, $0x1, v1;
	v15 =	vand.u32 $0x3FF, v23  }
0x69: {  	v21 =	vand.u32 $0x3FF, v21;
	v15 =	vor.u32 v2, v15;
	[tilespmem:v19+s11+$0x0] =	vst.idx.add.s32.msk $0xffff, v26;
	v19 =	vor.u32 v2, v22  }
0x6a: {  	_ =	sdelay $0x2  }
0x6b: {  	v20 =	vor.u32 v2, v20  }
0x6c: {  	[tilespmem:v7+s11+$0x0] =	vst.idx.add.s32.msk $0xffff, v9  }
0x6d: {  	[tilespmem:v18+s11+$0x0] =	vst.idx.add.s32.msk $0xffff, v10  }
0x6e: {  	v7 =	vor.u32 v2, v21;
	v9 =	vand.u32 $0x3FF, v16;
	[tilespmem:v8+s11+$0x0] =	vst.idx.add.s32.msk $0xffff, v13  }
0x6f: {  	v9 =	vor.u32 v2, v9;
	v8 =	vand.u32 $0x3FF, v11;
	[tilespmem:v19+s11+$0x0] =	vst.idx.add.s32.msk $0xffff, v17  }
0x70: {  	v10 =	vsel vm0, $0x1, v1;
	vm0 =	vlt.s32 v4, $0x0;
	v4 =	vor.u32 v2, v8;
	[tilespmem:v20+s11+$0x0] =	vst.idx.add.s32.msk $0xffff, v14  }
0x71: {  	vm1 =	vlt.s32 v3, $0x0;
	v3 =	vsel vm0, $0x1, v1;
	[tilespmem:v12+s11+$0x0] =	vst.idx.add.s32.msk $0xffff, v10  }
0x72: {  	p0 =	seq.s32 s17, $0x3;
	vm0 =	vlt.s32 v6, $0x0;
	v6 =	vsel vm1, $0x1, v1;
	[tilespmem:v15+s11+$0x0] =	vst.idx.add.s32.msk $0xffff, v3  }
0x73: {  	s18 =	sadd.s32 @!p0 s18, s6;
	vm1 =	vlt.s32 v5, $0x0;
	v3 =	vsel vm0, $0x1, v1;
	[tilespmem:v7+s11+$0x0] =	vst.idx.add.s32.msk $0xffff, v6  }
0x74: {  	s18 =	sshrl.u32 @!p0 s18, $0x3;
	v5 =	vsel vm1, $0x1, v1;
	[tilespmem:v9+s11+$0x0] =	vst.idx.add.s32.msk $0xffff, v3  }
0x75: {  	s19 =	simm.s32 @!p0 $0x0;
	s18 =	sadd.s32 @!p0 s1, s18;
	[tilespmem:v4+s11+$0x0] =	vst.idx.add.s32.msk $0xffff, v5  }
0x76: {  	[tilespmem:s19], [sflag:$0x1] =	stream.linear.gather @!p0 [hbm4b:s18+s19], $0x4000, $0x38;
	[tilespmem:$0xC000] =	vst v63  }
0x77: {  	_ =	swait.ge [sflag:s12], $0x4000  }
0x78: {  	[sflag:s12] =	ssyncset.done $0x0  }
0x79: {  	s31 =	simm.s32 $0x0;
	[sflag:s12] =	ssyncadd.s32 $0xFFFFC000  }
0x7a: {  	v3 =	vld [tilespmem:s31+$0x4000]  }
0x7b: {  	v4 =	vld [tilespmem:s31+$0x4010]  }
0x7c: {  	v5 =	vld [tilespmem:s31+$0x4020]  }
0x7d: {  	v7 =	vld [tilespmem:s31+$0x4040]  }
0x7e: {  	v28 =	vld [tilespmem:s31+$0x40A0]  }
0x7f: {  	v6 =	vld [tilespmem:s31+$0x4030];
	_ =	sdelay $0x1  }
0x80: {  	v8 =	vld [tilespmem:s31+$0x4050];
	v9 =	vshrl.u32 v3, $0x15;
	vm0 =	vlt.s32 v3, $0x0  }
0x81: {  	v14 =	vld [tilespmem:s31+$0x4070];
	v11 =	vshrl.u32 v4, $0x15;
	vm1 =	vlt.s32 v4, $0x0;
	vm2 =	vlt.s32 v5, $0x0  }
0x82: {  	v5 =	vshrl.u32 v5, $0x15;
	vm3 =	vlt.s32 v7, $0x0;
	v62 =	vshrl.u32 v28, $0x15  }
0x83: {  	v10 =	vld [tilespmem:s31+$0x4060];
	v4 =	vand.u32 $0x3FF, v9;
	v9 =	vand.u32 $0x3FF, v11;
	v11 =	vshrl.u32 v6, $0x15  }
0x84: {  	v16 =	vld [tilespmem:s31+$0x4080];
	v5 =	vand.u32 $0x3FF, v5;
	v18 =	vsel vm1, $0x1, v1;
	v20 =	vsel vm2, $0x1, v1  }
0x85: {  	vm1 =	vlt.s32 v6, $0x0;
	v26 =	vsel vm0, $0x1, v1;
	v27 =	vsel vm3, $0x1, v1  }
0x86: {  	vm2 =	vlt.s32 v8, $0x0;
	vm3 =	vlt.s32 v14, $0x0;
	v12 =	vor.u32 v2, v4  }
0x87: {  	v13 =	vor.u32 v2, v9;
	v9 =	vshrl.u32 v7, $0x15;
	v11 =	vand.u32 $0x3FF, v11  }
0x88: {  	v3 =	vld [tilespmem:s31+$0x40D0];
	v17 =	vor.u32 v2, v5;
	v5 =	vshrl.u32 v10, $0x15;
	v24 =	vsel vm1, $0x1, v1  }
0x89: {  	v23 =	vld [tilespmem:s31+$0x4090];
	vm1 =	vlt.s32 v10, $0x0;
	v10 =	vshrl.u32 v16, $0x15;
	v29 =	vsel vm2, $0x1, v1  }
0x8a: {  	vm2 =	vlt.s32 v16, $0x0;
	v15 =	vor.u32 v2, v11;
	v7 =	vand.u32 $0x3FF, v9;
	v9 =	vld [tilespmem:s31+$0x40B0]  }
0x8b: {  	v4 =	vld [tilespmem:s31+$0x40C0];
	v11 =	vshrl.u32 v8, $0x15;
	v6 =	vand.u32 $0x3FF, v5;
	v8 =	vand.u32 $0x3FF, v10  }
0x8c: {  	v5 =	vld [tilespmem:s31+$0x40F0];
	v10 =	vsel vm3, $0x1, v1;
	v19 =	vor.u32 v2, v7;
	v25 =	vand.u32 $0x3FF, v11  }
0x8d: {  	v7 =	vor.u32 v2, v6;
	v11 =	vshrl.u32 v14, $0x15;
	v21 =	vshrl.u32 v3, $0x15  }
0x8e: {  	v6 =	vld [tilespmem:s31+$0x40E0];
	v8 =	vor.u32 v2, v8;
	v14 =	vand.u32 $0x3FF, v11;
	v21 =	vand.u32 $0x3FF, v21  }
0x8f: {  	[tilespmem:v12+s11+$0x0] =	vst.idx.add.s32.msk $0xffff, v26;
	v12 =	vshrl.u32 v23, $0x15;
	vm0 =	vlt.s32 v9, $0x0;
	v30 =	vshrl.u32 v9, $0x15  }
0x90: {  	v9 =	vsel vm1, $0x1, v1;
	vm1 =	vlt.s32 v23, $0x0;
	v23 =	vor.u32 v2, v25  }
0x91: {  	v22 =	vshrl.u32 v4, $0x15;
	v11 =	vshrl.u32 v5, $0x15;
	[tilespmem:v13+s11+$0x0] =	vst.idx.add.s32.msk $0xffff, v18;
	v13 =	vsel vm2, $0x1, v1  }
0x92: {  	vm2 =	vlt.s32 v28, $0x0;
	v63 =	vand.u32 $0x3FF, v12;
	v18 =	vor.u32 v2, v14;
	[tilespmem:v17+s11+$0x0] =	vst.idx.add.s32.msk $0xffff, v20  }
0x93: {  	v16 =	vshrl.u32 v6, $0x15;
	v12 =	vand.u32 $0x3FF, v30;
	v17 =	vsel vm1, $0x1, v1;
	[tilespmem:v15+s11+$0x0] =	vst.idx.add.s32.msk $0xffff, v24  }
0x94: {  	v14 =	vsel vm2, $0x1, v1;
	v12 =	vor.u32 v2, v12;
	v15 =	vand.u32 $0x3FF, v22;
	[tilespmem:v19+s11+$0x0] =	vst.idx.add.s32.msk $0xffff, v27  }
0x95: {  	s18 =	simm.s32 $0x400;
	v20 =	vand.u32 $0x3FF, v62;
	v19 =	vor.u32 v2, v63;
	v15 =	vor.u32 v2, v15;
	[tilespmem:v23+s11+$0x0] =	vst.idx.add.s32.msk $0xffff, v29  }
.LBB2_7:
0x96: {  	p0 =	sne.s32 s18, $0xFC00;
	v20 =	vor.u32 v2, v20;
	v21 =	vor.u32 v2, v21;
	v11 =	vand.u32 $0x3FF, v11;
	s19 =	smov.u32 s18;
	s18 =	sadd.s32 $0x400, s18  }
0x97: {  	v22 =	vsel vm0, $0x1, v1;
	vm0 =	vlt.s32 v5, $0x0;
	v5 =	vand.u32 $0x3FF, v16;
	[tilespmem:v7+s11+$0x0] =	vst.idx.add.s32.msk $0xffff, v9  }
0x98: {  	vm1 =	vlt.s32 v4, $0x0;
	vm2 =	vlt.s32 v3, $0x0;
	v3 =	vor.u32 v2, v11;
	[tilespmem:v18+s11+$0x0] =	vst.idx.add.s32.msk $0xffff, v10  }
0x99: {  	v4 =	vsel vm1, $0x1, v1;
	[tilespmem:v8+s11+$0x0] =	vst.idx.add.s32.msk $0xffff, v13  }
0x9a: {  	vm1 =	vlt.s32 v6, $0x0;
	v5 =	vor.u32 v2, v5;
	[tilespmem:v19+s11+$0x0] =	vst.idx.add.s32.msk $0xffff, v17  }
0x9b: {  	v6 =	vsel vm1, $0x1, v1;
	[tilespmem:v20+s11+$0x0] =	vst.idx.add.s32.msk $0xffff, v14  }
0x9c: {  	v7 =	vsel vm0, $0x1, v1;
	[tilespmem:v12+s11+$0x0] =	vst.idx.add.s32.msk $0xffff, v22  }
0x9d: {  	v8 =	vsel vm2, $0x1, v1;
	[tilespmem:v15+s11+$0x0] =	vst.idx.add.s32.msk $0xffff, v4  }
0x9e: {  	[tilespmem:v21+s11+$0x0] =	vst.idx.add.s32.msk $0xffff, v8  }
0x9f: {  	[tilespmem:v5+s11+$0x0] =	vst.idx.add.s32.msk $0xffff, v6  }
0xa0: {  	s19 =	sshra.s32 s19, $0x2;
	[tilespmem:v3+s11+$0x0] =	vst.idx.add.s32.msk $0xffff, v7  }
0xa1: {  	v3 =	vld [tilespmem:s19+$0x4000]  }
0xa2: {  	v4 =	vld [tilespmem:s19+$0x4010]  }
0xa3: {  	v5 =	vld [tilespmem:s19+$0x4020]  }
0xa4: {  	v6 =	vld [tilespmem:s19+$0x4030]  }
0xa5: {  	v7 =	vld [tilespmem:s19+$0x4040]  }
0xa6: {  	v8 =	vld [tilespmem:s19+$0x4050];
	v9 =	vshrl.u32 v3, $0x15;
	vm0 =	vlt.s32 v3, $0x0  }
0xa7: {  	v10 =	vld [tilespmem:s19+$0x4060];
	v11 =	vshrl.u32 v4, $0x15;
	vm1 =	vlt.s32 v4, $0x0;
	v4 =	vand.u32 $0x3FF, v9  }
0xa8: {  	v3 =	vld [tilespmem:s19+$0x40D0];
	vm2 =	vlt.s32 v5, $0x0;
	v9 =	vor.u32 v2, v4;
	v11 =	vand.u32 $0x3FF, v11  }
0xa9: {  	v5 =	vshrl.u32 v5, $0x15;
	v4 =	vld [tilespmem:s19+$0x40C0];
	v12 =	vshrl.u32 v6, $0x15;
	v11 =	vor.u32 v2, v11  }
0xaa: {  	v5 =	vand.u32 $0x3FF, v5;
	v13 =	vld [tilespmem:s19+$0x4070];
	v14 =	vshrl.u32 v7, $0x15;
	v12 =	vand.u32 $0x3FF, v12  }
0xab: {  	vm3 =	vlt.s32 v7, $0x0;
	v15 =	vld [tilespmem:s19+$0x4080];
	v12 =	vor.u32 v2, v12;
	v7 =	vand.u32 $0x3FF, v14  }
0xac: {  	v17 =	vor.u32 v2, v5;
	v16 =	vshrl.u32 v8, $0x15;
	v14 =	vld [tilespmem:s19+$0x40B0];
	v18 =	vor.u32 v2, v7  }
0xad: {  	v20 =	vsel vm1, $0x1, v1;
	v7 =	vshrl.u32 v10, $0x15;
	v19 =	vld [tilespmem:s19+$0x4090];
	v21 =	vshrl.u32 v3, $0x15  }
0xae: {  	v24 =	vsel vm2, $0x1, v1;
	vm1 =	vlt.s32 v6, $0x0;
	v22 =	vld [tilespmem:s19+$0x40A0];
	v23 =	vshrl.u32 v4, $0x15  }
0xaf: {  	v25 =	vsel vm1, $0x1, v1;
	v16 =	vand.u32 $0x3FF, v16;
	v7 =	vand.u32 $0x3FF, v7;
	v5 =	vld [tilespmem:s19+$0x40F0]  }
0xb0: {  	v26 =	vsel vm0, $0x1, v1;
	v27 =	vsel vm3, $0x1, v1;
	v7 =	vor.u32 v2, v7;
	v6 =	vld [tilespmem:s19+$0x40E0]  }
0xb1: {  	vm1 =	vlt.s32 v10, $0x0;
	v28 =	vshrl.u32 v13, $0x15;
	vm0 =	vlt.s32 v14, $0x0;
	[tilespmem:v9+s11+$0x0] =	vst.idx.add.s32.msk $0xffff, v26  }
0xb2: {  	vm2 =	vlt.s32 v8, $0x0;
	vm3 =	vlt.s32 v13, $0x0;
	v10 =	vshrl.u32 v15, $0x15;
	[tilespmem:v11+s11+$0x0] =	vst.idx.add.s32.msk $0xffff, v20  }
0xb3: {  	v26 =	vsel vm2, $0x1, v1;
	vm2 =	vlt.s32 v15, $0x0;
	v15 =	vand.u32 $0x3FF, v28;
	[tilespmem:v17+s11+$0x0] =	vst.idx.add.s32.msk $0xffff, v24  }
0xb4: {  	v14 =	vshrl.u32 v14, $0x15;
	v9 =	vsel vm1, $0x1, v1;
	v8 =	vand.u32 $0x3FF, v10;
	[tilespmem:v12+s11+$0x0] =	vst.idx.add.s32.msk $0xffff, v25  }
0xb5: {  	v10 =	vsel vm3, $0x1, v1;
	v8 =	vor.u32 v2, v8;
	v11 =	vshrl.u32 v5, $0x15;
	[tilespmem:v18+s11+$0x0] =	vst.idx.add.s32.msk $0xffff, v27  }
0xb6: {  	vm1 =	vlt.s32 v19, $0x0;
	v12 =	vshrl.u32 v19, $0x15;
	v19 =	vor.u32 v2, v16  }
.Ltmp2:
0xb7: {  	v13 =	vsel vm2, $0x1, v1;
	v20 =	vshrl.u32 v22, $0x15;
	v16 =	vshrl.u32 v6, $0x15;
	(pc) =	sbr.rel @p0 .LBB2_7-.Ltmp2, $4  }
0xb8: {  	vm2 =	vlt.s32 v22, $0x0;
	v22 =	vand.u32 $0x3FF, v12;
	v12 =	vand.u32 $0x3FF, v14  }
0xb9: {  	v17 =	vsel vm1, $0x1, v1;
	v18 =	vor.u32 v2, v15;
	v12 =	vor.u32 v2, v12  }
0xba: {  	v20 =	vand.u32 $0x3FF, v20;
	v14 =	vsel vm2, $0x1, v1;
	v15 =	vand.u32 $0x3FF, v23  }
0xbb: {  	v21 =	vand.u32 $0x3FF, v21;
	v15 =	vor.u32 v2, v15;
	[tilespmem:v19+s11+$0x0] =	vst.idx.add.s32.msk $0xffff, v26;
	v19 =	vor.u32 v2, v22  }
0xbc: {  	_ =	sdelay $0x2  }
0xbd: {  	v20 =	vor.u32 v2, v20  }
0xbe: {  	[tilespmem:v7+s11+$0x0] =	vst.idx.add.s32.msk $0xffff, v9  }
0xbf: {  	[tilespmem:v18+s11+$0x0] =	vst.idx.add.s32.msk $0xffff, v10  }
0xc0: {  	v58 =	vor.u32 v2, v21;
	v59 =	vand.u32 $0x3FF, v16;
	[tilespmem:v8+s11+$0x0] =	vst.idx.add.s32.msk $0xffff, v13  }
0xc1: {  	v60 =	vand.u32 $0x3FF, v11;
	s17 =	sadd.s32 $0x1, s17;
	v9 =	vor.u32 v2, v59;
	[tilespmem:v19+s11+$0x0] =	vst.idx.add.s32.msk $0xffff, v17  }
0xc2: {  	v61 =	vsel vm0, $0x1, v1;
	vm13 =	vlt.s32 v4, $0x0;
	v62 =	vor.u32 v2, v60;
	p0 =	sne.s32 s17, $0x4;
	[tilespmem:v20+s11+$0x0] =	vst.idx.add.s32.msk $0xffff, v14  }
.Ltmp3:
0xc3: {  	vm1 =	vlt.s32 v3, $0x0;
	v3 =	vsel vm13, $0x1, v1;
	[tilespmem:v12+s11+$0x0] =	vst.idx.add.s32.msk $0xffff, v61;
	(pc) =	sbr.rel @p0 .LBB2_4-.Ltmp3, $4  }
0xc4: {  	vm14 =	vlt.s32 v6, $0x0;
	v63 =	vsel vm1, $0x1, v1;
	[tilespmem:v15+s11+$0x0] =	vst.idx.add.s32.msk $0xffff, v3  }
0xc5: {  	vm15 =	vlt.s32 v5, $0x0;
	v3 =	vsel vm14, $0x1, v1;
	[tilespmem:v58+s11+$0x0] =	vst.idx.add.s32.msk $0xffff, v63  }
0xc6: {  	v5 =	vsel vm15, $0x1, v1;
	[tilespmem:v9+s11+$0x0] =	vst.idx.add.s32.msk $0xffff, v3  }
0xc7: {  	[tilespmem:v62+s11+$0x0] =	vst.idx.add.s32.msk $0xffff, v5  }
0xc8: {  	s16 =	simm.s32 $0x0  }
0xc9: {  	s17 =	sand.u32 $0x3F0, s16  }
0xca: {  	s18 =	simm.s32 $0x10;
	s16 =	simm.s32 $0x8000;
	v3 =	vld [tilespmem:s17+$0x8400]  }
.LBB2_10:
0xcb: {  	p0 =	sne.s32 s18, $0x3F0;
	v4 =	vld [tilespmem:s16+$0x0]  }
0xcc: {  	v5 =	vld [tilespmem:s17+$0x8800]  }
0xcd: {  	v6 =	vld [tilespmem:s17+$0x8C00]  }
0xce: {  	v7 =	vld [tilespmem:s17+$0x9000]  }
0xcf: {  	v8 =	vld [tilespmem:s17+$0x9400]  }
0xd0: {  	v3 =	vadd.s32 v4, v3;
	v4 =	vld [tilespmem:s17+$0x9800]  }
0xd1: {  	v3 =	vadd.s32 v5, v3;
	v5 =	vld [tilespmem:s17+$0x9C00]  }
0xd2: {  	v3 =	vadd.s32 v6, v3;
	v6 =	vld [tilespmem:s17+$0xA000]  }
0xd3: {  	v3 =	vadd.s32 v7, v3;
	v7 =	vld [tilespmem:s17+$0xA400]  }
0xd4: {  	v3 =	vadd.s32 v8, v3;
	v8 =	vld [tilespmem:s17+$0xA800]  }
0xd5: {  	v3 =	vadd.s32 v4, v3;
	v4 =	vld [tilespmem:s17+$0xAC00]  }
0xd6: {  	v3 =	vadd.s32 v5, v3;
	v5 =	vld [tilespmem:s17+$0xB000]  }
0xd7: {  	v3 =	vadd.s32 v6, v3;
	v6 =	vld [tilespmem:s17+$0xB400]  }
0xd8: {  	v3 =	vadd.s32 v7, v3;
	v7 =	vld [tilespmem:s17+$0xB800]  }
0xd9: {  	v3 =	vadd.s32 v8, v3;
	v8 =	vld [tilespmem:s17+$0xBC00]  }
0xda: {  	v3 =	vadd.s32 v4, v3  }
0xdb: {  	v3 =	vadd.s32 v5, v3  }
.Ltmp4:
0xdc: {  	v3 =	vadd.s32 v6, v3;
	(pc) =	sbr.rel @p0 .LBB2_10-.Ltmp4, $4  }
0xdd: {  	v3 =	vadd.s32 v7, v3  }
0xde: {  	v3 =	vadd.s32 v8, v3  }
0xdf: {  	s17 =	sand.u32 $0x3F0, s18;
	[tilespmem:s16+$0x0] =	vst v3  }
0xe0: {  	s18 =	sadd.s32 $0x10, s18;
	s16 =	sadd.s32 $0x10, s16;
	v3 =	vld [tilespmem:s17+$0x8400]  }
0xe1: {  	v4 =	vld [tilespmem:s16+$0x0]  }
0xe2: {  	v5 =	vld [tilespmem:s17+$0x8800]  }
0xe3: {  	v6 =	vld [tilespmem:s17+$0x8C00]  }
0xe4: {  	v7 =	vld [tilespmem:s17+$0x9000]  }
0xe5: {  	v8 =	vld [tilespmem:s17+$0x9400]  }
0xe6: {  	v54 =	vld [tilespmem:s17+$0x9800];
	v3 =	vadd.s32 v4, v3  }
0xe7: {  	v55 =	vld [tilespmem:s17+$0x9C00];
	v3 =	vadd.s32 v5, v3  }
0xe8: {  	v56 =	vld [tilespmem:s17+$0xA000];
	v3 =	vadd.s32 v6, v3  }
0xe9: {  	v57 =	vld [tilespmem:s17+$0xA400];
	v3 =	vadd.s32 v7, v3  }
0xea: {  	v58 =	vld [tilespmem:s17+$0xA800];
	v3 =	vadd.s32 v8, v3  }
0xeb: {  	v59 =	vld [tilespmem:s17+$0xAC00];
	v3 =	vadd.s32 v54, v3  }
0xec: {  	v60 =	vld [tilespmem:s17+$0xB000];
	v3 =	vadd.s32 v55, v3  }
0xed: {  	v61 =	vld [tilespmem:s17+$0xB400];
	v3 =	vadd.s32 v56, v3  }
0xee: {  	v62 =	vld [tilespmem:s17+$0xB800];
	v3 =	vadd.s32 v57, v3  }
0xef: {  	v63 =	vld [tilespmem:s17+$0xBC00];
	v3 =	vadd.s32 v58, v3  }
0xf0: {  	v3 =	vadd.s32 v59, v3  }
0xf1: {  	v3 =	vadd.s32 v60, v3  }
0xf2: {  	v3 =	vadd.s32 v61, v3  }
0xf3: {  	s3 =	sadd.s32 $0x1, s3;
	v3 =	vadd.s32 v62, v3  }
0xf4: {  	p0 =	sne.s32 s3, s8;
	v3 =	vadd.s32 v63, v3  }
.Ltmp5:
0xf5: {  	[tilespmem:s16+$0x0] =	vst v3;
	(pc) =	sbr.rel @p0 .LBB2_1-.Ltmp5, $4  }
0xf6: {  	[hbm4b:s7+s13] =	stream.strided.scatter [tilespmem:s11], [sflag:$0x3], $0x400, s14, s13, $0x38;
	[tilespmem:$0xC000] =	vst v63  }
0xf7: {  	_ =	swait.ge [sflag:s15], $0x400  }
0xf8: {  	[sflag:s15] =	ssyncset.done $0x0  }
0xf9: {  	[sflag:s15] =	ssyncadd.s32 $0xFFFFFC00  }
0xfa: {  	_ =	sfence.sel $0x180000  }
0xfb: {  	[bflag:$0x0] =	sbarrier.arrive $0xFFFF  }
0xfc: {  	p0 =	sne.s32 s2, $0x0;
	_ =	strace $0x90000047  }
0xfd: {  	s0 =	sadd.s32 @!p0 $0x100000, s0;
	[bflag:$0x2] =	sbarrier.arrive $0xFFFF  }
0xfe: {  	[sflag:s0] =	ssyncadd.tile.s32 @!p0 $0x1;
	_ =	shalt  }
.Lfunc_end2:
_tile_overlayer_lowered:
.L_overlay_start_2:
0xff: {  	(tag) =	ssettag $0x2  }
0x100: {  	s0 =	rddreg [dreg:$0x0];
	s2 =	stileid.u32  }
0x101: {  	s1 =	rddreg [dreg:$0x1];
	p0 =	sne.s32 s2, $0x0  }
0x102: {  	s3 =	rddreg [dreg:$0x2];
	[bflag:$0x3] =	sbarrier.arrive $0xFFFF;
	s2 =	simm.s32 @!p0 $0x1C03  }
0x103: {  	[timem:s3], [sflag:s2] =	dma.local @!p0 [hbm:s0], s1  }
0x104: {  	s0 =	simm.s32 @!p0 $0x3  }
0x105: {  	_ =	swait.ge @!p0 [sflag:s0], s1  }
0x106: {  	s1 =	ssub.s32 @!p0 $0x0, s1;
	[sflag:s0] =	ssyncset.done @!p0 $0x0  }
0x107: {  	[sflag:s0] =	ssyncadd.s32 @!p0 s1  }
0x108: {  	[bflag:$0x3] =	sbarrier.arrive $0xFFFF  }
0x109: {  	_ =	shalt  }

// kernel: kernel.9.cloned.1.call-start
scs
__scs_entry_jumppad:
0x0: {  	(pc) =	sbr.rel $0x88, $3  }
0x1: {  	(tag) =	ssettag $0x0;
	lr =	simm.s32 $0x1  }
0x2: {  	[smem:$0x3F9F] =	sst lr;
	_ =	strace $0xD0000000  }
0x3: {  	_ = 	snop  }
0x4: {  	_ = 	snop  }
0x5: {  	_ = 	snop  }
0x6: {  	_ = 	snop  }
0x7: {  	_ = 	snop  }
__scs_overlays_trampoline_lowered:
0x8: {  	[smem:$0x3FAE] =	sst s0  }
0x9: {  	[smem:$0x3FAF] =	sst s1  }
0xa: {  	[smem:$0x3FB0] =	sst s2  }
0xb: {  	[smem:$0x3FB1] =	sst s3  }
0xc: {  	[smem:$0x3FB2] =	sst s4  }
0xd: {  	[smem:$0x3FB3] =	sst s5  }
0xe: {  	[smem:$0x3FB4] =	sst s6  }
0xf: {  	[smem:$0x3FB5] =	sst s7  }
0x10: {  	[smem:$0x3FB6] =	sst s8  }
0x11: {  	[smem:$0x3FB7] =	sst s9;
	s0 =	simm.s32 @!p0 $0x0  }
0x12: {  	s1 =	sld [smem:$0x3F9D];
	s0 =	simm.s32 @p0 $0x1  }
0x13: {  	[smem:$0x3FB8] =	sst s0;
	s0 =	simm.s32 @!p1 $0x0  }
0x14: {  	s2 =	sld [smem:$0x3F9C];
	s0 =	simm.s32 @p1 $0x1  }
0x15: {  	[smem:$0x3FB9] =	sst s0;
	s0 =	simm.s32 @!p2 $0x0  }
0x16: {  	s3 =	sld [smem:$0x3FDB];
	s0 =	simm.s32 @p2 $0x1  }
0x17: {  	s4 =	simm.s32 $0x1BF5;
	[smem:$0x3FBB] =	sst s0  }
0x18: {  	s0 =	sld [smem:$0x3F9E];
	_ =	swait.ge [sflag:s4], $0x0  }
0x19: {  	s7 =	sld [smem:$0x3F9F]  }
0x1a: {  	s8 =	sadd.s32 $0xFFFFE003, lr  }
0x1b: {  	s9 =	sadd.s32 $0xFFFFFEF7, lr;
	s5 =	simm.s32 $0xFFFFFFFF;
	p2 =	slt.u32 s8, $0xFFFFF086  }
0x1c: {  	p1 =	slt.u32 s9, $0xF7A;
	s5 =	simm.s32 @!p2 $0x0  }
0x1d: {  	s5 =	simm.s32 @p1 $0x1;
	p0 =	seq.s32 s7, s2  }
0x1e: {  	s7 =	smul.u32 @!p0 $0xF7A, s2;
	p2 =	seq.s32 @!p0 s5, $0x0  }
0x1f: {  	s9 =	smul.u32 $0xF7A, s1;
	s8 =	simm.s32 @!p0 $0x1BF5;
	p2 =	por !p2, p0  }
0x20: {  	[sflag:s8] =	ssyncset.s32 @!p0 $0xFFFFF086;
	s6 =	sadd.s32 @!p0 s3, s7;
	s7 =	simm.s32 @!p0 $0x108  }
0x21: {  	s3 =	sadd.s32 s3, s9;
	s6 =	sadd.s32 @!p0 $0x88, s6;
	s7 =	simm.s32 @p2 $0x1082  }
0x22: {  	[simem:s7], [sflag:s8] =	dma.local @!p0 [hbm:s6], $0xF7A  }
0x23: {  	s9 =	sor.u32 $0xD0000000, s2;
	s6 =	simm.s32 $0x108;
	_ =	swait.ge @!p0 [sflag:s8], $0x0  }
0x24: {  	s3 =	sadd.s32 $0x88, s3;
	s6 =	simm.s32 @!p1 $0x1082;
	[sflag:s4] =	ssyncset.s32 $0xFFFFF086  }
0x25: {  	[simem:s6], [sflag:s4] =	dma.local [hbm:s3], $0xF7A  }
0x26: {  	[smem:$0x3F9F] =	sst s1;
	(tag) =	ssettag s2;
	_ =	strace s9  }
0x27: {  	s1 =	sld [smem:$0x3FAF]  }
0x28: {  	s2 =	sld [smem:$0x3FB0]  }
0x29: {  	s4 =	sld [smem:$0x3FB2]  }
0x2a: {  	p0 =	seq.s32 s5, $0x0;
	s5 =	sld [smem:$0x3FB3]  }
0x2b: {  	s6 =	sld [smem:$0x3FB4]  }
0x2c: {  	s7 =	sld [smem:$0x3FB5]  }
0x2d: {  	s3 =	simm.s32 $0x108;
	s8 =	sld [smem:$0x3FB6]  }
0x2e: {  	s3 =	simm.s32 @!p0 $0x1082;
	s9 =	sld [smem:$0x3FB7]  }
0x2f: {  	lr =	sadd.s32 s0, s3;
	s0 =	sld [smem:$0x3FAE]  }
0x30: {  	s3 =	sld [smem:$0x3FB1]  }
0x31: {  	[smem:$0x3FBA] =	sst s10  }
0x32: {  	s10 =	sld [smem:$0x3FB8];
	_ =	sdelay $0x3  }
0x33: {  	p0 =	seq.s32 s10, $0x1;
	s10 =	sld [smem:$0x3FBA];
	_ =	sdelay $0x3  }
0x34: {  	[smem:$0x3FBA] =	sst s10  }
0x35: {  	s10 =	sld [smem:$0x3FB9];
	_ =	sdelay $0x3  }
0x36: {  	p1 =	seq.s32 s10, $0x1;
	s10 =	sld [smem:$0x3FBA];
	_ =	sdelay $0x3  }
0x37: {  	[smem:$0x3FBA] =	sst s10  }
0x38: {  	s10 =	sld [smem:$0x3FBB]  }
0x39: {  	_ = 	snop;
	(pc) =	sbr.ind lr, $3  }
0x3a: {  	_ = 	snop  }
0x3b: {  	_ = 	snop  }
0x3c: {  	p2 =	seq.s32 s10, $0x1;
	s10 =	sld [smem:$0x3FBA]  }
0x3d: {  	_ =	shalt  }
0x3e: {  	_ =	shalt  }
0x3f: {  	_ =	shalt  }
0x40: {  	_ =	shalt  }
0x41: {  	_ =	shalt  }
0x42: {  	_ =	shalt  }
0x43: {  	_ =	shalt  }
0x44: {  	_ =	shalt  }
0x45: {  	_ =	shalt  }
0x46: {  	_ =	shalt  }
0x47: {  	_ =	shalt  }
0x48: {  	_ =	shalt  }
0x49: {  	_ =	shalt  }
0x4a: {  	_ =	shalt  }
0x4b: {  	_ =	shalt  }
0x4c: {  	_ =	shalt  }
0x4d: {  	_ =	shalt  }
0x4e: {  	_ =	shalt  }
0x4f: {  	_ =	shalt  }
0x50: {  	_ =	shalt  }
0x51: {  	_ =	shalt  }
0x52: {  	_ =	shalt  }
0x53: {  	_ =	shalt  }
0x54: {  	_ =	shalt  }
0x55: {  	_ =	shalt  }
0x56: {  	_ =	shalt  }
0x57: {  	_ =	shalt  }
0x58: {  	_ =	shalt  }
0x59: {  	_ =	shalt  }
0x5a: {  	_ =	shalt  }
0x5b: {  	_ =	shalt  }
0x5c: {  	_ =	shalt  }
0x5d: {  	_ =	shalt  }
0x5e: {  	_ =	shalt  }
0x5f: {  	_ =	shalt  }
0x60: {  	_ =	shalt  }
0x61: {  	_ =	shalt  }
0x62: {  	_ =	shalt  }
0x63: {  	_ =	shalt  }
0x64: {  	_ =	shalt  }
0x65: {  	_ =	shalt  }
0x66: {  	_ =	shalt  }
0x67: {  	_ =	shalt  }
0x68: {  	_ =	shalt  }
0x69: {  	_ =	shalt  }
0x6a: {  	_ =	shalt  }
0x6b: {  	_ =	shalt  }
0x6c: {  	_ =	shalt  }
0x6d: {  	_ =	shalt  }
0x6e: {  	_ =	shalt  }
0x6f: {  	_ =	shalt  }
0x70: {  	_ =	shalt  }
0x71: {  	_ =	shalt  }
0x72: {  	_ =	shalt  }
0x73: {  	_ =	shalt  }
0x74: {  	_ =	shalt  }
0x75: {  	_ =	shalt  }
0x76: {  	_ =	shalt  }
0x77: {  	_ =	shalt  }
0x78: {  	_ =	shalt  }
0x79: {  	_ =	shalt  }
0x7a: {  	_ =	shalt  }
0x7b: {  	_ =	shalt  }
0x7c: {  	_ =	shalt  }
0x7d: {  	_ =	shalt  }
0x7e: {  	_ =	shalt  }
0x7f: {  	_ =	shalt  }
0x80: {  	_ =	shalt  }
0x81: {  	_ =	shalt  }
0x82: {  	_ =	shalt  }
0x83: {  	_ =	shalt  }
0x84: {  	_ =	shalt  }
0x85: {  	_ =	shalt  }
0x86: {  	_ =	shalt  }
0x87: {  	_ =	shalt  }
.Lfunc_end0:
.L_simem_size_0:
called_computation.1_lowered:
.L_overlay_start_0:
0x88: {  	s2 =	sld [smem:$0x3FD9]  }
0x89: {  	s3 =	sld [smem:$0x3FFE];
	_ =	sdelay $0x1  }
0x8a: {  	s1 =	srdreg.scid  }
0x8b: {  	s0 =	sand.u32 $0x1, s1  }
0x8c: {  	s16 =	sshll.u32 s0, $0xA;
	s2 =	sadd.s32 s3, s2  }
0x8d: {  	s2 =	sadd.s32 s2, s16  }
0x8e: {  	[smem:$0x3FC6] =	sst s2  }
0x8f: {  	_ = 	snop  }
0x90: {  	(tm) =	ssettm $0x1  }
0x91: {  	s17 =	sld [smem:$0x3FFB];
	_ =	sdelay $0x3  }
0x92: {  	_ =	strace s17  }
0x93: {  	s2 =	sld [smem:$0x3FFC];
	_ =	sdelay $0x3  }
0x94: {  	_ =	strace s2  }
0x95: {  	s2 =	sld [smem:$0x3FFD];
	_ =	sdelay $0x3  }
0x96: {  	_ =	strace s2  }
0x97: {  	_ =	strace $0x8FFFFFFF  }
0x98: {  	s18 =	sld [smem:$0x3FDB];
	_ =	sdelay $0x1  }
0x99: {  	s19 =	simm.s32 $_scs_section_size  }
0x9a: {  	s4 =	simm.s32 $_size__tile_overlayer_lowered;
	s5 =	simm.s32 $_tile_overlayer_lowered  }
0x9b: {  	s22 =	simm.s32 $0x1BFF;
	s21 =	sshll.u32 s5, $0x1;
	s2 =	sadd.s32 s19, s18  }
0x9c: {  	s6 =	simm.s32 $0x0;
	s20 =	sshll.u32 s4, $0x1;
	s4 =	sadd.s32 s21, s2  }
0x9d: {  	[timem:s6], [sflag:s22] =	dma.local [hbm:s4], s20  }
0x9e: {  	_ =	swait.ge [sflag:s22], s20  }
0x9f: {  	s3 =	ssub.s32 $0x0, s20;
	[sflag:s22] =	ssyncset.done $0x0  }
0xa0: {  	[sflag:s22] =	ssyncadd.s32 s3;
	_ =	sdelay $0x1  }
0xa1: {  	s23 =	simm.s32 $0x1B8B  }
0xa2: {  	_ =	swait.ge [sflag:s23], $0x1  }
0xa3: {  	[sflag:s23] =	ssyncset.done $0x0  }
0xa4: {  	s25 =	simm.s32 $0x1B8E;
	s24 =	sld [smem:$0x3FFE];
	[sflag:s23] =	ssyncadd.s32 $0xFFFFFFFF  }
0xa5: {  	s26 =	simm.s32 $execute0_lowered;
	[smem:$0x3FD2] =	sst s25  }
0xa6: {  	s4 =	sshll.u32 s26, $0x1;
	_ =	strace $0x80000049;
	[dreg:$0x1] =	wrdreg $0xFFFFFFFF  }
0xa7: {  	s28 =	simm.s32 $_size_execute0_lowered;
	s2 =	sadd.s32 s2, s4;
	[dreg:$0x0] =	wrdreg $0x0  }
0xa8: {  	s4 =	sshll.u32 s28, $0x1;
	[dreg:$0x2] =	wrdreg s2  }
0xa9: {  	[dreg:$0x3] =	wrdreg s4  }
0xaa: {  	[dreg:$0x4] =	wrdreg $0xC0  }
0xab: {  	_ =	task [dreg:s6], $0x5FFFF  }
0xac: {  	[dreg:$0x1] =	wrdreg $0xFFFFFFFF  }
0xad: {  	[dreg:$0x0] =	wrdreg $0x60  }
0xae: {  	[dreg:$0x2] =	wrdreg s24  }
0xaf: {  	[dreg:$0x3] =	wrdreg $0x9  }
0xb0: {  	_ =	task.clear_ibuf [dreg:s6], $0x4FFFF;
	_ =	strace $0x90000049  }
0xb1: {  	s29 =	simm.s32 $0x9;
	_ =	strace $0x8000004B  }
0xb2: {  	_ =	swait.ge [sflag:s29], $0x1  }
0xb3: {  	[sflag:s29] =	ssyncadd.s32 $0xFFFFFFFF  }
0xb4: {  	_ =	strace $0x9000004B  }
0xb5: {  	_ =	sfence  }
0xb6: {  	s30 =	sld [smem:$0x0];
	_ =	sdelay $0x2  }
0xb7: {  	s31 =	sshll.u32 s1, $0xD;
	s1 =	sshrl.u32 s1, $0x2  }
0xb8: {  	s3 =	sand.u32 $0x4000, s31;
	s1 =	sadd.s32 s1, s30  }
0xb9: {  	s0 =	sor.u32 s3, s0;
	s1 =	sshll.u32 s1, $0x11  }
0xba: {  	s0 =	sor.u32 s1, s0  }
0xbb: {  	s0 =	sadd.s32 $0x8F2B, s0  }
0xbc: {  	[sflag:s0] =	ssyncadd.remote.s32 $0x1  }
0xbd: {  	_ =	sfence.sel $0xFFFF  }
0xbe: {  	[dreg:$0x0] =	wrdreg $0xFFFFFFFF;
	(pc) =	sbr.abs _section_cstart, $3  }
0xbf: {  	[dreg:$0x1] =	wrdreg $0xFFFFFFFF  }
0xc0: {  	_ =	task.clear_ibuf [dreg:s6], $0x2FFFF;
	_ =	strace $0x9FFFFFFF  }
0xc1: {  	(tm) =	ssettm $0x7FFFFFFF  }
tec
execute0_lowered:
.L_overlay_start_1:
0x0: {  	(tag) =	ssettag $0x1  }
0x1: {  	s1 =	rddreg [dreg:$0x0]  }
0x2: {  	s0 =	rddreg [dreg:$0x1]  }
0x3: {  	s3 =	simm.s32 $0x0;
	s2 =	stileid.u32;
	s5 =	srdreg.scid  }
0x4: {  	s11 =	simm.s32 $0x3;
	s12 =	simm.s32 $0x4000;
	s13 =	simm.s32 $0x1  }
0x5: {  	s14 =	simm.s32 $0x8000;
	s15 =	simm.s32 $0x2;
	s16 =	simm.s32 $0x80  }
0x6: {  	s17 =	simm.s32 $0x400;
	s18 =	simm.s32 $0x0;
	[smem:$0x7FF] =	sst s3  }
0x7: {  	s4 =	sadd.s32 $0x80000, s1;
	s6 =	sshll.u32 s2, $0x9;
	s5 =	sand.u32 $0x1, s5  }
0x8: {  	s7 =	sshll.u32 s2, $0x1;
	_ =	strace $0x8000004A;
	s6 =	sand.u32 $0x1800, s6  }
0x9: {  	s8 =	ssub.s32 $0x2, s5;
	s5 =	sor.u32 s5, s7;
	s28 =	sadd.s32 s6, s1  }
0xa: {  	s29 =	sshrl.u32 s8, $0x1;
	s9 =	sshll.u32 s5, $0x4;
	s30 =	sshll.u32 s5, $0xE  }
0xb: {  	s5 =	sshll.u32 s5, $0x11;
	s10 =	ssub.s32 s8, s29;
	s31 =	sand.u32 $0x70, s9  }
0xc: {  	v2 =	vlaneseq.u32;
	s6 =	sadd.s32 s1, s30;
	s7 =	sor.u32 $0x8000, s5;
	s8 =	sadd.s32 s31, s28  }
0xd: {  	v0 =	vimm.s32 $0x0;
	v1 =	vimm.s32 $0x14;
	v2 =	vmul.u32 $0x800, v2;
	s9 =	smax.u32 s10, $0x1;
	s10 =	simm.s32 $0x10000;
	s8 =	sadd.s32 $0x80200, s8  }
.LBB2_1:
0xe: {  	[tilespmem:s10], [sflag:$0x3] =	stream.linear.gather [hbm4b:s4+s3], $0x80, $0x38;
	[tilespmem:$0x10080] =	vst v63  }
0xf: {  	_ =	swait.ge [sflag:s11], $0x80  }
0x10: {  	[sflag:s11] =	ssyncset.done $0x0  }
0x11: {  	[sflag:s11] =	ssyncadd.s32 $0xFFFFFF80  }
0x12: {  	v3 =	vld [tilespmem:$0x10000];
	_ =	sdelay $0x3  }
0x13: {  	s19 =	simm.s32 $0x0;
	s20 =	simm.s32 $0x200  }
.LBB2_2:
0x14: {  	p0 =	sne.s32 s20, $0x1FE00;
	[tilespmem:s19+$0x8070] =	vst v0  }
0x15: {  	[tilespmem:s19+$0x8000] =	vst v0  }
0x16: {  	[tilespmem:s19+$0x8010] =	vst v0  }
.Ltmp0:
0x17: {  	[tilespmem:s19+$0x8020] =	vst v0;
	(pc) =	sbr.rel @p0 .LBB2_2-.Ltmp0, $4  }
0x18: {  	[tilespmem:s19+$0x8030] =	vst v0  }
0x19: {  	[tilespmem:s19+$0x8040] =	vst v0  }
0x1a: {  	[tilespmem:s19+$0x8050] =	vst v0  }
0x1b: {  	[tilespmem:s19+$0x8060] =	vst v0;
	s19 =	sshra.s32 s20, $0x2;
	s20 =	sadd.s32 $0x200, s20  }
0x1c: {  	[tilespmem:s19+$0x8070] =	vst v0  }
0x1d: {  	[tilespmem:s19+$0x8000] =	vst v0  }
0x1e: {  	[tilespmem:s19+$0x8010] =	vst v0  }
0x1f: {  	[tilespmem:s19+$0x8020] =	vst v0  }
0x20: {  	[tilespmem:s19+$0x8030] =	vst v0  }
0x21: {  	[tilespmem:s19+$0x8040] =	vst v0  }
0x22: {  	[tilespmem:s19+$0x8050] =	vst v0  }
0x23: {  	[tilespmem:s19+$0x8060] =	vst v0;
	s19 =	simm.s32 $0x0;
	s20 =	simm.s32 $0x0  }
0x24: {  	[tilespmem:s19], [sflag:$0x1] =	stream.linear.gather [hbm4b:s6+s19], $0x4000, $0x38;
	[tilespmem:$0x10080] =	vst v63  }
.LBB2_4:
0x25: {  	s21 =	sshll.u32 s20, $0xF  }
0x26: {  	s22 =	sor.u32 s21, s5  }
0x27: {  	s22 =	sshrl.u32 s22, $0x3  }
0x28: {  	s22 =	sadd.s32 s22, s1  }
0x29: {  	s22 =	sadd.s32 $0x800, s22  }
0x2a: {  	[tilespmem:s12], [sflag:$0x2] =	stream.linear.gather [hbm4b:s22+s19], $0x4000, $0x38;
	[tilespmem:$0x10080] =	vst v63  }
0x2b: {  	_ =	swait.ge [sflag:s13], $0x4000  }
0x2c: {  	[sflag:s13] =	ssyncset.done $0x0  }
0x2d: {  	s31 =	simm.s32 $0x0;
	[sflag:s13] =	ssyncadd.s32 $0xFFFFC000  }
0x2e: {  	v4 =	vld [tilespmem:s31+$0x0]  }
0x2f: {  	v5 =	vld [tilespmem:s31+$0x10]  }
0x30: {  	v7 =	vld [tilespmem:s31+$0x20]  }
0x31: {  	v12 =	vld [tilespmem:s31+$0x30]  }
0x32: {  	v14 =	vld [tilespmem:s31+$0x40]  }
0x33: {  	v25 =	vld [tilespmem:s31+$0x50]  }
0x34: {  	v16 =	vld [tilespmem:s31+$0x60]  }
0x35: {  	v19 =	vld [tilespmem:s31+$0x70]  }
0x36: {  	v6 =	vshrl.u32 v4, $0x15;
	v8 =	vshrl.u32 v4, $0xA;
	vm0 =	vlt.s32 v4, $0x0  }
0x37: {  	v9 =	vshrl.u32 v5, $0x15;
	vm1 =	vlt.s32 v5, $0x0;
	vm5 =	vlt.s32 v7, $0x0  }
0x38: {  	v27 =	vld [tilespmem:s31+$0xB0];
	v10 =	vshrl.u32 v12, $0xA;
	v11 =	vshrl.u32 v5, $0xA;
	v13 =	vshrl.u32 v7, $0xA  }
0x39: {  	vm8 =	vlt.s32 v14, $0x0;
	vm9 =	vlt.s32 v12, $0x0;
	v29 =	vshrl.u32 v16, $0x15  }
0x3a: {  	vm14 =	vlt.s32 v16, $0x0;
	vm15 =	vlt.s32 v25, $0x0;
	v32 =	vshrl.u32 v19, $0x15  }
0x3b: {  	v6 =	vand.u32 $0x3FF, v6;
	v9 =	vand.u32 $0x3FF, v9;
	v17 =	vsel vm1, $0x1, v1  }
0x3c: {  	v8 =	vand.u32 $0x7FF, v8;
	v22 =	vsel vm0, $0x1, v1;
	v10 =	vand.u32 $0x7FF, v10  }
0x3d: {  	v13 =	vand.u32 $0x7FF, v13;
	vm0 =	vlt.s32 v27, $0x0;
	v30 =	vsel vm9, $0x1, v1  }
0x3e: {  	v33 =	vsel vm5, $0x1, v1;
	vm4 =	veq.s32 v6, v3;
	vm3 =	veq.s32 v9, v3  }
0x3f: {  	v9 =	vshrl.u32 v7, $0x15;
	v23 =	vor.u32 v2, v8;
	v8 =	vand.u32 $0x7FF, v11  }
0x40: {  	v4 =	vld [tilespmem:s31+$0xF0];
	v11 =	vshrl.u32 v14, $0x15;
	v28 =	vor.u32 v2, v10;
	v10 =	vshrl.u32 v25, $0x15  }
0x41: {  	v5 =	vld [tilespmem:s31+$0xE0];
	v26 =	vor.u32 v2, v13;
	v13 =	vsel vm8, $0x1, v1;
	v9 =	vand.u32 $0x3FF, v9  }
0x42: {  	v6 =	vld [tilespmem:s31+$0xD0];
	v24 =	vor.u32 v2, v8;
	v15 =	vand.u32 $0x3FF, v11;
	v18 =	vand.u32 $0x3FF, v10  }
0x43: {  	v11 =	vld [tilespmem:s31+$0x90];
	vm6 =	veq.s32 v9, v3;
	v9 =	vshrl.u32 v12, $0x15;
	vm1 =	veq.s32 v18, v3  }
0x44: {  	v18 =	vshrl.u32 v16, $0xA;
	vm2 =	veq.s32 v15, v3;
	v12 =	vshrl.u32 v14, $0xA  }
0x45: {  	v20 =	vld [tilespmem:s31+$0x80];
	v16 =	vsel vm15, $0x1, v1;
	v7 =	vshrl.u32 v4, $0x15;
	v8 =	vand.u32 $0x3FF, v9  }
0x46: {  	v10 =	vshrl.u32 v5, $0x15;
	v21 =	vand.u32 $0x7FF, v12;
	vm7 =	veq.s32 v8, v3;
	v8 =	vld [tilespmem:s31+$0xC0]  }
0x47: {  	v18 =	vand.u32 $0x7FF, v18;
	v12 =	vld [tilespmem:s31+$0xA0];
	v9 =	vshrl.u32 v6, $0xA;
	v15 =	vshrl.u32 v6, $0x15  }
0x48: {  	v31 =	vshrl.u32 v11, $0x15;
	[tilespmem:v23+s14+$0x0] =	vst.idx.add.s32.msk vm4, v22;
	v23 =	vand.u32 $0x3FF, v29;
	v29 =	vand.u32 $0x3FF, v32  }
0x49: {  	[tilespmem:v24+s14+$0x0] =	vst.idx.add.s32.msk vm3, v17;
	vm3 =	veq.s32 v29, v3;
	v24 =	vshrl.u32 v27, $0xA;
	v17 =	vsel vm14, $0x1, v1  }
0x4a: {  	v29 =	vshrl.u32 v20, $0x15;
	v27 =	vshrl.u32 v27, $0x15;
	[tilespmem:v26+s14+$0x0] =	vst.idx.add.s32.msk vm6, v33;
	v26 =	vshrl.u32 v25, $0xA  }
0x4b: {  	v25 =	vshrl.u32 v19, $0xA;
	v29 =	vand.u32 $0x3FF, v29;
	v14 =	vshrl.u32 v8, $0x15  }
0x4c: {  	s22 =	simm.s32 $0x400;
	v22 =	vshrl.u32 v8, $0xA;
	v14 =	vand.u32 $0x3FF, v14;
	[tilespmem:v28+s14+$0x0] =	vst.idx.add.s32.msk vm7, v30;
	v28 =	vand.u32 $0x3FF, v31  }
.LBB2_5:
0x4d: {  	p0 =	sne.s32 s22, $0xFC00;
	vm4 =	veq.s32 v29, v3;
	v29 =	vshrl.u32 v11, $0xA;
	v30 =	vshrl.u32 v12, $0xA;
	s23 =	smov.u32 s22;
	s22 =	sadd.s32 $0x400, s22  }
0x4e: {  	vm5 =	veq.s32 v28, v3;
	v28 =	vand.u32 $0x7FF, v29;
	v29 =	vand.u32 $0x7FF, v30  }
0x4f: {  	vm8 =	vlt.s32 v19, $0x0;
	v30 =	vshrl.u32 v12, $0x15;
	v19 =	vor.u32 v2, v28  }
0x50: {  	vm7 =	vlt.s32 v20, $0x0;
	v26 =	vand.u32 $0x7FF, v26;
	v28 =	vand.u32 $0x3FF, v30  }
0x51: {  	v20 =	vshrl.u32 v20, $0xA;
	v25 =	vand.u32 $0x7FF, v25;
	vm6 =	veq.s32 v28, v3  }
0x52: {  	v27 =	vand.u32 $0x3FF, v27;
	v26 =	vor.u32 v2, v26;
	v28 =	vsel vm7, $0x1, v1  }
0x53: {  	v24 =	vand.u32 $0x7FF, v24;
	vm7 =	veq.s32 v27, v3;
	v27 =	vsel vm8, $0x1, v1  }
0x54: {  	v21 =	vor.u32 v2, v21;
	v20 =	vand.u32 $0x7FF, v20;
	v24 =	vor.u32 v2, v24  }
0x55: {  	vm8 =	vlt.s32 v11, $0x0;
	v11 =	vor.u32 v2, v18;
	v18 =	vand.u32 $0x7FF, v22  }
0x56: {  	vm9 =	veq.s32 v23, v3;
	vm10 =	vlt.s32 v12, $0x0;
	v22 =	vsel vm8, $0x1, v1  }
0x57: {  	v12 =	vand.u32 $0x3FF, v15;
	v15 =	vor.u32 v2, v25;
	v18 =	vor.u32 v2, v18  }
0x58: {  	v9 =	vand.u32 $0x7FF, v9;
	vm8 =	veq.s32 v12, v3;
	v12 =	vor.u32 v2, v20  }
0x59: {  	v9 =	vor.u32 v2, v9;
	v20 =	vsel vm10, $0x1, v1;
	[tilespmem:v21+s14+$0x0] =	vst.idx.add.s32.msk vm2, v13;
	v13 =	vor.u32 v2, v29  }
0x5a: {  	v10 =	vand.u32 $0x3FF, v10;
	v21 =	vshrl.u32 v5, $0xA;
	vm2 =	vlt.s32 v8, $0x0;
	[tilespmem:v26+s14+$0x0] =	vst.idx.add.s32.msk vm1, v16  }
0x5b: {  	v8 =	vsel vm0, $0x1, v1;
	vm1 =	veq.s32 v10, v3;
	v10 =	vand.u32 $0x7FF, v21  }
0x5c: {  	v7 =	vand.u32 $0x3FF, v7;
	vm0 =	veq.s32 v14, v3;
	v10 =	vor.u32 v2, v10;
	[tilespmem:v11+s14+$0x0] =	vst.idx.add.s32.msk vm9, v17  }
0x5d: {  	vm10 =	vlt.s32 v5, $0x0;
	v11 =	vshrl.u32 v4, $0xA;
	vm9 =	vlt.s32 v6, $0x0;
	[tilespmem:v15+s14+$0x0] =	vst.idx.add.s32.msk vm3, v27  }
0x5e: {  	v5 =	vsel vm2, $0x1, v1;
	vm3 =	veq.s32 v7, v3;
	v6 =	vand.u32 $0x7FF, v11;
	[tilespmem:v12+s14+$0x0] =	vst.idx.add.s32.msk vm4, v28  }
0x5f: {  	vm2 =	vlt.s32 v4, $0x0;
	v4 =	vor.u32 v2, v6;
	[tilespmem:v19+s14+$0x0] =	vst.idx.add.s32.msk vm5, v22  }
0x60: {  	[tilespmem:v13+s14+$0x0] =	vst.idx.add.s32.msk vm6, v20  }
0x61: {  	v6 =	vsel vm9, $0x1, v1;
	[tilespmem:v24+s14+$0x0] =	vst.idx.add.s32.msk vm7, v8  }
0x62: {  	v7 =	vsel vm10, $0x1, v1;
	[tilespmem:v18+s14+$0x0] =	vst.idx.add.s32.msk vm0, v5  }
0x63: {  	v5 =	vsel vm2, $0x1, v1;
	[tilespmem:v9+s14+$0x0] =	vst.idx.add.s32.msk vm8, v6  }
0x64: {  	[tilespmem:v10+s14+$0x0] =	vst.idx.add.s32.msk vm1, v7  }
0x65: {  	s23 =	sshra.s32 s23, $0x2;
	[tilespmem:v4+s14+$0x0] =	vst.idx.add.s32.msk vm3, v5  }
0x66: {  	v4 =	vld [tilespmem:s23+$0x0]  }
0x67: {  	v7 =	vld [tilespmem:s23+$0x10]  }
0x68: {  	v8 =	vld [tilespmem:s23+$0x20];
	_ =	sdelay $0x1  }
0x69: {  	v13 =	vld [tilespmem:s23+$0x30]  }
0x6a: {  	v5 =	vshrl.u32 v4, $0x15;
	v6 =	vshrl.u32 v4, $0xA;
	vm0 =	vlt.s32 v4, $0x0  }
0x6b: {  	v14 =	vld [tilespmem:s23+$0x40];
	v5 =	vand.u32 $0x3FF, v5;
	v9 =	vshrl.u32 v7, $0x15;
	vm1 =	vlt.s32 v7, $0x0  }
0x6c: {  	v4 =	vld [tilespmem:s23+$0xF0];
	v9 =	vand.u32 $0x3FF, v9;
	vm6 =	veq.s32 v5, v3;
	vm3 =	vlt.s32 v8, $0x0  }
0x6d: {  	v17 =	vsel vm1, $0x1, v1;
	v25 =	vld [tilespmem:s23+$0x50];
	vm4 =	veq.s32 v9, v3;
	v9 =	vand.u32 $0x7FF, v6  }
0x6e: {  	v15 =	vsel vm0, $0x1, v1;
	v10 =	vshrl.u32 v8, $0x15;
	v5 =	vld [tilespmem:s23+$0xE0];
	v11 =	vshrl.u32 v13, $0xA  }
0x6f: {  	v7 =	vshrl.u32 v7, $0xA;
	v16 =	vshrl.u32 v8, $0xA;
	v10 =	vand.u32 $0x3FF, v10;
	v6 =	vld [tilespmem:s23+$0xD0]  }
0x70: {  	vm5 =	veq.s32 v10, v3;
	v21 =	vor.u32 v2, v9;
	v9 =	vand.u32 $0x7FF, v7;
	v18 =	vld [tilespmem:s23+$0x60]  }
0x71: {  	v10 =	vshrl.u32 v13, $0x15;
	v11 =	vand.u32 $0x7FF, v11;
	v8 =	vld [tilespmem:s23+$0xC0];
	v7 =	vshrl.u32 v4, $0x15  }
0x72: {  	v22 =	vor.u32 v2, v9;
	v20 =	vshrl.u32 v14, $0x15;
	v26 =	vor.u32 v2, v11;
	v27 =	vld [tilespmem:s23+$0xB0]  }
0x73: {  	v16 =	vand.u32 $0x7FF, v16;
	v9 =	vand.u32 $0x3FF, v10;
	v10 =	vshrl.u32 v25, $0x15;
	v12 =	vld [tilespmem:s23+$0xA0]  }
0x74: {  	vm7 =	veq.s32 v9, v3;
	vm8 =	vlt.s32 v14, $0x0;
	v11 =	vld [tilespmem:s23+$0x90];
	v9 =	vshrl.u32 v6, $0xA  }
0x75: {  	v23 =	vand.u32 $0x3FF, v20;
	v24 =	vand.u32 $0x3FF, v10;
	v10 =	vshrl.u32 v5, $0x15;
	v19 =	vld [tilespmem:s23+$0x70]  }
0x76: {  	v28 =	vor.u32 v2, v16;
	vm1 =	veq.s32 v24, v3;
	v24 =	vshrl.u32 v18, $0xA;
	v20 =	vld [tilespmem:s23+$0x80]  }
0x77: {  	vm9 =	vlt.s32 v13, $0x0;
	vm2 =	veq.s32 v23, v3;
	vm0 =	vlt.s32 v27, $0x0;
	[tilespmem:v21+s14+$0x0] =	vst.idx.add.s32.msk vm6, v15  }
0x78: {  	v13 =	vsel vm8, $0x1, v1;
	v23 =	vshrl.u32 v18, $0x15;
	v15 =	vshrl.u32 v6, $0x15  }
0x79: {  	v29 =	vsel vm9, $0x1, v1;
	v14 =	vshrl.u32 v14, $0xA;
	vm6 =	vlt.s32 v18, $0x0  }
0x7a: {  	vm8 =	vlt.s32 v25, $0x0;
	v21 =	vand.u32 $0x7FF, v14;
	v18 =	vand.u32 $0x7FF, v24  }
0x7b: {  	v16 =	vsel vm8, $0x1, v1;
	v14 =	vshrl.u32 v8, $0x15;
	v30 =	vshrl.u32 v11, $0x15  }
.Ltmp1:
0x7c: {  	v31 =	vsel vm3, $0x1, v1;
	v14 =	vand.u32 $0x3FF, v14;
	v24 =	vshrl.u32 v19, $0x15;
	[tilespmem:v22+s14+$0x0] =	vst.idx.add.s32.msk vm4, v17;
	(pc) =	sbr.rel @p0 .LBB2_5-.Ltmp1, $4  }
0x7d: {  	v23 =	vand.u32 $0x3FF, v23;
	v17 =	vand.u32 $0x3FF, v24;
	v22 =	vshrl.u32 v8, $0xA;
	[tilespmem:v28+s14+$0x0] =	vst.idx.add.s32.msk vm5, v31  }
0x7e: {  	v24 =	vshrl.u32 v27, $0xA;
	vm3 =	veq.s32 v17, v3;
	v17 =	vsel vm6, $0x1, v1;
	[tilespmem:v26+s14+$0x0] =	vst.idx.add.s32.msk vm7, v29  }
0x7f: {  	v28 =	vshrl.u32 v20, $0x15;
	v26 =	vshrl.u32 v25, $0xA;
	v25 =	vshrl.u32 v19, $0xA  }
0x80: {  	v27 =	vshrl.u32 v27, $0x15;
	v29 =	vand.u32 $0x3FF, v28;
	v28 =	vand.u32 $0x3FF, v30  }
0x81: {  	vm5 =	veq.s32 v29, v3  }
0x82: {  	v29 =	vshrl.u32 v11, $0xA;
	v30 =	vshrl.u32 v12, $0xA;
	vm4 =	veq.s32 v28, v3  }
0x83: {  	vm8 =	vlt.s32 v19, $0x0;
	vm7 =	vlt.s32 v20, $0x0;
	v26 =	vand.u32 $0x7FF, v26  }
0x84: {  	v20 =	vshrl.u32 v20, $0xA;
	v25 =	vand.u32 $0x7FF, v25;
	v27 =	vand.u32 $0x3FF, v27  }
0x85: {  	v21 =	vor.u32 v2, v21;
	vm13 =	veq.s32 v23, v3;
	v23 =	vand.u32 $0x7FF, v24  }
0x86: {  	v18 =	vor.u32 v2, v18;
	vm9 =	vlt.s32 v11, $0x0;
	v22 =	vand.u32 $0x7FF, v22  }
0x87: {  	vm14 =	vlt.s32 v12, $0x0;
	v9 =	vand.u32 $0x7FF, v9;
	v10 =	vand.u32 $0x3FF, v10  }
0x88: {  	v7 =	vand.u32 $0x3FF, v7;
	v28 =	vand.u32 $0x7FF, v29;
	v26 =	vor.u32 v2, v26  }
0x89: {  	v29 =	vand.u32 $0x7FF, v30;
	v30 =	vshrl.u32 v12, $0x15;
	vm12 =	veq.s32 v27, v3  }
0x8a: {  	v20 =	vand.u32 $0x7FF, v20;
	v23 =	vor.u32 v2, v23;
	v11 =	vor.u32 v2, v25  }
0x8b: {  	v19 =	vor.u32 v2, v28;
	v28 =	vand.u32 $0x3FF, v30;
	v20 =	vor.u32 v2, v20  }
0x8c: {  	v12 =	vand.u32 $0x3FF, v15;
	v15 =	vor.u32 v2, v22;
	vm6 =	veq.s32 v28, v3;
	[tilespmem:v21+s14+$0x0] =	vst.idx.add.s32.msk vm2, v13  }
0x8d: {  	v27 =	vsel vm8, $0x1, v1;
	vm2 =	veq.s32 v12, v3;
	v12 =	vor.u32 v2, v29;
	[tilespmem:v26+s14+$0x0] =	vst.idx.add.s32.msk vm1, v16  }
0x8e: {  	v24 =	vsel vm9, $0x1, v1;
	v9 =	vor.u32 v2, v9;
	vm1 =	veq.s32 v14, v3;
	[tilespmem:v18+s14+$0x0] =	vst.idx.add.s32.msk vm13, v17  }
0x8f: {  	vm15 =	veq.s32 v10, v3;
	v28 =	vsel vm7, $0x1, v1;
	v14 =	vshrl.u32 v5, $0xA;
	[tilespmem:v11+s14+$0x0] =	vst.idx.add.s32.msk vm3, v27  }
0x90: {  	v13 =	vsel vm14, $0x1, v1;
	v10 =	vand.u32 $0x7FF, v14;
	v11 =	vshrl.u32 v4, $0xA;
	[tilespmem:v20+s14+$0x0] =	vst.idx.add.s32.msk vm5, v28  }
0x91: {  	v10 =	vor.u32 v2, v10;
	vm3 =	veq.s32 v7, v3;
	v7 =	vand.u32 $0x7FF, v11;
	[tilespmem:v19+s14+$0x0] =	vst.idx.add.s32.msk vm4, v24  }
0x92: {  	vm4 =	vlt.s32 v8, $0x0;
	v8 =	vsel vm0, $0x1, v1;
	v7 =	vor.u32 v2, v7;
	[tilespmem:v12+s14+$0x0] =	vst.idx.add.s32.msk vm6, v13  }
0x93: {  	vm0 =	vlt.s32 v6, $0x0;
	v6 =	vsel vm4, $0x1, v1;
	[tilespmem:v23+s14+$0x0] =	vst.idx.add.s32.msk vm12, v8  }
0x94: {  	p0 =	seq.s32 s20, $0x3;
	vm4 =	vlt.s32 v5, $0x0;
	v5 =	vsel vm0, $0x1, v1;
	[tilespmem:v15+s14+$0x0] =	vst.idx.add.s32.msk vm1, v6  }
0x95: {  	s21 =	sadd.s32 @!p0 s21, s7;
	vm0 =	vlt.s32 v4, $0x0;
	v4 =	vsel vm4, $0x1, v1;
	[tilespmem:v9+s14+$0x0] =	vst.idx.add.s32.msk vm2, v5  }
0x96: {  	s21 =	sshrl.u32 @!p0 s21, $0x3;
	v5 =	vsel vm0, $0x1, v1;
	[tilespmem:v10+s14+$0x0] =	vst.idx.add.s32.msk vm15, v4  }
0x97: {  	s22 =	simm.s32 @!p0 $0x0;
	s21 =	sadd.s32 @!p0 s1, s21;
	[tilespmem:v7+s14+$0x0] =	vst.idx.add.s32.msk vm3, v5  }
0x98: {  	[tilespmem:s22], [sflag:$0x1] =	stream.linear.gather @!p0 [hbm4b:s21+s22], $0x4000, $0x38;
	[tilespmem:$0x10080] =	vst v63  }
0x99: {  	_ =	swait.ge [sflag:s15], $0x4000  }
0x9a: {  	[sflag:s15] =	ssyncset.done $0x0  }
0x9b: {  	s31 =	simm.s32 $0x0;
	[sflag:s15] =	ssyncadd.s32 $0xFFFFC000  }
0x9c: {  	v4 =	vld [tilespmem:s31+$0x4000]  }
0x9d: {  	v5 =	vld [tilespmem:s31+$0x4010]  }
0x9e: {  	v7 =	vld [tilespmem:s31+$0x4020]  }
0x9f: {  	v12 =	vld [tilespmem:s31+$0x4030]  }
0xa0: {  	v14 =	vld [tilespmem:s31+$0x4040]  }
0xa1: {  	v25 =	vld [tilespmem:s31+$0x4050]  }
0xa2: {  	v16 =	vld [tilespmem:s31+$0x4060]  }
0xa3: {  	v19 =	vld [tilespmem:s31+$0x4070]  }
0xa4: {  	v6 =	vshrl.u32 v4, $0x15;
	v8 =	vshrl.u32 v4, $0xA;
	vm0 =	vlt.s32 v4, $0x0  }
0xa5: {  	v9 =	vshrl.u32 v5, $0x15;
	vm1 =	vlt.s32 v5, $0x0;
	vm5 =	vlt.s32 v7, $0x0  }
0xa6: {  	v27 =	vld [tilespmem:s31+$0x40B0];
	v10 =	vshrl.u32 v12, $0xA;
	v11 =	vshrl.u32 v5, $0xA;
	v13 =	vshrl.u32 v7, $0xA  }
0xa7: {  	vm12 =	vlt.s32 v14, $0x0;
	vm13 =	vlt.s32 v12, $0x0;
	v29 =	vshrl.u32 v16, $0x15  }
0xa8: {  	vm14 =	vlt.s32 v16, $0x0;
	vm15 =	vlt.s32 v25, $0x0;
	v32 =	vshrl.u32 v19, $0x15  }
0xa9: {  	v6 =	vand.u32 $0x3FF, v6;
	v9 =	vand.u32 $0x3FF, v9;
	v17 =	vsel vm1, $0x1, v1  }
0xaa: {  	v8 =	vand.u32 $0x7FF, v8;
	v22 =	vsel vm0, $0x1, v1;
	v10 =	vand.u32 $0x7FF, v10  }
0xab: {  	v13 =	vand.u32 $0x7FF, v13;
	vm0 =	vlt.s32 v27, $0x0;
	v30 =	vsel vm13, $0x1, v1  }
0xac: {  	v33 =	vsel vm5, $0x1, v1;
	vm4 =	veq.s32 v6, v3;
	vm3 =	veq.s32 v9, v3  }
0xad: {  	v9 =	vshrl.u32 v7, $0x15;
	v23 =	vor.u32 v2, v8;
	v8 =	vand.u32 $0x7FF, v11  }
0xae: {  	v4 =	vld [tilespmem:s31+$0x40F0];
	v11 =	vshrl.u32 v14, $0x15;
	v28 =	vor.u32 v2, v10;
	v10 =	vshrl.u32 v25, $0x15  }
0xaf: {  	v5 =	vld [tilespmem:s31+$0x40E0];
	v26 =	vor.u32 v2, v13;
	v13 =	vsel vm12, $0x1, v1;
	v9 =	vand.u32 $0x3FF, v9  }
0xb0: {  	v6 =	vld [tilespmem:s31+$0x40D0];
	v24 =	vor.u32 v2, v8;
	v15 =	vand.u32 $0x3FF, v11;
	v18 =	vand.u32 $0x3FF, v10  }
0xb1: {  	v11 =	vld [tilespmem:s31+$0x4090];
	vm6 =	veq.s32 v9, v3;
	v9 =	vshrl.u32 v12, $0x15;
	vm1 =	veq.s32 v18, v3  }
0xb2: {  	v18 =	vshrl.u32 v16, $0xA;
	vm2 =	veq.s32 v15, v3;
	v12 =	vshrl.u32 v14, $0xA  }
0xb3: {  	v20 =	vld [tilespmem:s31+$0x4080];
	v16 =	vsel vm15, $0x1, v1;
	v7 =	vshrl.u32 v4, $0x15;
	v8 =	vand.u32 $0x3FF, v9  }
0xb4: {  	v10 =	vshrl.u32 v5, $0x15;
	v21 =	vand.u32 $0x7FF, v12;
	vm7 =	veq.s32 v8, v3;
	v8 =	vld [tilespmem:s31+$0x40C0]  }
0xb5: {  	v18 =	vand.u32 $0x7FF, v18;
	v12 =	vld [tilespmem:s31+$0x40A0];
	v9 =	vshrl.u32 v6, $0xA;
	v15 =	vshrl.u32 v6, $0x15  }
0xb6: {  	v31 =	vshrl.u32 v11, $0x15;
	[tilespmem:v23+s14+$0x0] =	vst.idx.add.s32.msk vm4, v22;
	v23 =	vand.u32 $0x3FF, v29;
	v29 =	vand.u32 $0x3FF, v32  }
0xb7: {  	[tilespmem:v24+s14+$0x0] =	vst.idx.add.s32.msk vm3, v17;
	vm3 =	veq.s32 v29, v3;
	v24 =	vshrl.u32 v27, $0xA;
	v17 =	vsel vm14, $0x1, v1  }
0xb8: {  	v29 =	vshrl.u32 v20, $0x15;
	v27 =	vshrl.u32 v27, $0x15;
	[tilespmem:v26+s14+$0x0] =	vst.idx.add.s32.msk vm6, v33;
	v26 =	vshrl.u32 v25, $0xA  }
0xb9: {  	v25 =	vshrl.u32 v19, $0xA;
	v29 =	vand.u32 $0x3FF, v29;
	v14 =	vshrl.u32 v8, $0x15  }
0xba: {  	s21 =	simm.s32 $0x400;
	v22 =	vshrl.u32 v8, $0xA;
	v14 =	vand.u32 $0x3FF, v14;
	[tilespmem:v28+s14+$0x0] =	vst.idx.add.s32.msk vm7, v30;
	v28 =	vand.u32 $0x3FF, v31  }
.LBB2_7:
0xbb: {  	p0 =	sne.s32 s21, $0xFC00;
	vm4 =	veq.s32 v29, v3;
	v29 =	vshrl.u32 v11, $0xA;
	v30 =	vshrl.u32 v12, $0xA;
	s22 =	smov.u32 s21;
	s21 =	sadd.s32 $0x400, s21  }
0xbc: {  	vm5 =	veq.s32 v28, v3;
	v28 =	vand.u32 $0x7FF, v29;
	v29 =	vand.u32 $0x7FF, v30  }
0xbd: {  	vm8 =	vlt.s32 v19, $0x0;
	v30 =	vshrl.u32 v12, $0x15;
	v19 =	vor.u32 v2, v28  }
0xbe: {  	vm7 =	vlt.s32 v20, $0x0;
	v26 =	vand.u32 $0x7FF, v26;
	v28 =	vand.u32 $0x3FF, v30  }
0xbf: {  	v20 =	vshrl.u32 v20, $0xA;
	v25 =	vand.u32 $0x7FF, v25;
	vm6 =	veq.s32 v28, v3  }
0xc0: {  	v27 =	vand.u32 $0x3FF, v27;
	v26 =	vor.u32 v2, v26;
	v28 =	vsel vm7, $0x1, v1  }
0xc1: {  	v24 =	vand.u32 $0x7FF, v24;
	vm7 =	veq.s32 v27, v3;
	v27 =	vsel vm8, $0x1, v1  }
0xc2: {  	v21 =	vor.u32 v2, v21;
	v20 =	vand.u32 $0x7FF, v20;
	v24 =	vor.u32 v2, v24  }
0xc3: {  	vm8 =	vlt.s32 v11, $0x0;
	v11 =	vor.u32 v2, v18;
	v18 =	vand.u32 $0x7FF, v22  }
0xc4: {  	vm9 =	veq.s32 v23, v3;
	vm10 =	vlt.s32 v12, $0x0;
	v22 =	vsel vm8, $0x1, v1  }
0xc5: {  	v12 =	vand.u32 $0x3FF, v15;
	v15 =	vor.u32 v2, v25;
	v18 =	vor.u32 v2, v18  }
0xc6: {  	v9 =	vand.u32 $0x7FF, v9;
	vm8 =	veq.s32 v12, v3;
	v12 =	vor.u32 v2, v20  }
0xc7: {  	v9 =	vor.u32 v2, v9;
	v20 =	vsel vm10, $0x1, v1;
	[tilespmem:v21+s14+$0x0] =	vst.idx.add.s32.msk vm2, v13;
	v13 =	vor.u32 v2, v29  }
0xc8: {  	v10 =	vand.u32 $0x3FF, v10;
	v21 =	vshrl.u32 v5, $0xA;
	vm2 =	vlt.s32 v8, $0x0;
	[tilespmem:v26+s14+$0x0] =	vst.idx.add.s32.msk vm1, v16  }
0xc9: {  	v8 =	vsel vm0, $0x1, v1;
	vm1 =	veq.s32 v10, v3;
	v10 =	vand.u32 $0x7FF, v21  }
0xca: {  	v7 =	vand.u32 $0x3FF, v7;
	vm0 =	veq.s32 v14, v3;
	v10 =	vor.u32 v2, v10;
	[tilespmem:v11+s14+$0x0] =	vst.idx.add.s32.msk vm9, v17  }
0xcb: {  	vm10 =	vlt.s32 v5, $0x0;
	v11 =	vshrl.u32 v4, $0xA;
	vm9 =	vlt.s32 v6, $0x0;
	[tilespmem:v15+s14+$0x0] =	vst.idx.add.s32.msk vm3, v27  }
0xcc: {  	v5 =	vsel vm2, $0x1, v1;
	vm3 =	veq.s32 v7, v3;
	v6 =	vand.u32 $0x7FF, v11;
	[tilespmem:v12+s14+$0x0] =	vst.idx.add.s32.msk vm4, v28  }
0xcd: {  	vm2 =	vlt.s32 v4, $0x0;
	v4 =	vor.u32 v2, v6;
	[tilespmem:v19+s14+$0x0] =	vst.idx.add.s32.msk vm5, v22  }
0xce: {  	[tilespmem:v13+s14+$0x0] =	vst.idx.add.s32.msk vm6, v20  }
0xcf: {  	v6 =	vsel vm9, $0x1, v1;
	[tilespmem:v24+s14+$0x0] =	vst.idx.add.s32.msk vm7, v8  }
0xd0: {  	v7 =	vsel vm10, $0x1, v1;
	[tilespmem:v18+s14+$0x0] =	vst.idx.add.s32.msk vm0, v5  }
0xd1: {  	v5 =	vsel vm2, $0x1, v1;
	[tilespmem:v9+s14+$0x0] =	vst.idx.add.s32.msk vm8, v6  }
0xd2: {  	[tilespmem:v10+s14+$0x0] =	vst.idx.add.s32.msk vm1, v7  }
0xd3: {  	s22 =	sshra.s32 s22, $0x2;
	[tilespmem:v4+s14+$0x0] =	vst.idx.add.s32.msk vm3, v5  }
0xd4: {  	v4 =	vld [tilespmem:s22+$0x4000]  }
0xd5: {  	v7 =	vld [tilespmem:s22+$0x4010]  }
0xd6: {  	v8 =	vld [tilespmem:s22+$0x4020];
	_ =	sdelay $0x1  }
0xd7: {  	v13 =	vld [tilespmem:s22+$0x4030]  }
0xd8: {  	v5 =	vshrl.u32 v4, $0x15;
	v6 =	vshrl.u32 v4, $0xA;
	vm0 =	vlt.s32 v4, $0x0  }
0xd9: {  	v14 =	vld [tilespmem:s22+$0x4040];
	v5 =	vand.u32 $0x3FF, v5;
	v9 =	vshrl.u32 v7, $0x15;
	vm1 =	vlt.s32 v7, $0x0  }
0xda: {  	v4 =	vld [tilespmem:s22+$0x40F0];
	v9 =	vand.u32 $0x3FF, v9;
	vm6 =	veq.s32 v5, v3;
	vm3 =	vlt.s32 v8, $0x0  }
0xdb: {  	v17 =	vsel vm1, $0x1, v1;
	v25 =	vld [tilespmem:s22+$0x4050];
	vm4 =	veq.s32 v9, v3;
	v9 =	vand.u32 $0x7FF, v6  }
0xdc: {  	v15 =	vsel vm0, $0x1, v1;
	v10 =	vshrl.u32 v8, $0x15;
	v5 =	vld [tilespmem:s22+$0x40E0];
	v11 =	vshrl.u32 v13, $0xA  }
0xdd: {  	v7 =	vshrl.u32 v7, $0xA;
	v16 =	vshrl.u32 v8, $0xA;
	v10 =	vand.u32 $0x3FF, v10;
	v6 =	vld [tilespmem:s22+$0x40D0]  }
0xde: {  	vm5 =	veq.s32 v10, v3;
	v21 =	vor.u32 v2, v9;
	v9 =	vand.u32 $0x7FF, v7;
	v18 =	vld [tilespmem:s22+$0x4060]  }
0xdf: {  	v10 =	vshrl.u32 v13, $0x15;
	v11 =	vand.u32 $0x7FF, v11;
	v8 =	vld [tilespmem:s22+$0x40C0];
	v7 =	vshrl.u32 v4, $0x15  }
0xe0: {  	v22 =	vor.u32 v2, v9;
	v20 =	vshrl.u32 v14, $0x15;
	v26 =	vor.u32 v2, v11;
	v27 =	vld [tilespmem:s22+$0x40B0]  }
0xe1: {  	v16 =	vand.u32 $0x7FF, v16;
	v9 =	vand.u32 $0x3FF, v10;
	v10 =	vshrl.u32 v25, $0x15;
	v12 =	vld [tilespmem:s22+$0x40A0]  }
0xe2: {  	vm7 =	veq.s32 v9, v3;
	vm8 =	vlt.s32 v14, $0x0;
	v11 =	vld [tilespmem:s22+$0x4090];
	v9 =	vshrl.u32 v6, $0xA  }
0xe3: {  	v23 =	vand.u32 $0x3FF, v20;
	v24 =	vand.u32 $0x3FF, v10;
	v10 =	vshrl.u32 v5, $0x15;
	v19 =	vld [tilespmem:s22+$0x4070]  }
0xe4: {  	v28 =	vor.u32 v2, v16;
	vm1 =	veq.s32 v24, v3;
	v24 =	vshrl.u32 v18, $0xA;
	v20 =	vld [tilespmem:s22+$0x4080]  }
0xe5: {  	vm9 =	vlt.s32 v13, $0x0;
	vm2 =	veq.s32 v23, v3;
	vm0 =	vlt.s32 v27, $0x0;
	[tilespmem:v21+s14+$0x0] =	vst.idx.add.s32.msk vm6, v15  }
0xe6: {  	v13 =	vsel vm8, $0x1, v1;
	v23 =	vshrl.u32 v18, $0x15;
	v15 =	vshrl.u32 v6, $0x15  }
0xe7: {  	v29 =	vsel vm9, $0x1, v1;
	v14 =	vshrl.u32 v14, $0xA;
	vm6 =	vlt.s32 v18, $0x0  }
0xe8: {  	vm8 =	vlt.s32 v25, $0x0;
	v21 =	vand.u32 $0x7FF, v14;
	v18 =	vand.u32 $0x7FF, v24  }
0xe9: {  	v16 =	vsel vm8, $0x1, v1;
	v14 =	vshrl.u32 v8, $0x15;
	v30 =	vshrl.u32 v11, $0x15  }
.Ltmp2:
0xea: {  	v31 =	vsel vm3, $0x1, v1;
	v14 =	vand.u32 $0x3FF, v14;
	v24 =	vshrl.u32 v19, $0x15;
	[tilespmem:v22+s14+$0x0] =	vst.idx.add.s32.msk vm4, v17;
	(pc) =	sbr.rel @p0 .LBB2_7-.Ltmp2, $4  }
0xeb: {  	v23 =	vand.u32 $0x3FF, v23;
	v17 =	vand.u32 $0x3FF, v24;
	v22 =	vshrl.u32 v8, $0xA;
	[tilespmem:v28+s14+$0x0] =	vst.idx.add.s32.msk vm5, v31  }
0xec: {  	v24 =	vshrl.u32 v27, $0xA;
	vm3 =	veq.s32 v17, v3;
	v17 =	vsel vm6, $0x1, v1;
	[tilespmem:v26+s14+$0x0] =	vst.idx.add.s32.msk vm7, v29  }
0xed: {  	v28 =	vshrl.u32 v20, $0x15;
	v26 =	vshrl.u32 v25, $0xA;
	v25 =	vshrl.u32 v19, $0xA  }
0xee: {  	v27 =	vshrl.u32 v27, $0x15;
	v29 =	vand.u32 $0x3FF, v28;
	v28 =	vand.u32 $0x3FF, v30  }
0xef: {  	vm5 =	veq.s32 v29, v3  }
0xf0: {  	v42 =	vshrl.u32 v11, $0xA;
	v30 =	vshrl.u32 v12, $0xA;
	vm4 =	veq.s32 v28, v3  }
0xf1: {  	v45 =	vshrl.u32 v12, $0x15;
	vm8 =	vlt.s32 v19, $0x0;
	vm7 =	vlt.s32 v20, $0x0  }
0xf2: {  	v26 =	vand.u32 $0x7FF, v26;
	v48 =	vshrl.u32 v20, $0xA;
	v25 =	vand.u32 $0x7FF, v25  }
0xf3: {  	v27 =	vand.u32 $0x3FF, v27;
	v21 =	vor.u32 v2, v21;
	vm13 =	veq.s32 v23, v3  }
0xf4: {  	v51 =	vand.u32 $0x7FF, v24;
	v18 =	vor.u32 v2, v18;
	vm9 =	vlt.s32 v11, $0x0  }
0xf5: {  	v22 =	vand.u32 $0x7FF, v22;
	vm14 =	vlt.s32 v12, $0x0;
	v54 =	vand.u32 $0x3FF, v15  }
0xf6: {  	v9 =	vand.u32 $0x7FF, v9;
	v10 =	vand.u32 $0x3FF, v10;
	v26 =	vor.u32 v2, v26  }
0xf7: {  	vm15 =	veq.s32 v14, v3;
	v58 =	vshrl.u32 v5, $0xA;
	v7 =	vand.u32 $0x3FF, v7  }
0xf8: {  	v60 =	vshrl.u32 v4, $0xA;
	v20 =	vand.u32 $0x7FF, v48;
	v52 =	vor.u32 v2, v25  }
0xf9: {  	v43 =	vand.u32 $0x7FF, v42;
	v47 =	vand.u32 $0x3FF, v45;
	v20 =	vor.u32 v2, v20  }
0xfa: {  	v44 =	vand.u32 $0x7FF, v30;
	v46 =	vor.u32 v2, v43;
	vm6 =	veq.s32 v47, v3;
	[tilespmem:v21+s14+$0x0] =	vst.idx.add.s32.msk vm2, v13  }
0xfb: {  	v49 =	vsel vm7, $0x1, v1;
	vm7 =	veq.s32 v27, v3;
	v56 =	vor.u32 v2, v44;
	[tilespmem:v26+s14+$0x0] =	vst.idx.add.s32.msk vm1, v16  }
0xfc: {  	v50 =	vsel vm8, $0x1, v1;
	v23 =	vor.u32 v2, v51;
	v53 =	vsel vm9, $0x1, v1;
	[tilespmem:v18+s14+$0x0] =	vst.idx.add.s32.msk vm13, v17  }
0xfd: {  	v55 =	vor.u32 v2, v22;
	v57 =	vsel vm14, $0x1, v1;
	vm2 =	veq.s32 v54, v3;
	[tilespmem:v52+s14+$0x0] =	vst.idx.add.s32.msk vm3, v50  }
0xfe: {  	v9 =	vor.u32 v2, v9;
	vm8 =	veq.s32 v10, v3;
	v59 =	vand.u32 $0x7FF, v58;
	[tilespmem:v20+s14+$0x0] =	vst.idx.add.s32.msk vm5, v49  }
0xff: {  	s20 =	sadd.s32 $0x1, s20;
	vm11 =	veq.s32 v7, v3;
	v61 =	vand.u32 $0x7FF, v60;
	v10 =	vor.u32 v2, v59;
	[tilespmem:v46+s14+$0x0] =	vst.idx.add.s32.msk vm4, v53  }
0x100: {  	vm12 =	vlt.s32 v8, $0x0;
	v62 =	vsel vm0, $0x1, v1;
	p0 =	sne.s32 s20, $0x4;
	v7 =	vor.u32 v2, v61;
	[tilespmem:v56+s14+$0x0] =	vst.idx.add.s32.msk vm6, v57  }
.Ltmp3:
0x101: {  	v63 =	vsel vm12, $0x1, v1;
	vm13 =	vlt.s32 v6, $0x0;
	[tilespmem:v23+s14+$0x0] =	vst.idx.add.s32.msk vm7, v62;
	(pc) =	sbr.rel @p0 .LBB2_4-.Ltmp3, $4  }
0x102: {  	vm14 =	vlt.s32 v5, $0x0;
	v5 =	vsel vm13, $0x1, v1;
	[tilespmem:v55+s14+$0x0] =	vst.idx.add.s32.msk vm15, v63  }
0x103: {  	vm15 =	vlt.s32 v4, $0x0;
	v4 =	vsel vm14, $0x1, v1;
	[tilespmem:v9+s14+$0x0] =	vst.idx.add.s32.msk vm2, v5  }
0x104: {  	v5 =	vsel vm15, $0x1, v1;
	[tilespmem:v10+s14+$0x0] =	vst.idx.add.s32.msk vm8, v4  }
0x105: {  	[tilespmem:v7+s14+$0x0] =	vst.idx.add.s32.msk vm11, v5  }
0x106: {  	s19 =	simm.s32 $0x0  }
0x107: {  	s20 =	sand.u32 $0x7F0, s19  }
0x108: {  	s21 =	simm.s32 $0x10;
	s19 =	simm.s32 $0x8000;
	v3 =	vld [tilespmem:s20+$0x8800]  }
.LBB2_10:
0x109: {  	p0 =	sne.s32 s21, $0x7F0;
	v4 =	vld [tilespmem:s19+$0x0]  }
0x10a: {  	v5 =	vld [tilespmem:s20+$0x9000]  }
0x10b: {  	v6 =	vld [tilespmem:s20+$0x9800]  }
0x10c: {  	v7 =	vld [tilespmem:s20+$0xA000]  }
0x10d: {  	v8 =	vld [tilespmem:s20+$0xA800]  }
0x10e: {  	v3 =	vadd.s32 v4, v3;
	v4 =	vld [tilespmem:s20+$0xB000]  }
0x10f: {  	v3 =	vadd.s32 v5, v3;
	v5 =	vld [tilespmem:s20+$0xB800]  }
0x110: {  	v3 =	vadd.s32 v6, v3;
	v6 =	vld [tilespmem:s20+$0xC000]  }
0x111: {  	v3 =	vadd.s32 v7, v3;
	v7 =	vld [tilespmem:s20+$0xC800]  }
0x112: {  	v3 =	vadd.s32 v8, v3;
	v8 =	vld [tilespmem:s20+$0xD000]  }
0x113: {  	v3 =	vadd.s32 v4, v3;
	v4 =	vld [tilespmem:s20+$0xD800]  }
0x114: {  	v3 =	vadd.s32 v5, v3;
	v5 =	vld [tilespmem:s20+$0xE000]  }
0x115: {  	v3 =	vadd.s32 v6, v3;
	v6 =	vld [tilespmem:s20+$0xE800]  }
0x116: {  	v3 =	vadd.s32 v7, v3;
	v7 =	vld [tilespmem:s20+$0xF000]  }
0x117: {  	v3 =	vadd.s32 v8, v3;
	v8 =	vld [tilespmem:s20+$0xF800]  }
0x118: {  	v3 =	vadd.s32 v4, v3  }
0x119: {  	v3 =	vadd.s32 v5, v3  }
.Ltmp4:
0x11a: {  	v3 =	vadd.s32 v6, v3;
	(pc) =	sbr.rel @p0 .LBB2_10-.Ltmp4, $4  }
0x11b: {  	v3 =	vadd.s32 v7, v3  }
0x11c: {  	v3 =	vadd.s32 v8, v3  }
0x11d: {  	s20 =	sand.u32 $0x7F0, s21;
	[tilespmem:s19+$0x0] =	vst v3  }
0x11e: {  	s21 =	sadd.s32 $0x10, s21;
	s19 =	sadd.s32 $0x10, s19;
	v3 =	vld [tilespmem:s20+$0x8800]  }
0x11f: {  	v4 =	vld [tilespmem:s19+$0x0]  }
0x120: {  	v5 =	vld [tilespmem:s20+$0x9000]  }
0x121: {  	v6 =	vld [tilespmem:s20+$0x9800]  }
0x122: {  	v7 =	vld [tilespmem:s20+$0xA000]  }
0x123: {  	v8 =	vld [tilespmem:s20+$0xA800]  }
0x124: {  	v54 =	vld [tilespmem:s20+$0xB000];
	v3 =	vadd.s32 v4, v3  }
0x125: {  	v55 =	vld [tilespmem:s20+$0xB800];
	v3 =	vadd.s32 v5, v3  }
0x126: {  	v56 =	vld [tilespmem:s20+$0xC000];
	v3 =	vadd.s32 v6, v3  }
0x127: {  	v57 =	vld [tilespmem:s20+$0xC800];
	v3 =	vadd.s32 v7, v3  }
0x128: {  	v58 =	vld [tilespmem:s20+$0xD000];
	v3 =	vadd.s32 v8, v3  }
0x129: {  	v59 =	vld [tilespmem:s20+$0xD800];
	v3 =	vadd.s32 v54, v3  }
0x12a: {  	v60 =	vld [tilespmem:s20+$0xE000];
	v3 =	vadd.s32 v55, v3  }
0x12b: {  	v61 =	vld [tilespmem:s20+$0xE800];
	v3 =	vadd.s32 v56, v3  }
0x12c: {  	v62 =	vld [tilespmem:s20+$0xF000];
	v3 =	vadd.s32 v57, v3  }
0x12d: {  	v63 =	vld [tilespmem:s20+$0xF800];
	v3 =	vadd.s32 v58, v3  }
0x12e: {  	v3 =	vadd.s32 v59, v3  }
0x12f: {  	v3 =	vadd.s32 v60, v3  }
0x130: {  	v3 =	vadd.s32 v61, v3  }
0x131: {  	s18 =	sadd.s32 $0x1, s18;
	v3 =	vadd.s32 v62, v3  }
0x132: {  	p0 =	sne.s32 s18, s9;
	v3 =	vadd.s32 v63, v3  }
.Ltmp5:
0x133: {  	[tilespmem:s19+$0x0] =	vst v3;
	(pc) =	sbr.rel @p0 .LBB2_1-.Ltmp5, $4  }
0x134: {  	[hbm4b:s8+s16] =	stream.strided.scatter [tilespmem:s14], [sflag:$0x3], $0x800, s17, s16, $0x38;
	[tilespmem:$0x10080] =	vst v63  }
0x135: {  	_ =	swait.ge [sflag:s11], $0x800  }
0x136: {  	[sflag:s11] =	ssyncset.done $0x0  }
0x137: {  	[sflag:s11] =	ssyncadd.s32 $0xFFFFF800  }
0x138: {  	_ =	sfence.sel $0x180000  }
0x139: {  	[bflag:$0x0] =	sbarrier.arrive $0xFFFF  }
0x13a: {  	p0 =	sne.s32 s2, $0x0;
	_ =	strace $0x9000004A  }
0x13b: {  	s0 =	sadd.s32 @!p0 $0x100000, s0;
	[bflag:$0x2] =	sbarrier.arrive $0xFFFF  }
0x13c: {  	[sflag:s0] =	ssyncadd.tile.s32 @!p0 $0x1;
	_ =	shalt  }
.Lfunc_end2:
_tile_overlayer_lowered:
.L_overlay_start_2:
0x13d: {  	(tag) =	ssettag $0x2  }
0x13e: {  	s0 =	rddreg [dreg:$0x0];
	s2 =	stileid.u32  }
0x13f: {  	s1 =	rddreg [dreg:$0x1];
	p0 =	sne.s32 s2, $0x0  }
0x140: {  	s3 =	rddreg [dreg:$0x2];
	[bflag:$0x3] =	sbarrier.arrive $0xFFFF;
	s2 =	simm.s32 @!p0 $0x1C03  }
0x141: {  	[timem:s3], [sflag:s2] =	dma.local @!p0 [hbm:s0], s1  }
0x142: {  	s0 =	simm.s32 @!p0 $0x3  }
0x143: {  	_ =	swait.ge @!p0 [sflag:s0], s1  }
0x144: {  	s1 =	ssub.s32 @!p0 $0x0, s1;
	[sflag:s0] =	ssyncset.done @!p0 $0x0  }
0x145: {  	[sflag:s0] =	ssyncadd.s32 @!p0 s1  }
0x146: {  	[bflag:$0x3] =	sbarrier.arrive $0xFFFF  }
0x147: {  	_ =	shalt  }

</sc_bundles>
